<compile_context>
chip_gen: v7x
topology: tpu7x:2x2x1
jax: 0.10.2.dev20260603
libtpu: 0.0.44.dev20260713+nightly
codegen_flags: <defaults>
</compile_context>

<pallas_src>
import functools

import jax
import jax.numpy as jnp
from jax import lax
from jax.experimental import pallas as pl
from jax.experimental.pallas import tpu as pltpu
from jax.experimental.pallas import tpu_sc as plsc

NUM_WORDS = 1000000
NUM_HASH = 3
WIDTH = 32

NC = 2
NS = 16
NW = NC * NS
LANES = 16
ROWS = 8
T = ROWS * 50
NBUF = 2
PIECES = [(0, T)]


def _body(x_hbm, ht_hbm, imp_hbm, emb_hbm, out_hbm,
          x_v, iidx_v, hrows_v, irows_v, emb_v, out_v,
          sem_h, sem_i, sem_e):
    n_chunks = x_v.shape[0]
    G = T // LANES
    wid = lax.axis_index("s") * NC + lax.axis_index("c")

    pltpu.sync_copy(x_hbm.at[wid], x_v)

    def idx_body(i, _):
        c = i // G
        sl = pl.ds((i % G) * LANES, LANES)
        xi = x_v[c, sl] + 3
        iidx_v[c, sl] = jnp.where(xi >= NUM_WORDS, xi - NUM_WORDS, xi)
        return _
    lax.fori_loop(0, n_chunks * G, idx_body, None)

    def issue_h(c, b):
        for j in range(NUM_HASH):
            seg = ht_hbm.at[pl.ds(j * NUM_WORDS, NUM_WORDS)]
            for o, s in PIECES:
                pltpu.async_copy(seg.at[x_v.at[c, pl.ds(o, s)]],
                                 hrows_v.at[b, j, pl.ds(o, s)], sem_h[b])

    def issue_i(c, b):
        for j in range(NUM_HASH):
            seg = imp_hbm.at[pl.ds(j * NUM_WORDS, NUM_WORDS)]
            for o, s in PIECES:
                pltpu.async_copy(seg.at[iidx_v.at[c, pl.ds(o, s)]],
                                 irows_v.at[b, j, pl.ds(o, s)], sem_i[b])

    def issue_hi(c, b):
        issue_h(c, b)
        issue_i(c, b)

    def wait_h(c, b):
        for j in range(NUM_HASH):
            seg = ht_hbm.at[pl.ds(j * NUM_WORDS, NUM_WORDS)]
            for o, s in PIECES:
                pltpu.make_async_copy(seg.at[x_v.at[c, pl.ds(o, s)]],
                                      hrows_v.at[b, j, pl.ds(o, s)],
                                      sem_h[b]).wait()

    def wait_i(c, b):
        for j in range(NUM_HASH):
            seg = imp_hbm.at[pl.ds(j * NUM_WORDS, NUM_WORDS)]
            for o, s in PIECES:
                pltpu.make_async_copy(seg.at[iidx_v.at[c, pl.ds(o, s)]],
                                      irows_v.at[b, j, pl.ds(o, s)],
                                      sem_i[b]).wait()

    def issue_e(b):
        for j in range(NUM_HASH):
            pltpu.async_copy(emb_hbm.at[hrows_v.at[b, j]], emb_v.at[b, j],
                             sem_e[b])

    def wait_e(b):
        for j in range(NUM_HASH):
            pltpu.make_async_copy(emb_hbm.at[hrows_v.at[b, j]],
                                  emb_v.at[b, j], sem_e[b]).wait()

    def compute(c, b):
        def grp_body(g, _):
            sl = pl.ds(g * LANES, LANES)
            vi = [irows_v[b, j, sl] for j in range(NUM_HASH)]
            for k in range(LANES):
                t = g * LANES + k
                r = t // 50
                l = t - r * 50
                w0, w1, w2 = vi[0][k], vi[1][k], vi[2][k]
                for h in range(0, WIDTH, LANES):
                    acc = (w0 * emb_v[b, 0, t, pl.ds(h, LANES)]
                           + w1 * emb_v[b, 1, t, pl.ds(h, LANES)]
                           + w2 * emb_v[b, 2, t, pl.ds(h, LANES)])
                    out_v[r, l, pl.ds(h, LANES)] = acc
            return _
        lax.fori_loop(0, G, grp_body, None)
        pltpu.sync_copy(out_v,
                        out_hbm.at[pl.ds(wid * (n_chunks * ROWS) + c * ROWS,
                                         ROWS)])

    issue_hi(0, 0)
    wait_h(0, 0)
    issue_e(0)
    issue_hi(1, 1)

    def step(c, b):
        b2 = (b + 1) % NBUF

        @pl.when(c + 1 < n_chunks)
        def _():
            wait_h(c + 1, b2)
            issue_e(b2)
        wait_e(b)
        wait_i(c, b)

        @pl.when(c + 2 < n_chunks)
        def _():
            issue_h(c + 2, b)
        compute(c, b)

        @pl.when(c + 2 < n_chunks)
        def _():
            issue_i(c + 2, b)

    def loop_body(i, _):
        for b in range(NBUF):
            step(i * NBUF + b, b)
        return _
    lax.fori_loop(0, n_chunks // NBUF, loop_body, None)


def kernel(X, hash_table, word_importance, embedding):
    B, L = X.shape
    N = B * L
    assert L == 50 and N % (NW * T * NBUF) == 0
    n_chunks = N // (NW * T)
    x2 = X.reshape(NW, n_chunks, T).astype(jnp.int32)
    ht_t = hash_table.T.reshape(-1)
    imp_t = word_importance.T.reshape(-1)

    mesh = plsc.VectorSubcoreMesh(core_axis_name="c", subcore_axis_name="s",
                                  num_cores=NC, num_subcores=NS)
    run = functools.partial(
        pl.kernel,
        out_type=jax.ShapeDtypeStruct((B, L, WIDTH), jnp.float32),
        mesh=mesh,
        compiler_params=pltpu.CompilerParams(use_tc_tiling_on_sc=False),
        scratch_types=[
            pltpu.VMEM((n_chunks, T), jnp.int32),
            pltpu.VMEM((n_chunks, T), jnp.int32),
            pltpu.VMEM((NBUF, NUM_HASH, T), jnp.int32),
            pltpu.VMEM((NBUF, NUM_HASH, T), jnp.float32),
            pltpu.VMEM((NBUF, NUM_HASH, T, WIDTH), jnp.float32),
            pltpu.VMEM((ROWS, 50, WIDTH), jnp.float32),
            [pltpu.SemaphoreType.DMA] * NBUF,
            [pltpu.SemaphoreType.DMA] * NBUF,
            [pltpu.SemaphoreType.DMA] * NBUF,
        ],
    )(_body)
    return run(x2, ht_t, imp_t, embedding)

# --- scband reference (transcript-rebuilt; emitter-appended) ---
"""Pipeline reference for scband-hash-embedding-13451837571085 (READ-ONLY COPY).

The authoritative reference and input builder live on the scoring server;
editing this copy changes nothing except your own understanding.
"""

import jax, jax.numpy as jnp
import numpy as np

NUM_HASH_FUNC = 3
NUM_WORDS = 1000000
NUM_HASH_BUCKETS = 100000
EMBEDDING_WIDTH = 32


def setup_inputs(seed: int = 0) -> dict:
    key = jax.random.key(seed)
    k_x, k_ht, k_imp, k_emb = jax.random.split(key, 4)
    X = jax.random.randint(k_x, (4096, 50), 0, 1000000, dtype=jnp.int64) if jax.config.jax_enable_x64 else jax.random.randint(k_x, (4096, 50), 0, 1000000, dtype=jnp.int32)
    # hash_table: random uniform int in [0, 2**30) mod num_hash_buckets
    hash_table = (jax.random.randint(k_ht, (NUM_WORDS, NUM_HASH_FUNC), 0, 2 ** 30, dtype=jnp.int32) % NUM_HASH_BUCKETS)
    word_importance = jax.random.normal(k_imp, (NUM_WORDS, NUM_HASH_FUNC), dtype=jnp.float32) * 0.0005
    embedding = jax.random.normal(k_emb, (NUM_HASH_BUCKETS, EMBEDDING_WIDTH), dtype=jnp.float32) * 0.1
    return {"X": X, "hash_table": hash_table, "word_importance": word_importance, "embedding": embedding}


def reference(X, hash_table, word_importance, embedding):
    # word ids into hash space
    word_ids = (X % NUM_WORDS).astype(jnp.int32)
    word_ids_importance = ((X + 3) % NUM_WORDS).astype(jnp.int32)
    # lookup bucket ids: [B, L, num_hash_func]
    buckets = jnp.take(hash_table, word_ids, axis=0)
    # importance values: [B, L, num_hash_func]
    importance_values = jnp.take(word_importance, word_ids_importance, axis=0)
    # embedding vectors: [B, L, num_hash_func, embedding_width]
    embedding_vectors = jnp.take(embedding, buckets, axis=0)
    weighted = importance_values[..., None] * embedding_vectors
    # aggregation_mode='sum': reduce over hash-func axis
    aggregated = jnp.sum(weighted, axis=-2)
    return aggregated

if __name__ == "__main__":
    import jax
    _d = setup_inputs()
    print(jax.jit(kernel)(*tuple(_d.values())))

</pallas_src>

<mosaic_0001>
#map = affine_map<(d0, d1) -> (0, 0, 0)>
#map1 = affine_map<(d0, d1) -> (0)>
#map2 = affine_map<(d0, d1) -> (0, 0)>
module attributes {stable_mosaic.version = 14 : i64} {
  func.func @_body(%arg0: i32, %arg1: i32, %arg2: memref<32x16x400xi32, #tpu.memory_space<hbm>>, %arg3: memref<3000000xi32, #tpu.memory_space<hbm>>, %arg4: memref<3000000xf32, #tpu.memory_space<hbm>>, %arg5: memref<100000x32xf32, #tpu.memory_space<hbm>>, %arg6: memref<4096x50x32xf32, #tpu.memory_space<hbm>>, %arg7: memref<16x400xi32, #tpu.memory_space<vmem>>, %arg8: memref<16x400xi32, #tpu.memory_space<vmem>>, %arg9: memref<2x3x400xi32, #tpu.memory_space<vmem>>, %arg10: memref<2x3x400xf32, #tpu.memory_space<vmem>>, %arg11: memref<2x3x400x32xf32, #tpu.memory_space<vmem>>, %arg12: memref<8x50x32xf32, #tpu.memory_space<vmem>>, %arg13: memref<!tpu.dma_semaphore, #tpu.memory_space<semaphore_mem>>, %arg14: memref<!tpu.dma_semaphore, #tpu.memory_space<semaphore_mem>>, %arg15: memref<!tpu.dma_semaphore, #tpu.memory_space<semaphore_mem>>, %arg16: memref<!tpu.dma_semaphore, #tpu.memory_space<semaphore_mem>>, %arg17: memref<!tpu.dma_semaphore, #tpu.memory_space<semaphore_mem>>, %arg18: memref<!tpu.dma_semaphore, #tpu.memory_space<semaphore_mem>>) attributes {dimension_semantics = [#tpu.dimension_semantics<core_parallel>, #tpu.dimension_semantics<subcore_parallel>], iteration_bounds = array<i64: 2, 16>, scalar_prefetch = 0 : i64, scratch_operands = 12 : i64, tpu.core_type = #tpu.core_type<sc_vector_subcore>, window_params = [{transform_indices = #map}, {transform_indices = #map1}, {transform_indices = #map1}, {transform_indices = #map2}, {transform_indices = #map}]} {
    %mul3A = arith.constant 2 : i32
    %mul3A_0 = arith.muli %arg1, %mul3A : i32
    %add3A = arith.addi %mul3A_0, %arg0 : i32
    "tpu.region"() ({
      %run_scoped3A = tpu.sem_alloc : memref<!tpu.dma_semaphore, #tpu.memory_space<semaphore_mem>>
      %dma_start3A_245 = arith.constant 0 : i32
      %dma_start3A_246 = arith.constant 0 : i32
      %dma_start3A_247 = tpu.memref_slice %arg2[%add3A, %dma_start3A_245, %dma_start3A_246] : memref<32x16x400xi32, #tpu.memory_space<hbm>> -> memref<1x16x400xi32, #tpu.memory_space<hbm>>
      %dma_start3A_248 = tpu.memref_squeeze %dma_start3A_247 : memref<1x16x400xi32, #tpu.memory_space<hbm>> -> memref<16x400xi32, #tpu.memory_space<hbm>>
      %dma_start3A_249 = arith.constant 0 : i32
      %dma_start3A_250 = arith.constant 0 : i32
      %dma_start3A_251 = tpu.memref_slice %arg2[%add3A, %dma_start3A_249, %dma_start3A_250] : memref<32x16x400xi32, #tpu.memory_space<hbm>> -> memref<1x16x400xi32, #tpu.memory_space<hbm>>
      %dma_start3A_252 = tpu.memref_squeeze %dma_start3A_251 : memref<1x16x400xi32, #tpu.memory_space<hbm>> -> memref<16x400xi32, #tpu.memory_space<hbm>>
      tpu.enqueue_dma source(%dma_start3A_252 : memref<16x400xi32, #tpu.memory_space<hbm>>) target(%arg7 : memref<16x400xi32, #tpu.memory_space<vmem>>) target_semaphore(%run_scoped3A : memref<!tpu.dma_semaphore, #tpu.memory_space<semaphore_mem>>)
      %dma_wait3A_253 = arith.constant 0 : i32
      %dma_wait3A_254 = arith.constant 0 : i32
      %dma_wait3A_255 = tpu.memref_slice %arg2[%add3A, %dma_wait3A_253, %dma_wait3A_254] : memref<32x16x400xi32, #tpu.memory_space<hbm>> -> memref<1x16x400xi32, #tpu.memory_space<hbm>>
      %dma_wait3A_256 = tpu.memref_squeeze %dma_wait3A_255 : memref<1x16x400xi32, #tpu.memory_space<hbm>> -> memref<16x400xi32, #tpu.memory_space<hbm>>
      %dma_wait3A_257 = arith.constant 0 : i32
      %dma_wait3A_258 = arith.constant 0 : i32
      %dma_wait3A_259 = tpu.memref_slice %arg2[%add3A, %dma_wait3A_257, %dma_wait3A_258] : memref<32x16x400xi32, #tpu.memory_space<hbm>> -> memref<1x16x400xi32, #tpu.memory_space<hbm>>
      %dma_wait3A_260 = tpu.memref_squeeze %dma_wait3A_259 : memref<1x16x400xi32, #tpu.memory_space<hbm>> -> memref<16x400xi32, #tpu.memory_space<hbm>>
      tpu.wait_dma2 semaphore(%run_scoped3A : memref<!tpu.dma_semaphore, #tpu.memory_space<semaphore_mem>>) src(%dma_wait3A_260 : memref<16x400xi32, #tpu.memory_space<hbm>>) dst(%arg7 : memref<16x400xi32, #tpu.memory_space<vmem>>)
      tpu.yield
    }) : () -> ()
    %scan3A = arith.constant 0 : i32
    %scan3A_1 = arith.constant 400 : i32
    %scan3A_2 = arith.addi %scan3A, %scan3A_1 : i32
    %scan3A_3 = arith.constant 1 : i32
    scf.for %scan3A_245 = %scan3A to %scan3A_2 step %scan3A_3  : i32 {
      %jit3A = arith.constant 25 : i32
      %div3A = arith.divsi %scan3A_245, %jit3A : i32
      %sign3A = arith.constant 0 : i32
      %sign3A_246 = arith.cmpi sgt, %scan3A_245, %sign3A : i32
      %sign3A_247 = arith.extui %sign3A_246 : i1 to i32
      %sign3A_248 = arith.constant 0 : i32
      %sign3A_249 = arith.cmpi slt, %scan3A_245, %sign3A_248 : i32
      %sign3A_250 = arith.extui %sign3A_249 : i1 to i32
      %sign3A_251 = arith.subi %sign3A_247, %sign3A_250 : i32
      %sign3A_252 = arith.constant 0 : i32
      %sign3A_253 = arith.cmpi sgt, %jit3A, %sign3A_252 : i32
      %sign3A_254 = arith.extui %sign3A_253 : i1 to i32
      %sign3A_255 = arith.constant 0 : i32
      %sign3A_256 = arith.cmpi slt, %jit3A, %sign3A_255 : i32
      %sign3A_257 = arith.extui %sign3A_256 : i1 to i32
      %sign3A_258 = arith.subi %sign3A_254, %sign3A_257 : i32
      %ne3A = arith.cmpi ne, %sign3A_251, %sign3A_258 : i32
      %rem3A = arith.remsi %scan3A_245, %jit3A : i32
      %ne3A_259 = arith.constant 0 : i32
      %ne3A_260 = arith.cmpi ne, %rem3A, %ne3A_259 : i32
      %and3A = arith.andi %ne3A, %ne3A_260 : i1
      %sub3A = arith.constant 1 : i32
      %sub3A_261 = arith.subi %div3A, %sub3A : i32
      %select_n3A = arith.select %and3A, %sub3A_261, %div3A : i32
      %jit3A_262 = arith.constant 25 : i32
      %eq3A = arith.constant 0 : i32
      %eq3A_263 = arith.cmpi eq, %jit3A_262, %eq3A : i32
      %jit3A_264 = arith.constant 1 : i32
      %select_n3A_265 = arith.select %eq3A_263, %jit3A_264, %jit3A_262 : i32
      %rem3A_266 = arith.remsi %scan3A_245, %select_n3A_265 : i32
      %ne3A_267 = arith.constant 0 : i32
      %ne3A_268 = arith.cmpi ne, %rem3A_266, %ne3A_267 : i32
      %lt3A = arith.constant 0 : i32
      %lt3A_269 = arith.cmpi slt, %rem3A_266, %lt3A : i32
      %lt3A_270 = arith.constant 0 : i32
      %lt3A_271 = arith.cmpi slt, %select_n3A_265, %lt3A_270 : i32
      %ne3A_272 = arith.xori %lt3A_269, %lt3A_271 : i1
      %and3A_273 = arith.andi %ne3A_272, %ne3A_268 : i1
      %add3A_274 = arith.addi %rem3A_266, %select_n3A_265 : i32
      %select_n3A_275 = arith.select %and3A_273, %add3A_274, %rem3A_266 : i32
      %mul3A_276 = arith.constant 16 : i32
      %mul3A_277 = arith.muli %select_n3A_275, %mul3A_276 : i32
      %get3A = arith.index_cast %select_n3A : i32 to index
      %get3A_278 = arith.index_cast %mul3A_277 : i32 to index
      %get3A_279 = tpu.vector_load %arg7[%get3A, %get3A_278] {strides = array<i32>} : memref<16x400xi32, #tpu.memory_space<vmem>>, vector<1x16xi32>,
      %get3A_280 = vector.shape_cast %get3A_279 : vector<1x16xi32> to vector<16xi32>
      %add3A_281 = arith.constant 3 : i32
      %add3A_282 = vector.broadcast %add3A_281 : i32 to vector<16xi32>
      %add3A_283 = arith.addi %get3A_280, %add3A_282 : vector<16xi32>
      %ge3A = arith.constant 1000000 : i32
      %ge3A_284 = vector.broadcast %ge3A : i32 to vector<16xi32>
      %ge3A_285 = arith.cmpi sge, %add3A_283, %ge3A_284 : vector<16xi32>
      %sub3A_286 = arith.constant 1000000 : i32
      %sub3A_287 = vector.broadcast %sub3A_286 : i32 to vector<16xi32>
      %sub3A_288 = arith.subi %add3A_283, %sub3A_287 : vector<16xi32>
      %select_n3A_289 = arith.select %ge3A_285, %sub3A_288, %add3A_283 : vector<16xi1>, vector<16xi32>
      %swap3A = arith.index_cast %select_n3A : i32 to index
      %swap3A_290 = arith.index_cast %mul3A_277 : i32 to index
      %swap3A_291 = tpu.vector_load %arg8[%swap3A, %swap3A_290] {strides = array<i32>} : memref<16x400xi32, #tpu.memory_space<vmem>>, vector<1x16xi32>,
      %swap3A_292 = vector.shape_cast %swap3A_291 : vector<1x16xi32> to vector<16xi32>
      %swap3A_293 = vector.shape_cast %select_n3A_289 : vector<16xi32> to vector<1x16xi32>
      tpu.vector_store %arg8[%swap3A, %swap3A_290], %swap3A_293 {strides = array<i32>} : memref<16x400xi32, #tpu.memory_space<vmem>>, vector<1x16xi32>,
    }
    %scan3A_4 = arith.constant 400 : i32
    %dma_start3A = arith.constant 0 : i32
    %dma_start3A_5 = arith.constant 0 : i32
    %dma_start3A_6 = arith.constant 0 : i32
    %dma_start3A_7 = arith.constant 0 : i32
    %dma_start3A_8 = tpu.memref_slice %arg9[%dma_start3A_5, %dma_start3A_6, %dma_start3A_7] : memref<2x3x400xi32, #tpu.memory_space<vmem>> -> memref<1x1x400xi32, #tpu.memory_space<vmem>>
    %dma_start3A_9 = tpu.memref_squeeze %dma_start3A_8 : memref<1x1x400xi32, #tpu.memory_space<vmem>> -> memref<400xi32, #tpu.memory_space<vmem>>
    %dma_start3A_10 = arith.constant 0 : i32
    %dma_start3A_11 = tpu.memref_slice %arg7[%dma_start3A, %dma_start3A_10] : memref<16x400xi32, #tpu.memory_space<vmem>> -> memref<1x400xi32, #tpu.memory_space<vmem>>
    %dma_start3A_12 = tpu.memref_squeeze %dma_start3A_11 : memref<1x400xi32, #tpu.memory_space<vmem>> -> memref<400xi32, #tpu.memory_space<vmem>>
    %dma_start3A_13 = arith.constant 0 : i32
    %dma_start3A_14 = tpu.memref_slice %arg3[%dma_start3A_13] : memref<3000000xi32, #tpu.memory_space<hbm>> -> memref<1000000xi32, #tpu.memory_space<hbm>>
    %dma_start3A_15 = arith.constant 0 : i32
    %dma_start3A_16 = tpu.memref_slice %dma_start3A_14[%dma_start3A_15] : memref<1000000xi32, #tpu.memory_space<hbm>> -> memref<1000000xi32, #tpu.memory_space<hbm>>
    tpu.enqueue_indirect_dma source(%dma_start3A_16 : memref<1000000xi32, #tpu.memory_space<hbm>>) target(%dma_start3A_9 : memref<400xi32, #tpu.memory_space<vmem>>) offsets(%dma_start3A_12 : memref<400xi32, #tpu.memory_space<vmem>>) semaphore(%arg13 : memref<!tpu.dma_semaphore, #tpu.memory_space<semaphore_mem>>)
    %dma_start3A_17 = arith.constant 0 : i32
    %dma_start3A_18 = arith.constant 0 : i32
    %dma_start3A_19 = arith.constant 1 : i32
    %dma_start3A_20 = arith.constant 0 : i32
    %dma_start3A_21 = tpu.memref_slice %arg9[%dma_start3A_18, %dma_start3A_19, %dma_start3A_20] : memref<2x3x400xi32, #tpu.memory_space<vmem>> -> memref<1x1x400xi32, #tpu.memory_space<vmem>>
    %dma_start3A_22 = tpu.memref_squeeze %dma_start3A_21 : memref<1x1x400xi32, #tpu.memory_space<vmem>> -> memref<400xi32, #tpu.memory_space<vmem>>
    %dma_start3A_23 = arith.constant 0 : i32
    %dma_start3A_24 = tpu.memref_slice %arg7[%dma_start3A_17, %dma_start3A_23] : memref<16x400xi32, #tpu.memory_space<vmem>> -> memref<1x400xi32, #tpu.memory_space<vmem>>
    %dma_start3A_25 = tpu.memref_squeeze %dma_start3A_24 : memref<1x400xi32, #tpu.memory_space<vmem>> -> memref<400xi32, #tpu.memory_space<vmem>>
    %dma_start3A_26 = arith.constant 1000000 : i32
    %dma_start3A_27 = tpu.memref_slice %arg3[%dma_start3A_26] : memref<3000000xi32, #tpu.memory_space<hbm>> -> memref<1000000xi32, #tpu.memory_space<hbm>>
    %dma_start3A_28 = arith.constant 0 : i32
    %dma_start3A_29 = tpu.memref_slice %dma_start3A_27[%dma_start3A_28] : memref<1000000xi32, #tpu.memory_space<hbm>> -> memref<1000000xi32, #tpu.memory_space<hbm>>
    tpu.enqueue_indirect_dma source(%dma_start3A_29 : memref<1000000xi32, #tpu.memory_space<hbm>>) target(%dma_start3A_22 : memref<400xi32, #tpu.memory_space<vmem>>) offsets(%dma_start3A_25 : memref<400xi32, #tpu.memory_space<vmem>>) semaphore(%arg13 : memref<!tpu.dma_semaphore, #tpu.memory_space<semaphore_mem>>)
    %dma_start3A_30 = arith.constant 0 : i32
    %dma_start3A_31 = arith.constant 0 : i32
    %dma_start3A_32 = arith.constant 2 : i32
    %dma_start3A_33 = arith.constant 0 : i32
    %dma_start3A_34 = tpu.memref_slice %arg9[%dma_start3A_31, %dma_start3A_32, %dma_start3A_33] : memref<2x3x400xi32, #tpu.memory_space<vmem>> -> memref<1x1x400xi32, #tpu.memory_space<vmem>>
    %dma_start3A_35 = tpu.memref_squeeze %dma_start3A_34 : memref<1x1x400xi32, #tpu.memory_space<vmem>> -> memref<400xi32, #tpu.memory_space<vmem>>
    %dma_start3A_36 = arith.constant 0 : i32
    %dma_start3A_37 = tpu.memref_slice %arg7[%dma_start3A_30, %dma_start3A_36] : memref<16x400xi32, #tpu.memory_space<vmem>> -> memref<1x400xi32, #tpu.memory_space<vmem>>
    %dma_start3A_38 = tpu.memref_squeeze %dma_start3A_37 : memref<1x400xi32, #tpu.memory_space<vmem>> -> memref<400xi32, #tpu.memory_space<vmem>>
    %dma_start3A_39 = arith.constant 2000000 : i32
    %dma_start3A_40 = tpu.memref_slice %arg3[%dma_start3A_39] : memref<3000000xi32, #tpu.memory_space<hbm>> -> memref<1000000xi32, #tpu.memory_space<hbm>>
    %dma_start3A_41 = arith.constant 0 : i32
    %dma_start3A_42 = tpu.memref_slice %dma_start3A_40[%dma_start3A_41] : memref<1000000xi32, #tpu.memory_space<hbm>> -> memref<1000000xi32, #tpu.memory_space<hbm>>
    tpu.enqueue_indirect_dma source(%dma_start3A_42 : memref<1000000xi32, #tpu.memory_space<hbm>>) target(%dma_start3A_35 : memref<400xi32, #tpu.memory_space<vmem>>) offsets(%dma_start3A_38 : memref<400xi32, #tpu.memory_space<vmem>>) semaphore(%arg13 : memref<!tpu.dma_semaphore, #tpu.memory_space<semaphore_mem>>)
    %dma_start3A_43 = arith.constant 0 : i32
    %dma_start3A_44 = arith.constant 0 : i32
    %dma_start3A_45 = arith.constant 0 : i32
    %dma_start3A_46 = arith.constant 0 : i32
    %dma_start3A_47 = tpu.memref_slice %arg10[%dma_start3A_44, %dma_start3A_45, %dma_start3A_46] : memref<2x3x400xf32, #tpu.memory_space<vmem>> -> memref<1x1x400xf32, #tpu.memory_space<vmem>>
    %dma_start3A_48 = tpu.memref_squeeze %dma_start3A_47 : memref<1x1x400xf32, #tpu.memory_space<vmem>> -> memref<400xf32, #tpu.memory_space<vmem>>
    %dma_start3A_49 = arith.constant 0 : i32
    %dma_start3A_50 = tpu.memref_slice %arg8[%dma_start3A_43, %dma_start3A_49] : memref<16x400xi32, #tpu.memory_space<vmem>> -> memref<1x400xi32, #tpu.memory_space<vmem>>
    %dma_start3A_51 = tpu.memref_squeeze %dma_start3A_50 : memref<1x400xi32, #tpu.memory_space<vmem>> -> memref<400xi32, #tpu.memory_space<vmem>>
    %dma_start3A_52 = arith.constant 0 : i32
    %dma_start3A_53 = tpu.memref_slice %arg4[%dma_start3A_52] : memref<3000000xf32, #tpu.memory_space<hbm>> -> memref<1000000xf32, #tpu.memory_space<hbm>>
    %dma_start3A_54 = arith.constant 0 : i32
    %dma_start3A_55 = tpu.memref_slice %dma_start3A_53[%dma_start3A_54] : memref<1000000xf32, #tpu.memory_space<hbm>> -> memref<1000000xf32, #tpu.memory_space<hbm>>
    tpu.enqueue_indirect_dma source(%dma_start3A_55 : memref<1000000xf32, #tpu.memory_space<hbm>>) target(%dma_start3A_48 : memref<400xf32, #tpu.memory_space<vmem>>) offsets(%dma_start3A_51 : memref<400xi32, #tpu.memory_space<vmem>>) semaphore(%arg15 : memref<!tpu.dma_semaphore, #tpu.memory_space<semaphore_mem>>)
    %dma_start3A_56 = arith.constant 0 : i32
    %dma_start3A_57 = arith.constant 0 : i32
    %dma_start3A_58 = arith.constant 1 : i32
    %dma_start3A_59 = arith.constant 0 : i32
    %dma_start3A_60 = tpu.memref_slice %arg10[%dma_start3A_57, %dma_start3A_58, %dma_start3A_59] : memref<2x3x400xf32, #tpu.memory_space<vmem>> -> memref<1x1x400xf32, #tpu.memory_space<vmem>>
    %dma_start3A_61 = tpu.memref_squeeze %dma_start3A_60 : memref<1x1x400xf32, #tpu.memory_space<vmem>> -> memref<400xf32, #tpu.memory_space<vmem>>
    %dma_start3A_62 = arith.constant 0 : i32
    %dma_start3A_63 = tpu.memref_slice %arg8[%dma_start3A_56, %dma_start3A_62] : memref<16x400xi32, #tpu.memory_space<vmem>> -> memref<1x400xi32, #tpu.memory_space<vmem>>
    %dma_start3A_64 = tpu.memref_squeeze %dma_start3A_63 : memref<1x400xi32, #tpu.memory_space<vmem>> -> memref<400xi32, #tpu.memory_space<vmem>>
    %dma_start3A_65 = arith.constant 1000000 : i32
    %dma_start3A_66 = tpu.memref_slice %arg4[%dma_start3A_65] : memref<3000000xf32, #tpu.memory_space<hbm>> -> memref<1000000xf32, #tpu.memory_space<hbm>>
    %dma_start3A_67 = arith.constant 0 : i32
    %dma_start3A_68 = tpu.memref_slice %dma_start3A_66[%dma_start3A_67] : memref<1000000xf32, #tpu.memory_space<hbm>> -> memref<1000000xf32, #tpu.memory_space<hbm>>
    tpu.enqueue_indirect_dma source(%dma_start3A_68 : memref<1000000xf32, #tpu.memory_space<hbm>>) target(%dma_start3A_61 : memref<400xf32, #tpu.memory_space<vmem>>) offsets(%dma_start3A_64 : memref<400xi32, #tpu.memory_space<vmem>>) semaphore(%arg15 : memref<!tpu.dma_semaphore, #tpu.memory_space<semaphore_mem>>)
    %dma_start3A_69 = arith.constant 0 : i32
    %dma_start3A_70 = arith.constant 0 : i32
    %dma_start3A_71 = arith.constant 2 : i32
    %dma_start3A_72 = arith.constant 0 : i32
    %dma_start3A_73 = tpu.memref_slice %arg10[%dma_start3A_70, %dma_start3A_71, %dma_start3A_72] : memref<2x3x400xf32, #tpu.memory_space<vmem>> -> memref<1x1x400xf32, #tpu.memory_space<vmem>>
    %dma_start3A_74 = tpu.memref_squeeze %dma_start3A_73 : memref<1x1x400xf32, #tpu.memory_space<vmem>> -> memref<400xf32, #tpu.memory_space<vmem>>
    %dma_start3A_75 = arith.constant 0 : i32
    %dma_start3A_76 = tpu.memref_slice %arg8[%dma_start3A_69, %dma_start3A_75] : memref<16x400xi32, #tpu.memory_space<vmem>> -> memref<1x400xi32, #tpu.memory_space<vmem>>
    %dma_start3A_77 = tpu.memref_squeeze %dma_start3A_76 : memref<1x400xi32, #tpu.memory_space<vmem>> -> memref<400xi32, #tpu.memory_space<vmem>>
    %dma_start3A_78 = arith.constant 2000000 : i32
    %dma_start3A_79 = tpu.memref_slice %arg4[%dma_start3A_78] : memref<3000000xf32, #tpu.memory_space<hbm>> -> memref<1000000xf32, #tpu.memory_space<hbm>>
    %dma_start3A_80 = arith.constant 0 : i32
    %dma_start3A_81 = tpu.memref_slice %dma_start3A_79[%dma_start3A_80] : memref<1000000xf32, #tpu.memory_space<hbm>> -> memref<1000000xf32, #tpu.memory_space<hbm>>
    tpu.enqueue_indirect_dma source(%dma_start3A_81 : memref<1000000xf32, #tpu.memory_space<hbm>>) target(%dma_start3A_74 : memref<400xf32, #tpu.memory_space<vmem>>) offsets(%dma_start3A_77 : memref<400xi32, #tpu.memory_space<vmem>>) semaphore(%arg15 : memref<!tpu.dma_semaphore, #tpu.memory_space<semaphore_mem>>)
    %dma_wait3A = arith.constant 0 : i32
    %dma_wait3A_82 = arith.constant 0 : i32
    %dma_wait3A_83 = arith.constant 0 : i32
    %dma_wait3A_84 = arith.constant 0 : i32
    %dma_wait3A_85 = tpu.memref_slice %arg9[%dma_wait3A_82, %dma_wait3A_83, %dma_wait3A_84] : memref<2x3x400xi32, #tpu.memory_space<vmem>> -> memref<1x1x400xi32, #tpu.memory_space<vmem>>
    %dma_wait3A_86 = tpu.memref_squeeze %dma_wait3A_85 : memref<1x1x400xi32, #tpu.memory_space<vmem>> -> memref<400xi32, #tpu.memory_space<vmem>>
    %dma_wait3A_87 = arith.constant 0 : i32
    %dma_wait3A_88 = tpu.memref_slice %arg7[%dma_wait3A, %dma_wait3A_87] : memref<16x400xi32, #tpu.memory_space<vmem>> -> memref<1x400xi32, #tpu.memory_space<vmem>>
    %dma_wait3A_89 = tpu.memref_squeeze %dma_wait3A_88 : memref<1x400xi32, #tpu.memory_space<vmem>> -> memref<400xi32, #tpu.memory_space<vmem>>
    %dma_wait3A_90 = arith.constant 0 : i32
    %dma_wait3A_91 = tpu.memref_slice %arg3[%dma_wait3A_90] : memref<3000000xi32, #tpu.memory_space<hbm>> -> memref<1000000xi32, #tpu.memory_space<hbm>>
    %dma_wait3A_92 = arith.constant 0 : i32
    %dma_wait3A_93 = tpu.memref_slice %dma_wait3A_91[%dma_wait3A_92] : memref<1000000xi32, #tpu.memory_space<hbm>> -> memref<1000000xi32, #tpu.memory_space<hbm>>
    tpu.wait_indirect_dma semaphore(%arg13 : memref<!tpu.dma_semaphore, #tpu.memory_space<semaphore_mem>>) src(%dma_wait3A_93 : memref<1000000xi32, #tpu.memory_space<hbm>>) dst(%dma_wait3A_86 : memref<400xi32, #tpu.memory_space<vmem>>)
    %dma_wait3A_94 = arith.constant 0 : i32
    %dma_wait3A_95 = arith.constant 0 : i32
    %dma_wait3A_96 = arith.constant 1 : i32
    %dma_wait3A_97 = arith.constant 0 : i32
    %dma_wait3A_98 = tpu.memref_slice %arg9[%dma_wait3A_95, %dma_wait3A_96, %dma_wait3A_97] : memref<2x3x400xi32, #tpu.memory_space<vmem>> -> memref<1x1x400xi32, #tpu.memory_space<vmem>>
    %dma_wait3A_99 = tpu.memref_squeeze %dma_wait3A_98 : memref<1x1x400xi32, #tpu.memory_space<vmem>> -> memref<400xi32, #tpu.memory_space<vmem>>
    %dma_wait3A_100 = arith.constant 0 : i32
    %dma_wait3A_101 = tpu.memref_slice %arg7[%dma_wait3A_94, %dma_wait3A_100] : memref<16x400xi32, #tpu.memory_space<vmem>> -> memref<1x400xi32, #tpu.memory_space<vmem>>
    %dma_wait3A_102 = tpu.memref_squeeze %dma_wait3A_101 : memref<1x400xi32, #tpu.memory_space<vmem>> -> memref<400xi32, #tpu.memory_space<vmem>>
    %dma_wait3A_103 = arith.constant 1000000 : i32
    %dma_wait3A_104 = tpu.memref_slice %arg3[%dma_wait3A_103] : memref<3000000xi32, #tpu.memory_space<hbm>> -> memref<1000000xi32, #tpu.memory_space<hbm>>
    %dma_wait3A_105 = arith.constant 0 : i32
    %dma_wait3A_106 = tpu.memref_slice %dma_wait3A_104[%dma_wait3A_105] : memref<1000000xi32, #tpu.memory_space<hbm>> -> memref<1000000xi32, #tpu.memory_space<hbm>>
    tpu.wait_indirect_dma semaphore(%arg13 : memref<!tpu.dma_semaphore, #tpu.memory_space<semaphore_mem>>) src(%dma_wait3A_106 : memref<1000000xi32, #tpu.memory_space<hbm>>) dst(%dma_wait3A_99 : memref<400xi32, #tpu.memory_space<vmem>>)
    %dma_wait3A_107 = arith.constant 0 : i32
    %dma_wait3A_108 = arith.constant 0 : i32
    %dma_wait3A_109 = arith.constant 2 : i32
    %dma_wait3A_110 = arith.constant 0 : i32
    %dma_wait3A_111 = tpu.memref_slice %arg9[%dma_wait3A_108, %dma_wait3A_109, %dma_wait3A_110] : memref<2x3x400xi32, #tpu.memory_space<vmem>> -> memref<1x1x400xi32, #tpu.memory_space<vmem>>
    %dma_wait3A_112 = tpu.memref_squeeze %dma_wait3A_111 : memref<1x1x400xi32, #tpu.memory_space<vmem>> -> memref<400xi32, #tpu.memory_space<vmem>>
    %dma_wait3A_113 = arith.constant 0 : i32
    %dma_wait3A_114 = tpu.memref_slice %arg7[%dma_wait3A_107, %dma_wait3A_113] : memref<16x400xi32, #tpu.memory_space<vmem>> -> memref<1x400xi32, #tpu.memory_space<vmem>>
    %dma_wait3A_115 = tpu.memref_squeeze %dma_wait3A_114 : memref<1x400xi32, #tpu.memory_space<vmem>> -> memref<400xi32, #tpu.memory_space<vmem>>
    %dma_wait3A_116 = arith.constant 2000000 : i32
    %dma_wait3A_117 = tpu.memref_slice %arg3[%dma_wait3A_116] : memref<3000000xi32, #tpu.memory_space<hbm>> -> memref<1000000xi32, #tpu.memory_space<hbm>>
    %dma_wait3A_118 = arith.constant 0 : i32
    %dma_wait3A_119 = tpu.memref_slice %dma_wait3A_117[%dma_wait3A_118] : memref<1000000xi32, #tpu.memory_space<hbm>> -> memref<1000000xi32, #tpu.memory_space<hbm>>
    tpu.wait_indirect_dma semaphore(%arg13 : memref<!tpu.dma_semaphore, #tpu.memory_space<semaphore_mem>>) src(%dma_wait3A_119 : memref<1000000xi32, #tpu.memory_space<hbm>>) dst(%dma_wait3A_112 : memref<400xi32, #tpu.memory_space<vmem>>)
    %dma_start3A_120 = arith.constant 0 : i32
    %dma_start3A_121 = arith.constant 0 : i32
    %dma_start3A_122 = arith.constant 0 : i32
    %dma_start3A_123 = arith.constant 0 : i32
    %dma_start3A_124 = arith.constant 0 : i32
    %dma_start3A_125 = arith.constant 0 : i32
    %dma_start3A_126 = tpu.memref_slice %arg11[%dma_start3A_122, %dma_start3A_123, %dma_start3A_124, %dma_start3A_125] : memref<2x3x400x32xf32, #tpu.memory_space<vmem>> -> memref<1x1x400x32xf32, #tpu.memory_space<vmem>>
    %dma_start3A_127 = tpu.memref_squeeze %dma_start3A_126 : memref<1x1x400x32xf32, #tpu.memory_space<vmem>> -> memref<400x32xf32, #tpu.memory_space<vmem>>
    %dma_start3A_128 = arith.constant 0 : i32
    %dma_start3A_129 = tpu.memref_slice %arg9[%dma_start3A_120, %dma_start3A_121, %dma_start3A_128] : memref<2x3x400xi32, #tpu.memory_space<vmem>> -> memref<1x1x400xi32, #tpu.memory_space<vmem>>
    %dma_start3A_130 = tpu.memref_squeeze %dma_start3A_129 : memref<1x1x400xi32, #tpu.memory_space<vmem>> -> memref<400xi32, #tpu.memory_space<vmem>>
    %dma_start3A_131 = arith.constant 0 : i32
    %dma_start3A_132 = arith.constant 0 : i32
    %dma_start3A_133 = tpu.memref_slice %arg5[%dma_start3A_131, %dma_start3A_132] : memref<100000x32xf32, #tpu.memory_space<hbm>> -> memref<100000x32xf32, #tpu.memory_space<hbm>>
    tpu.enqueue_indirect_dma source(%dma_start3A_133 : memref<100000x32xf32, #tpu.memory_space<hbm>>) target(%dma_start3A_127 : memref<400x32xf32, #tpu.memory_space<vmem>>) offsets(%dma_start3A_130 : memref<400xi32, #tpu.memory_space<vmem>>) semaphore(%arg17 : memref<!tpu.dma_semaphore, #tpu.memory_space<semaphore_mem>>)
    %dma_start3A_134 = arith.constant 0 : i32
    %dma_start3A_135 = arith.constant 1 : i32
    %dma_start3A_136 = arith.constant 0 : i32
    %dma_start3A_137 = arith.constant 1 : i32
    %dma_start3A_138 = arith.constant 0 : i32
    %dma_start3A_139 = arith.constant 0 : i32
    %dma_start3A_140 = tpu.memref_slice %arg11[%dma_start3A_136, %dma_start3A_137, %dma_start3A_138, %dma_start3A_139] : memref<2x3x400x32xf32, #tpu.memory_space<vmem>> -> memref<1x1x400x32xf32, #tpu.memory_space<vmem>>
    %dma_start3A_141 = tpu.memref_squeeze %dma_start3A_140 : memref<1x1x400x32xf32, #tpu.memory_space<vmem>> -> memref<400x32xf32, #tpu.memory_space<vmem>>
    %dma_start3A_142 = arith.constant 0 : i32
    %dma_start3A_143 = tpu.memref_slice %arg9[%dma_start3A_134, %dma_start3A_135, %dma_start3A_142] : memref<2x3x400xi32, #tpu.memory_space<vmem>> -> memref<1x1x400xi32, #tpu.memory_space<vmem>>
    %dma_start3A_144 = tpu.memref_squeeze %dma_start3A_143 : memref<1x1x400xi32, #tpu.memory_space<vmem>> -> memref<400xi32, #tpu.memory_space<vmem>>
    %dma_start3A_145 = arith.constant 0 : i32
    %dma_start3A_146 = arith.constant 0 : i32
    %dma_start3A_147 = tpu.memref_slice %arg5[%dma_start3A_145, %dma_start3A_146] : memref<100000x32xf32, #tpu.memory_space<hbm>> -> memref<100000x32xf32, #tpu.memory_space<hbm>>
    tpu.enqueue_indirect_dma source(%dma_start3A_147 : memref<100000x32xf32, #tpu.memory_space<hbm>>) target(%dma_start3A_141 : memref<400x32xf32, #tpu.memory_space<vmem>>) offsets(%dma_start3A_144 : memref<400xi32, #tpu.memory_space<vmem>>) semaphore(%arg17 : memref<!tpu.dma_semaphore, #tpu.memory_space<semaphore_mem>>)
    %dma_start3A_148 = arith.constant 0 : i32
    %dma_start3A_149 = arith.constant 2 : i32
    %dma_start3A_150 = arith.constant 0 : i32
    %dma_start3A_151 = arith.constant 2 : i32
    %dma_start3A_152 = arith.constant 0 : i32
    %dma_start3A_153 = arith.constant 0 : i32
    %dma_start3A_154 = tpu.memref_slice %arg11[%dma_start3A_150, %dma_start3A_151, %dma_start3A_152, %dma_start3A_153] : memref<2x3x400x32xf32, #tpu.memory_space<vmem>> -> memref<1x1x400x32xf32, #tpu.memory_space<vmem>>
    %dma_start3A_155 = tpu.memref_squeeze %dma_start3A_154 : memref<1x1x400x32xf32, #tpu.memory_space<vmem>> -> memref<400x32xf32, #tpu.memory_space<vmem>>
    %dma_start3A_156 = arith.constant 0 : i32
    %dma_start3A_157 = tpu.memref_slice %arg9[%dma_start3A_148, %dma_start3A_149, %dma_start3A_156] : memref<2x3x400xi32, #tpu.memory_space<vmem>> -> memref<1x1x400xi32, #tpu.memory_space<vmem>>
    %dma_start3A_158 = tpu.memref_squeeze %dma_start3A_157 : memref<1x1x400xi32, #tpu.memory_space<vmem>> -> memref<400xi32, #tpu.memory_space<vmem>>
    %dma_start3A_159 = arith.constant 0 : i32
    %dma_start3A_160 = arith.constant 0 : i32
    %dma_start3A_161 = tpu.memref_slice %arg5[%dma_start3A_159, %dma_start3A_160] : memref<100000x32xf32, #tpu.memory_space<hbm>> -> memref<100000x32xf32, #tpu.memory_space<hbm>>
    tpu.enqueue_indirect_dma source(%dma_start3A_161 : memref<100000x32xf32, #tpu.memory_space<hbm>>) target(%dma_start3A_155 : memref<400x32xf32, #tpu.memory_space<vmem>>) offsets(%dma_start3A_158 : memref<400xi32, #tpu.memory_space<vmem>>) semaphore(%arg17 : memref<!tpu.dma_semaphore, #tpu.memory_space<semaphore_mem>>)
    %dma_start3A_162 = arith.constant 1 : i32
    %dma_start3A_163 = arith.constant 1 : i32
    %dma_start3A_164 = arith.constant 0 : i32
    %dma_start3A_165 = arith.constant 0 : i32
    %dma_start3A_166 = tpu.memref_slice %arg9[%dma_start3A_163, %dma_start3A_164, %dma_start3A_165] : memref<2x3x400xi32, #tpu.memory_space<vmem>> -> memref<1x1x400xi32, #tpu.memory_space<vmem>>
    %dma_start3A_167 = tpu.memref_squeeze %dma_start3A_166 : memref<1x1x400xi32, #tpu.memory_space<vmem>> -> memref<400xi32, #tpu.memory_space<vmem>>
    %dma_start3A_168 = arith.constant 0 : i32
    %dma_start3A_169 = tpu.memref_slice %arg7[%dma_start3A_162, %dma_start3A_168] : memref<16x400xi32, #tpu.memory_space<vmem>> -> memref<1x400xi32, #tpu.memory_space<vmem>>
    %dma_start3A_170 = tpu.memref_squeeze %dma_start3A_169 : memref<1x400xi32, #tpu.memory_space<vmem>> -> memref<400xi32, #tpu.memory_space<vmem>>
    %dma_start3A_171 = arith.constant 0 : i32
    %dma_start3A_172 = tpu.memref_slice %arg3[%dma_start3A_171] : memref<3000000xi32, #tpu.memory_space<hbm>> -> memref<1000000xi32, #tpu.memory_space<hbm>>
    %dma_start3A_173 = arith.constant 0 : i32
    %dma_start3A_174 = tpu.memref_slice %dma_start3A_172[%dma_start3A_173] : memref<1000000xi32, #tpu.memory_space<hbm>> -> memref<1000000xi32, #tpu.memory_space<hbm>>
    tpu.enqueue_indirect_dma source(%dma_start3A_174 : memref<1000000xi32, #tpu.memory_space<hbm>>) target(%dma_start3A_167 : memref<400xi32, #tpu.memory_space<vmem>>) offsets(%dma_start3A_170 : memref<400xi32, #tpu.memory_space<vmem>>) semaphore(%arg14 : memref<!tpu.dma_semaphore, #tpu.memory_space<semaphore_mem>>)
    %dma_start3A_175 = arith.constant 1 : i32
    %dma_start3A_176 = arith.constant 1 : i32
    %dma_start3A_177 = arith.constant 1 : i32
    %dma_start3A_178 = arith.constant 0 : i32
    %dma_start3A_179 = tpu.memref_slice %arg9[%dma_start3A_176, %dma_start3A_177, %dma_start3A_178] : memref<2x3x400xi32, #tpu.memory_space<vmem>> -> memref<1x1x400xi32, #tpu.memory_space<vmem>>
    %dma_start3A_180 = tpu.memref_squeeze %dma_start3A_179 : memref<1x1x400xi32, #tpu.memory_space<vmem>> -> memref<400xi32, #tpu.memory_space<vmem>>
    %dma_start3A_181 = arith.constant 0 : i32
    %dma_start3A_182 = tpu.memref_slice %arg7[%dma_start3A_175, %dma_start3A_181] : memref<16x400xi32, #tpu.memory_space<vmem>> -> memref<1x400xi32, #tpu.memory_space<vmem>>
    %dma_start3A_183 = tpu.memref_squeeze %dma_start3A_182 : memref<1x400xi32, #tpu.memory_space<vmem>> -> memref<400xi32, #tpu.memory_space<vmem>>
    %dma_start3A_184 = arith.constant 1000000 : i32
    %dma_start3A_185 = tpu.memref_slice %arg3[%dma_start3A_184] : memref<3000000xi32, #tpu.memory_space<hbm>> -> memref<1000000xi32, #tpu.memory_space<hbm>>
    %dma_start3A_186 = arith.constant 0 : i32
    %dma_start3A_187 = tpu.memref_slice %dma_start3A_185[%dma_start3A_186] : memref<1000000xi32, #tpu.memory_space<hbm>> -> memref<1000000xi32, #tpu.memory_space<hbm>>
    tpu.enqueue_indirect_dma source(%dma_start3A_187 : memref<1000000xi32, #tpu.memory_space<hbm>>) target(%dma_start3A_180 : memref<400xi32, #tpu.memory_space<vmem>>) offsets(%dma_start3A_183 : memref<400xi32, #tpu.memory_space<vmem>>) semaphore(%arg14 : memref<!tpu.dma_semaphore, #tpu.memory_space<semaphore_mem>>)
    %dma_start3A_188 = arith.constant 1 : i32
    %dma_start3A_189 = arith.constant 1 : i32
    %dma_start3A_190 = arith.constant 2 : i32
    %dma_start3A_191 = arith.constant 0 : i32
    %dma_start3A_192 = tpu.memref_slice %arg9[%dma_start3A_189, %dma_start3A_190, %dma_start3A_191] : memref<2x3x400xi32, #tpu.memory_space<vmem>> -> memref<1x1x400xi32, #tpu.memory_space<vmem>>
    %dma_start3A_193 = tpu.memref_squeeze %dma_start3A_192 : memref<1x1x400xi32, #tpu.memory_space<vmem>> -> memref<400xi32, #tpu.memory_space<vmem>>
    %dma_start3A_194 = arith.constant 0 : i32
    %dma_start3A_195 = tpu.memref_slice %arg7[%dma_start3A_188, %dma_start3A_194] : memref<16x400xi32, #tpu.memory_space<vmem>> -> memref<1x400xi32, #tpu.memory_space<vmem>>
    %dma_start3A_196 = tpu.memref_squeeze %dma_start3A_195 : memref<1x400xi32, #tpu.memory_space<vmem>> -> memref<400xi32, #tpu.memory_space<vmem>>
    %dma_start3A_197 = arith.constant 2000000 : i32
    %dma_start3A_198 = tpu.memref_slice %arg3[%dma_start3A_197] : memref<3000000xi32, #tpu.memory_space<hbm>> -> memref<1000000xi32, #tpu.memory_space<hbm>>
    %dma_start3A_199 = arith.constant 0 : i32
    %dma_start3A_200 = tpu.memref_slice %dma_start3A_198[%dma_start3A_199] : memref<1000000xi32, #tpu.memory_space<hbm>> -> memref<1000000xi32, #tpu.memory_space<hbm>>
    tpu.enqueue_indirect_dma source(%dma_start3A_200 : memref<1000000xi32, #tpu.memory_space<hbm>>) target(%dma_start3A_193 : memref<400xi32, #tpu.memory_space<vmem>>) offsets(%dma_start3A_196 : memref<400xi32, #tpu.memory_space<vmem>>) semaphore(%arg14 : memref<!tpu.dma_semaphore, #tpu.memory_space<semaphore_mem>>)
    %dma_start3A_201 = arith.constant 1 : i32
    %dma_start3A_202 = arith.constant 1 : i32
    %dma_start3A_203 = arith.constant 0 : i32
    %dma_start3A_204 = arith.constant 0 : i32
    %dma_start3A_205 = tpu.memref_slice %arg10[%dma_start3A_202, %dma_start3A_203, %dma_start3A_204] : memref<2x3x400xf32, #tpu.memory_space<vmem>> -> memref<1x1x400xf32, #tpu.memory_space<vmem>>
    %dma_start3A_206 = tpu.memref_squeeze %dma_start3A_205 : memref<1x1x400xf32, #tpu.memory_space<vmem>> -> memref<400xf32, #tpu.memory_space<vmem>>
    %dma_start3A_207 = arith.constant 0 : i32
    %dma_start3A_208 = tpu.memref_slice %arg8[%dma_start3A_201, %dma_start3A_207] : memref<16x400xi32, #tpu.memory_space<vmem>> -> memref<1x400xi32, #tpu.memory_space<vmem>>
    %dma_start3A_209 = tpu.memref_squeeze %dma_start3A_208 : memref<1x400xi32, #tpu.memory_space<vmem>> -> memref<400xi32, #tpu.memory_space<vmem>>
    %dma_start3A_210 = arith.constant 0 : i32
    %dma_start3A_211 = tpu.memref_slice %arg4[%dma_start3A_210] : memref<3000000xf32, #tpu.memory_space<hbm>> -> memref<1000000xf32, #tpu.memory_space<hbm>>
    %dma_start3A_212 = arith.constant 0 : i32
    %dma_start3A_213 = tpu.memref_slice %dma_start3A_211[%dma_start3A_212] : memref<1000000xf32, #tpu.memory_space<hbm>> -> memref<1000000xf32, #tpu.memory_space<hbm>>
    tpu.enqueue_indirect_dma source(%dma_start3A_213 : memref<1000000xf32, #tpu.memory_space<hbm>>) target(%dma_start3A_206 : memref<400xf32, #tpu.memory_space<vmem>>) offsets(%dma_start3A_209 : memref<400xi32, #tpu.memory_space<vmem>>) semaphore(%arg16 : memref<!tpu.dma_semaphore, #tpu.memory_space<semaphore_mem>>)
    %dma_start3A_214 = arith.constant 1 : i32
    %dma_start3A_215 = arith.constant 1 : i32
    %dma_start3A_216 = arith.constant 1 : i32
    %dma_start3A_217 = arith.constant 0 : i32
    %dma_start3A_218 = tpu.memref_slice %arg10[%dma_start3A_215, %dma_start3A_216, %dma_start3A_217] : memref<2x3x400xf32, #tpu.memory_space<vmem>> -> memref<1x1x400xf32, #tpu.memory_space<vmem>>
    %dma_start3A_219 = tpu.memref_squeeze %dma_start3A_218 : memref<1x1x400xf32, #tpu.memory_space<vmem>> -> memref<400xf32, #tpu.memory_space<vmem>>
    %dma_start3A_220 = arith.constant 0 : i32
    %dma_start3A_221 = tpu.memref_slice %arg8[%dma_start3A_214, %dma_start3A_220] : memref<16x400xi32, #tpu.memory_space<vmem>> -> memref<1x400xi32, #tpu.memory_space<vmem>>
    %dma_start3A_222 = tpu.memref_squeeze %dma_start3A_221 : memref<1x400xi32, #tpu.memory_space<vmem>> -> memref<400xi32, #tpu.memory_space<vmem>>
    %dma_start3A_223 = arith.constant 1000000 : i32
    %dma_start3A_224 = tpu.memref_slice %arg4[%dma_start3A_223] : memref<3000000xf32, #tpu.memory_space<hbm>> -> memref<1000000xf32, #tpu.memory_space<hbm>>
    %dma_start3A_225 = arith.constant 0 : i32
    %dma_start3A_226 = tpu.memref_slice %dma_start3A_224[%dma_start3A_225] : memref<1000000xf32, #tpu.memory_space<hbm>> -> memref<1000000xf32, #tpu.memory_space<hbm>>
    tpu.enqueue_indirect_dma source(%dma_start3A_226 : memref<1000000xf32, #tpu.memory_space<hbm>>) target(%dma_start3A_219 : memref<400xf32, #tpu.memory_space<vmem>>) offsets(%dma_start3A_222 : memref<400xi32, #tpu.memory_space<vmem>>) semaphore(%arg16 : memref<!tpu.dma_semaphore, #tpu.memory_space<semaphore_mem>>)
    %dma_start3A_227 = arith.constant 1 : i32
    %dma_start3A_228 = arith.constant 1 : i32
    %dma_start3A_229 = arith.constant 2 : i32
    %dma_start3A_230 = arith.constant 0 : i32
    %dma_start3A_231 = tpu.memref_slice %arg10[%dma_start3A_228, %dma_start3A_229, %dma_start3A_230] : memref<2x3x400xf32, #tpu.memory_space<vmem>> -> memref<1x1x400xf32, #tpu.memory_space<vmem>>
    %dma_start3A_232 = tpu.memref_squeeze %dma_start3A_231 : memref<1x1x400xf32, #tpu.memory_space<vmem>> -> memref<400xf32, #tpu.memory_space<vmem>>
    %dma_start3A_233 = arith.constant 0 : i32
    %dma_start3A_234 = tpu.memref_slice %arg8[%dma_start3A_227, %dma_start3A_233] : memref<16x400xi32, #tpu.memory_space<vmem>> -> memref<1x400xi32, #tpu.memory_space<vmem>>
    %dma_start3A_235 = tpu.memref_squeeze %dma_start3A_234 : memref<1x400xi32, #tpu.memory_space<vmem>> -> memref<400xi32, #tpu.memory_space<vmem>>
    %dma_start3A_236 = arith.constant 2000000 : i32
    %dma_start3A_237 = tpu.memref_slice %arg4[%dma_start3A_236] : memref<3000000xf32, #tpu.memory_space<hbm>> -> memref<1000000xf32, #tpu.memory_space<hbm>>
    %dma_start3A_238 = arith.constant 0 : i32
    %dma_start3A_239 = tpu.memref_slice %dma_start3A_237[%dma_start3A_238] : memref<1000000xf32, #tpu.memory_space<hbm>> -> memref<1000000xf32, #tpu.memory_space<hbm>>
    tpu.enqueue_indirect_dma source(%dma_start3A_239 : memref<1000000xf32, #tpu.memory_space<hbm>>) target(%dma_start3A_232 : memref<400xf32, #tpu.memory_space<vmem>>) offsets(%dma_start3A_235 : memref<400xi32, #tpu.memory_space<vmem>>) semaphore(%arg16 : memref<!tpu.dma_semaphore, #tpu.memory_space<semaphore_mem>>)
    %scan3A_240 = arith.constant 0 : i32
    %scan3A_241 = arith.constant 8 : i32
    %scan3A_242 = arith.addi %scan3A_240, %scan3A_241 : i32
    %scan3A_243 = arith.constant 1 : i32
    scf.for %scan3A_245 = %scan3A_240 to %scan3A_242 step %scan3A_243  : i32 {
      %mul3A_246 = arith.constant 2 : i32
      %mul3A_247 = arith.muli %scan3A_245, %mul3A_246 : i32
      %add3A_248 = arith.constant 0 : i32
      %add3A_249 = arith.addi %mul3A_247, %add3A_248 : i32
      %add3A_250 = arith.constant 1 : i32
      %add3A_251 = arith.addi %add3A_249, %add3A_250 : i32
      %lt3A = arith.constant 16 : i32
      %lt3A_252 = arith.cmpi slt, %add3A_251, %lt3A : i32
      %convert_element_type3A = arith.extui %lt3A_252 : i1 to i32
      %cond3A = arith.constant 0 : i32
      %cond3A_253 = arith.cmpi ne, %convert_element_type3A, %cond3A : i32
      scf.if %cond3A_253 {
        %add3A_469 = arith.constant 1 : i32
        %add3A_470 = arith.addi %add3A_249, %add3A_469 : i32
        %dma_wait3A_471 = arith.constant 1 : i32
        %dma_wait3A_472 = arith.constant 0 : i32
        %dma_wait3A_473 = arith.constant 0 : i32
        %dma_wait3A_474 = tpu.memref_slice %arg9[%dma_wait3A_471, %dma_wait3A_472, %dma_wait3A_473] : memref<2x3x400xi32, #tpu.memory_space<vmem>> -> memref<1x1x400xi32, #tpu.memory_space<vmem>>
        %dma_wait3A_475 = tpu.memref_squeeze %dma_wait3A_474 : memref<1x1x400xi32, #tpu.memory_space<vmem>> -> memref<400xi32, #tpu.memory_space<vmem>>
        %dma_wait3A_476 = arith.constant 0 : i32
        %dma_wait3A_477 = tpu.memref_slice %arg7[%add3A_470, %dma_wait3A_476] : memref<16x400xi32, #tpu.memory_space<vmem>> -> memref<1x400xi32, #tpu.memory_space<vmem>>
        %dma_wait3A_478 = tpu.memref_squeeze %dma_wait3A_477 : memref<1x400xi32, #tpu.memory_space<vmem>> -> memref<400xi32, #tpu.memory_space<vmem>>
        %dma_wait3A_479 = arith.constant 0 : i32
        %dma_wait3A_480 = tpu.memref_slice %arg3[%dma_wait3A_479] : memref<3000000xi32, #tpu.memory_space<hbm>> -> memref<1000000xi32, #tpu.memory_space<hbm>>
        %dma_wait3A_481 = arith.constant 0 : i32
        %dma_wait3A_482 = tpu.memref_slice %dma_wait3A_480[%dma_wait3A_481] : memref<1000000xi32, #tpu.memory_space<hbm>> -> memref<1000000xi32, #tpu.memory_space<hbm>>
        tpu.wait_indirect_dma semaphore(%arg14 : memref<!tpu.dma_semaphore, #tpu.memory_space<semaphore_mem>>) src(%dma_wait3A_482 : memref<1000000xi32, #tpu.memory_space<hbm>>) dst(%dma_wait3A_475 : memref<400xi32, #tpu.memory_space<vmem>>)
        %dma_wait3A_483 = arith.constant 1 : i32
        %dma_wait3A_484 = arith.constant 1 : i32
        %dma_wait3A_485 = arith.constant 0 : i32
        %dma_wait3A_486 = tpu.memref_slice %arg9[%dma_wait3A_483, %dma_wait3A_484, %dma_wait3A_485] : memref<2x3x400xi32, #tpu.memory_space<vmem>> -> memref<1x1x400xi32, #tpu.memory_space<vmem>>
        %dma_wait3A_487 = tpu.memref_squeeze %dma_wait3A_486 : memref<1x1x400xi32, #tpu.memory_space<vmem>> -> memref<400xi32, #tpu.memory_space<vmem>>
        %dma_wait3A_488 = arith.constant 0 : i32
        %dma_wait3A_489 = tpu.memref_slice %arg7[%add3A_470, %dma_wait3A_488] : memref<16x400xi32, #tpu.memory_space<vmem>> -> memref<1x400xi32, #tpu.memory_space<vmem>>
        %dma_wait3A_490 = tpu.memref_squeeze %dma_wait3A_489 : memref<1x400xi32, #tpu.memory_space<vmem>> -> memref<400xi32, #tpu.memory_space<vmem>>
        %dma_wait3A_491 = arith.constant 1000000 : i32
        %dma_wait3A_492 = tpu.memref_slice %arg3[%dma_wait3A_491] : memref<3000000xi32, #tpu.memory_space<hbm>> -> memref<1000000xi32, #tpu.memory_space<hbm>>
        %dma_wait3A_493 = arith.constant 0 : i32
        %dma_wait3A_494 = tpu.memref_slice %dma_wait3A_492[%dma_wait3A_493] : memref<1000000xi32, #tpu.memory_space<hbm>> -> memref<1000000xi32, #tpu.memory_space<hbm>>
        tpu.wait_indirect_dma semaphore(%arg14 : memref<!tpu.dma_semaphore, #tpu.memory_space<semaphore_mem>>) src(%dma_wait3A_494 : memref<1000000xi32, #tpu.memory_space<hbm>>) dst(%dma_wait3A_487 : memref<400xi32, #tpu.memory_space<vmem>>)
        %dma_wait3A_495 = arith.constant 1 : i32
        %dma_wait3A_496 = arith.constant 2 : i32
        %dma_wait3A_497 = arith.constant 0 : i32
        %dma_wait3A_498 = tpu.memref_slice %arg9[%dma_wait3A_495, %dma_wait3A_496, %dma_wait3A_497] : memref<2x3x400xi32, #tpu.memory_space<vmem>> -> memref<1x1x400xi32, #tpu.memory_space<vmem>>
        %dma_wait3A_499 = tpu.memref_squeeze %dma_wait3A_498 : memref<1x1x400xi32, #tpu.memory_space<vmem>> -> memref<400xi32, #tpu.memory_space<vmem>>
        %dma_wait3A_500 = arith.constant 0 : i32
        %dma_wait3A_501 = tpu.memref_slice %arg7[%add3A_470, %dma_wait3A_500] : memref<16x400xi32, #tpu.memory_space<vmem>> -> memref<1x400xi32, #tpu.memory_space<vmem>>
        %dma_wait3A_502 = tpu.memref_squeeze %dma_wait3A_501 : memref<1x400xi32, #tpu.memory_space<vmem>> -> memref<400xi32, #tpu.memory_space<vmem>>
        %dma_wait3A_503 = arith.constant 2000000 : i32
        %dma_wait3A_504 = tpu.memref_slice %arg3[%dma_wait3A_503] : memref<3000000xi32, #tpu.memory_space<hbm>> -> memref<1000000xi32, #tpu.memory_space<hbm>>
        %dma_wait3A_505 = arith.constant 0 : i32
        %dma_wait3A_506 = tpu.memref_slice %dma_wait3A_504[%dma_wait3A_505] : memref<1000000xi32, #tpu.memory_space<hbm>> -> memref<1000000xi32, #tpu.memory_space<hbm>>
        tpu.wait_indirect_dma semaphore(%arg14 : memref<!tpu.dma_semaphore, #tpu.memory_space<semaphore_mem>>) src(%dma_wait3A_506 : memref<1000000xi32, #tpu.memory_space<hbm>>) dst(%dma_wait3A_499 : memref<400xi32, #tpu.memory_space<vmem>>)
        %dma_start3A_507 = arith.constant 1 : i32
        %dma_start3A_508 = arith.constant 0 : i32
        %dma_start3A_509 = arith.constant 1 : i32
        %dma_start3A_510 = arith.constant 0 : i32
        %dma_start3A_511 = arith.constant 0 : i32
        %dma_start3A_512 = arith.constant 0 : i32
        %dma_start3A_513 = tpu.memref_slice %arg11[%dma_start3A_509, %dma_start3A_510, %dma_start3A_511, %dma_start3A_512] : memref<2x3x400x32xf32, #tpu.memory_space<vmem>> -> memref<1x1x400x32xf32, #tpu.memory_space<vmem>>
        %dma_start3A_514 = tpu.memref_squeeze %dma_start3A_513 : memref<1x1x400x32xf32, #tpu.memory_space<vmem>> -> memref<400x32xf32, #tpu.memory_space<vmem>>
        %dma_start3A_515 = arith.constant 0 : i32
        %dma_start3A_516 = tpu.memref_slice %arg9[%dma_start3A_507, %dma_start3A_508, %dma_start3A_515] : memref<2x3x400xi32, #tpu.memory_space<vmem>> -> memref<1x1x400xi32, #tpu.memory_space<vmem>>
        %dma_start3A_517 = tpu.memref_squeeze %dma_start3A_516 : memref<1x1x400xi32, #tpu.memory_space<vmem>> -> memref<400xi32, #tpu.memory_space<vmem>>
        %dma_start3A_518 = arith.constant 0 : i32
        %dma_start3A_519 = arith.constant 0 : i32
        %dma_start3A_520 = tpu.memref_slice %arg5[%dma_start3A_518, %dma_start3A_519] : memref<100000x32xf32, #tpu.memory_space<hbm>> -> memref<100000x32xf32, #tpu.memory_space<hbm>>
        tpu.enqueue_indirect_dma source(%dma_start3A_520 : memref<100000x32xf32, #tpu.memory_space<hbm>>) target(%dma_start3A_514 : memref<400x32xf32, #tpu.memory_space<vmem>>) offsets(%dma_start3A_517 : memref<400xi32, #tpu.memory_space<vmem>>) semaphore(%arg18 : memref<!tpu.dma_semaphore, #tpu.memory_space<semaphore_mem>>)
        %dma_start3A_521 = arith.constant 1 : i32
        %dma_start3A_522 = arith.constant 1 : i32
        %dma_start3A_523 = arith.constant 1 : i32
        %dma_start3A_524 = arith.constant 1 : i32
        %dma_start3A_525 = arith.constant 0 : i32
        %dma_start3A_526 = arith.constant 0 : i32
        %dma_start3A_527 = tpu.memref_slice %arg11[%dma_start3A_523, %dma_start3A_524, %dma_start3A_525, %dma_start3A_526] : memref<2x3x400x32xf32, #tpu.memory_space<vmem>> -> memref<1x1x400x32xf32, #tpu.memory_space<vmem>>
        %dma_start3A_528 = tpu.memref_squeeze %dma_start3A_527 : memref<1x1x400x32xf32, #tpu.memory_space<vmem>> -> memref<400x32xf32, #tpu.memory_space<vmem>>
        %dma_start3A_529 = arith.constant 0 : i32
        %dma_start3A_530 = tpu.memref_slice %arg9[%dma_start3A_521, %dma_start3A_522, %dma_start3A_529] : memref<2x3x400xi32, #tpu.memory_space<vmem>> -> memref<1x1x400xi32, #tpu.memory_space<vmem>>
        %dma_start3A_531 = tpu.memref_squeeze %dma_start3A_530 : memref<1x1x400xi32, #tpu.memory_space<vmem>> -> memref<400xi32, #tpu.memory_space<vmem>>
        %dma_start3A_532 = arith.constant 0 : i32
        %dma_start3A_533 = arith.constant 0 : i32
        %dma_start3A_534 = tpu.memref_slice %arg5[%dma_start3A_532, %dma_start3A_533] : memref<100000x32xf32, #tpu.memory_space<hbm>> -> memref<100000x32xf32, #tpu.memory_space<hbm>>
        tpu.enqueue_indirect_dma source(%dma_start3A_534 : memref<100000x32xf32, #tpu.memory_space<hbm>>) target(%dma_start3A_528 : memref<400x32xf32, #tpu.memory_space<vmem>>) offsets(%dma_start3A_531 : memref<400xi32, #tpu.memory_space<vmem>>) semaphore(%arg18 : memref<!tpu.dma_semaphore, #tpu.memory_space<semaphore_mem>>)
        %dma_start3A_535 = arith.constant 1 : i32
        %dma_start3A_536 = arith.constant 2 : i32
        %dma_start3A_537 = arith.constant 1 : i32
        %dma_start3A_538 = arith.constant 2 : i32
        %dma_start3A_539 = arith.constant 0 : i32
        %dma_start3A_540 = arith.constant 0 : i32
        %dma_start3A_541 = tpu.memref_slice %arg11[%dma_start3A_537, %dma_start3A_538, %dma_start3A_539, %dma_start3A_540] : memref<2x3x400x32xf32, #tpu.memory_space<vmem>> -> memref<1x1x400x32xf32, #tpu.memory_space<vmem>>
        %dma_start3A_542 = tpu.memref_squeeze %dma_start3A_541 : memref<1x1x400x32xf32, #tpu.memory_space<vmem>> -> memref<400x32xf32, #tpu.memory_space<vmem>>
        %dma_start3A_543 = arith.constant 0 : i32
        %dma_start3A_544 = tpu.memref_slice %arg9[%dma_start3A_535, %dma_start3A_536, %dma_start3A_543] : memref<2x3x400xi32, #tpu.memory_space<vmem>> -> memref<1x1x400xi32, #tpu.memory_space<vmem>>
        %dma_start3A_545 = tpu.memref_squeeze %dma_start3A_544 : memref<1x1x400xi32, #tpu.memory_space<vmem>> -> memref<400xi32, #tpu.memory_space<vmem>>
        %dma_start3A_546 = arith.constant 0 : i32
        %dma_start3A_547 = arith.constant 0 : i32
        %dma_start3A_548 = tpu.memref_slice %arg5[%dma_start3A_546, %dma_start3A_547] : memref<100000x32xf32, #tpu.memory_space<hbm>> -> memref<100000x32xf32, #tpu.memory_space<hbm>>
        tpu.enqueue_indirect_dma source(%dma_start3A_548 : memref<100000x32xf32, #tpu.memory_space<hbm>>) target(%dma_start3A_542 : memref<400x32xf32, #tpu.memory_space<vmem>>) offsets(%dma_start3A_545 : memref<400xi32, #tpu.memory_space<vmem>>) semaphore(%arg18 : memref<!tpu.dma_semaphore, #tpu.memory_space<semaphore_mem>>)
      } else {
      }
      %dma_wait3A_254 = arith.constant 0 : i32
      %dma_wait3A_255 = arith.constant 0 : i32
      %dma_wait3A_256 = arith.constant 0 : i32
      %dma_wait3A_257 = arith.constant 0 : i32
      %dma_wait3A_258 = arith.constant 0 : i32
      %dma_wait3A_259 = arith.constant 0 : i32
      %dma_wait3A_260 = tpu.memref_slice %arg11[%dma_wait3A_256, %dma_wait3A_257, %dma_wait3A_258, %dma_wait3A_259] : memref<2x3x400x32xf32, #tpu.memory_space<vmem>> -> memref<1x1x400x32xf32, #tpu.memory_space<vmem>>
      %dma_wait3A_261 = tpu.memref_squeeze %dma_wait3A_260 : memref<1x1x400x32xf32, #tpu.memory_space<vmem>> -> memref<400x32xf32, #tpu.memory_space<vmem>>
      %dma_wait3A_262 = arith.constant 0 : i32
      %dma_wait3A_263 = tpu.memref_slice %arg9[%dma_wait3A_254, %dma_wait3A_255, %dma_wait3A_262] : memref<2x3x400xi32, #tpu.memory_space<vmem>> -> memref<1x1x400xi32, #tpu.memory_space<vmem>>
      %dma_wait3A_264 = tpu.memref_squeeze %dma_wait3A_263 : memref<1x1x400xi32, #tpu.memory_space<vmem>> -> memref<400xi32, #tpu.memory_space<vmem>>
      %dma_wait3A_265 = arith.constant 0 : i32
      %dma_wait3A_266 = arith.constant 0 : i32
      %dma_wait3A_267 = tpu.memref_slice %arg5[%dma_wait3A_265, %dma_wait3A_266] : memref<100000x32xf32, #tpu.memory_space<hbm>> -> memref<100000x32xf32, #tpu.memory_space<hbm>>
      tpu.wait_indirect_dma semaphore(%arg17 : memref<!tpu.dma_semaphore, #tpu.memory_space<semaphore_mem>>) src(%dma_wait3A_267 : memref<100000x32xf32, #tpu.memory_space<hbm>>) dst(%dma_wait3A_261 : memref<400x32xf32, #tpu.memory_space<vmem>>)
      %dma_wait3A_268 = arith.constant 0 : i32
      %dma_wait3A_269 = arith.constant 1 : i32
      %dma_wait3A_270 = arith.constant 0 : i32
      %dma_wait3A_271 = arith.constant 1 : i32
      %dma_wait3A_272 = arith.constant 0 : i32
      %dma_wait3A_273 = arith.constant 0 : i32
      %dma_wait3A_274 = tpu.memref_slice %arg11[%dma_wait3A_270, %dma_wait3A_271, %dma_wait3A_272, %dma_wait3A_273] : memref<2x3x400x32xf32, #tpu.memory_space<vmem>> -> memref<1x1x400x32xf32, #tpu.memory_space<vmem>>
      %dma_wait3A_275 = tpu.memref_squeeze %dma_wait3A_274 : memref<1x1x400x32xf32, #tpu.memory_space<vmem>> -> memref<400x32xf32, #tpu.memory_space<vmem>>
      %dma_wait3A_276 = arith.constant 0 : i32
      %dma_wait3A_277 = tpu.memref_slice %arg9[%dma_wait3A_268, %dma_wait3A_269, %dma_wait3A_276] : memref<2x3x400xi32, #tpu.memory_space<vmem>> -> memref<1x1x400xi32, #tpu.memory_space<vmem>>
      %dma_wait3A_278 = tpu.memref_squeeze %dma_wait3A_277 : memref<1x1x400xi32, #tpu.memory_space<vmem>> -> memref<400xi32, #tpu.memory_space<vmem>>
      %dma_wait3A_279 = arith.constant 0 : i32
      %dma_wait3A_280 = arith.constant 0 : i32
      %dma_wait3A_281 = tpu.memref_slice %arg5[%dma_wait3A_279, %dma_wait3A_280] : memref<100000x32xf32, #tpu.memory_space<hbm>> -> memref<100000x32xf32, #tpu.memory_space<hbm>>
      tpu.wait_indirect_dma semaphore(%arg17 : memref<!tpu.dma_semaphore, #tpu.memory_space<semaphore_mem>>) src(%dma_wait3A_281 : memref<100000x32xf32, #tpu.memory_space<hbm>>) dst(%dma_wait3A_275 : memref<400x32xf32, #tpu.memory_space<vmem>>)
      %dma_wait3A_282 = arith.constant 0 : i32
      %dma_wait3A_283 = arith.constant 2 : i32
      %dma_wait3A_284 = arith.constant 0 : i32
      %dma_wait3A_285 = arith.constant 2 : i32
      %dma_wait3A_286 = arith.constant 0 : i32
      %dma_wait3A_287 = arith.constant 0 : i32
      %dma_wait3A_288 = tpu.memref_slice %arg11[%dma_wait3A_284, %dma_wait3A_285, %dma_wait3A_286, %dma_wait3A_287] : memref<2x3x400x32xf32, #tpu.memory_space<vmem>> -> memref<1x1x400x32xf32, #tpu.memory_space<vmem>>
      %dma_wait3A_289 = tpu.memref_squeeze %dma_wait3A_288 : memref<1x1x400x32xf32, #tpu.memory_space<vmem>> -> memref<400x32xf32, #tpu.memory_space<vmem>>
      %dma_wait3A_290 = arith.constant 0 : i32
      %dma_wait3A_291 = tpu.memref_slice %arg9[%dma_wait3A_282, %dma_wait3A_283, %dma_wait3A_290] : memref<2x3x400xi32, #tpu.memory_space<vmem>> -> memref<1x1x400xi32, #tpu.memory_space<vmem>>
      %dma_wait3A_292 = tpu.memref_squeeze %dma_wait3A_291 : memref<1x1x400xi32, #tpu.memory_space<vmem>> -> memref<400xi32, #tpu.memory_space<vmem>>
      %dma_wait3A_293 = arith.constant 0 : i32
      %dma_wait3A_294 = arith.constant 0 : i32
      %dma_wait3A_295 = tpu.memref_slice %arg5[%dma_wait3A_293, %dma_wait3A_294] : memref<100000x32xf32, #tpu.memory_space<hbm>> -> memref<100000x32xf32, #tpu.memory_space<hbm>>
      tpu.wait_indirect_dma semaphore(%arg17 : memref<!tpu.dma_semaphore, #tpu.memory_space<semaphore_mem>>) src(%dma_wait3A_295 : memref<100000x32xf32, #tpu.memory_space<hbm>>) dst(%dma_wait3A_289 : memref<400x32xf32, #tpu.memory_space<vmem>>)
      %dma_wait3A_296 = arith.constant 0 : i32
      %dma_wait3A_297 = arith.constant 0 : i32
      %dma_wait3A_298 = arith.constant 0 : i32
      %dma_wait3A_299 = tpu.memref_slice %arg10[%dma_wait3A_296, %dma_wait3A_297, %dma_wait3A_298] : memref<2x3x400xf32, #tpu.memory_space<vmem>> -> memref<1x1x400xf32, #tpu.memory_space<vmem>>
      %dma_wait3A_300 = tpu.memref_squeeze %dma_wait3A_299 : memref<1x1x400xf32, #tpu.memory_space<vmem>> -> memref<400xf32, #tpu.memory_space<vmem>>
      %dma_wait3A_301 = arith.constant 0 : i32
      %dma_wait3A_302 = tpu.memref_slice %arg8[%add3A_249, %dma_wait3A_301] : memref<16x400xi32, #tpu.memory_space<vmem>> -> memref<1x400xi32, #tpu.memory_space<vmem>>
      %dma_wait3A_303 = tpu.memref_squeeze %dma_wait3A_302 : memref<1x400xi32, #tpu.memory_space<vmem>> -> memref<400xi32, #tpu.memory_space<vmem>>
      %dma_wait3A_304 = arith.constant 0 : i32
      %dma_wait3A_305 = tpu.memref_slice %arg4[%dma_wait3A_304] : memref<3000000xf32, #tpu.memory_space<hbm>> -> memref<1000000xf32, #tpu.memory_space<hbm>>
      %dma_wait3A_306 = arith.constant 0 : i32
      %dma_wait3A_307 = tpu.memref_slice %dma_wait3A_305[%dma_wait3A_306] : memref<1000000xf32, #tpu.memory_space<hbm>> -> memref<1000000xf32, #tpu.memory_space<hbm>>
      tpu.wait_indirect_dma semaphore(%arg15 : memref<!tpu.dma_semaphore, #tpu.memory_space<semaphore_mem>>) src(%dma_wait3A_307 : memref<1000000xf32, #tpu.memory_space<hbm>>) dst(%dma_wait3A_300 : memref<400xf32, #tpu.memory_space<vmem>>)
      %dma_wait3A_308 = arith.constant 0 : i32
      %dma_wait3A_309 = arith.constant 1 : i32
      %dma_wait3A_310 = arith.constant 0 : i32
      %dma_wait3A_311 = tpu.memref_slice %arg10[%dma_wait3A_308, %dma_wait3A_309, %dma_wait3A_310] : memref<2x3x400xf32, #tpu.memory_space<vmem>> -> memref<1x1x400xf32, #tpu.memory_space<vmem>>
      %dma_wait3A_312 = tpu.memref_squeeze %dma_wait3A_311 : memref<1x1x400xf32, #tpu.memory_space<vmem>> -> memref<400xf32, #tpu.memory_space<vmem>>
      %dma_wait3A_313 = arith.constant 0 : i32
      %dma_wait3A_314 = tpu.memref_slice %arg8[%add3A_249, %dma_wait3A_313] : memref<16x400xi32, #tpu.memory_space<vmem>> -> memref<1x400xi32, #tpu.memory_space<vmem>>
      %dma_wait3A_315 = tpu.memref_squeeze %dma_wait3A_314 : memref<1x400xi32, #tpu.memory_space<vmem>> -> memref<400xi32, #tpu.memory_space<vmem>>
      %dma_wait3A_316 = arith.constant 1000000 : i32
      %dma_wait3A_317 = tpu.memref_slice %arg4[%dma_wait3A_316] : memref<3000000xf32, #tpu.memory_space<hbm>> -> memref<1000000xf32, #tpu.memory_space<hbm>>
      %dma_wait3A_318 = arith.constant 0 : i32
      %dma_wait3A_319 = tpu.memref_slice %dma_wait3A_317[%dma_wait3A_318] : memref<1000000xf32, #tpu.memory_space<hbm>> -> memref<1000000xf32, #tpu.memory_space<hbm>>
      tpu.wait_indirect_dma semaphore(%arg15 : memref<!tpu.dma_semaphore, #tpu.memory_space<semaphore_mem>>) src(%dma_wait3A_319 : memref<1000000xf32, #tpu.memory_space<hbm>>) dst(%dma_wait3A_312 : memref<400xf32, #tpu.memory_space<vmem>>)
      %dma_wait3A_320 = arith.constant 0 : i32
      %dma_wait3A_321 = arith.constant 2 : i32
      %dma_wait3A_322 = arith.constant 0 : i32
      %dma_wait3A_323 = tpu.memref_slice %arg10[%dma_wait3A_320, %dma_wait3A_321, %dma_wait3A_322] : memref<2x3x400xf32, #tpu.memory_space<vmem>> -> memref<1x1x400xf32, #tpu.memory_space<vmem>>
      %dma_wait3A_324 = tpu.memref_squeeze %dma_wait3A_323 : memref<1x1x400xf32, #tpu.memory_space<vmem>> -> memref<400xf32, #tpu.memory_space<vmem>>
      %dma_wait3A_325 = arith.constant 0 : i32
      %dma_wait3A_326 = tpu.memref_slice %arg8[%add3A_249, %dma_wait3A_325] : memref<16x400xi32, #tpu.memory_space<vmem>> -> memref<1x400xi32, #tpu.memory_space<vmem>>
      %dma_wait3A_327 = tpu.memref_squeeze %dma_wait3A_326 : memref<1x400xi32, #tpu.memory_space<vmem>> -> memref<400xi32, #tpu.memory_space<vmem>>
      %dma_wait3A_328 = arith.constant 2000000 : i32
      %dma_wait3A_329 = tpu.memref_slice %arg4[%dma_wait3A_328] : memref<3000000xf32, #tpu.memory_space<hbm>> -> memref<1000000xf32, #tpu.memory_space<hbm>>
      %dma_wait3A_330 = arith.constant 0 : i32
      %dma_wait3A_331 = tpu.memref_slice %dma_wait3A_329[%dma_wait3A_330] : memref<1000000xf32, #tpu.memory_space<hbm>> -> memref<1000000xf32, #tpu.memory_space<hbm>>
      tpu.wait_indirect_dma semaphore(%arg15 : memref<!tpu.dma_semaphore, #tpu.memory_space<semaphore_mem>>) src(%dma_wait3A_331 : memref<1000000xf32, #tpu.memory_space<hbm>>) dst(%dma_wait3A_324 : memref<400xf32, #tpu.memory_space<vmem>>)
      %add3A_332 = arith.constant 2 : i32
      %add3A_333 = arith.addi %add3A_249, %add3A_332 : i32
      %lt3A_334 = arith.constant 16 : i32
      %lt3A_335 = arith.cmpi slt, %add3A_333, %lt3A_334 : i32
      %convert_element_type3A_336 = arith.extui %lt3A_335 : i1 to i32
      %cond3A_337 = arith.constant 0 : i32
      %cond3A_338 = arith.cmpi ne, %convert_element_type3A_336, %cond3A_337 : i32
      scf.if %cond3A_338 {
        %add3A_469 = arith.constant 2 : i32
        %add3A_470 = arith.addi %add3A_249, %add3A_469 : i32
        %dma_start3A_471 = arith.constant 0 : i32
        %dma_start3A_472 = arith.constant 0 : i32
        %dma_start3A_473 = arith.constant 0 : i32
        %dma_start3A_474 = tpu.memref_slice %arg9[%dma_start3A_471, %dma_start3A_472, %dma_start3A_473] : memref<2x3x400xi32, #tpu.memory_space<vmem>> -> memref<1x1x400xi32, #tpu.memory_space<vmem>>
        %dma_start3A_475 = tpu.memref_squeeze %dma_start3A_474 : memref<1x1x400xi32, #tpu.memory_space<vmem>> -> memref<400xi32, #tpu.memory_space<vmem>>
        %dma_start3A_476 = arith.constant 0 : i32
        %dma_start3A_477 = tpu.memref_slice %arg7[%add3A_470, %dma_start3A_476] : memref<16x400xi32, #tpu.memory_space<vmem>> -> memref<1x400xi32, #tpu.memory_space<vmem>>
        %dma_start3A_478 = tpu.memref_squeeze %dma_start3A_477 : memref<1x400xi32, #tpu.memory_space<vmem>> -> memref<400xi32, #tpu.memory_space<vmem>>
        %dma_start3A_479 = arith.constant 0 : i32
        %dma_start3A_480 = tpu.memref_slice %arg3[%dma_start3A_479] : memref<3000000xi32, #tpu.memory_space<hbm>> -> memref<1000000xi32, #tpu.memory_space<hbm>>
        %dma_start3A_481 = arith.constant 0 : i32
        %dma_start3A_482 = tpu.memref_slice %dma_start3A_480[%dma_start3A_481] : memref<1000000xi32, #tpu.memory_space<hbm>> -> memref<1000000xi32, #tpu.memory_space<hbm>>
        tpu.enqueue_indirect_dma source(%dma_start3A_482 : memref<1000000xi32, #tpu.memory_space<hbm>>) target(%dma_start3A_475 : memref<400xi32, #tpu.memory_space<vmem>>) offsets(%dma_start3A_478 : memref<400xi32, #tpu.memory_space<vmem>>) semaphore(%arg13 : memref<!tpu.dma_semaphore, #tpu.memory_space<semaphore_mem>>)
        %dma_start3A_483 = arith.constant 0 : i32
        %dma_start3A_484 = arith.constant 1 : i32
        %dma_start3A_485 = arith.constant 0 : i32
        %dma_start3A_486 = tpu.memref_slice %arg9[%dma_start3A_483, %dma_start3A_484, %dma_start3A_485] : memref<2x3x400xi32, #tpu.memory_space<vmem>> -> memref<1x1x400xi32, #tpu.memory_space<vmem>>
        %dma_start3A_487 = tpu.memref_squeeze %dma_start3A_486 : memref<1x1x400xi32, #tpu.memory_space<vmem>> -> memref<400xi32, #tpu.memory_space<vmem>>
        %dma_start3A_488 = arith.constant 0 : i32
        %dma_start3A_489 = tpu.memref_slice %arg7[%add3A_470, %dma_start3A_488] : memref<16x400xi32, #tpu.memory_space<vmem>> -> memref<1x400xi32, #tpu.memory_space<vmem>>
        %dma_start3A_490 = tpu.memref_squeeze %dma_start3A_489 : memref<1x400xi32, #tpu.memory_space<vmem>> -> memref<400xi32, #tpu.memory_space<vmem>>
        %dma_start3A_491 = arith.constant 1000000 : i32
        %dma_start3A_492 = tpu.memref_slice %arg3[%dma_start3A_491] : memref<3000000xi32, #tpu.memory_space<hbm>> -> memref<1000000xi32, #tpu.memory_space<hbm>>
        %dma_start3A_493 = arith.constant 0 : i32
        %dma_start3A_494 = tpu.memref_slice %dma_start3A_492[%dma_start3A_493] : memref<1000000xi32, #tpu.memory_space<hbm>> -> memref<1000000xi32, #tpu.memory_space<hbm>>
        tpu.enqueue_indirect_dma source(%dma_start3A_494 : memref<1000000xi32, #tpu.memory_space<hbm>>) target(%dma_start3A_487 : memref<400xi32, #tpu.memory_space<vmem>>) offsets(%dma_start3A_490 : memref<400xi32, #tpu.memory_space<vmem>>) semaphore(%arg13 : memref<!tpu.dma_semaphore, #tpu.memory_space<semaphore_mem>>)
        %dma_start3A_495 = arith.constant 0 : i32
        %dma_start3A_496 = arith.constant 2 : i32
        %dma_start3A_497 = arith.constant 0 : i32
        %dma_start3A_498 = tpu.memref_slice %arg9[%dma_start3A_495, %dma_start3A_496, %dma_start3A_497] : memref<2x3x400xi32, #tpu.memory_space<vmem>> -> memref<1x1x400xi32, #tpu.memory_space<vmem>>
        %dma_start3A_499 = tpu.memref_squeeze %dma_start3A_498 : memref<1x1x400xi32, #tpu.memory_space<vmem>> -> memref<400xi32, #tpu.memory_space<vmem>>
        %dma_start3A_500 = arith.constant 0 : i32
        %dma_start3A_501 = tpu.memref_slice %arg7[%add3A_470, %dma_start3A_500] : memref<16x400xi32, #tpu.memory_space<vmem>> -> memref<1x400xi32, #tpu.memory_space<vmem>>
        %dma_start3A_502 = tpu.memref_squeeze %dma_start3A_501 : memref<1x400xi32, #tpu.memory_space<vmem>> -> memref<400xi32, #tpu.memory_space<vmem>>
        %dma_start3A_503 = arith.constant 2000000 : i32
        %dma_start3A_504 = tpu.memref_slice %arg3[%dma_start3A_503] : memref<3000000xi32, #tpu.memory_space<hbm>> -> memref<1000000xi32, #tpu.memory_space<hbm>>
        %dma_start3A_505 = arith.constant 0 : i32
        %dma_start3A_506 = tpu.memref_slice %dma_start3A_504[%dma_start3A_505] : memref<1000000xi32, #tpu.memory_space<hbm>> -> memref<1000000xi32, #tpu.memory_space<hbm>>
        tpu.enqueue_indirect_dma source(%dma_start3A_506 : memref<1000000xi32, #tpu.memory_space<hbm>>) target(%dma_start3A_499 : memref<400xi32, #tpu.memory_space<vmem>>) offsets(%dma_start3A_502 : memref<400xi32, #tpu.memory_space<vmem>>) semaphore(%arg13 : memref<!tpu.dma_semaphore, #tpu.memory_space<semaphore_mem>>)
      } else {
      }
      %scan3A_339 = arith.constant 0 : i32
      %scan3A_340 = arith.constant 25 : i32
      %scan3A_341 = arith.addi %scan3A_339, %scan3A_340 : i32
      %scan3A_342 = arith.constant 1 : i32
      scf.for %scan3A_469 = %scan3A_339 to %scan3A_341 step %scan3A_342  : i32 {
        %mul3A_470 = arith.constant 16 : i32
        %mul3A_471 = arith.muli %scan3A_469, %mul3A_470 : i32
        %get3A = arith.constant 0 : i32
        %get3A_472 = arith.constant 0 : i32
        %get3A_473 = arith.index_cast %get3A : i32 to index
        %get3A_474 = arith.index_cast %get3A_472 : i32 to index
        %get3A_475 = arith.index_cast %mul3A_471 : i32 to index
        %get3A_476 = tpu.vector_load %arg10[%get3A_473, %get3A_474, %get3A_475] {strides = array<i32>} : memref<2x3x400xf32, #tpu.memory_space<vmem>>, vector<1x1x16xf32>,
        %get3A_477 = vector.shape_cast %get3A_476 : vector<1x1x16xf32> to vector<16xf32>
        %get3A_478 = arith.constant 0 : i32
        %get3A_479 = arith.constant 1 : i32
        %get3A_480 = arith.index_cast %get3A_478 : i32 to index
        %get3A_481 = arith.index_cast %get3A_479 : i32 to index
        %get3A_482 = arith.index_cast %mul3A_471 : i32 to index
        %get3A_483 = tpu.vector_load %arg10[%get3A_480, %get3A_481, %get3A_482] {strides = array<i32>} : memref<2x3x400xf32, #tpu.memory_space<vmem>>, vector<1x1x16xf32>,
        %get3A_484 = vector.shape_cast %get3A_483 : vector<1x1x16xf32> to vector<16xf32>
        %get3A_485 = arith.constant 0 : i32
        %get3A_486 = arith.constant 2 : i32
        %get3A_487 = arith.index_cast %get3A_485 : i32 to index
        %get3A_488 = arith.index_cast %get3A_486 : i32 to index
        %get3A_489 = arith.index_cast %mul3A_471 : i32 to index
        %get3A_490 = tpu.vector_load %arg10[%get3A_487, %get3A_488, %get3A_489] {strides = array<i32>} : memref<2x3x400xf32, #tpu.memory_space<vmem>>, vector<1x1x16xf32>,
        %get3A_491 = vector.shape_cast %get3A_490 : vector<1x1x16xf32> to vector<16xf32>
        %mul3A_492 = arith.constant 16 : i32
        %mul3A_493 = arith.muli %scan3A_469, %mul3A_492 : i32
        %add3A_494 = arith.constant 0 : i32
        %add3A_495 = arith.addi %mul3A_493, %add3A_494 : i32
        %jit3A = arith.constant 50 : i32
        %div3A = arith.divsi %add3A_495, %jit3A : i32
        %sign3A = arith.constant 0 : i32
        %sign3A_496 = arith.cmpi sgt, %add3A_495, %sign3A : i32
        %sign3A_497 = arith.extui %sign3A_496 : i1 to i32
        %sign3A_498 = arith.constant 0 : i32
        %sign3A_499 = arith.cmpi slt, %add3A_495, %sign3A_498 : i32
        %sign3A_500 = arith.extui %sign3A_499 : i1 to i32
        %sign3A_501 = arith.subi %sign3A_497, %sign3A_500 : i32
        %sign3A_502 = arith.constant 0 : i32
        %sign3A_503 = arith.cmpi sgt, %jit3A, %sign3A_502 : i32
        %sign3A_504 = arith.extui %sign3A_503 : i1 to i32
        %sign3A_505 = arith.constant 0 : i32
        %sign3A_506 = arith.cmpi slt, %jit3A, %sign3A_505 : i32
        %sign3A_507 = arith.extui %sign3A_506 : i1 to i32
        %sign3A_508 = arith.subi %sign3A_504, %sign3A_507 : i32
        %ne3A = arith.cmpi ne, %sign3A_501, %sign3A_508 : i32
        %rem3A = arith.remsi %add3A_495, %jit3A : i32
        %ne3A_509 = arith.constant 0 : i32
        %ne3A_510 = arith.cmpi ne, %rem3A, %ne3A_509 : i32
        %and3A = arith.andi %ne3A, %ne3A_510 : i1
        %sub3A = arith.constant 1 : i32
        %sub3A_511 = arith.subi %div3A, %sub3A : i32
        %select_n3A = arith.select %and3A, %sub3A_511, %div3A : i32
        %mul3A_512 = arith.constant 50 : i32
        %mul3A_513 = arith.muli %select_n3A, %mul3A_512 : i32
        %sub3A_514 = arith.subi %add3A_495, %mul3A_513 : i32
        %slice3A = vector.extract_strided_slice %get3A_477 {offsets = [0], sizes = [1], strides = [1]} : vector<16xf32> to vector<1xf32>
        %squeeze3A = vector.extract %slice3A[0] : f32 from vector<1xf32>
        %slice3A_515 = vector.extract_strided_slice %get3A_484 {offsets = [0], sizes = [1], strides = [1]} : vector<16xf32> to vector<1xf32>
        %squeeze3A_516 = vector.extract %slice3A_515[0] : f32 from vector<1xf32>
        %slice3A_517 = vector.extract_strided_slice %get3A_491 {offsets = [0], sizes = [1], strides = [1]} : vector<16xf32> to vector<1xf32>
        %squeeze3A_518 = vector.extract %slice3A_517[0] : f32 from vector<1xf32>
        %get3A_519 = arith.constant 0 : i32
        %get3A_520 = arith.constant 0 : i32
        %get3A_521 = arith.index_cast %get3A_519 : i32 to index
        %get3A_522 = arith.index_cast %get3A_520 : i32 to index
        %get3A_523 = arith.index_cast %add3A_495 : i32 to index
        %get3A_524 = arith.constant 0 : index
        %get3A_525 = tpu.vector_load %arg11[%get3A_521, %get3A_522, %get3A_523, %get3A_524] {strides = array<i32>} : memref<2x3x400x32xf32, #tpu.memory_space<vmem>>, vector<1x1x1x16xf32>,
        %get3A_526 = vector.shape_cast %get3A_525 : vector<1x1x1x16xf32> to vector<16xf32>
        %mul3A_527 = vector.broadcast %squeeze3A : f32 to vector<16xf32>
        %mul3A_528 = arith.mulf %mul3A_527, %get3A_526 : vector<16xf32>
        %get3A_529 = arith.constant 0 : i32
        %get3A_530 = arith.constant 1 : i32
        %get3A_531 = arith.index_cast %get3A_529 : i32 to index
        %get3A_532 = arith.index_cast %get3A_530 : i32 to index
        %get3A_533 = arith.index_cast %add3A_495 : i32 to index
        %get3A_534 = arith.constant 0 : index
        %get3A_535 = tpu.vector_load %arg11[%get3A_531, %get3A_532, %get3A_533, %get3A_534] {strides = array<i32>} : memref<2x3x400x32xf32, #tpu.memory_space<vmem>>, vector<1x1x1x16xf32>,
        %get3A_536 = vector.shape_cast %get3A_535 : vector<1x1x1x16xf32> to vector<16xf32>
        %mul3A_537 = vector.broadcast %squeeze3A_516 : f32 to vector<16xf32>
        %mul3A_538 = arith.mulf %mul3A_537, %get3A_536 : vector<16xf32>
        %add3A_539 = arith.addf %mul3A_528, %mul3A_538 : vector<16xf32>
        %get3A_540 = arith.constant 0 : i32
        %get3A_541 = arith.constant 2 : i32
        %get3A_542 = arith.index_cast %get3A_540 : i32 to index
        %get3A_543 = arith.index_cast %get3A_541 : i32 to index
        %get3A_544 = arith.index_cast %add3A_495 : i32 to index
        %get3A_545 = arith.constant 0 : index
        %get3A_546 = tpu.vector_load %arg11[%get3A_542, %get3A_543, %get3A_544, %get3A_545] {strides = array<i32>} : memref<2x3x400x32xf32, #tpu.memory_space<vmem>>, vector<1x1x1x16xf32>,
        %get3A_547 = vector.shape_cast %get3A_546 : vector<1x1x1x16xf32> to vector<16xf32>
        %mul3A_548 = vector.broadcast %squeeze3A_518 : f32 to vector<16xf32>
        %mul3A_549 = arith.mulf %mul3A_548, %get3A_547 : vector<16xf32>
        %add3A_550 = arith.addf %add3A_539, %mul3A_549 : vector<16xf32>
        %swap3A = arith.index_cast %select_n3A : i32 to index
        %swap3A_551 = arith.index_cast %sub3A_514 : i32 to index
        %swap3A_552 = arith.constant 0 : index
        %swap3A_553 = tpu.vector_load %arg12[%swap3A, %swap3A_551, %swap3A_552] {strides = array<i32>} : memref<8x50x32xf32, #tpu.memory_space<vmem>>, vector<1x1x16xf32>,
        %swap3A_554 = vector.shape_cast %swap3A_553 : vector<1x1x16xf32> to vector<16xf32>
        %swap3A_555 = vector.shape_cast %add3A_550 : vector<16xf32> to vector<1x1x16xf32>
        tpu.vector_store %arg12[%swap3A, %swap3A_551, %swap3A_552], %swap3A_555 {strides = array<i32>} : memref<8x50x32xf32, #tpu.memory_space<vmem>>, vector<1x1x16xf32>,
        %get3A_556 = arith.constant 0 : i32
        %get3A_557 = arith.constant 0 : i32
        %get3A_558 = arith.index_cast %get3A_556 : i32 to index
        %get3A_559 = arith.index_cast %get3A_557 : i32 to index
        %get3A_560 = arith.index_cast %add3A_495 : i32 to index
        %get3A_561 = arith.constant 16 : index
        %get3A_562 = tpu.vector_load %arg11[%get3A_558, %get3A_559, %get3A_560, %get3A_561] {strides = array<i32>} : memref<2x3x400x32xf32, #tpu.memory_space<vmem>>, vector<1x1x1x16xf32>,
        %get3A_563 = vector.shape_cast %get3A_562 : vector<1x1x1x16xf32> to vector<16xf32>
        %mul3A_564 = vector.broadcast %squeeze3A : f32 to vector<16xf32>
        %mul3A_565 = arith.mulf %mul3A_564, %get3A_563 : vector<16xf32>
        %get3A_566 = arith.constant 0 : i32
        %get3A_567 = arith.constant 1 : i32
        %get3A_568 = arith.index_cast %get3A_566 : i32 to index
        %get3A_569 = arith.index_cast %get3A_567 : i32 to index
        %get3A_570 = arith.index_cast %add3A_495 : i32 to index
        %get3A_571 = arith.constant 16 : index
        %get3A_572 = tpu.vector_load %arg11[%get3A_568, %get3A_569, %get3A_570, %get3A_571] {strides = array<i32>} : memref<2x3x400x32xf32, #tpu.memory_space<vmem>>, vector<1x1x1x16xf32>,
        %get3A_573 = vector.shape_cast %get3A_572 : vector<1x1x1x16xf32> to vector<16xf32>
        %mul3A_574 = vector.broadcast %squeeze3A_516 : f32 to vector<16xf32>
        %mul3A_575 = arith.mulf %mul3A_574, %get3A_573 : vector<16xf32>
        %add3A_576 = arith.addf %mul3A_565, %mul3A_575 : vector<16xf32>
        %get3A_577 = arith.constant 0 : i32
        %get3A_578 = arith.constant 2 : i32
        %get3A_579 = arith.index_cast %get3A_577 : i32 to index
        %get3A_580 = arith.index_cast %get3A_578 : i32 to index
        %get3A_581 = arith.index_cast %add3A_495 : i32 to index
        %get3A_582 = arith.constant 16 : index
        %get3A_583 = tpu.vector_load %arg11[%get3A_579, %get3A_580, %get3A_581, %get3A_582] {strides = array<i32>} : memref<2x3x400x32xf32, #tpu.memory_space<vmem>>, vector<1x1x1x16xf32>,
        %get3A_584 = vector.shape_cast %get3A_583 : vector<1x1x1x16xf32> to vector<16xf32>
        %mul3A_585 = vector.broadcast %squeeze3A_518 : f32 to vector<16xf32>
        %mul3A_586 = arith.mulf %mul3A_585, %get3A_584 : vector<16xf32>
        %add3A_587 = arith.addf %add3A_576, %mul3A_586 : vector<16xf32>
        %swap3A_588 = arith.index_cast %select_n3A : i32 to index
        %swap3A_589 = arith.index_cast %sub3A_514 : i32 to index
        %swap3A_590 = arith.constant 16 : index
        %swap3A_591 = tpu.vector_load %arg12[%swap3A_588, %swap3A_589, %swap3A_590] {strides = array<i32>} : memref<8x50x32xf32, #tpu.memory_space<vmem>>, vector<1x1x16xf32>,
        %swap3A_592 = vector.shape_cast %swap3A_591 : vector<1x1x16xf32> to vector<16xf32>
        %swap3A_593 = vector.shape_cast %add3A_587 : vector<16xf32> to vector<1x1x16xf32>
        tpu.vector_store %arg12[%swap3A_588, %swap3A_589, %swap3A_590], %swap3A_593 {strides = array<i32>} : memref<8x50x32xf32, #tpu.memory_space<vmem>>, vector<1x1x16xf32>,
        %mul3A_594 = arith.constant 16 : i32
        %mul3A_595 = arith.muli %scan3A_469, %mul3A_594 : i32
        %add3A_596 = arith.constant 1 : i32
        %add3A_597 = arith.addi %mul3A_595, %add3A_596 : i32
        %jit3A_598 = arith.constant 50 : i32
        %div3A_599 = arith.divsi %add3A_597, %jit3A_598 : i32
        %sign3A_600 = arith.constant 0 : i32
        %sign3A_601 = arith.cmpi sgt, %add3A_597, %sign3A_600 : i32
        %sign3A_602 = arith.extui %sign3A_601 : i1 to i32
        %sign3A_603 = arith.constant 0 : i32
        %sign3A_604 = arith.cmpi slt, %add3A_597, %sign3A_603 : i32
        %sign3A_605 = arith.extui %sign3A_604 : i1 to i32
        %sign3A_606 = arith.subi %sign3A_602, %sign3A_605 : i32
        %sign3A_607 = arith.constant 0 : i32
        %sign3A_608 = arith.cmpi sgt, %jit3A_598, %sign3A_607 : i32
        %sign3A_609 = arith.extui %sign3A_608 : i1 to i32
        %sign3A_610 = arith.constant 0 : i32
        %sign3A_611 = arith.cmpi slt, %jit3A_598, %sign3A_610 : i32
        %sign3A_612 = arith.extui %sign3A_611 : i1 to i32
        %sign3A_613 = arith.subi %sign3A_609, %sign3A_612 : i32
        %ne3A_614 = arith.cmpi ne, %sign3A_606, %sign3A_613 : i32
        %rem3A_615 = arith.remsi %add3A_597, %jit3A_598 : i32
        %ne3A_616 = arith.constant 0 : i32
        %ne3A_617 = arith.cmpi ne, %rem3A_615, %ne3A_616 : i32
        %and3A_618 = arith.andi %ne3A_614, %ne3A_617 : i1
        %sub3A_619 = arith.constant 1 : i32
        %sub3A_620 = arith.subi %div3A_599, %sub3A_619 : i32
        %select_n3A_621 = arith.select %and3A_618, %sub3A_620, %div3A_599 : i32
        %mul3A_622 = arith.constant 50 : i32
        %mul3A_623 = arith.muli %select_n3A_621, %mul3A_622 : i32
        %sub3A_624 = arith.subi %add3A_597, %mul3A_623 : i32
        %slice3A_625 = vector.extract_strided_slice %get3A_477 {offsets = [1], sizes = [1], strides = [1]} : vector<16xf32> to vector<1xf32>
        %squeeze3A_626 = vector.extract %slice3A_625[0] : f32 from vector<1xf32>
        %slice3A_627 = vector.extract_strided_slice %get3A_484 {offsets = [1], sizes = [1], strides = [1]} : vector<16xf32> to vector<1xf32>
        %squeeze3A_628 = vector.extract %slice3A_627[0] : f32 from vector<1xf32>
        %slice3A_629 = vector.extract_strided_slice %get3A_491 {offsets = [1], sizes = [1], strides = [1]} : vector<16xf32> to vector<1xf32>
        %squeeze3A_630 = vector.extract %slice3A_629[0] : f32 from vector<1xf32>
        %get3A_631 = arith.constant 0 : i32
        %get3A_632 = arith.constant 0 : i32
        %get3A_633 = arith.index_cast %get3A_631 : i32 to index
        %get3A_634 = arith.index_cast %get3A_632 : i32 to index
        %get3A_635 = arith.index_cast %add3A_597 : i32 to index
        %get3A_636 = arith.constant 0 : index
        %get3A_637 = tpu.vector_load %arg11[%get3A_633, %get3A_634, %get3A_635, %get3A_636] {strides = array<i32>} : memref<2x3x400x32xf32, #tpu.memory_space<vmem>>, vector<1x1x1x16xf32>,
        %get3A_638 = vector.shape_cast %get3A_637 : vector<1x1x1x16xf32> to vector<16xf32>
        %mul3A_639 = vector.broadcast %squeeze3A_626 : f32 to vector<16xf32>
        %mul3A_640 = arith.mulf %mul3A_639, %get3A_638 : vector<16xf32>
        %get3A_641 = arith.constant 0 : i32
        %get3A_642 = arith.constant 1 : i32
        %get3A_643 = arith.index_cast %get3A_641 : i32 to index
        %get3A_644 = arith.index_cast %get3A_642 : i32 to index
        %get3A_645 = arith.index_cast %add3A_597 : i32 to index
        %get3A_646 = arith.constant 0 : index
        %get3A_647 = tpu.vector_load %arg11[%get3A_643, %get3A_644, %get3A_645, %get3A_646] {strides = array<i32>} : memref<2x3x400x32xf32, #tpu.memory_space<vmem>>, vector<1x1x1x16xf32>,
        %get3A_648 = vector.shape_cast %get3A_647 : vector<1x1x1x16xf32> to vector<16xf32>
        %mul3A_649 = vector.broadcast %squeeze3A_628 : f32 to vector<16xf32>
        %mul3A_650 = arith.mulf %mul3A_649, %get3A_648 : vector<16xf32>
        %add3A_651 = arith.addf %mul3A_640, %mul3A_650 : vector<16xf32>
        %get3A_652 = arith.constant 0 : i32
        %get3A_653 = arith.constant 2 : i32
        %get3A_654 = arith.index_cast %get3A_652 : i32 to index
        %get3A_655 = arith.index_cast %get3A_653 : i32 to index
        %get3A_656 = arith.index_cast %add3A_597 : i32 to index
        %get3A_657 = arith.constant 0 : index
        %get3A_658 = tpu.vector_load %arg11[%get3A_654, %get3A_655, %get3A_656, %get3A_657] {strides = array<i32>} : memref<2x3x400x32xf32, #tpu.memory_space<vmem>>, vector<1x1x1x16xf32>,
        %get3A_659 = vector.shape_cast %get3A_658 : vector<1x1x1x16xf32> to vector<16xf32>
        %mul3A_660 = vector.broadcast %squeeze3A_630 : f32 to vector<16xf32>
        %mul3A_661 = arith.mulf %mul3A_660, %get3A_659 : vector<16xf32>
        %add3A_662 = arith.addf %add3A_651, %mul3A_661 : vector<16xf32>
        %swap3A_663 = arith.index_cast %select_n3A_621 : i32 to index
        %swap3A_664 = arith.index_cast %sub3A_624 : i32 to index
        %swap3A_665 = arith.constant 0 : index
        %swap3A_666 = tpu.vector_load %arg12[%swap3A_663, %swap3A_664, %swap3A_665] {strides = array<i32>} : memref<8x50x32xf32, #tpu.memory_space<vmem>>, vector<1x1x16xf32>,
        %swap3A_667 = vector.shape_cast %swap3A_666 : vector<1x1x16xf32> to vector<16xf32>
        %swap3A_668 = vector.shape_cast %add3A_662 : vector<16xf32> to vector<1x1x16xf32>
        tpu.vector_store %arg12[%swap3A_663, %swap3A_664, %swap3A_665], %swap3A_668 {strides = array<i32>} : memref<8x50x32xf32, #tpu.memory_space<vmem>>, vector<1x1x16xf32>,
        %get3A_669 = arith.constant 0 : i32
        %get3A_670 = arith.constant 0 : i32
        %get3A_671 = arith.index_cast %get3A_669 : i32 to index
        %get3A_672 = arith.index_cast %get3A_670 : i32 to index
        %get3A_673 = arith.index_cast %add3A_597 : i32 to index
        %get3A_674 = arith.constant 16 : index
        %get3A_675 = tpu.vector_load %arg11[%get3A_671, %get3A_672, %get3A_673, %get3A_674] {strides = array<i32>} : memref<2x3x400x32xf32, #tpu.memory_space<vmem>>, vector<1x1x1x16xf32>,
        %get3A_676 = vector.shape_cast %get3A_675 : vector<1x1x1x16xf32> to vector<16xf32>
        %mul3A_677 = vector.broadcast %squeeze3A_626 : f32 to vector<16xf32>
        %mul3A_678 = arith.mulf %mul3A_677, %get3A_676 : vector<16xf32>
        %get3A_679 = arith.constant 0 : i32
        %get3A_680 = arith.constant 1 : i32
        %get3A_681 = arith.index_cast %get3A_679 : i32 to index
        %get3A_682 = arith.index_cast %get3A_680 : i32 to index
        %get3A_683 = arith.index_cast %add3A_597 : i32 to index
        %get3A_684 = arith.constant 16 : index
        %get3A_685 = tpu.vector_load %arg11[%get3A_681, %get3A_682, %get3A_683, %get3A_684] {strides = array<i32>} : memref<2x3x400x32xf32, #tpu.memory_space<vmem>>, vector<1x1x1x16xf32>,
        %get3A_686 = vector.shape_cast %get3A_685 : vector<1x1x1x16xf32> to vector<16xf32>
        %mul3A_687 = vector.broadcast %squeeze3A_628 : f32 to vector<16xf32>
        %mul3A_688 = arith.mulf %mul3A_687, %get3A_686 : vector<16xf32>
        %add3A_689 = arith.addf %mul3A_678, %mul3A_688 : vector<16xf32>
        %get3A_690 = arith.constant 0 : i32
        %get3A_691 = arith.constant 2 : i32
        %get3A_692 = arith.index_cast %get3A_690 : i32 to index
        %get3A_693 = arith.index_cast %get3A_691 : i32 to index
        %get3A_694 = arith.index_cast %add3A_597 : i32 to index
        %get3A_695 = arith.constant 16 : index
        %get3A_696 = tpu.vector_load %arg11[%get3A_692, %get3A_693, %get3A_694, %get3A_695] {strides = array<i32>} : memref<2x3x400x32xf32, #tpu.memory_space<vmem>>, vector<1x1x1x16xf32>,
        %get3A_697 = vector.shape_cast %get3A_696 : vector<1x1x1x16xf32> to vector<16xf32>
        %mul3A_698 = vector.broadcast %squeeze3A_630 : f32 to vector<16xf32>
        %mul3A_699 = arith.mulf %mul3A_698, %get3A_697 : vector<16xf32>
        %add3A_700 = arith.addf %add3A_689, %mul3A_699 : vector<16xf32>
        %swap3A_701 = arith.index_cast %select_n3A_621 : i32 to index
        %swap3A_702 = arith.index_cast %sub3A_624 : i32 to index
        %swap3A_703 = arith.constant 16 : index
        %swap3A_704 = tpu.vector_load %arg12[%swap3A_701, %swap3A_702, %swap3A_703] {strides = array<i32>} : memref<8x50x32xf32, #tpu.memory_space<vmem>>, vector<1x1x16xf32>,
        %swap3A_705 = vector.shape_cast %swap3A_704 : vector<1x1x16xf32> to vector<16xf32>
        %swap3A_706 = vector.shape_cast %add3A_700 : vector<16xf32> to vector<1x1x16xf32>
        tpu.vector_store %arg12[%swap3A_701, %swap3A_702, %swap3A_703], %swap3A_706 {strides = array<i32>} : memref<8x50x32xf32, #tpu.memory_space<vmem>>, vector<1x1x16xf32>,
        %mul3A_707 = arith.constant 16 : i32
        %mul3A_708 = arith.muli %scan3A_469, %mul3A_707 : i32
        %add3A_709 = arith.constant 2 : i32
        %add3A_710 = arith.addi %mul3A_708, %add3A_709 : i32
        %jit3A_711 = arith.constant 50 : i32
        %div3A_712 = arith.divsi %add3A_710, %jit3A_711 : i32
        %sign3A_713 = arith.constant 0 : i32
        %sign3A_714 = arith.cmpi sgt, %add3A_710, %sign3A_713 : i32
        %sign3A_715 = arith.extui %sign3A_714 : i1 to i32
        %sign3A_716 = arith.constant 0 : i32
        %sign3A_717 = arith.cmpi slt, %add3A_710, %sign3A_716 : i32
        %sign3A_718 = arith.extui %sign3A_717 : i1 to i32
        %sign3A_719 = arith.subi %sign3A_715, %sign3A_718 : i32
        %sign3A_720 = arith.constant 0 : i32
        %sign3A_721 = arith.cmpi sgt, %jit3A_711, %sign3A_720 : i32
        %sign3A_722 = arith.extui %sign3A_721 : i1 to i32
        %sign3A_723 = arith.constant 0 : i32
        %sign3A_724 = arith.cmpi slt, %jit3A_711, %sign3A_723 : i32
        %sign3A_725 = arith.extui %sign3A_724 : i1 to i32
        %sign3A_726 = arith.subi %sign3A_722, %sign3A_725 : i32
        %ne3A_727 = arith.cmpi ne, %sign3A_719, %sign3A_726 : i32
        %rem3A_728 = arith.remsi %add3A_710, %jit3A_711 : i32
        %ne3A_729 = arith.constant 0 : i32
        %ne3A_730 = arith.cmpi ne, %rem3A_728, %ne3A_729 : i32
        %and3A_731 = arith.andi %ne3A_727, %ne3A_730 : i1
        %sub3A_732 = arith.constant 1 : i32
        %sub3A_733 = arith.subi %div3A_712, %sub3A_732 : i32
        %select_n3A_734 = arith.select %and3A_731, %sub3A_733, %div3A_712 : i32
        %mul3A_735 = arith.constant 50 : i32
        %mul3A_736 = arith.muli %select_n3A_734, %mul3A_735 : i32
        %sub3A_737 = arith.subi %add3A_710, %mul3A_736 : i32
        %slice3A_738 = vector.extract_strided_slice %get3A_477 {offsets = [2], sizes = [1], strides = [1]} : vector<16xf32> to vector<1xf32>
        %squeeze3A_739 = vector.extract %slice3A_738[0] : f32 from vector<1xf32>
        %slice3A_740 = vector.extract_strided_slice %get3A_484 {offsets = [2], sizes = [1], strides = [1]} : vector<16xf32> to vector<1xf32>
        %squeeze3A_741 = vector.extract %slice3A_740[0] : f32 from vector<1xf32>
        %slice3A_742 = vector.extract_strided_slice %get3A_491 {offsets = [2], sizes = [1], strides = [1]} : vector<16xf32> to vector<1xf32>
        %squeeze3A_743 = vector.extract %slice3A_742[0] : f32 from vector<1xf32>
        %get3A_744 = arith.constant 0 : i32
        %get3A_745 = arith.constant 0 : i32
        %get3A_746 = arith.index_cast %get3A_744 : i32 to index
        %get3A_747 = arith.index_cast %get3A_745 : i32 to index
        %get3A_748 = arith.index_cast %add3A_710 : i32 to index
        %get3A_749 = arith.constant 0 : index
        %get3A_750 = tpu.vector_load %arg11[%get3A_746, %get3A_747, %get3A_748, %get3A_749] {strides = array<i32>} : memref<2x3x400x32xf32, #tpu.memory_space<vmem>>, vector<1x1x1x16xf32>,
        %get3A_751 = vector.shape_cast %get3A_750 : vector<1x1x1x16xf32> to vector<16xf32>
        %mul3A_752 = vector.broadcast %squeeze3A_739 : f32 to vector<16xf32>
        %mul3A_753 = arith.mulf %mul3A_752, %get3A_751 : vector<16xf32>
        %get3A_754 = arith.constant 0 : i32
        %get3A_755 = arith.constant 1 : i32
        %get3A_756 = arith.index_cast %get3A_754 : i32 to index
        %get3A_757 = arith.index_cast %get3A_755 : i32 to index
        %get3A_758 = arith.index_cast %add3A_710 : i32 to index
        %get3A_759 = arith.constant 0 : index
        %get3A_760 = tpu.vector_load %arg11[%get3A_756, %get3A_757, %get3A_758, %get3A_759] {strides = array<i32>} : memref<2x3x400x32xf32, #tpu.memory_space<vmem>>, vector<1x1x1x16xf32>,
        %get3A_761 = vector.shape_cast %get3A_760 : vector<1x1x1x16xf32> to vector<16xf32>
        %mul3A_762 = vector.broadcast %squeeze3A_741 : f32 to vector<16xf32>
        %mul3A_763 = arith.mulf %mul3A_762, %get3A_761 : vector<16xf32>
        %add3A_764 = arith.addf %mul3A_753, %mul3A_763 : vector<16xf32>
        %get3A_765 = arith.constant 0 : i32
        %get3A_766 = arith.constant 2 : i32
        %get3A_767 = arith.index_cast %get3A_765 : i32 to index
        %get3A_768 = arith.index_cast %get3A_766 : i32 to index
        %get3A_769 = arith.index_cast %add3A_710 : i32 to index
        %get3A_770 = arith.constant 0 : index
        %get3A_771 = tpu.vector_load %arg11[%get3A_767, %get3A_768, %get3A_769, %get3A_770] {strides = array<i32>} : memref<2x3x400x32xf32, #tpu.memory_space<vmem>>, vector<1x1x1x16xf32>,
        %get3A_772 = vector.shape_cast %get3A_771 : vector<1x1x1x16xf32> to vector<16xf32>
        %mul3A_773 = vector.broadcast %squeeze3A_743 : f32 to vector<16xf32>
        %mul3A_774 = arith.mulf %mul3A_773, %get3A_772 : vector<16xf32>
        %add3A_775 = arith.addf %add3A_764, %mul3A_774 : vector<16xf32>
        %swap3A_776 = arith.index_cast %select_n3A_734 : i32 to index
        %swap3A_777 = arith.index_cast %sub3A_737 : i32 to index
        %swap3A_778 = arith.constant 0 : index
        %swap3A_779 = tpu.vector_load %arg12[%swap3A_776, %swap3A_777, %swap3A_778] {strides = array<i32>} : memref<8x50x32xf32, #tpu.memory_space<vmem>>, vector<1x1x16xf32>,
        %swap3A_780 = vector.shape_cast %swap3A_779 : vector<1x1x16xf32> to vector<16xf32>
        %swap3A_781 = vector.shape_cast %add3A_775 : vector<16xf32> to vector<1x1x16xf32>
        tpu.vector_store %arg12[%swap3A_776, %swap3A_777, %swap3A_778], %swap3A_781 {strides = array<i32>} : memref<8x50x32xf32, #tpu.memory_space<vmem>>, vector<1x1x16xf32>,
        %get3A_782 = arith.constant 0 : i32
        %get3A_783 = arith.constant 0 : i32
        %get3A_784 = arith.index_cast %get3A_782 : i32 to index
        %get3A_785 = arith.index_cast %get3A_783 : i32 to index
        %get3A_786 = arith.index_cast %add3A_710 : i32 to index
        %get3A_787 = arith.constant 16 : index
        %get3A_788 = tpu.vector_load %arg11[%get3A_784, %get3A_785, %get3A_786, %get3A_787] {strides = array<i32>} : memref<2x3x400x32xf32, #tpu.memory_space<vmem>>, vector<1x1x1x16xf32>,
        %get3A_789 = vector.shape_cast %get3A_788 : vector<1x1x1x16xf32> to vector<16xf32>
        %mul3A_790 = vector.broadcast %squeeze3A_739 : f32 to vector<16xf32>
        %mul3A_791 = arith.mulf %mul3A_790, %get3A_789 : vector<16xf32>
        %get3A_792 = arith.constant 0 : i32
        %get3A_793 = arith.constant 1 : i32
        %get3A_794 = arith.index_cast %get3A_792 : i32 to index
        %get3A_795 = arith.index_cast %get3A_793 : i32 to index
        %get3A_796 = arith.index_cast %add3A_710 : i32 to index
        %get3A_797 = arith.constant 16 : index
        %get3A_798 = tpu.vector_load %arg11[%get3A_794, %get3A_795, %get3A_796, %get3A_797] {strides = array<i32>} : memref<2x3x400x32xf32, #tpu.memory_space<vmem>>, vector<1x1x1x16xf32>,
        %get3A_799 = vector.shape_cast %get3A_798 : vector<1x1x1x16xf32> to vector<16xf32>
        %mul3A_800 = vector.broadcast %squeeze3A_741 : f32 to vector<16xf32>
        %mul3A_801 = arith.mulf %mul3A_800, %get3A_799 : vector<16xf32>
        %add3A_802 = arith.addf %mul3A_791, %mul3A_801 : vector<16xf32>
        %get3A_803 = arith.constant 0 : i32
        %get3A_804 = arith.constant 2 : i32
        %get3A_805 = arith.index_cast %get3A_803 : i32 to index
        %get3A_806 = arith.index_cast %get3A_804 : i32 to index
        %get3A_807 = arith.index_cast %add3A_710 : i32 to index
        %get3A_808 = arith.constant 16 : index
        %get3A_809 = tpu.vector_load %arg11[%get3A_805, %get3A_806, %get3A_807, %get3A_808] {strides = array<i32>} : memref<2x3x400x32xf32, #tpu.memory_space<vmem>>, vector<1x1x1x16xf32>,
        %get3A_810 = vector.shape_cast %get3A_809 : vector<1x1x1x16xf32> to vector<16xf32>
        %mul3A_811 = vector.broadcast %squeeze3A_743 : f32 to vector<16xf32>
        %mul3A_812 = arith.mulf %mul3A_811, %get3A_810 : vector<16xf32>
        %add3A_813 = arith.addf %add3A_802, %mul3A_812 : vector<16xf32>
        %swap3A_814 = arith.index_cast %select_n3A_734 : i32 to index
        %swap3A_815 = arith.index_cast %sub3A_737 : i32 to index
        %swap3A_816 = arith.constant 16 : index
        %swap3A_817 = tpu.vector_load %arg12[%swap3A_814, %swap3A_815, %swap3A_816] {strides = array<i32>} : memref<8x50x32xf32, #tpu.memory_space<vmem>>, vector<1x1x16xf32>,
        %swap3A_818 = vector.shape_cast %swap3A_817 : vector<1x1x16xf32> to vector<16xf32>
        %swap3A_819 = vector.shape_cast %add3A_813 : vector<16xf32> to vector<1x1x16xf32>
        tpu.vector_store %arg12[%swap3A_814, %swap3A_815, %swap3A_816], %swap3A_819 {strides = array<i32>} : memref<8x50x32xf32, #tpu.memory_space<vmem>>, vector<1x1x16xf32>,
        %mul3A_820 = arith.constant 16 : i32
        %mul3A_821 = arith.muli %scan3A_469, %mul3A_820 : i32
        %add3A_822 = arith.constant 3 : i32
        %add3A_823 = arith.addi %mul3A_821, %add3A_822 : i32
        %jit3A_824 = arith.constant 50 : i32
        %div3A_825 = arith.divsi %add3A_823, %jit3A_824 : i32
        %sign3A_826 = arith.constant 0 : i32
        %sign3A_827 = arith.cmpi sgt, %add3A_823, %sign3A_826 : i32
        %sign3A_828 = arith.extui %sign3A_827 : i1 to i32
        %sign3A_829 = arith.constant 0 : i32
        %sign3A_830 = arith.cmpi slt, %add3A_823, %sign3A_829 : i32
        %sign3A_831 = arith.extui %sign3A_830 : i1 to i32
        %sign3A_832 = arith.subi %sign3A_828, %sign3A_831 : i32
        %sign3A_833 = arith.constant 0 : i32
        %sign3A_834 = arith.cmpi sgt, %jit3A_824, %sign3A_833 : i32
        %sign3A_835 = arith.extui %sign3A_834 : i1 to i32
        %sign3A_836 = arith.constant 0 : i32
        %sign3A_837 = arith.cmpi slt, %jit3A_824, %sign3A_836 : i32
        %sign3A_838 = arith.extui %sign3A_837 : i1 to i32
        %sign3A_839 = arith.subi %sign3A_835, %sign3A_838 : i32
        %ne3A_840 = arith.cmpi ne, %sign3A_832, %sign3A_839 : i32
        %rem3A_841 = arith.remsi %add3A_823, %jit3A_824 : i32
        %ne3A_842 = arith.constant 0 : i32
        %ne3A_843 = arith.cmpi ne, %rem3A_841, %ne3A_842 : i32
        %and3A_844 = arith.andi %ne3A_840, %ne3A_843 : i1
        %sub3A_845 = arith.constant 1 : i32
        %sub3A_846 = arith.subi %div3A_825, %sub3A_845 : i32
        %select_n3A_847 = arith.select %and3A_844, %sub3A_846, %div3A_825 : i32
        %mul3A_848 = arith.constant 50 : i32
        %mul3A_849 = arith.muli %select_n3A_847, %mul3A_848 : i32
        %sub3A_850 = arith.subi %add3A_823, %mul3A_849 : i32
        %slice3A_851 = vector.extract_strided_slice %get3A_477 {offsets = [3], sizes = [1], strides = [1]} : vector<16xf32> to vector<1xf32>
        %squeeze3A_852 = vector.extract %slice3A_851[0] : f32 from vector<1xf32>
        %slice3A_853 = vector.extract_strided_slice %get3A_484 {offsets = [3], sizes = [1], strides = [1]} : vector<16xf32> to vector<1xf32>
        %squeeze3A_854 = vector.extract %slice3A_853[0] : f32 from vector<1xf32>
        %slice3A_855 = vector.extract_strided_slice %get3A_491 {offsets = [3], sizes = [1], strides = [1]} : vector<16xf32> to vector<1xf32>
        %squeeze3A_856 = vector.extract %slice3A_855[0] : f32 from vector<1xf32>
        %get3A_857 = arith.constant 0 : i32
        %get3A_858 = arith.constant 0 : i32
        %get3A_859 = arith.index_cast %get3A_857 : i32 to index
        %get3A_860 = arith.index_cast %get3A_858 : i32 to index
        %get3A_861 = arith.index_cast %add3A_823 : i32 to index
        %get3A_862 = arith.constant 0 : index
        %get3A_863 = tpu.vector_load %arg11[%get3A_859, %get3A_860, %get3A_861, %get3A_862] {strides = array<i32>} : memref<2x3x400x32xf32, #tpu.memory_space<vmem>>, vector<1x1x1x16xf32>,
        %get3A_864 = vector.shape_cast %get3A_863 : vector<1x1x1x16xf32> to vector<16xf32>
        %mul3A_865 = vector.broadcast %squeeze3A_852 : f32 to vector<16xf32>
        %mul3A_866 = arith.mulf %mul3A_865, %get3A_864 : vector<16xf32>
        %get3A_867 = arith.constant 0 : i32
        %get3A_868 = arith.constant 1 : i32
        %get3A_869 = arith.index_cast %get3A_867 : i32 to index
        %get3A_870 = arith.index_cast %get3A_868 : i32 to index
        %get3A_871 = arith.index_cast %add3A_823 : i32 to index
        %get3A_872 = arith.constant 0 : index
        %get3A_873 = tpu.vector_load %arg11[%get3A_869, %get3A_870, %get3A_871, %get3A_872] {strides = array<i32>} : memref<2x3x400x32xf32, #tpu.memory_space<vmem>>, vector<1x1x1x16xf32>,
        %get3A_874 = vector.shape_cast %get3A_873 : vector<1x1x1x16xf32> to vector<16xf32>
        %mul3A_875 = vector.broadcast %squeeze3A_854 : f32 to vector<16xf32>
        %mul3A_876 = arith.mulf %mul3A_875, %get3A_874 : vector<16xf32>
        %add3A_877 = arith.addf %mul3A_866, %mul3A_876 : vector<16xf32>
        %get3A_878 = arith.constant 0 : i32
        %get3A_879 = arith.constant 2 : i32
        %get3A_880 = arith.index_cast %get3A_878 : i32 to index
        %get3A_881 = arith.index_cast %get3A_879 : i32 to index
        %get3A_882 = arith.index_cast %add3A_823 : i32 to index
        %get3A_883 = arith.constant 0 : index
        %get3A_884 = tpu.vector_load %arg11[%get3A_880, %get3A_881, %get3A_882, %get3A_883] {strides = array<i32>} : memref<2x3x400x32xf32, #tpu.memory_space<vmem>>, vector<1x1x1x16xf32>,
        %get3A_885 = vector.shape_cast %get3A_884 : vector<1x1x1x16xf32> to vector<16xf32>
        %mul3A_886 = vector.broadcast %squeeze3A_856 : f32 to vector<16xf32>
        %mul3A_887 = arith.mulf %mul3A_886, %get3A_885 : vector<16xf32>
        %add3A_888 = arith.addf %add3A_877, %mul3A_887 : vector<16xf32>
        %swap3A_889 = arith.index_cast %select_n3A_847 : i32 to index
        %swap3A_890 = arith.index_cast %sub3A_850 : i32 to index
        %swap3A_891 = arith.constant 0 : index
        %swap3A_892 = tpu.vector_load %arg12[%swap3A_889, %swap3A_890, %swap3A_891] {strides = array<i32>} : memref<8x50x32xf32, #tpu.memory_space<vmem>>, vector<1x1x16xf32>,
        %swap3A_893 = vector.shape_cast %swap3A_892 : vector<1x1x16xf32> to vector<16xf32>
        %swap3A_894 = vector.shape_cast %add3A_888 : vector<16xf32> to vector<1x1x16xf32>
        tpu.vector_store %arg12[%swap3A_889, %swap3A_890, %swap3A_891], %swap3A_894 {strides = array<i32>} : memref<8x50x32xf32, #tpu.memory_space<vmem>>, vector<1x1x16xf32>,
        %get3A_895 = arith.constant 0 : i32
        %get3A_896 = arith.constant 0 : i32
        %get3A_897 = arith.index_cast %get3A_895 : i32 to index
        %get3A_898 = arith.index_cast %get3A_896 : i32 to index
        %get3A_899 = arith.index_cast %add3A_823 : i32 to index
        %get3A_900 = arith.constant 16 : index
        %get3A_901 = tpu.vector_load %arg11[%get3A_897, %get3A_898, %get3A_899, %get3A_900] {strides = array<i32>} : memref<2x3x400x32xf32, #tpu.memory_space<vmem>>, vector<1x1x1x16xf32>,
        %get3A_902 = vector.shape_cast %get3A_901 : vector<1x1x1x16xf32> to vector<16xf32>
        %mul3A_903 = vector.broadcast %squeeze3A_852 : f32 to vector<16xf32>
        %mul3A_904 = arith.mulf %mul3A_903, %get3A_902 : vector<16xf32>
        %get3A_905 = arith.constant 0 : i32
        %get3A_906 = arith.constant 1 : i32
        %get3A_907 = arith.index_cast %get3A_905 : i32 to index
        %get3A_908 = arith.index_cast %get3A_906 : i32 to index
        %get3A_909 = arith.index_cast %add3A_823 : i32 to index
        %get3A_910 = arith.constant 16 : index
        %get3A_911 = tpu.vector_load %arg11[%get3A_907, %get3A_908, %get3A_909, %get3A_910] {strides = array<i32>} : memref<2x3x400x32xf32, #tpu.memory_space<vmem>>, vector<1x1x1x16xf32>,
        %get3A_912 = vector.shape_cast %get3A_911 : vector<1x1x1x16xf32> to vector<16xf32>
        %mul3A_913 = vector.broadcast %squeeze3A_854 : f32 to vector<16xf32>
        %mul3A_914 = arith.mulf %mul3A_913, %get3A_912 : vector<16xf32>
        %add3A_915 = arith.addf %mul3A_904, %mul3A_914 : vector<16xf32>
        %get3A_916 = arith.constant 0 : i32
        %get3A_917 = arith.constant 2 : i32
        %get3A_918 = arith.index_cast %get3A_916 : i32 to index
        %get3A_919 = arith.index_cast %get3A_917 : i32 to index
        %get3A_920 = arith.index_cast %add3A_823 : i32 to index
        %get3A_921 = arith.constant 16 : index
        %get3A_922 = tpu.vector_load %arg11[%get3A_918, %get3A_919, %get3A_920, %get3A_921] {strides = array<i32>} : memref<2x3x400x32xf32, #tpu.memory_space<vmem>>, vector<1x1x1x16xf32>,
        %get3A_923 = vector.shape_cast %get3A_922 : vector<1x1x1x16xf32> to vector<16xf32>
        %mul3A_924 = vector.broadcast %squeeze3A_856 : f32 to vector<16xf32>
        %mul3A_925 = arith.mulf %mul3A_924, %get3A_923 : vector<16xf32>
        %add3A_926 = arith.addf %add3A_915, %mul3A_925 : vector<16xf32>
        %swap3A_927 = arith.index_cast %select_n3A_847 : i32 to index
        %swap3A_928 = arith.index_cast %sub3A_850 : i32 to index
        %swap3A_929 = arith.constant 16 : index
        %swap3A_930 = tpu.vector_load %arg12[%swap3A_927, %swap3A_928, %swap3A_929] {strides = array<i32>} : memref<8x50x32xf32, #tpu.memory_space<vmem>>, vector<1x1x16xf32>,
        %swap3A_931 = vector.shape_cast %swap3A_930 : vector<1x1x16xf32> to vector<16xf32>
        %swap3A_932 = vector.shape_cast %add3A_926 : vector<16xf32> to vector<1x1x16xf32>
        tpu.vector_store %arg12[%swap3A_927, %swap3A_928, %swap3A_929], %swap3A_932 {strides = array<i32>} : memref<8x50x32xf32, #tpu.memory_space<vmem>>, vector<1x1x16xf32>,
        %mul3A_933 = arith.constant 16 : i32
        %mul3A_934 = arith.muli %scan3A_469, %mul3A_933 : i32
        %add3A_935 = arith.constant 4 : i32
        %add3A_936 = arith.addi %mul3A_934, %add3A_935 : i32
        %jit3A_937 = arith.constant 50 : i32
        %div3A_938 = arith.divsi %add3A_936, %jit3A_937 : i32
        %sign3A_939 = arith.constant 0 : i32
        %sign3A_940 = arith.cmpi sgt, %add3A_936, %sign3A_939 : i32
        %sign3A_941 = arith.extui %sign3A_940 : i1 to i32
        %sign3A_942 = arith.constant 0 : i32
        %sign3A_943 = arith.cmpi slt, %add3A_936, %sign3A_942 : i32
        %sign3A_944 = arith.extui %sign3A_943 : i1 to i32
        %sign3A_945 = arith.subi %sign3A_941, %sign3A_944 : i32
        %sign3A_946 = arith.constant 0 : i32
        %sign3A_947 = arith.cmpi sgt, %jit3A_937, %sign3A_946 : i32
        %sign3A_948 = arith.extui %sign3A_947 : i1 to i32
        %sign3A_949 = arith.constant 0 : i32
        %sign3A_950 = arith.cmpi slt, %jit3A_937, %sign3A_949 : i32
        %sign3A_951 = arith.extui %sign3A_950 : i1 to i32
        %sign3A_952 = arith.subi %sign3A_948, %sign3A_951 : i32
        %ne3A_953 = arith.cmpi ne, %sign3A_945, %sign3A_952 : i32
        %rem3A_954 = arith.remsi %add3A_936, %jit3A_937 : i32
        %ne3A_955 = arith.constant 0 : i32
        %ne3A_956 = arith.cmpi ne, %rem3A_954, %ne3A_955 : i32
        %and3A_957 = arith.andi %ne3A_953, %ne3A_956 : i1
        %sub3A_958 = arith.constant 1 : i32
        %sub3A_959 = arith.subi %div3A_938, %sub3A_958 : i32
        %select_n3A_960 = arith.select %and3A_957, %sub3A_959, %div3A_938 : i32
        %mul3A_961 = arith.constant 50 : i32
        %mul3A_962 = arith.muli %select_n3A_960, %mul3A_961 : i32
        %sub3A_963 = arith.subi %add3A_936, %mul3A_962 : i32
        %slice3A_964 = vector.extract_strided_slice %get3A_477 {offsets = [4], sizes = [1], strides = [1]} : vector<16xf32> to vector<1xf32>
        %squeeze3A_965 = vector.extract %slice3A_964[0] : f32 from vector<1xf32>
        %slice3A_966 = vector.extract_strided_slice %get3A_484 {offsets = [4], sizes = [1], strides = [1]} : vector<16xf32> to vector<1xf32>
        %squeeze3A_967 = vector.extract %slice3A_966[0] : f32 from vector<1xf32>
        %slice3A_968 = vector.extract_strided_slice %get3A_491 {offsets = [4], sizes = [1], strides = [1]} : vector<16xf32> to vector<1xf32>
        %squeeze3A_969 = vector.extract %slice3A_968[0] : f32 from vector<1xf32>
        %get3A_970 = arith.constant 0 : i32
        %get3A_971 = arith.constant 0 : i32
        %get3A_972 = arith.index_cast %get3A_970 : i32 to index
        %get3A_973 = arith.index_cast %get3A_971 : i32 to index
        %get3A_974 = arith.index_cast %add3A_936 : i32 to index
        %get3A_975 = arith.constant 0 : index
        %get3A_976 = tpu.vector_load %arg11[%get3A_972, %get3A_973, %get3A_974, %get3A_975] {strides = array<i32>} : memref<2x3x400x32xf32, #tpu.memory_space<vmem>>, vector<1x1x1x16xf32>,
        %get3A_977 = vector.shape_cast %get3A_976 : vector<1x1x1x16xf32> to vector<16xf32>
        %mul3A_978 = vector.broadcast %squeeze3A_965 : f32 to vector<16xf32>
        %mul3A_979 = arith.mulf %mul3A_978, %get3A_977 : vector<16xf32>
        %get3A_980 = arith.constant 0 : i32
        %get3A_981 = arith.constant 1 : i32
        %get3A_982 = arith.index_cast %get3A_980 : i32 to index
        %get3A_983 = arith.index_cast %get3A_981 : i32 to index
        %get3A_984 = arith.index_cast %add3A_936 : i32 to index
        %get3A_985 = arith.constant 0 : index
        %get3A_986 = tpu.vector_load %arg11[%get3A_982, %get3A_983, %get3A_984, %get3A_985] {strides = array<i32>} : memref<2x3x400x32xf32, #tpu.memory_space<vmem>>, vector<1x1x1x16xf32>,
        %get3A_987 = vector.shape_cast %get3A_986 : vector<1x1x1x16xf32> to vector<16xf32>
        %mul3A_988 = vector.broadcast %squeeze3A_967 : f32 to vector<16xf32>
        %mul3A_989 = arith.mulf %mul3A_988, %get3A_987 : vector<16xf32>
        %add3A_990 = arith.addf %mul3A_979, %mul3A_989 : vector<16xf32>
        %get3A_991 = arith.constant 0 : i32
        %get3A_992 = arith.constant 2 : i32
        %get3A_993 = arith.index_cast %get3A_991 : i32 to index
        %get3A_994 = arith.index_cast %get3A_992 : i32 to index
        %get3A_995 = arith.index_cast %add3A_936 : i32 to index
        %get3A_996 = arith.constant 0 : index
        %get3A_997 = tpu.vector_load %arg11[%get3A_993, %get3A_994, %get3A_995, %get3A_996] {strides = array<i32>} : memref<2x3x400x32xf32, #tpu.memory_space<vmem>>, vector<1x1x1x16xf32>,
        %get3A_998 = vector.shape_cast %get3A_997 : vector<1x1x1x16xf32> to vector<16xf32>
        %mul3A_999 = vector.broadcast %squeeze3A_969 : f32 to vector<16xf32>
        %mul3A_1000 = arith.mulf %mul3A_999, %get3A_998 : vector<16xf32>
        %add3A_1001 = arith.addf %add3A_990, %mul3A_1000 : vector<16xf32>
        %swap3A_1002 = arith.index_cast %select_n3A_960 : i32 to index
        %swap3A_1003 = arith.index_cast %sub3A_963 : i32 to index
        %swap3A_1004 = arith.constant 0 : index
        %swap3A_1005 = tpu.vector_load %arg12[%swap3A_1002, %swap3A_1003, %swap3A_1004] {strides = array<i32>} : memref<8x50x32xf32, #tpu.memory_space<vmem>>, vector<1x1x16xf32>,
        %swap3A_1006 = vector.shape_cast %swap3A_1005 : vector<1x1x16xf32> to vector<16xf32>
        %swap3A_1007 = vector.shape_cast %add3A_1001 : vector<16xf32> to vector<1x1x16xf32>
        tpu.vector_store %arg12[%swap3A_1002, %swap3A_1003, %swap3A_1004], %swap3A_1007 {strides = array<i32>} : memref<8x50x32xf32, #tpu.memory_space<vmem>>, vector<1x1x16xf32>,
        %get3A_1008 = arith.constant 0 : i32
        %get3A_1009 = arith.constant 0 : i32
        %get3A_1010 = arith.index_cast %get3A_1008 : i32 to index
        %get3A_1011 = arith.index_cast %get3A_1009 : i32 to index
        %get3A_1012 = arith.index_cast %add3A_936 : i32 to index
        %get3A_1013 = arith.constant 16 : index
        %get3A_1014 = tpu.vector_load %arg11[%get3A_1010, %get3A_1011, %get3A_1012, %get3A_1013] {strides = array<i32>} : memref<2x3x400x32xf32, #tpu.memory_space<vmem>>, vector<1x1x1x16xf32>,
        %get3A_1015 = vector.shape_cast %get3A_1014 : vector<1x1x1x16xf32> to vector<16xf32>
        %mul3A_1016 = vector.broadcast %squeeze3A_965 : f32 to vector<16xf32>
        %mul3A_1017 = arith.mulf %mul3A_1016, %get3A_1015 : vector<16xf32>
        %get3A_1018 = arith.constant 0 : i32
        %get3A_1019 = arith.constant 1 : i32
        %get3A_1020 = arith.index_cast %get3A_1018 : i32 to index
        %get3A_1021 = arith.index_cast %get3A_1019 : i32 to index
        %get3A_1022 = arith.index_cast %add3A_936 : i32 to index
        %get3A_1023 = arith.constant 16 : index
        %get3A_1024 = tpu.vector_load %arg11[%get3A_1020, %get3A_1021, %get3A_1022, %get3A_1023] {strides = array<i32>} : memref<2x3x400x32xf32, #tpu.memory_space<vmem>>, vector<1x1x1x16xf32>,
        %get3A_1025 = vector.shape_cast %get3A_1024 : vector<1x1x1x16xf32> to vector<16xf32>
        %mul3A_1026 = vector.broadcast %squeeze3A_967 : f32 to vector<16xf32>
        %mul3A_1027 = arith.mulf %mul3A_1026, %get3A_1025 : vector<16xf32>
        %add3A_1028 = arith.addf %mul3A_1017, %mul3A_1027 : vector<16xf32>
        %get3A_1029 = arith.constant 0 : i32
        %get3A_1030 = arith.constant 2 : i32
        %get3A_1031 = arith.index_cast %get3A_1029 : i32 to index
        %get3A_1032 = arith.index_cast %get3A_1030 : i32 to index
        %get3A_1033 = arith.index_cast %add3A_936 : i32 to index
        %get3A_1034 = arith.constant 16 : index
        %get3A_1035 = tpu.vector_load %arg11[%get3A_1031, %get3A_1032, %get3A_1033, %get3A_1034] {strides = array<i32>} : memref<2x3x400x32xf32, #tpu.memory_space<vmem>>, vector<1x1x1x16xf32>,
        %get3A_1036 = vector.shape_cast %get3A_1035 : vector<1x1x1x16xf32> to vector<16xf32>
        %mul3A_1037 = vector.broadcast %squeeze3A_969 : f32 to vector<16xf32>
        %mul3A_1038 = arith.mulf %mul3A_1037, %get3A_1036 : vector<16xf32>
        %add3A_1039 = arith.addf %add3A_1028, %mul3A_1038 : vector<16xf32>
        %swap3A_1040 = arith.index_cast %select_n3A_960 : i32 to index
        %swap3A_1041 = arith.index_cast %sub3A_963 : i32 to index
        %swap3A_1042 = arith.constant 16 : index
        %swap3A_1043 = tpu.vector_load %arg12[%swap3A_1040, %swap3A_1041, %swap3A_1042] {strides = array<i32>} : memref<8x50x32xf32, #tpu.memory_space<vmem>>, vector<1x1x16xf32>,
        %swap3A_1044 = vector.shape_cast %swap3A_1043 : vector<1x1x16xf32> to vector<16xf32>
        %swap3A_1045 = vector.shape_cast %add3A_1039 : vector<16xf32> to vector<1x1x16xf32>
        tpu.vector_store %arg12[%swap3A_1040, %swap3A_1041, %swap3A_1042], %swap3A_1045 {strides = array<i32>} : memref<8x50x32xf32, #tpu.memory_space<vmem>>, vector<1x1x16xf32>,
        %mul3A_1046 = arith.constant 16 : i32
        %mul3A_1047 = arith.muli %scan3A_469, %mul3A_1046 : i32
        %add3A_1048 = arith.constant 5 : i32
        %add3A_1049 = arith.addi %mul3A_1047, %add3A_1048 : i32
        %jit3A_1050 = arith.constant 50 : i32
        %div3A_1051 = arith.divsi %add3A_1049, %jit3A_1050 : i32
        %sign3A_1052 = arith.constant 0 : i32
        %sign3A_1053 = arith.cmpi sgt, %add3A_1049, %sign3A_1052 : i32
        %sign3A_1054 = arith.extui %sign3A_1053 : i1 to i32
        %sign3A_1055 = arith.constant 0 : i32
        %sign3A_1056 = arith.cmpi slt, %add3A_1049, %sign3A_1055 : i32
        %sign3A_1057 = arith.extui %sign3A_1056 : i1 to i32
        %sign3A_1058 = arith.subi %sign3A_1054, %sign3A_1057 : i32
        %sign3A_1059 = arith.constant 0 : i32
        %sign3A_1060 = arith.cmpi sgt, %jit3A_1050, %sign3A_1059 : i32
        %sign3A_1061 = arith.extui %sign3A_1060 : i1 to i32
        %sign3A_1062 = arith.constant 0 : i32
        %sign3A_1063 = arith.cmpi slt, %jit3A_1050, %sign3A_1062 : i32
        %sign3A_1064 = arith.extui %sign3A_1063 : i1 to i32
        %sign3A_1065 = arith.subi %sign3A_1061, %sign3A_1064 : i32
        %ne3A_1066 = arith.cmpi ne, %sign3A_1058, %sign3A_1065 : i32
        %rem3A_1067 = arith.remsi %add3A_1049, %jit3A_1050 : i32
        %ne3A_1068 = arith.constant 0 : i32
        %ne3A_1069 = arith.cmpi ne, %rem3A_1067, %ne3A_1068 : i32
        %and3A_1070 = arith.andi %ne3A_1066, %ne3A_1069 : i1
        %sub3A_1071 = arith.constant 1 : i32
        %sub3A_1072 = arith.subi %div3A_1051, %sub3A_1071 : i32
        %select_n3A_1073 = arith.select %and3A_1070, %sub3A_1072, %div3A_1051 : i32
        %mul3A_1074 = arith.constant 50 : i32
        %mul3A_1075 = arith.muli %select_n3A_1073, %mul3A_1074 : i32
        %sub3A_1076 = arith.subi %add3A_1049, %mul3A_1075 : i32
        %slice3A_1077 = vector.extract_strided_slice %get3A_477 {offsets = [5], sizes = [1], strides = [1]} : vector<16xf32> to vector<1xf32>
        %squeeze3A_1078 = vector.extract %slice3A_1077[0] : f32 from vector<1xf32>
        %slice3A_1079 = vector.extract_strided_slice %get3A_484 {offsets = [5], sizes = [1], strides = [1]} : vector<16xf32> to vector<1xf32>
        %squeeze3A_1080 = vector.extract %slice3A_1079[0] : f32 from vector<1xf32>
        %slice3A_1081 = vector.extract_strided_slice %get3A_491 {offsets = [5], sizes = [1], strides = [1]} : vector<16xf32> to vector<1xf32>
        %squeeze3A_1082 = vector.extract %slice3A_1081[0] : f32 from vector<1xf32>
        %get3A_1083 = arith.constant 0 : i32
        %get3A_1084 = arith.constant 0 : i32
        %get3A_1085 = arith.index_cast %get3A_1083 : i32 to index
        %get3A_1086 = arith.index_cast %get3A_1084 : i32 to index
        %get3A_1087 = arith.index_cast %add3A_1049 : i32 to index
        %get3A_1088 = arith.constant 0 : index
        %get3A_1089 = tpu.vector_load %arg11[%get3A_1085, %get3A_1086, %get3A_1087, %get3A_1088] {strides = array<i32>} : memref<2x3x400x32xf32, #tpu.memory_space<vmem>>, vector<1x1x1x16xf32>,
        %get3A_1090 = vector.shape_cast %get3A_1089 : vector<1x1x1x16xf32> to vector<16xf32>
        %mul3A_1091 = vector.broadcast %squeeze3A_1078 : f32 to vector<16xf32>
        %mul3A_1092 = arith.mulf %mul3A_1091, %get3A_1090 : vector<16xf32>
        %get3A_1093 = arith.constant 0 : i32
        %get3A_1094 = arith.constant 1 : i32
        %get3A_1095 = arith.index_cast %get3A_1093 : i32 to index
        %get3A_1096 = arith.index_cast %get3A_1094 : i32 to index
        %get3A_1097 = arith.index_cast %add3A_1049 : i32 to index
        %get3A_1098 = arith.constant 0 : index
        %get3A_1099 = tpu.vector_load %arg11[%get3A_1095, %get3A_1096, %get3A_1097, %get3A_1098] {strides = array<i32>} : memref<2x3x400x32xf32, #tpu.memory_space<vmem>>, vector<1x1x1x16xf32>,
        %get3A_1100 = vector.shape_cast %get3A_1099 : vector<1x1x1x16xf32> to vector<16xf32>
        %mul3A_1101 = vector.broadcast %squeeze3A_1080 : f32 to vector<16xf32>
        %mul3A_1102 = arith.mulf %mul3A_1101, %get3A_1100 : vector<16xf32>
        %add3A_1103 = arith.addf %mul3A_1092, %mul3A_1102 : vector<16xf32>
        %get3A_1104 = arith.constant 0 : i32
        %get3A_1105 = arith.constant 2 : i32
        %get3A_1106 = arith.index_cast %get3A_1104 : i32 to index
        %get3A_1107 = arith.index_cast %get3A_1105 : i32 to index
        %get3A_1108 = arith.index_cast %add3A_1049 : i32 to index
        %get3A_1109 = arith.constant 0 : index
        %get3A_1110 = tpu.vector_load %arg11[%get3A_1106, %get3A_1107, %get3A_1108, %get3A_1109] {strides = array<i32>} : memref<2x3x400x32xf32, #tpu.memory_space<vmem>>, vector<1x1x1x16xf32>,
        %get3A_1111 = vector.shape_cast %get3A_1110 : vector<1x1x1x16xf32> to vector<16xf32>
        %mul3A_1112 = vector.broadcast %squeeze3A_1082 : f32 to vector<16xf32>
        %mul3A_1113 = arith.mulf %mul3A_1112, %get3A_1111 : vector<16xf32>
        %add3A_1114 = arith.addf %add3A_1103, %mul3A_1113 : vector<16xf32>
        %swap3A_1115 = arith.index_cast %select_n3A_1073 : i32 to index
        %swap3A_1116 = arith.index_cast %sub3A_1076 : i32 to index
        %swap3A_1117 = arith.constant 0 : index
        %swap3A_1118 = tpu.vector_load %arg12[%swap3A_1115, %swap3A_1116, %swap3A_1117] {strides = array<i32>} : memref<8x50x32xf32, #tpu.memory_space<vmem>>, vector<1x1x16xf32>,
        %swap3A_1119 = vector.shape_cast %swap3A_1118 : vector<1x1x16xf32> to vector<16xf32>
        %swap3A_1120 = vector.shape_cast %add3A_1114 : vector<16xf32> to vector<1x1x16xf32>
        tpu.vector_store %arg12[%swap3A_1115, %swap3A_1116, %swap3A_1117], %swap3A_1120 {strides = array<i32>} : memref<8x50x32xf32, #tpu.memory_space<vmem>>, vector<1x1x16xf32>,
        %get3A_1121 = arith.constant 0 : i32
        %get3A_1122 = arith.constant 0 : i32
        %get3A_1123 = arith.index_cast %get3A_1121 : i32 to index
        %get3A_1124 = arith.index_cast %get3A_1122 : i32 to index
        %get3A_1125 = arith.index_cast %add3A_1049 : i32 to index
        %get3A_1126 = arith.constant 16 : index
        %get3A_1127 = tpu.vector_load %arg11[%get3A_1123, %get3A_1124, %get3A_1125, %get3A_1126] {strides = array<i32>} : memref<2x3x400x32xf32, #tpu.memory_space<vmem>>, vector<1x1x1x16xf32>,
        %get3A_1128 = vector.shape_cast %get3A_1127 : vector<1x1x1x16xf32> to vector<16xf32>
        %mul3A_1129 = vector.broadcast %squeeze3A_1078 : f32 to vector<16xf32>
        %mul3A_1130 = arith.mulf %mul3A_1129, %get3A_1128 : vector<16xf32>
        %get3A_1131 = arith.constant 0 : i32
        %get3A_1132 = arith.constant 1 : i32
        %get3A_1133 = arith.index_cast %get3A_1131 : i32 to index
        %get3A_1134 = arith.index_cast %get3A_1132 : i32 to index
        %get3A_1135 = arith.index_cast %add3A_1049 : i32 to index
        %get3A_1136 = arith.constant 16 : index
        %get3A_1137 = tpu.vector_load %arg11[%get3A_1133, %get3A_1134, %get3A_1135, %get3A_1136] {strides = array<i32>} : memref<2x3x400x32xf32, #tpu.memory_space<vmem>>, vector<1x1x1x16xf32>,
        %get3A_1138 = vector.shape_cast %get3A_1137 : vector<1x1x1x16xf32> to vector<16xf32>
        %mul3A_1139 = vector.broadcast %squeeze3A_1080 : f32 to vector<16xf32>
        %mul3A_1140 = arith.mulf %mul3A_1139, %get3A_1138 : vector<16xf32>
        %add3A_1141 = arith.addf %mul3A_1130, %mul3A_1140 : vector<16xf32>
        %get3A_1142 = arith.constant 0 : i32
        %get3A_1143 = arith.constant 2 : i32
        %get3A_1144 = arith.index_cast %get3A_1142 : i32 to index
        %get3A_1145 = arith.index_cast %get3A_1143 : i32 to index
        %get3A_1146 = arith.index_cast %add3A_1049 : i32 to index
        %get3A_1147 = arith.constant 16 : index
        %get3A_1148 = tpu.vector_load %arg11[%get3A_1144, %get3A_1145, %get3A_1146, %get3A_1147] {strides = array<i32>} : memref<2x3x400x32xf32, #tpu.memory_space<vmem>>, vector<1x1x1x16xf32>,
        %get3A_1149 = vector.shape_cast %get3A_1148 : vector<1x1x1x16xf32> to vector<16xf32>
        %mul3A_1150 = vector.broadcast %squeeze3A_1082 : f32 to vector<16xf32>
        %mul3A_1151 = arith.mulf %mul3A_1150, %get3A_1149 : vector<16xf32>
        %add3A_1152 = arith.addf %add3A_1141, %mul3A_1151 : vector<16xf32>
        %swap3A_1153 = arith.index_cast %select_n3A_1073 : i32 to index
        %swap3A_1154 = arith.index_cast %sub3A_1076 : i32 to index
        %swap3A_1155 = arith.constant 16 : index
        %swap3A_1156 = tpu.vector_load %arg12[%swap3A_1153, %swap3A_1154, %swap3A_1155] {strides = array<i32>} : memref<8x50x32xf32, #tpu.memory_space<vmem>>, vector<1x1x16xf32>,
        %swap3A_1157 = vector.shape_cast %swap3A_1156 : vector<1x1x16xf32> to vector<16xf32>
        %swap3A_1158 = vector.shape_cast %add3A_1152 : vector<16xf32> to vector<1x1x16xf32>
        tpu.vector_store %arg12[%swap3A_1153, %swap3A_1154, %swap3A_1155], %swap3A_1158 {strides = array<i32>} : memref<8x50x32xf32, #tpu.memory_space<vmem>>, vector<1x1x16xf32>,
        %mul3A_1159 = arith.constant 16 : i32
        %mul3A_1160 = arith.muli %scan3A_469, %mul3A_1159 : i32
        %add3A_1161 = arith.constant 6 : i32
        %add3A_1162 = arith.addi %mul3A_1160, %add3A_1161 : i32
        %jit3A_1163 = arith.constant 50 : i32
        %div3A_1164 = arith.divsi %add3A_1162, %jit3A_1163 : i32
        %sign3A_1165 = arith.constant 0 : i32
        %sign3A_1166 = arith.cmpi sgt, %add3A_1162, %sign3A_1165 : i32
        %sign3A_1167 = arith.extui %sign3A_1166 : i1 to i32
        %sign3A_1168 = arith.constant 0 : i32
        %sign3A_1169 = arith.cmpi slt, %add3A_1162, %sign3A_1168 : i32
        %sign3A_1170 = arith.extui %sign3A_1169 : i1 to i32
        %sign3A_1171 = arith.subi %sign3A_1167, %sign3A_1170 : i32
        %sign3A_1172 = arith.constant 0 : i32
        %sign3A_1173 = arith.cmpi sgt, %jit3A_1163, %sign3A_1172 : i32
        %sign3A_1174 = arith.extui %sign3A_1173 : i1 to i32
        %sign3A_1175 = arith.constant 0 : i32
        %sign3A_1176 = arith.cmpi slt, %jit3A_1163, %sign3A_1175 : i32
        %sign3A_1177 = arith.extui %sign3A_1176 : i1 to i32
        %sign3A_1178 = arith.subi %sign3A_1174, %sign3A_1177 : i32
        %ne3A_1179 = arith.cmpi ne, %sign3A_1171, %sign3A_1178 : i32
        %rem3A_1180 = arith.remsi %add3A_1162, %jit3A_1163 : i32
        %ne3A_1181 = arith.constant 0 : i32
        %ne3A_1182 = arith.cmpi ne, %rem3A_1180, %ne3A_1181 : i32
        %and3A_1183 = arith.andi %ne3A_1179, %ne3A_1182 : i1
        %sub3A_1184 = arith.constant 1 : i32
        %sub3A_1185 = arith.subi %div3A_1164, %sub3A_1184 : i32
        %select_n3A_1186 = arith.select %and3A_1183, %sub3A_1185, %div3A_1164 : i32
        %mul3A_1187 = arith.constant 50 : i32
        %mul3A_1188 = arith.muli %select_n3A_1186, %mul3A_1187 : i32
        %sub3A_1189 = arith.subi %add3A_1162, %mul3A_1188 : i32
        %slice3A_1190 = vector.extract_strided_slice %get3A_477 {offsets = [6], sizes = [1], strides = [1]} : vector<16xf32> to vector<1xf32>
        %squeeze3A_1191 = vector.extract %slice3A_1190[0] : f32 from vector<1xf32>
        %slice3A_1192 = vector.extract_strided_slice %get3A_484 {offsets = [6], sizes = [1], strides = [1]} : vector<16xf32> to vector<1xf32>
        %squeeze3A_1193 = vector.extract %slice3A_1192[0] : f32 from vector<1xf32>
        %slice3A_1194 = vector.extract_strided_slice %get3A_491 {offsets = [6], sizes = [1], strides = [1]} : vector<16xf32> to vector<1xf32>
        %squeeze3A_1195 = vector.extract %slice3A_1194[0] : f32 from vector<1xf32>
        %get3A_1196 = arith.constant 0 : i32
        %get3A_1197 = arith.constant 0 : i32
        %get3A_1198 = arith.index_cast %get3A_1196 : i32 to index
        %get3A_1199 = arith.index_cast %get3A_1197 : i32 to index
        %get3A_1200 = arith.index_cast %add3A_1162 : i32 to index
        %get3A_1201 = arith.constant 0 : index
        %get3A_1202 = tpu.vector_load %arg11[%get3A_1198, %get3A_1199, %get3A_1200, %get3A_1201] {strides = array<i32>} : memref<2x3x400x32xf32, #tpu.memory_space<vmem>>, vector<1x1x1x16xf32>,
        %get3A_1203 = vector.shape_cast %get3A_1202 : vector<1x1x1x16xf32> to vector<16xf32>
        %mul3A_1204 = vector.broadcast %squeeze3A_1191 : f32 to vector<16xf32>
        %mul3A_1205 = arith.mulf %mul3A_1204, %get3A_1203 : vector<16xf32>
        %get3A_1206 = arith.constant 0 : i32
        %get3A_1207 = arith.constant 1 : i32
        %get3A_1208 = arith.index_cast %get3A_1206 : i32 to index
        %get3A_1209 = arith.index_cast %get3A_1207 : i32 to index
        %get3A_1210 = arith.index_cast %add3A_1162 : i32 to index
        %get3A_1211 = arith.constant 0 : index
        %get3A_1212 = tpu.vector_load %arg11[%get3A_1208, %get3A_1209, %get3A_1210, %get3A_1211] {strides = array<i32>} : memref<2x3x400x32xf32, #tpu.memory_space<vmem>>, vector<1x1x1x16xf32>,
        %get3A_1213 = vector.shape_cast %get3A_1212 : vector<1x1x1x16xf32> to vector<16xf32>
        %mul3A_1214 = vector.broadcast %squeeze3A_1193 : f32 to vector<16xf32>
        %mul3A_1215 = arith.mulf %mul3A_1214, %get3A_1213 : vector<16xf32>
        %add3A_1216 = arith.addf %mul3A_1205, %mul3A_1215 : vector<16xf32>
        %get3A_1217 = arith.constant 0 : i32
        %get3A_1218 = arith.constant 2 : i32
        %get3A_1219 = arith.index_cast %get3A_1217 : i32 to index
        %get3A_1220 = arith.index_cast %get3A_1218 : i32 to index
        %get3A_1221 = arith.index_cast %add3A_1162 : i32 to index
        %get3A_1222 = arith.constant 0 : index
        %get3A_1223 = tpu.vector_load %arg11[%get3A_1219, %get3A_1220, %get3A_1221, %get3A_1222] {strides = array<i32>} : memref<2x3x400x32xf32, #tpu.memory_space<vmem>>, vector<1x1x1x16xf32>,
        %get3A_1224 = vector.shape_cast %get3A_1223 : vector<1x1x1x16xf32> to vector<16xf32>
        %mul3A_1225 = vector.broadcast %squeeze3A_1195 : f32 to vector<16xf32>
        %mul3A_1226 = arith.mulf %mul3A_1225, %get3A_1224 : vector<16xf32>
        %add3A_1227 = arith.addf %add3A_1216, %mul3A_1226 : vector<16xf32>
        %swap3A_1228 = arith.index_cast %select_n3A_1186 : i32 to index
        %swap3A_1229 = arith.index_cast %sub3A_1189 : i32 to index
        %swap3A_1230 = arith.constant 0 : index
        %swap3A_1231 = tpu.vector_load %arg12[%swap3A_1228, %swap3A_1229, %swap3A_1230] {strides = array<i32>} : memref<8x50x32xf32, #tpu.memory_space<vmem>>, vector<1x1x16xf32>,
        %swap3A_1232 = vector.shape_cast %swap3A_1231 : vector<1x1x16xf32> to vector<16xf32>
        %swap3A_1233 = vector.shape_cast %add3A_1227 : vector<16xf32> to vector<1x1x16xf32>
        tpu.vector_store %arg12[%swap3A_1228, %swap3A_1229, %swap3A_1230], %swap3A_1233 {strides = array<i32>} : memref<8x50x32xf32, #tpu.memory_space<vmem>>, vector<1x1x16xf32>,
        %get3A_1234 = arith.constant 0 : i32
        %get3A_1235 = arith.constant 0 : i32
        %get3A_1236 = arith.index_cast %get3A_1234 : i32 to index
        %get3A_1237 = arith.index_cast %get3A_1235 : i32 to index
        %get3A_1238 = arith.index_cast %add3A_1162 : i32 to index
        %get3A_1239 = arith.constant 16 : index
        %get3A_1240 = tpu.vector_load %arg11[%get3A_1236, %get3A_1237, %get3A_1238, %get3A_1239] {strides = array<i32>} : memref<2x3x400x32xf32, #tpu.memory_space<vmem>>, vector<1x1x1x16xf32>,
        %get3A_1241 = vector.shape_cast %get3A_1240 : vector<1x1x1x16xf32> to vector<16xf32>
        %mul3A_1242 = vector.broadcast %squeeze3A_1191 : f32 to vector<16xf32>
        %mul3A_1243 = arith.mulf %mul3A_1242, %get3A_1241 : vector<16xf32>
        %get3A_1244 = arith.constant 0 : i32
        %get3A_1245 = arith.constant 1 : i32
        %get3A_1246 = arith.index_cast %get3A_1244 : i32 to index
        %get3A_1247 = arith.index_cast %get3A_1245 : i32 to index
        %get3A_1248 = arith.index_cast %add3A_1162 : i32 to index
        %get3A_1249 = arith.constant 16 : index
        %get3A_1250 = tpu.vector_load %arg11[%get3A_1246, %get3A_1247, %get3A_1248, %get3A_1249] {strides = array<i32>} : memref<2x3x400x32xf32, #tpu.memory_space<vmem>>, vector<1x1x1x16xf32>,
        %get3A_1251 = vector.shape_cast %get3A_1250 : vector<1x1x1x16xf32> to vector<16xf32>
        %mul3A_1252 = vector.broadcast %squeeze3A_1193 : f32 to vector<16xf32>
        %mul3A_1253 = arith.mulf %mul3A_1252, %get3A_1251 : vector<16xf32>
        %add3A_1254 = arith.addf %mul3A_1243, %mul3A_1253 : vector<16xf32>
        %get3A_1255 = arith.constant 0 : i32
        %get3A_1256 = arith.constant 2 : i32
        %get3A_1257 = arith.index_cast %get3A_1255 : i32 to index
        %get3A_1258 = arith.index_cast %get3A_1256 : i32 to index
        %get3A_1259 = arith.index_cast %add3A_1162 : i32 to index
        %get3A_1260 = arith.constant 16 : index
        %get3A_1261 = tpu.vector_load %arg11[%get3A_1257, %get3A_1258, %get3A_1259, %get3A_1260] {strides = array<i32>} : memref<2x3x400x32xf32, #tpu.memory_space<vmem>>, vector<1x1x1x16xf32>,
        %get3A_1262 = vector.shape_cast %get3A_1261 : vector<1x1x1x16xf32> to vector<16xf32>
        %mul3A_1263 = vector.broadcast %squeeze3A_1195 : f32 to vector<16xf32>
        %mul3A_1264 = arith.mulf %mul3A_1263, %get3A_1262 : vector<16xf32>
        %add3A_1265 = arith.addf %add3A_1254, %mul3A_1264 : vector<16xf32>
        %swap3A_1266 = arith.index_cast %select_n3A_1186 : i32 to index
        %swap3A_1267 = arith.index_cast %sub3A_1189 : i32 to index
        %swap3A_1268 = arith.constant 16 : index
        %swap3A_1269 = tpu.vector_load %arg12[%swap3A_1266, %swap3A_1267, %swap3A_1268] {strides = array<i32>} : memref<8x50x32xf32, #tpu.memory_space<vmem>>, vector<1x1x16xf32>,
        %swap3A_1270 = vector.shape_cast %swap3A_1269 : vector<1x1x16xf32> to vector<16xf32>
        %swap3A_1271 = vector.shape_cast %add3A_1265 : vector<16xf32> to vector<1x1x16xf32>
        tpu.vector_store %arg12[%swap3A_1266, %swap3A_1267, %swap3A_1268], %swap3A_1271 {strides = array<i32>} : memref<8x50x32xf32, #tpu.memory_space<vmem>>, vector<1x1x16xf32>,
        %mul3A_1272 = arith.constant 16 : i32
        %mul3A_1273 = arith.muli %scan3A_469, %mul3A_1272 : i32
        %add3A_1274 = arith.constant 7 : i32
        %add3A_1275 = arith.addi %mul3A_1273, %add3A_1274 : i32
        %jit3A_1276 = arith.constant 50 : i32
        %div3A_1277 = arith.divsi %add3A_1275, %jit3A_1276 : i32
        %sign3A_1278 = arith.constant 0 : i32
        %sign3A_1279 = arith.cmpi sgt, %add3A_1275, %sign3A_1278 : i32
        %sign3A_1280 = arith.extui %sign3A_1279 : i1 to i32
        %sign3A_1281 = arith.constant 0 : i32
        %sign3A_1282 = arith.cmpi slt, %add3A_1275, %sign3A_1281 : i32
        %sign3A_1283 = arith.extui %sign3A_1282 : i1 to i32
        %sign3A_1284 = arith.subi %sign3A_1280, %sign3A_1283 : i32
        %sign3A_1285 = arith.constant 0 : i32
        %sign3A_1286 = arith.cmpi sgt, %jit3A_1276, %sign3A_1285 : i32
        %sign3A_1287 = arith.extui %sign3A_1286 : i1 to i32
        %sign3A_1288 = arith.constant 0 : i32
        %sign3A_1289 = arith.cmpi slt, %jit3A_1276, %sign3A_1288 : i32
        %sign3A_1290 = arith.extui %sign3A_1289 : i1 to i32
        %sign3A_1291 = arith.subi %sign3A_1287, %sign3A_1290 : i32
        %ne3A_1292 = arith.cmpi ne, %sign3A_1284, %sign3A_1291 : i32
        %rem3A_1293 = arith.remsi %add3A_1275, %jit3A_1276 : i32
        %ne3A_1294 = arith.constant 0 : i32
        %ne3A_1295 = arith.cmpi ne, %rem3A_1293, %ne3A_1294 : i32
        %and3A_1296 = arith.andi %ne3A_1292, %ne3A_1295 : i1
        %sub3A_1297 = arith.constant 1 : i32
        %sub3A_1298 = arith.subi %div3A_1277, %sub3A_1297 : i32
        %select_n3A_1299 = arith.select %and3A_1296, %sub3A_1298, %div3A_1277 : i32
        %mul3A_1300 = arith.constant 50 : i32
        %mul3A_1301 = arith.muli %select_n3A_1299, %mul3A_1300 : i32
        %sub3A_1302 = arith.subi %add3A_1275, %mul3A_1301 : i32
        %slice3A_1303 = vector.extract_strided_slice %get3A_477 {offsets = [7], sizes = [1], strides = [1]} : vector<16xf32> to vector<1xf32>
        %squeeze3A_1304 = vector.extract %slice3A_1303[0] : f32 from vector<1xf32>
        %slice3A_1305 = vector.extract_strided_slice %get3A_484 {offsets = [7], sizes = [1], strides = [1]} : vector<16xf32> to vector<1xf32>
        %squeeze3A_1306 = vector.extract %slice3A_1305[0] : f32 from vector<1xf32>
        %slice3A_1307 = vector.extract_strided_slice %get3A_491 {offsets = [7], sizes = [1], strides = [1]} : vector<16xf32> to vector<1xf32>
        %squeeze3A_1308 = vector.extract %slice3A_1307[0] : f32 from vector<1xf32>
        %get3A_1309 = arith.constant 0 : i32
        %get3A_1310 = arith.constant 0 : i32
        %get3A_1311 = arith.index_cast %get3A_1309 : i32 to index
        %get3A_1312 = arith.index_cast %get3A_1310 : i32 to index
        %get3A_1313 = arith.index_cast %add3A_1275 : i32 to index
        %get3A_1314 = arith.constant 0 : index
        %get3A_1315 = tpu.vector_load %arg11[%get3A_1311, %get3A_1312, %get3A_1313, %get3A_1314] {strides = array<i32>} : memref<2x3x400x32xf32, #tpu.memory_space<vmem>>, vector<1x1x1x16xf32>,
        %get3A_1316 = vector.shape_cast %get3A_1315 : vector<1x1x1x16xf32> to vector<16xf32>
        %mul3A_1317 = vector.broadcast %squeeze3A_1304 : f32 to vector<16xf32>
        %mul3A_1318 = arith.mulf %mul3A_1317, %get3A_1316 : vector<16xf32>
        %get3A_1319 = arith.constant 0 : i32
        %get3A_1320 = arith.constant 1 : i32
        %get3A_1321 = arith.index_cast %get3A_1319 : i32 to index
        %get3A_1322 = arith.index_cast %get3A_1320 : i32 to index
        %get3A_1323 = arith.index_cast %add3A_1275 : i32 to index
        %get3A_1324 = arith.constant 0 : index
        %get3A_1325 = tpu.vector_load %arg11[%get3A_1321, %get3A_1322, %get3A_1323, %get3A_1324] {strides = array<i32>} : memref<2x3x400x32xf32, #tpu.memory_space<vmem>>, vector<1x1x1x16xf32>,
        %get3A_1326 = vector.shape_cast %get3A_1325 : vector<1x1x1x16xf32> to vector<16xf32>
        %mul3A_1327 = vector.broadcast %squeeze3A_1306 : f32 to vector<16xf32>
        %mul3A_1328 = arith.mulf %mul3A_1327, %get3A_1326 : vector<16xf32>
        %add3A_1329 = arith.addf %mul3A_1318, %mul3A_1328 : vector<16xf32>
        %get3A_1330 = arith.constant 0 : i32
        %get3A_1331 = arith.constant 2 : i32
        %get3A_1332 = arith.index_cast %get3A_1330 : i32 to index
        %get3A_1333 = arith.index_cast %get3A_1331 : i32 to index
        %get3A_1334 = arith.index_cast %add3A_1275 : i32 to index
        %get3A_1335 = arith.constant 0 : index
        %get3A_1336 = tpu.vector_load %arg11[%get3A_1332, %get3A_1333, %get3A_1334, %get3A_1335] {strides = array<i32>} : memref<2x3x400x32xf32, #tpu.memory_space<vmem>>, vector<1x1x1x16xf32>,
        %get3A_1337 = vector.shape_cast %get3A_1336 : vector<1x1x1x16xf32> to vector<16xf32>
        %mul3A_1338 = vector.broadcast %squeeze3A_1308 : f32 to vector<16xf32>
        %mul3A_1339 = arith.mulf %mul3A_1338, %get3A_1337 : vector<16xf32>
        %add3A_1340 = arith.addf %add3A_1329, %mul3A_1339 : vector<16xf32>
        %swap3A_1341 = arith.index_cast %select_n3A_1299 : i32 to index
        %swap3A_1342 = arith.index_cast %sub3A_1302 : i32 to index
        %swap3A_1343 = arith.constant 0 : index
        %swap3A_1344 = tpu.vector_load %arg12[%swap3A_1341, %swap3A_1342, %swap3A_1343] {strides = array<i32>} : memref<8x50x32xf32, #tpu.memory_space<vmem>>, vector<1x1x16xf32>,
        %swap3A_1345 = vector.shape_cast %swap3A_1344 : vector<1x1x16xf32> to vector<16xf32>
        %swap3A_1346 = vector.shape_cast %add3A_1340 : vector<16xf32> to vector<1x1x16xf32>
        tpu.vector_store %arg12[%swap3A_1341, %swap3A_1342, %swap3A_1343], %swap3A_1346 {strides = array<i32>} : memref<8x50x32xf32, #tpu.memory_space<vmem>>, vector<1x1x16xf32>,
        %get3A_1347 = arith.constant 0 : i32
        %get3A_1348 = arith.constant 0 : i32
        %get3A_1349 = arith.index_cast %get3A_1347 : i32 to index
        %get3A_1350 = arith.index_cast %get3A_1348 : i32 to index
        %get3A_1351 = arith.index_cast %add3A_1275 : i32 to index
        %get3A_1352 = arith.constant 16 : index
        %get3A_1353 = tpu.vector_load %arg11[%get3A_1349, %get3A_1350, %get3A_1351, %get3A_1352] {strides = array<i32>} : memref<2x3x400x32xf32, #tpu.memory_space<vmem>>, vector<1x1x1x16xf32>,
        %get3A_1354 = vector.shape_cast %get3A_1353 : vector<1x1x1x16xf32> to vector<16xf32>
        %mul3A_1355 = vector.broadcast %squeeze3A_1304 : f32 to vector<16xf32>
        %mul3A_1356 = arith.mulf %mul3A_1355, %get3A_1354 : vector<16xf32>
        %get3A_1357 = arith.constant 0 : i32
        %get3A_1358 = arith.constant 1 : i32
        %get3A_1359 = arith.index_cast %get3A_1357 : i32 to index
        %get3A_1360 = arith.index_cast %get3A_1358 : i32 to index
        %get3A_1361 = arith.index_cast %add3A_1275 : i32 to index
        %get3A_1362 = arith.constant 16 : index
        %get3A_1363 = tpu.vector_load %arg11[%get3A_1359, %get3A_1360, %get3A_1361, %get3A_1362] {strides = array<i32>} : memref<2x3x400x32xf32, #tpu.memory_space<vmem>>, vector<1x1x1x16xf32>,
        %get3A_1364 = vector.shape_cast %get3A_1363 : vector<1x1x1x16xf32> to vector<16xf32>
        %mul3A_1365 = vector.broadcast %squeeze3A_1306 : f32 to vector<16xf32>
        %mul3A_1366 = arith.mulf %mul3A_1365, %get3A_1364 : vector<16xf32>
        %add3A_1367 = arith.addf %mul3A_1356, %mul3A_1366 : vector<16xf32>
        %get3A_1368 = arith.constant 0 : i32
        %get3A_1369 = arith.constant 2 : i32
        %get3A_1370 = arith.index_cast %get3A_1368 : i32 to index
        %get3A_1371 = arith.index_cast %get3A_1369 : i32 to index
        %get3A_1372 = arith.index_cast %add3A_1275 : i32 to index
        %get3A_1373 = arith.constant 16 : index
        %get3A_1374 = tpu.vector_load %arg11[%get3A_1370, %get3A_1371, %get3A_1372, %get3A_1373] {strides = array<i32>} : memref<2x3x400x32xf32, #tpu.memory_space<vmem>>, vector<1x1x1x16xf32>,
        %get3A_1375 = vector.shape_cast %get3A_1374 : vector<1x1x1x16xf32> to vector<16xf32>
        %mul3A_1376 = vector.broadcast %squeeze3A_1308 : f32 to vector<16xf32>
        %mul3A_1377 = arith.mulf %mul3A_1376, %get3A_1375 : vector<16xf32>
        %add3A_1378 = arith.addf %add3A_1367, %mul3A_1377 : vector<16xf32>
        %swap3A_1379 = arith.index_cast %select_n3A_1299 : i32 to index
        %swap3A_1380 = arith.index_cast %sub3A_1302 : i32 to index
        %swap3A_1381 = arith.constant 16 : index
        %swap3A_1382 = tpu.vector_load %arg12[%swap3A_1379, %swap3A_1380, %swap3A_1381] {strides = array<i32>} : memref<8x50x32xf32, #tpu.memory_space<vmem>>, vector<1x1x16xf32>,
        %swap3A_1383 = vector.shape_cast %swap3A_1382 : vector<1x1x16xf32> to vector<16xf32>
        %swap3A_1384 = vector.shape_cast %add3A_1378 : vector<16xf32> to vector<1x1x16xf32>
        tpu.vector_store %arg12[%swap3A_1379, %swap3A_1380, %swap3A_1381], %swap3A_1384 {strides = array<i32>} : memref<8x50x32xf32, #tpu.memory_space<vmem>>, vector<1x1x16xf32>,
        %mul3A_1385 = arith.constant 16 : i32
        %mul3A_1386 = arith.muli %scan3A_469, %mul3A_1385 : i32
        %add3A_1387 = arith.constant 8 : i32
        %add3A_1388 = arith.addi %mul3A_1386, %add3A_1387 : i32
        %jit3A_1389 = arith.constant 50 : i32
        %div3A_1390 = arith.divsi %add3A_1388, %jit3A_1389 : i32
        %sign3A_1391 = arith.constant 0 : i32
        %sign3A_1392 = arith.cmpi sgt, %add3A_1388, %sign3A_1391 : i32
        %sign3A_1393 = arith.extui %sign3A_1392 : i1 to i32
        %sign3A_1394 = arith.constant 0 : i32
        %sign3A_1395 = arith.cmpi slt, %add3A_1388, %sign3A_1394 : i32
        %sign3A_1396 = arith.extui %sign3A_1395 : i1 to i32
        %sign3A_1397 = arith.subi %sign3A_1393, %sign3A_1396 : i32
        %sign3A_1398 = arith.constant 0 : i32
        %sign3A_1399 = arith.cmpi sgt, %jit3A_1389, %sign3A_1398 : i32
        %sign3A_1400 = arith.extui %sign3A_1399 : i1 to i32
        %sign3A_1401 = arith.constant 0 : i32
        %sign3A_1402 = arith.cmpi slt, %jit3A_1389, %sign3A_1401 : i32
        %sign3A_1403 = arith.extui %sign3A_1402 : i1 to i32
        %sign3A_1404 = arith.subi %sign3A_1400, %sign3A_1403 : i32
        %ne3A_1405 = arith.cmpi ne, %sign3A_1397, %sign3A_1404 : i32
        %rem3A_1406 = arith.remsi %add3A_1388, %jit3A_1389 : i32
        %ne3A_1407 = arith.constant 0 : i32
        %ne3A_1408 = arith.cmpi ne, %rem3A_1406, %ne3A_1407 : i32
        %and3A_1409 = arith.andi %ne3A_1405, %ne3A_1408 : i1
        %sub3A_1410 = arith.constant 1 : i32
        %sub3A_1411 = arith.subi %div3A_1390, %sub3A_1410 : i32
        %select_n3A_1412 = arith.select %and3A_1409, %sub3A_1411, %div3A_1390 : i32
        %mul3A_1413 = arith.constant 50 : i32
        %mul3A_1414 = arith.muli %select_n3A_1412, %mul3A_1413 : i32
        %sub3A_1415 = arith.subi %add3A_1388, %mul3A_1414 : i32
        %slice3A_1416 = vector.extract_strided_slice %get3A_477 {offsets = [8], sizes = [1], strides = [1]} : vector<16xf32> to vector<1xf32>
        %squeeze3A_1417 = vector.extract %slice3A_1416[0] : f32 from vector<1xf32>
        %slice3A_1418 = vector.extract_strided_slice %get3A_484 {offsets = [8], sizes = [1], strides = [1]} : vector<16xf32> to vector<1xf32>
        %squeeze3A_1419 = vector.extract %slice3A_1418[0] : f32 from vector<1xf32>
        %slice3A_1420 = vector.extract_strided_slice %get3A_491 {offsets = [8], sizes = [1], strides = [1]} : vector<16xf32> to vector<1xf32>
        %squeeze3A_1421 = vector.extract %slice3A_1420[0] : f32 from vector<1xf32>
        %get3A_1422 = arith.constant 0 : i32
        %get3A_1423 = arith.constant 0 : i32
        %get3A_1424 = arith.index_cast %get3A_1422 : i32 to index
        %get3A_1425 = arith.index_cast %get3A_1423 : i32 to index
        %get3A_1426 = arith.index_cast %add3A_1388 : i32 to index
        %get3A_1427 = arith.constant 0 : index
        %get3A_1428 = tpu.vector_load %arg11[%get3A_1424, %get3A_1425, %get3A_1426, %get3A_1427] {strides = array<i32>} : memref<2x3x400x32xf32, #tpu.memory_space<vmem>>, vector<1x1x1x16xf32>,
        %get3A_1429 = vector.shape_cast %get3A_1428 : vector<1x1x1x16xf32> to vector<16xf32>
        %mul3A_1430 = vector.broadcast %squeeze3A_1417 : f32 to vector<16xf32>
        %mul3A_1431 = arith.mulf %mul3A_1430, %get3A_1429 : vector<16xf32>
        %get3A_1432 = arith.constant 0 : i32
        %get3A_1433 = arith.constant 1 : i32
        %get3A_1434 = arith.index_cast %get3A_1432 : i32 to index
        %get3A_1435 = arith.index_cast %get3A_1433 : i32 to index
        %get3A_1436 = arith.index_cast %add3A_1388 : i32 to index
        %get3A_1437 = arith.constant 0 : index
        %get3A_1438 = tpu.vector_load %arg11[%get3A_1434, %get3A_1435, %get3A_1436, %get3A_1437] {strides = array<i32>} : memref<2x3x400x32xf32, #tpu.memory_space<vmem>>, vector<1x1x1x16xf32>,
        %get3A_1439 = vector.shape_cast %get3A_1438 : vector<1x1x1x16xf32> to vector<16xf32>
        %mul3A_1440 = vector.broadcast %squeeze3A_1419 : f32 to vector<16xf32>
        %mul3A_1441 = arith.mulf %mul3A_1440, %get3A_1439 : vector<16xf32>
        %add3A_1442 = arith.addf %mul3A_1431, %mul3A_1441 : vector<16xf32>
        %get3A_1443 = arith.constant 0 : i32
        %get3A_1444 = arith.constant 2 : i32
        %get3A_1445 = arith.index_cast %get3A_1443 : i32 to index
        %get3A_1446 = arith.index_cast %get3A_1444 : i32 to index
        %get3A_1447 = arith.index_cast %add3A_1388 : i32 to index
        %get3A_1448 = arith.constant 0 : index
        %get3A_1449 = tpu.vector_load %arg11[%get3A_1445, %get3A_1446, %get3A_1447, %get3A_1448] {strides = array<i32>} : memref<2x3x400x32xf32, #tpu.memory_space<vmem>>, vector<1x1x1x16xf32>,
        %get3A_1450 = vector.shape_cast %get3A_1449 : vector<1x1x1x16xf32> to vector<16xf32>
        %mul3A_1451 = vector.broadcast %squeeze3A_1421 : f32 to vector<16xf32>
        %mul3A_1452 = arith.mulf %mul3A_1451, %get3A_1450 : vector<16xf32>
        %add3A_1453 = arith.addf %add3A_1442, %mul3A_1452 : vector<16xf32>
        %swap3A_1454 = arith.index_cast %select_n3A_1412 : i32 to index
        %swap3A_1455 = arith.index_cast %sub3A_1415 : i32 to index
        %swap3A_1456 = arith.constant 0 : index
        %swap3A_1457 = tpu.vector_load %arg12[%swap3A_1454, %swap3A_1455, %swap3A_1456] {strides = array<i32>} : memref<8x50x32xf32, #tpu.memory_space<vmem>>, vector<1x1x16xf32>,
        %swap3A_1458 = vector.shape_cast %swap3A_1457 : vector<1x1x16xf32> to vector<16xf32>
        %swap3A_1459 = vector.shape_cast %add3A_1453 : vector<16xf32> to vector<1x1x16xf32>
        tpu.vector_store %arg12[%swap3A_1454, %swap3A_1455, %swap3A_1456], %swap3A_1459 {strides = array<i32>} : memref<8x50x32xf32, #tpu.memory_space<vmem>>, vector<1x1x16xf32>,
        %get3A_1460 = arith.constant 0 : i32
        %get3A_1461 = arith.constant 0 : i32
        %get3A_1462 = arith.index_cast %get3A_1460 : i32 to index
        %get3A_1463 = arith.index_cast %get3A_1461 : i32 to index
        %get3A_1464 = arith.index_cast %add3A_1388 : i32 to index
        %get3A_1465 = arith.constant 16 : index
        %get3A_1466 = tpu.vector_load %arg11[%get3A_1462, %get3A_1463, %get3A_1464, %get3A_1465] {strides = array<i32>} : memref<2x3x400x32xf32, #tpu.memory_space<vmem>>, vector<1x1x1x16xf32>,
        %get3A_1467 = vector.shape_cast %get3A_1466 : vector<1x1x1x16xf32> to vector<16xf32>
        %mul3A_1468 = vector.broadcast %squeeze3A_1417 : f32 to vector<16xf32>
        %mul3A_1469 = arith.mulf %mul3A_1468, %get3A_1467 : vector<16xf32>
        %get3A_1470 = arith.constant 0 : i32
        %get3A_1471 = arith.constant 1 : i32
        %get3A_1472 = arith.index_cast %get3A_1470 : i32 to index
        %get3A_1473 = arith.index_cast %get3A_1471 : i32 to index
        %get3A_1474 = arith.index_cast %add3A_1388 : i32 to index
        %get3A_1475 = arith.constant 16 : index
        %get3A_1476 = tpu.vector_load %arg11[%get3A_1472, %get3A_1473, %get3A_1474, %get3A_1475] {strides = array<i32>} : memref<2x3x400x32xf32, #tpu.memory_space<vmem>>, vector<1x1x1x16xf32>,
        %get3A_1477 = vector.shape_cast %get3A_1476 : vector<1x1x1x16xf32> to vector<16xf32>
        %mul3A_1478 = vector.broadcast %squeeze3A_1419 : f32 to vector<16xf32>
        %mul3A_1479 = arith.mulf %mul3A_1478, %get3A_1477 : vector<16xf32>
        %add3A_1480 = arith.addf %mul3A_1469, %mul3A_1479 : vector<16xf32>
        %get3A_1481 = arith.constant 0 : i32
        %get3A_1482 = arith.constant 2 : i32
        %get3A_1483 = arith.index_cast %get3A_1481 : i32 to index
        %get3A_1484 = arith.index_cast %get3A_1482 : i32 to index
        %get3A_1485 = arith.index_cast %add3A_1388 : i32 to index
        %get3A_1486 = arith.constant 16 : index
        %get3A_1487 = tpu.vector_load %arg11[%get3A_1483, %get3A_1484, %get3A_1485, %get3A_1486] {strides = array<i32>} : memref<2x3x400x32xf32, #tpu.memory_space<vmem>>, vector<1x1x1x16xf32>,
        %get3A_1488 = vector.shape_cast %get3A_1487 : vector<1x1x1x16xf32> to vector<16xf32>
        %mul3A_1489 = vector.broadcast %squeeze3A_1421 : f32 to vector<16xf32>
        %mul3A_1490 = arith.mulf %mul3A_1489, %get3A_1488 : vector<16xf32>
        %add3A_1491 = arith.addf %add3A_1480, %mul3A_1490 : vector<16xf32>
        %swap3A_1492 = arith.index_cast %select_n3A_1412 : i32 to index
        %swap3A_1493 = arith.index_cast %sub3A_1415 : i32 to index
        %swap3A_1494 = arith.constant 16 : index
        %swap3A_1495 = tpu.vector_load %arg12[%swap3A_1492, %swap3A_1493, %swap3A_1494] {strides = array<i32>} : memref<8x50x32xf32, #tpu.memory_space<vmem>>, vector<1x1x16xf32>,
        %swap3A_1496 = vector.shape_cast %swap3A_1495 : vector<1x1x16xf32> to vector<16xf32>
        %swap3A_1497 = vector.shape_cast %add3A_1491 : vector<16xf32> to vector<1x1x16xf32>
        tpu.vector_store %arg12[%swap3A_1492, %swap3A_1493, %swap3A_1494], %swap3A_1497 {strides = array<i32>} : memref<8x50x32xf32, #tpu.memory_space<vmem>>, vector<1x1x16xf32>,
        %mul3A_1498 = arith.constant 16 : i32
        %mul3A_1499 = arith.muli %scan3A_469, %mul3A_1498 : i32
        %add3A_1500 = arith.constant 9 : i32
        %add3A_1501 = arith.addi %mul3A_1499, %add3A_1500 : i32
        %jit3A_1502 = arith.constant 50 : i32
        %div3A_1503 = arith.divsi %add3A_1501, %jit3A_1502 : i32
        %sign3A_1504 = arith.constant 0 : i32
        %sign3A_1505 = arith.cmpi sgt, %add3A_1501, %sign3A_1504 : i32
        %sign3A_1506 = arith.extui %sign3A_1505 : i1 to i32
        %sign3A_1507 = arith.constant 0 : i32
        %sign3A_1508 = arith.cmpi slt, %add3A_1501, %sign3A_1507 : i32
        %sign3A_1509 = arith.extui %sign3A_1508 : i1 to i32
        %sign3A_1510 = arith.subi %sign3A_1506, %sign3A_1509 : i32
        %sign3A_1511 = arith.constant 0 : i32
        %sign3A_1512 = arith.cmpi sgt, %jit3A_1502, %sign3A_1511 : i32
        %sign3A_1513 = arith.extui %sign3A_1512 : i1 to i32
        %sign3A_1514 = arith.constant 0 : i32
        %sign3A_1515 = arith.cmpi slt, %jit3A_1502, %sign3A_1514 : i32
        %sign3A_1516 = arith.extui %sign3A_1515 : i1 to i32
        %sign3A_1517 = arith.subi %sign3A_1513, %sign3A_1516 : i32
        %ne3A_1518 = arith.cmpi ne, %sign3A_1510, %sign3A_1517 : i32
        %rem3A_1519 = arith.remsi %add3A_1501, %jit3A_1502 : i32
        %ne3A_1520 = arith.constant 0 : i32
        %ne3A_1521 = arith.cmpi ne, %rem3A_1519, %ne3A_1520 : i32
        %and3A_1522 = arith.andi %ne3A_1518, %ne3A_1521 : i1
        %sub3A_1523 = arith.constant 1 : i32
        %sub3A_1524 = arith.subi %div3A_1503, %sub3A_1523 : i32
        %select_n3A_1525 = arith.select %and3A_1522, %sub3A_1524, %div3A_1503 : i32
        %mul3A_1526 = arith.constant 50 : i32
        %mul3A_1527 = arith.muli %select_n3A_1525, %mul3A_1526 : i32
        %sub3A_1528 = arith.subi %add3A_1501, %mul3A_1527 : i32
        %slice3A_1529 = vector.extract_strided_slice %get3A_477 {offsets = [9], sizes = [1], strides = [1]} : vector<16xf32> to vector<1xf32>
        %squeeze3A_1530 = vector.extract %slice3A_1529[0] : f32 from vector<1xf32>
        %slice3A_1531 = vector.extract_strided_slice %get3A_484 {offsets = [9], sizes = [1], strides = [1]} : vector<16xf32> to vector<1xf32>
        %squeeze3A_1532 = vector.extract %slice3A_1531[0] : f32 from vector<1xf32>
        %slice3A_1533 = vector.extract_strided_slice %get3A_491 {offsets = [9], sizes = [1], strides = [1]} : vector<16xf32> to vector<1xf32>
        %squeeze3A_1534 = vector.extract %slice3A_1533[0] : f32 from vector<1xf32>
        %get3A_1535 = arith.constant 0 : i32
        %get3A_1536 = arith.constant 0 : i32
        %get3A_1537 = arith.index_cast %get3A_1535 : i32 to index
        %get3A_1538 = arith.index_cast %get3A_1536 : i32 to index
        %get3A_1539 = arith.index_cast %add3A_1501 : i32 to index
        %get3A_1540 = arith.constant 0 : index
        %get3A_1541 = tpu.vector_load %arg11[%get3A_1537, %get3A_1538, %get3A_1539, %get3A_1540] {strides = array<i32>} : memref<2x3x400x32xf32, #tpu.memory_space<vmem>>, vector<1x1x1x16xf32>,
        %get3A_1542 = vector.shape_cast %get3A_1541 : vector<1x1x1x16xf32> to vector<16xf32>
        %mul3A_1543 = vector.broadcast %squeeze3A_1530 : f32 to vector<16xf32>
        %mul3A_1544 = arith.mulf %mul3A_1543, %get3A_1542 : vector<16xf32>
        %get3A_1545 = arith.constant 0 : i32
        %get3A_1546 = arith.constant 1 : i32
        %get3A_1547 = arith.index_cast %get3A_1545 : i32 to index
        %get3A_1548 = arith.index_cast %get3A_1546 : i32 to index
        %get3A_1549 = arith.index_cast %add3A_1501 : i32 to index
        %get3A_1550 = arith.constant 0 : index
        %get3A_1551 = tpu.vector_load %arg11[%get3A_1547, %get3A_1548, %get3A_1549, %get3A_1550] {strides = array<i32>} : memref<2x3x400x32xf32, #tpu.memory_space<vmem>>, vector<1x1x1x16xf32>,
        %get3A_1552 = vector.shape_cast %get3A_1551 : vector<1x1x1x16xf32> to vector<16xf32>
        %mul3A_1553 = vector.broadcast %squeeze3A_1532 : f32 to vector<16xf32>
        %mul3A_1554 = arith.mulf %mul3A_1553, %get3A_1552 : vector<16xf32>
        %add3A_1555 = arith.addf %mul3A_1544, %mul3A_1554 : vector<16xf32>
        %get3A_1556 = arith.constant 0 : i32
        %get3A_1557 = arith.constant 2 : i32
        %get3A_1558 = arith.index_cast %get3A_1556 : i32 to index
        %get3A_1559 = arith.index_cast %get3A_1557 : i32 to index
        %get3A_1560 = arith.index_cast %add3A_1501 : i32 to index
        %get3A_1561 = arith.constant 0 : index
        %get3A_1562 = tpu.vector_load %arg11[%get3A_1558, %get3A_1559, %get3A_1560, %get3A_1561] {strides = array<i32>} : memref<2x3x400x32xf32, #tpu.memory_space<vmem>>, vector<1x1x1x16xf32>,
        %get3A_1563 = vector.shape_cast %get3A_1562 : vector<1x1x1x16xf32> to vector<16xf32>
        %mul3A_1564 = vector.broadcast %squeeze3A_1534 : f32 to vector<16xf32>
        %mul3A_1565 = arith.mulf %mul3A_1564, %get3A_1563 : vector<16xf32>
        %add3A_1566 = arith.addf %add3A_1555, %mul3A_1565 : vector<16xf32>
        %swap3A_1567 = arith.index_cast %select_n3A_1525 : i32 to index
        %swap3A_1568 = arith.index_cast %sub3A_1528 : i32 to index
        %swap3A_1569 = arith.constant 0 : index
        %swap3A_1570 = tpu.vector_load %arg12[%swap3A_1567, %swap3A_1568, %swap3A_1569] {strides = array<i32>} : memref<8x50x32xf32, #tpu.memory_space<vmem>>, vector<1x1x16xf32>,
        %swap3A_1571 = vector.shape_cast %swap3A_1570 : vector<1x1x16xf32> to vector<16xf32>
        %swap3A_1572 = vector.shape_cast %add3A_1566 : vector<16xf32> to vector<1x1x16xf32>
        tpu.vector_store %arg12[%swap3A_1567, %swap3A_1568, %swap3A_1569], %swap3A_1572 {strides = array<i32>} : memref<8x50x32xf32, #tpu.memory_space<vmem>>, vector<1x1x16xf32>,
        %get3A_1573 = arith.constant 0 : i32
        %get3A_1574 = arith.constant 0 : i32
        %get3A_1575 = arith.index_cast %get3A_1573 : i32 to index
        %get3A_1576 = arith.index_cast %get3A_1574 : i32 to index
        %get3A_1577 = arith.index_cast %add3A_1501 : i32 to index
        %get3A_1578 = arith.constant 16 : index
        %get3A_1579 = tpu.vector_load %arg11[%get3A_1575, %get3A_1576, %get3A_1577, %get3A_1578] {strides = array<i32>} : memref<2x3x400x32xf32, #tpu.memory_space<vmem>>, vector<1x1x1x16xf32>,
        %get3A_1580 = vector.shape_cast %get3A_1579 : vector<1x1x1x16xf32> to vector<16xf32>
        %mul3A_1581 = vector.broadcast %squeeze3A_1530 : f32 to vector<16xf32>
        %mul3A_1582 = arith.mulf %mul3A_1581, %get3A_1580 : vector<16xf32>
        %get3A_1583 = arith.constant 0 : i32
        %get3A_1584 = arith.constant 1 : i32
        %get3A_1585 = arith.index_cast %get3A_1583 : i32 to index
        %get3A_1586 = arith.index_cast %get3A_1584 : i32 to index
        %get3A_1587 = arith.index_cast %add3A_1501 : i32 to index
        %get3A_1588 = arith.constant 16 : index
        %get3A_1589 = tpu.vector_load %arg11[%get3A_1585, %get3A_1586, %get3A_1587, %get3A_1588] {strides = array<i32>} : memref<2x3x400x32xf32, #tpu.memory_space<vmem>>, vector<1x1x1x16xf32>,
        %get3A_1590 = vector.shape_cast %get3A_1589 : vector<1x1x1x16xf32> to vector<16xf32>
        %mul3A_1591 = vector.broadcast %squeeze3A_1532 : f32 to vector<16xf32>
        %mul3A_1592 = arith.mulf %mul3A_1591, %get3A_1590 : vector<16xf32>
        %add3A_1593 = arith.addf %mul3A_1582, %mul3A_1592 : vector<16xf32>
        %get3A_1594 = arith.constant 0 : i32
        %get3A_1595 = arith.constant 2 : i32
        %get3A_1596 = arith.index_cast %get3A_1594 : i32 to index
        %get3A_1597 = arith.index_cast %get3A_1595 : i32 to index
        %get3A_1598 = arith.index_cast %add3A_1501 : i32 to index
        %get3A_1599 = arith.constant 16 : index
        %get3A_1600 = tpu.vector_load %arg11[%get3A_1596, %get3A_1597, %get3A_1598, %get3A_1599] {strides = array<i32>} : memref<2x3x400x32xf32, #tpu.memory_space<vmem>>, vector<1x1x1x16xf32>,
        %get3A_1601 = vector.shape_cast %get3A_1600 : vector<1x1x1x16xf32> to vector<16xf32>
        %mul3A_1602 = vector.broadcast %squeeze3A_1534 : f32 to vector<16xf32>
        %mul3A_1603 = arith.mulf %mul3A_1602, %get3A_1601 : vector<16xf32>
        %add3A_1604 = arith.addf %add3A_1593, %mul3A_1603 : vector<16xf32>
        %swap3A_1605 = arith.index_cast %select_n3A_1525 : i32 to index
        %swap3A_1606 = arith.index_cast %sub3A_1528 : i32 to index
        %swap3A_1607 = arith.constant 16 : index
        %swap3A_1608 = tpu.vector_load %arg12[%swap3A_1605, %swap3A_1606, %swap3A_1607] {strides = array<i32>} : memref<8x50x32xf32, #tpu.memory_space<vmem>>, vector<1x1x16xf32>,
        %swap3A_1609 = vector.shape_cast %swap3A_1608 : vector<1x1x16xf32> to vector<16xf32>
        %swap3A_1610 = vector.shape_cast %add3A_1604 : vector<16xf32> to vector<1x1x16xf32>
        tpu.vector_store %arg12[%swap3A_1605, %swap3A_1606, %swap3A_1607], %swap3A_1610 {strides = array<i32>} : memref<8x50x32xf32, #tpu.memory_space<vmem>>, vector<1x1x16xf32>,
        %mul3A_1611 = arith.constant 16 : i32
        %mul3A_1612 = arith.muli %scan3A_469, %mul3A_1611 : i32
        %add3A_1613 = arith.constant 10 : i32
        %add3A_1614 = arith.addi %mul3A_1612, %add3A_1613 : i32
        %jit3A_1615 = arith.constant 50 : i32
        %div3A_1616 = arith.divsi %add3A_1614, %jit3A_1615 : i32
        %sign3A_1617 = arith.constant 0 : i32
        %sign3A_1618 = arith.cmpi sgt, %add3A_1614, %sign3A_1617 : i32
        %sign3A_1619 = arith.extui %sign3A_1618 : i1 to i32
        %sign3A_1620 = arith.constant 0 : i32
        %sign3A_1621 = arith.cmpi slt, %add3A_1614, %sign3A_1620 : i32
        %sign3A_1622 = arith.extui %sign3A_1621 : i1 to i32
        %sign3A_1623 = arith.subi %sign3A_1619, %sign3A_1622 : i32
        %sign3A_1624 = arith.constant 0 : i32
        %sign3A_1625 = arith.cmpi sgt, %jit3A_1615, %sign3A_1624 : i32
        %sign3A_1626 = arith.extui %sign3A_1625 : i1 to i32
        %sign3A_1627 = arith.constant 0 : i32
        %sign3A_1628 = arith.cmpi slt, %jit3A_1615, %sign3A_1627 : i32
        %sign3A_1629 = arith.extui %sign3A_1628 : i1 to i32
        %sign3A_1630 = arith.subi %sign3A_1626, %sign3A_1629 : i32
        %ne3A_1631 = arith.cmpi ne, %sign3A_1623, %sign3A_1630 : i32
        %rem3A_1632 = arith.remsi %add3A_1614, %jit3A_1615 : i32
        %ne3A_1633 = arith.constant 0 : i32
        %ne3A_1634 = arith.cmpi ne, %rem3A_1632, %ne3A_1633 : i32
        %and3A_1635 = arith.andi %ne3A_1631, %ne3A_1634 : i1
        %sub3A_1636 = arith.constant 1 : i32
        %sub3A_1637 = arith.subi %div3A_1616, %sub3A_1636 : i32
        %select_n3A_1638 = arith.select %and3A_1635, %sub3A_1637, %div3A_1616 : i32
        %mul3A_1639 = arith.constant 50 : i32
        %mul3A_1640 = arith.muli %select_n3A_1638, %mul3A_1639 : i32
        %sub3A_1641 = arith.subi %add3A_1614, %mul3A_1640 : i32
        %slice3A_1642 = vector.extract_strided_slice %get3A_477 {offsets = [10], sizes = [1], strides = [1]} : vector<16xf32> to vector<1xf32>
        %squeeze3A_1643 = vector.extract %slice3A_1642[0] : f32 from vector<1xf32>
        %slice3A_1644 = vector.extract_strided_slice %get3A_484 {offsets = [10], sizes = [1], strides = [1]} : vector<16xf32> to vector<1xf32>
        %squeeze3A_1645 = vector.extract %slice3A_1644[0] : f32 from vector<1xf32>
        %slice3A_1646 = vector.extract_strided_slice %get3A_491 {offsets = [10], sizes = [1], strides = [1]} : vector<16xf32> to vector<1xf32>
        %squeeze3A_1647 = vector.extract %slice3A_1646[0] : f32 from vector<1xf32>
        %get3A_1648 = arith.constant 0 : i32
        %get3A_1649 = arith.constant 0 : i32
        %get3A_1650 = arith.index_cast %get3A_1648 : i32 to index
        %get3A_1651 = arith.index_cast %get3A_1649 : i32 to index
        %get3A_1652 = arith.index_cast %add3A_1614 : i32 to index
        %get3A_1653 = arith.constant 0 : index
        %get3A_1654 = tpu.vector_load %arg11[%get3A_1650, %get3A_1651, %get3A_1652, %get3A_1653] {strides = array<i32>} : memref<2x3x400x32xf32, #tpu.memory_space<vmem>>, vector<1x1x1x16xf32>,
        %get3A_1655 = vector.shape_cast %get3A_1654 : vector<1x1x1x16xf32> to vector<16xf32>
        %mul3A_1656 = vector.broadcast %squeeze3A_1643 : f32 to vector<16xf32>
        %mul3A_1657 = arith.mulf %mul3A_1656, %get3A_1655 : vector<16xf32>
        %get3A_1658 = arith.constant 0 : i32
        %get3A_1659 = arith.constant 1 : i32
        %get3A_1660 = arith.index_cast %get3A_1658 : i32 to index
        %get3A_1661 = arith.index_cast %get3A_1659 : i32 to index
        %get3A_1662 = arith.index_cast %add3A_1614 : i32 to index
        %get3A_1663 = arith.constant 0 : index
        %get3A_1664 = tpu.vector_load %arg11[%get3A_1660, %get3A_1661, %get3A_1662, %get3A_1663] {strides = array<i32>} : memref<2x3x400x32xf32, #tpu.memory_space<vmem>>, vector<1x1x1x16xf32>,
        %get3A_1665 = vector.shape_cast %get3A_1664 : vector<1x1x1x16xf32> to vector<16xf32>
        %mul3A_1666 = vector.broadcast %squeeze3A_1645 : f32 to vector<16xf32>
        %mul3A_1667 = arith.mulf %mul3A_1666, %get3A_1665 : vector<16xf32>
        %add3A_1668 = arith.addf %mul3A_1657, %mul3A_1667 : vector<16xf32>
        %get3A_1669 = arith.constant 0 : i32
        %get3A_1670 = arith.constant 2 : i32
        %get3A_1671 = arith.index_cast %get3A_1669 : i32 to index
        %get3A_1672 = arith.index_cast %get3A_1670 : i32 to index
        %get3A_1673 = arith.index_cast %add3A_1614 : i32 to index
        %get3A_1674 = arith.constant 0 : index
        %get3A_1675 = tpu.vector_load %arg11[%get3A_1671, %get3A_1672, %get3A_1673, %get3A_1674] {strides = array<i32>} : memref<2x3x400x32xf32, #tpu.memory_space<vmem>>, vector<1x1x1x16xf32>,
        %get3A_1676 = vector.shape_cast %get3A_1675 : vector<1x1x1x16xf32> to vector<16xf32>
        %mul3A_1677 = vector.broadcast %squeeze3A_1647 : f32 to vector<16xf32>
        %mul3A_1678 = arith.mulf %mul3A_1677, %get3A_1676 : vector<16xf32>
        %add3A_1679 = arith.addf %add3A_1668, %mul3A_1678 : vector<16xf32>
        %swap3A_1680 = arith.index_cast %select_n3A_1638 : i32 to index
        %swap3A_1681 = arith.index_cast %sub3A_1641 : i32 to index
        %swap3A_1682 = arith.constant 0 : index
        %swap3A_1683 = tpu.vector_load %arg12[%swap3A_1680, %swap3A_1681, %swap3A_1682] {strides = array<i32>} : memref<8x50x32xf32, #tpu.memory_space<vmem>>, vector<1x1x16xf32>,
        %swap3A_1684 = vector.shape_cast %swap3A_1683 : vector<1x1x16xf32> to vector<16xf32>
        %swap3A_1685 = vector.shape_cast %add3A_1679 : vector<16xf32> to vector<1x1x16xf32>
        tpu.vector_store %arg12[%swap3A_1680, %swap3A_1681, %swap3A_1682], %swap3A_1685 {strides = array<i32>} : memref<8x50x32xf32, #tpu.memory_space<vmem>>, vector<1x1x16xf32>,
        %get3A_1686 = arith.constant 0 : i32
        %get3A_1687 = arith.constant 0 : i32
        %get3A_1688 = arith.index_cast %get3A_1686 : i32 to index
        %get3A_1689 = arith.index_cast %get3A_1687 : i32 to index
        %get3A_1690 = arith.index_cast %add3A_1614 : i32 to index
        %get3A_1691 = arith.constant 16 : index
        %get3A_1692 = tpu.vector_load %arg11[%get3A_1688, %get3A_1689, %get3A_1690, %get3A_1691] {strides = array<i32>} : memref<2x3x400x32xf32, #tpu.memory_space<vmem>>, vector<1x1x1x16xf32>,
        %get3A_1693 = vector.shape_cast %get3A_1692 : vector<1x1x1x16xf32> to vector<16xf32>
        %mul3A_1694 = vector.broadcast %squeeze3A_1643 : f32 to vector<16xf32>
        %mul3A_1695 = arith.mulf %mul3A_1694, %get3A_1693 : vector<16xf32>
        %get3A_1696 = arith.constant 0 : i32
        %get3A_1697 = arith.constant 1 : i32
        %get3A_1698 = arith.index_cast %get3A_1696 : i32 to index
        %get3A_1699 = arith.index_cast %get3A_1697 : i32 to index
        %get3A_1700 = arith.index_cast %add3A_1614 : i32 to index
        %get3A_1701 = arith.constant 16 : index
        %get3A_1702 = tpu.vector_load %arg11[%get3A_1698, %get3A_1699, %get3A_1700, %get3A_1701] {strides = array<i32>} : memref<2x3x400x32xf32, #tpu.memory_space<vmem>>, vector<1x1x1x16xf32>,
        %get3A_1703 = vector.shape_cast %get3A_1702 : vector<1x1x1x16xf32> to vector<16xf32>
        %mul3A_1704 = vector.broadcast %squeeze3A_1645 : f32 to vector<16xf32>
        %mul3A_1705 = arith.mulf %mul3A_1704, %get3A_1703 : vector<16xf32>
        %add3A_1706 = arith.addf %mul3A_1695, %mul3A_1705 : vector<16xf32>
        %get3A_1707 = arith.constant 0 : i32
        %get3A_1708 = arith.constant 2 : i32
        %get3A_1709 = arith.index_cast %get3A_1707 : i32 to index
        %get3A_1710 = arith.index_cast %get3A_1708 : i32 to index
        %get3A_1711 = arith.index_cast %add3A_1614 : i32 to index
        %get3A_1712 = arith.constant 16 : index
        %get3A_1713 = tpu.vector_load %arg11[%get3A_1709, %get3A_1710, %get3A_1711, %get3A_1712] {strides = array<i32>} : memref<2x3x400x32xf32, #tpu.memory_space<vmem>>, vector<1x1x1x16xf32>,
        %get3A_1714 = vector.shape_cast %get3A_1713 : vector<1x1x1x16xf32> to vector<16xf32>
        %mul3A_1715 = vector.broadcast %squeeze3A_1647 : f32 to vector<16xf32>
        %mul3A_1716 = arith.mulf %mul3A_1715, %get3A_1714 : vector<16xf32>
        %add3A_1717 = arith.addf %add3A_1706, %mul3A_1716 : vector<16xf32>
        %swap3A_1718 = arith.index_cast %select_n3A_1638 : i32 to index
        %swap3A_1719 = arith.index_cast %sub3A_1641 : i32 to index
        %swap3A_1720 = arith.constant 16 : index
        %swap3A_1721 = tpu.vector_load %arg12[%swap3A_1718, %swap3A_1719, %swap3A_1720] {strides = array<i32>} : memref<8x50x32xf32, #tpu.memory_space<vmem>>, vector<1x1x16xf32>,
        %swap3A_1722 = vector.shape_cast %swap3A_1721 : vector<1x1x16xf32> to vector<16xf32>
        %swap3A_1723 = vector.shape_cast %add3A_1717 : vector<16xf32> to vector<1x1x16xf32>
        tpu.vector_store %arg12[%swap3A_1718, %swap3A_1719, %swap3A_1720], %swap3A_1723 {strides = array<i32>} : memref<8x50x32xf32, #tpu.memory_space<vmem>>, vector<1x1x16xf32>,
        %mul3A_1724 = arith.constant 16 : i32
        %mul3A_1725 = arith.muli %scan3A_469, %mul3A_1724 : i32
        %add3A_1726 = arith.constant 11 : i32
        %add3A_1727 = arith.addi %mul3A_1725, %add3A_1726 : i32
        %jit3A_1728 = arith.constant 50 : i32
        %div3A_1729 = arith.divsi %add3A_1727, %jit3A_1728 : i32
        %sign3A_1730 = arith.constant 0 : i32
        %sign3A_1731 = arith.cmpi sgt, %add3A_1727, %sign3A_1730 : i32
        %sign3A_1732 = arith.extui %sign3A_1731 : i1 to i32
        %sign3A_1733 = arith.constant 0 : i32
        %sign3A_1734 = arith.cmpi slt, %add3A_1727, %sign3A_1733 : i32
        %sign3A_1735 = arith.extui %sign3A_1734 : i1 to i32
        %sign3A_1736 = arith.subi %sign3A_1732, %sign3A_1735 : i32
        %sign3A_1737 = arith.constant 0 : i32
        %sign3A_1738 = arith.cmpi sgt, %jit3A_1728, %sign3A_1737 : i32
        %sign3A_1739 = arith.extui %sign3A_1738 : i1 to i32
        %sign3A_1740 = arith.constant 0 : i32
        %sign3A_1741 = arith.cmpi slt, %jit3A_1728, %sign3A_1740 : i32
        %sign3A_1742 = arith.extui %sign3A_1741 : i1 to i32
        %sign3A_1743 = arith.subi %sign3A_1739, %sign3A_1742 : i32
        %ne3A_1744 = arith.cmpi ne, %sign3A_1736, %sign3A_1743 : i32
        %rem3A_1745 = arith.remsi %add3A_1727, %jit3A_1728 : i32
        %ne3A_1746 = arith.constant 0 : i32
        %ne3A_1747 = arith.cmpi ne, %rem3A_1745, %ne3A_1746 : i32
        %and3A_1748 = arith.andi %ne3A_1744, %ne3A_1747 : i1
        %sub3A_1749 = arith.constant 1 : i32
        %sub3A_1750 = arith.subi %div3A_1729, %sub3A_1749 : i32
        %select_n3A_1751 = arith.select %and3A_1748, %sub3A_1750, %div3A_1729 : i32
        %mul3A_1752 = arith.constant 50 : i32
        %mul3A_1753 = arith.muli %select_n3A_1751, %mul3A_1752 : i32
        %sub3A_1754 = arith.subi %add3A_1727, %mul3A_1753 : i32
        %slice3A_1755 = vector.extract_strided_slice %get3A_477 {offsets = [11], sizes = [1], strides = [1]} : vector<16xf32> to vector<1xf32>
        %squeeze3A_1756 = vector.extract %slice3A_1755[0] : f32 from vector<1xf32>
        %slice3A_1757 = vector.extract_strided_slice %get3A_484 {offsets = [11], sizes = [1], strides = [1]} : vector<16xf32> to vector<1xf32>
        %squeeze3A_1758 = vector.extract %slice3A_1757[0] : f32 from vector<1xf32>
        %slice3A_1759 = vector.extract_strided_slice %get3A_491 {offsets = [11], sizes = [1], strides = [1]} : vector<16xf32> to vector<1xf32>
        %squeeze3A_1760 = vector.extract %slice3A_1759[0] : f32 from vector<1xf32>
        %get3A_1761 = arith.constant 0 : i32
        %get3A_1762 = arith.constant 0 : i32
        %get3A_1763 = arith.index_cast %get3A_1761 : i32 to index
        %get3A_1764 = arith.index_cast %get3A_1762 : i32 to index
        %get3A_1765 = arith.index_cast %add3A_1727 : i32 to index
        %get3A_1766 = arith.constant 0 : index
        %get3A_1767 = tpu.vector_load %arg11[%get3A_1763, %get3A_1764, %get3A_1765, %get3A_1766] {strides = array<i32>} : memref<2x3x400x32xf32, #tpu.memory_space<vmem>>, vector<1x1x1x16xf32>,
        %get3A_1768 = vector.shape_cast %get3A_1767 : vector<1x1x1x16xf32> to vector<16xf32>
        %mul3A_1769 = vector.broadcast %squeeze3A_1756 : f32 to vector<16xf32>
        %mul3A_1770 = arith.mulf %mul3A_1769, %get3A_1768 : vector<16xf32>
        %get3A_1771 = arith.constant 0 : i32
        %get3A_1772 = arith.constant 1 : i32
        %get3A_1773 = arith.index_cast %get3A_1771 : i32 to index
        %get3A_1774 = arith.index_cast %get3A_1772 : i32 to index
        %get3A_1775 = arith.index_cast %add3A_1727 : i32 to index
        %get3A_1776 = arith.constant 0 : index
        %get3A_1777 = tpu.vector_load %arg11[%get3A_1773, %get3A_1774, %get3A_1775, %get3A_1776] {strides = array<i32>} : memref<2x3x400x32xf32, #tpu.memory_space<vmem>>, vector<1x1x1x16xf32>,
        %get3A_1778 = vector.shape_cast %get3A_1777 : vector<1x1x1x16xf32> to vector<16xf32>
        %mul3A_1779 = vector.broadcast %squeeze3A_1758 : f32 to vector<16xf32>
        %mul3A_1780 = arith.mulf %mul3A_1779, %get3A_1778 : vector<16xf32>
        %add3A_1781 = arith.addf %mul3A_1770, %mul3A_1780 : vector<16xf32>
        %get3A_1782 = arith.constant 0 : i32
        %get3A_1783 = arith.constant 2 : i32
        %get3A_1784 = arith.index_cast %get3A_1782 : i32 to index
        %get3A_1785 = arith.index_cast %get3A_1783 : i32 to index
        %get3A_1786 = arith.index_cast %add3A_1727 : i32 to index
        %get3A_1787 = arith.constant 0 : index
        %get3A_1788 = tpu.vector_load %arg11[%get3A_1784, %get3A_1785, %get3A_1786, %get3A_1787] {strides = array<i32>} : memref<2x3x400x32xf32, #tpu.memory_space<vmem>>, vector<1x1x1x16xf32>,
        %get3A_1789 = vector.shape_cast %get3A_1788 : vector<1x1x1x16xf32> to vector<16xf32>
        %mul3A_1790 = vector.broadcast %squeeze3A_1760 : f32 to vector<16xf32>
        %mul3A_1791 = arith.mulf %mul3A_1790, %get3A_1789 : vector<16xf32>
        %add3A_1792 = arith.addf %add3A_1781, %mul3A_1791 : vector<16xf32>
        %swap3A_1793 = arith.index_cast %select_n3A_1751 : i32 to index
        %swap3A_1794 = arith.index_cast %sub3A_1754 : i32 to index
        %swap3A_1795 = arith.constant 0 : index
        %swap3A_1796 = tpu.vector_load %arg12[%swap3A_1793, %swap3A_1794, %swap3A_1795] {strides = array<i32>} : memref<8x50x32xf32, #tpu.memory_space<vmem>>, vector<1x1x16xf32>,
        %swap3A_1797 = vector.shape_cast %swap3A_1796 : vector<1x1x16xf32> to vector<16xf32>
        %swap3A_1798 = vector.shape_cast %add3A_1792 : vector<16xf32> to vector<1x1x16xf32>
        tpu.vector_store %arg12[%swap3A_1793, %swap3A_1794, %swap3A_1795], %swap3A_1798 {strides = array<i32>} : memref<8x50x32xf32, #tpu.memory_space<vmem>>, vector<1x1x16xf32>,
        %get3A_1799 = arith.constant 0 : i32
        %get3A_1800 = arith.constant 0 : i32
        %get3A_1801 = arith.index_cast %get3A_1799 : i32 to index
        %get3A_1802 = arith.index_cast %get3A_1800 : i32 to index
        %get3A_1803 = arith.index_cast %add3A_1727 : i32 to index
        %get3A_1804 = arith.constant 16 : index
        %get3A_1805 = tpu.vector_load %arg11[%get3A_1801, %get3A_1802, %get3A_1803, %get3A_1804] {strides = array<i32>} : memref<2x3x400x32xf32, #tpu.memory_space<vmem>>, vector<1x1x1x16xf32>,
        %get3A_1806 = vector.shape_cast %get3A_1805 : vector<1x1x1x16xf32> to vector<16xf32>
        %mul3A_1807 = vector.broadcast %squeeze3A_1756 : f32 to vector<16xf32>
        %mul3A_1808 = arith.mulf %mul3A_1807, %get3A_1806 : vector<16xf32>
        %get3A_1809 = arith.constant 0 : i32
        %get3A_1810 = arith.constant 1 : i32
        %get3A_1811 = arith.index_cast %get3A_1809 : i32 to index
        %get3A_1812 = arith.index_cast %get3A_1810 : i32 to index
        %get3A_1813 = arith.index_cast %add3A_1727 : i32 to index
        %get3A_1814 = arith.constant 16 : index
        %get3A_1815 = tpu.vector_load %arg11[%get3A_1811, %get3A_1812, %get3A_1813, %get3A_1814] {strides = array<i32>} : memref<2x3x400x32xf32, #tpu.memory_space<vmem>>, vector<1x1x1x16xf32>,
        %get3A_1816 = vector.shape_cast %get3A_1815 : vector<1x1x1x16xf32> to vector<16xf32>
        %mul3A_1817 = vector.broadcast %squeeze3A_1758 : f32 to vector<16xf32>
        %mul3A_1818 = arith.mulf %mul3A_1817, %get3A_1816 : vector<16xf32>
        %add3A_1819 = arith.addf %mul3A_1808, %mul3A_1818 : vector<16xf32>
        %get3A_1820 = arith.constant 0 : i32
        %get3A_1821 = arith.constant 2 : i32
        %get3A_1822 = arith.index_cast %get3A_1820 : i32 to index
        %get3A_1823 = arith.index_cast %get3A_1821 : i32 to index
        %get3A_1824 = arith.index_cast %add3A_1727 : i32 to index
        %get3A_1825 = arith.constant 16 : index
        %get3A_1826 = tpu.vector_load %arg11[%get3A_1822, %get3A_1823, %get3A_1824, %get3A_1825] {strides = array<i32>} : memref<2x3x400x32xf32, #tpu.memory_space<vmem>>, vector<1x1x1x16xf32>,
        %get3A_1827 = vector.shape_cast %get3A_1826 : vector<1x1x1x16xf32> to vector<16xf32>
        %mul3A_1828 = vector.broadcast %squeeze3A_1760 : f32 to vector<16xf32>
        %mul3A_1829 = arith.mulf %mul3A_1828, %get3A_1827 : vector<16xf32>
        %add3A_1830 = arith.addf %add3A_1819, %mul3A_1829 : vector<16xf32>
        %swap3A_1831 = arith.index_cast %select_n3A_1751 : i32 to index
        %swap3A_1832 = arith.index_cast %sub3A_1754 : i32 to index
        %swap3A_1833 = arith.constant 16 : index
        %swap3A_1834 = tpu.vector_load %arg12[%swap3A_1831, %swap3A_1832, %swap3A_1833] {strides = array<i32>} : memref<8x50x32xf32, #tpu.memory_space<vmem>>, vector<1x1x16xf32>,
        %swap3A_1835 = vector.shape_cast %swap3A_1834 : vector<1x1x16xf32> to vector<16xf32>
        %swap3A_1836 = vector.shape_cast %add3A_1830 : vector<16xf32> to vector<1x1x16xf32>
        tpu.vector_store %arg12[%swap3A_1831, %swap3A_1832, %swap3A_1833], %swap3A_1836 {strides = array<i32>} : memref<8x50x32xf32, #tpu.memory_space<vmem>>, vector<1x1x16xf32>,
        %mul3A_1837 = arith.constant 16 : i32
        %mul3A_1838 = arith.muli %scan3A_469, %mul3A_1837 : i32
        %add3A_1839 = arith.constant 12 : i32
        %add3A_1840 = arith.addi %mul3A_1838, %add3A_1839 : i32
        %jit3A_1841 = arith.constant 50 : i32
        %div3A_1842 = arith.divsi %add3A_1840, %jit3A_1841 : i32
        %sign3A_1843 = arith.constant 0 : i32
        %sign3A_1844 = arith.cmpi sgt, %add3A_1840, %sign3A_1843 : i32
        %sign3A_1845 = arith.extui %sign3A_1844 : i1 to i32
        %sign3A_1846 = arith.constant 0 : i32
        %sign3A_1847 = arith.cmpi slt, %add3A_1840, %sign3A_1846 : i32
        %sign3A_1848 = arith.extui %sign3A_1847 : i1 to i32
        %sign3A_1849 = arith.subi %sign3A_1845, %sign3A_1848 : i32
        %sign3A_1850 = arith.constant 0 : i32
        %sign3A_1851 = arith.cmpi sgt, %jit3A_1841, %sign3A_1850 : i32
        %sign3A_1852 = arith.extui %sign3A_1851 : i1 to i32
        %sign3A_1853 = arith.constant 0 : i32
        %sign3A_1854 = arith.cmpi slt, %jit3A_1841, %sign3A_1853 : i32
        %sign3A_1855 = arith.extui %sign3A_1854 : i1 to i32
        %sign3A_1856 = arith.subi %sign3A_1852, %sign3A_1855 : i32
        %ne3A_1857 = arith.cmpi ne, %sign3A_1849, %sign3A_1856 : i32
        %rem3A_1858 = arith.remsi %add3A_1840, %jit3A_1841 : i32
        %ne3A_1859 = arith.constant 0 : i32
        %ne3A_1860 = arith.cmpi ne, %rem3A_1858, %ne3A_1859 : i32
        %and3A_1861 = arith.andi %ne3A_1857, %ne3A_1860 : i1
        %sub3A_1862 = arith.constant 1 : i32
        %sub3A_1863 = arith.subi %div3A_1842, %sub3A_1862 : i32
        %select_n3A_1864 = arith.select %and3A_1861, %sub3A_1863, %div3A_1842 : i32
        %mul3A_1865 = arith.constant 50 : i32
        %mul3A_1866 = arith.muli %select_n3A_1864, %mul3A_1865 : i32
        %sub3A_1867 = arith.subi %add3A_1840, %mul3A_1866 : i32
        %slice3A_1868 = vector.extract_strided_slice %get3A_477 {offsets = [12], sizes = [1], strides = [1]} : vector<16xf32> to vector<1xf32>
        %squeeze3A_1869 = vector.extract %slice3A_1868[0] : f32 from vector<1xf32>
        %slice3A_1870 = vector.extract_strided_slice %get3A_484 {offsets = [12], sizes = [1], strides = [1]} : vector<16xf32> to vector<1xf32>
        %squeeze3A_1871 = vector.extract %slice3A_1870[0] : f32 from vector<1xf32>
        %slice3A_1872 = vector.extract_strided_slice %get3A_491 {offsets = [12], sizes = [1], strides = [1]} : vector<16xf32> to vector<1xf32>
        %squeeze3A_1873 = vector.extract %slice3A_1872[0] : f32 from vector<1xf32>
        %get3A_1874 = arith.constant 0 : i32
        %get3A_1875 = arith.constant 0 : i32
        %get3A_1876 = arith.index_cast %get3A_1874 : i32 to index
        %get3A_1877 = arith.index_cast %get3A_1875 : i32 to index
        %get3A_1878 = arith.index_cast %add3A_1840 : i32 to index
        %get3A_1879 = arith.constant 0 : index
        %get3A_1880 = tpu.vector_load %arg11[%get3A_1876, %get3A_1877, %get3A_1878, %get3A_1879] {strides = array<i32>} : memref<2x3x400x32xf32, #tpu.memory_space<vmem>>, vector<1x1x1x16xf32>,
        %get3A_1881 = vector.shape_cast %get3A_1880 : vector<1x1x1x16xf32> to vector<16xf32>
        %mul3A_1882 = vector.broadcast %squeeze3A_1869 : f32 to vector<16xf32>
        %mul3A_1883 = arith.mulf %mul3A_1882, %get3A_1881 : vector<16xf32>
        %get3A_1884 = arith.constant 0 : i32
        %get3A_1885 = arith.constant 1 : i32
        %get3A_1886 = arith.index_cast %get3A_1884 : i32 to index
        %get3A_1887 = arith.index_cast %get3A_1885 : i32 to index
        %get3A_1888 = arith.index_cast %add3A_1840 : i32 to index
        %get3A_1889 = arith.constant 0 : index
        %get3A_1890 = tpu.vector_load %arg11[%get3A_1886, %get3A_1887, %get3A_1888, %get3A_1889] {strides = array<i32>} : memref<2x3x400x32xf32, #tpu.memory_space<vmem>>, vector<1x1x1x16xf32>,
        %get3A_1891 = vector.shape_cast %get3A_1890 : vector<1x1x1x16xf32> to vector<16xf32>
        %mul3A_1892 = vector.broadcast %squeeze3A_1871 : f32 to vector<16xf32>
        %mul3A_1893 = arith.mulf %mul3A_1892, %get3A_1891 : vector<16xf32>
        %add3A_1894 = arith.addf %mul3A_1883, %mul3A_1893 : vector<16xf32>
        %get3A_1895 = arith.constant 0 : i32
        %get3A_1896 = arith.constant 2 : i32
        %get3A_1897 = arith.index_cast %get3A_1895 : i32 to index
        %get3A_1898 = arith.index_cast %get3A_1896 : i32 to index
        %get3A_1899 = arith.index_cast %add3A_1840 : i32 to index
        %get3A_1900 = arith.constant 0 : index
        %get3A_1901 = tpu.vector_load %arg11[%get3A_1897, %get3A_1898, %get3A_1899, %get3A_1900] {strides = array<i32>} : memref<2x3x400x32xf32, #tpu.memory_space<vmem>>, vector<1x1x1x16xf32>,
        %get3A_1902 = vector.shape_cast %get3A_1901 : vector<1x1x1x16xf32> to vector<16xf32>
        %mul3A_1903 = vector.broadcast %squeeze3A_1873 : f32 to vector<16xf32>
        %mul3A_1904 = arith.mulf %mul3A_1903, %get3A_1902 : vector<16xf32>
        %add3A_1905 = arith.addf %add3A_1894, %mul3A_1904 : vector<16xf32>
        %swap3A_1906 = arith.index_cast %select_n3A_1864 : i32 to index
        %swap3A_1907 = arith.index_cast %sub3A_1867 : i32 to index
        %swap3A_1908 = arith.constant 0 : index
        %swap3A_1909 = tpu.vector_load %arg12[%swap3A_1906, %swap3A_1907, %swap3A_1908] {strides = array<i32>} : memref<8x50x32xf32, #tpu.memory_space<vmem>>, vector<1x1x16xf32>,
        %swap3A_1910 = vector.shape_cast %swap3A_1909 : vector<1x1x16xf32> to vector<16xf32>
        %swap3A_1911 = vector.shape_cast %add3A_1905 : vector<16xf32> to vector<1x1x16xf32>
        tpu.vector_store %arg12[%swap3A_1906, %swap3A_1907, %swap3A_1908], %swap3A_1911 {strides = array<i32>} : memref<8x50x32xf32, #tpu.memory_space<vmem>>, vector<1x1x16xf32>,
        %get3A_1912 = arith.constant 0 : i32
        %get3A_1913 = arith.constant 0 : i32
        %get3A_1914 = arith.index_cast %get3A_1912 : i32 to index
        %get3A_1915 = arith.index_cast %get3A_1913 : i32 to index
        %get3A_1916 = arith.index_cast %add3A_1840 : i32 to index
        %get3A_1917 = arith.constant 16 : index
        %get3A_1918 = tpu.vector_load %arg11[%get3A_1914, %get3A_1915, %get3A_1916, %get3A_1917] {strides = array<i32>} : memref<2x3x400x32xf32, #tpu.memory_space<vmem>>, vector<1x1x1x16xf32>,
        %get3A_1919 = vector.shape_cast %get3A_1918 : vector<1x1x1x16xf32> to vector<16xf32>
        %mul3A_1920 = vector.broadcast %squeeze3A_1869 : f32 to vector<16xf32>
        %mul3A_1921 = arith.mulf %mul3A_1920, %get3A_1919 : vector<16xf32>
        %get3A_1922 = arith.constant 0 : i32
        %get3A_1923 = arith.constant 1 : i32
        %get3A_1924 = arith.index_cast %get3A_1922 : i32 to index
        %get3A_1925 = arith.index_cast %get3A_1923 : i32 to index
        %get3A_1926 = arith.index_cast %add3A_1840 : i32 to index
        %get3A_1927 = arith.constant 16 : index
        %get3A_1928 = tpu.vector_load %arg11[%get3A_1924, %get3A_1925, %get3A_1926, %get3A_1927] {strides = array<i32>} : memref<2x3x400x32xf32, #tpu.memory_space<vmem>>, vector<1x1x1x16xf32>,
        %get3A_1929 = vector.shape_cast %get3A_1928 : vector<1x1x1x16xf32> to vector<16xf32>
        %mul3A_1930 = vector.broadcast %squeeze3A_1871 : f32 to vector<16xf32>
        %mul3A_1931 = arith.mulf %mul3A_1930, %get3A_1929 : vector<16xf32>
        %add3A_1932 = arith.addf %mul3A_1921, %mul3A_1931 : vector<16xf32>
        %get3A_1933 = arith.constant 0 : i32
        %get3A_1934 = arith.constant 2 : i32
        %get3A_1935 = arith.index_cast %get3A_1933 : i32 to index
        %get3A_1936 = arith.index_cast %get3A_1934 : i32 to index
        %get3A_1937 = arith.index_cast %add3A_1840 : i32 to index
        %get3A_1938 = arith.constant 16 : index
        %get3A_1939 = tpu.vector_load %arg11[%get3A_1935, %get3A_1936, %get3A_1937, %get3A_1938] {strides = array<i32>} : memref<2x3x400x32xf32, #tpu.memory_space<vmem>>, vector<1x1x1x16xf32>,
        %get3A_1940 = vector.shape_cast %get3A_1939 : vector<1x1x1x16xf32> to vector<16xf32>
        %mul3A_1941 = vector.broadcast %squeeze3A_1873 : f32 to vector<16xf32>
        %mul3A_1942 = arith.mulf %mul3A_1941, %get3A_1940 : vector<16xf32>
        %add3A_1943 = arith.addf %add3A_1932, %mul3A_1942 : vector<16xf32>
        %swap3A_1944 = arith.index_cast %select_n3A_1864 : i32 to index
        %swap3A_1945 = arith.index_cast %sub3A_1867 : i32 to index
        %swap3A_1946 = arith.constant 16 : index
        %swap3A_1947 = tpu.vector_load %arg12[%swap3A_1944, %swap3A_1945, %swap3A_1946] {strides = array<i32>} : memref<8x50x32xf32, #tpu.memory_space<vmem>>, vector<1x1x16xf32>,
        %swap3A_1948 = vector.shape_cast %swap3A_1947 : vector<1x1x16xf32> to vector<16xf32>
        %swap3A_1949 = vector.shape_cast %add3A_1943 : vector<16xf32> to vector<1x1x16xf32>
        tpu.vector_store %arg12[%swap3A_1944, %swap3A_1945, %swap3A_1946], %swap3A_1949 {strides = array<i32>} : memref<8x50x32xf32, #tpu.memory_space<vmem>>, vector<1x1x16xf32>,
        %mul3A_1950 = arith.constant 16 : i32
        %mul3A_1951 = arith.muli %scan3A_469, %mul3A_1950 : i32
        %add3A_1952 = arith.constant 13 : i32
        %add3A_1953 = arith.addi %mul3A_1951, %add3A_1952 : i32
        %jit3A_1954 = arith.constant 50 : i32
        %div3A_1955 = arith.divsi %add3A_1953, %jit3A_1954 : i32
        %sign3A_1956 = arith.constant 0 : i32
        %sign3A_1957 = arith.cmpi sgt, %add3A_1953, %sign3A_1956 : i32
        %sign3A_1958 = arith.extui %sign3A_1957 : i1 to i32
        %sign3A_1959 = arith.constant 0 : i32
        %sign3A_1960 = arith.cmpi slt, %add3A_1953, %sign3A_1959 : i32
        %sign3A_1961 = arith.extui %sign3A_1960 : i1 to i32
        %sign3A_1962 = arith.subi %sign3A_1958, %sign3A_1961 : i32
        %sign3A_1963 = arith.constant 0 : i32
        %sign3A_1964 = arith.cmpi sgt, %jit3A_1954, %sign3A_1963 : i32
        %sign3A_1965 = arith.extui %sign3A_1964 : i1 to i32
        %sign3A_1966 = arith.constant 0 : i32
        %sign3A_1967 = arith.cmpi slt, %jit3A_1954, %sign3A_1966 : i32
        %sign3A_1968 = arith.extui %sign3A_1967 : i1 to i32
        %sign3A_1969 = arith.subi %sign3A_1965, %sign3A_1968 : i32
        %ne3A_1970 = arith.cmpi ne, %sign3A_1962, %sign3A_1969 : i32
        %rem3A_1971 = arith.remsi %add3A_1953, %jit3A_1954 : i32
        %ne3A_1972 = arith.constant 0 : i32
        %ne3A_1973 = arith.cmpi ne, %rem3A_1971, %ne3A_1972 : i32
        %and3A_1974 = arith.andi %ne3A_1970, %ne3A_1973 : i1
        %sub3A_1975 = arith.constant 1 : i32
        %sub3A_1976 = arith.subi %div3A_1955, %sub3A_1975 : i32
        %select_n3A_1977 = arith.select %and3A_1974, %sub3A_1976, %div3A_1955 : i32
        %mul3A_1978 = arith.constant 50 : i32
        %mul3A_1979 = arith.muli %select_n3A_1977, %mul3A_1978 : i32
        %sub3A_1980 = arith.subi %add3A_1953, %mul3A_1979 : i32
        %slice3A_1981 = vector.extract_strided_slice %get3A_477 {offsets = [13], sizes = [1], strides = [1]} : vector<16xf32> to vector<1xf32>
        %squeeze3A_1982 = vector.extract %slice3A_1981[0] : f32 from vector<1xf32>
        %slice3A_1983 = vector.extract_strided_slice %get3A_484 {offsets = [13], sizes = [1], strides = [1]} : vector<16xf32> to vector<1xf32>
        %squeeze3A_1984 = vector.extract %slice3A_1983[0] : f32 from vector<1xf32>
        %slice3A_1985 = vector.extract_strided_slice %get3A_491 {offsets = [13], sizes = [1], strides = [1]} : vector<16xf32> to vector<1xf32>
        %squeeze3A_1986 = vector.extract %slice3A_1985[0] : f32 from vector<1xf32>
        %get3A_1987 = arith.constant 0 : i32
        %get3A_1988 = arith.constant 0 : i32
        %get3A_1989 = arith.index_cast %get3A_1987 : i32 to index
        %get3A_1990 = arith.index_cast %get3A_1988 : i32 to index
        %get3A_1991 = arith.index_cast %add3A_1953 : i32 to index
        %get3A_1992 = arith.constant 0 : index
        %get3A_1993 = tpu.vector_load %arg11[%get3A_1989, %get3A_1990, %get3A_1991, %get3A_1992] {strides = array<i32>} : memref<2x3x400x32xf32, #tpu.memory_space<vmem>>, vector<1x1x1x16xf32>,
        %get3A_1994 = vector.shape_cast %get3A_1993 : vector<1x1x1x16xf32> to vector<16xf32>
        %mul3A_1995 = vector.broadcast %squeeze3A_1982 : f32 to vector<16xf32>
        %mul3A_1996 = arith.mulf %mul3A_1995, %get3A_1994 : vector<16xf32>
        %get3A_1997 = arith.constant 0 : i32
        %get3A_1998 = arith.constant 1 : i32
        %get3A_1999 = arith.index_cast %get3A_1997 : i32 to index
        %get3A_2000 = arith.index_cast %get3A_1998 : i32 to index
        %get3A_2001 = arith.index_cast %add3A_1953 : i32 to index
        %get3A_2002 = arith.constant 0 : index
        %get3A_2003 = tpu.vector_load %arg11[%get3A_1999, %get3A_2000, %get3A_2001, %get3A_2002] {strides = array<i32>} : memref<2x3x400x32xf32, #tpu.memory_space<vmem>>, vector<1x1x1x16xf32>,
        %get3A_2004 = vector.shape_cast %get3A_2003 : vector<1x1x1x16xf32> to vector<16xf32>
        %mul3A_2005 = vector.broadcast %squeeze3A_1984 : f32 to vector<16xf32>
        %mul3A_2006 = arith.mulf %mul3A_2005, %get3A_2004 : vector<16xf32>
        %add3A_2007 = arith.addf %mul3A_1996, %mul3A_2006 : vector<16xf32>
        %get3A_2008 = arith.constant 0 : i32
        %get3A_2009 = arith.constant 2 : i32
        %get3A_2010 = arith.index_cast %get3A_2008 : i32 to index
        %get3A_2011 = arith.index_cast %get3A_2009 : i32 to index
        %get3A_2012 = arith.index_cast %add3A_1953 : i32 to index
        %get3A_2013 = arith.constant 0 : index
        %get3A_2014 = tpu.vector_load %arg11[%get3A_2010, %get3A_2011, %get3A_2012, %get3A_2013] {strides = array<i32>} : memref<2x3x400x32xf32, #tpu.memory_space<vmem>>, vector<1x1x1x16xf32>,
        %get3A_2015 = vector.shape_cast %get3A_2014 : vector<1x1x1x16xf32> to vector<16xf32>
        %mul3A_2016 = vector.broadcast %squeeze3A_1986 : f32 to vector<16xf32>
        %mul3A_2017 = arith.mulf %mul3A_2016, %get3A_2015 : vector<16xf32>
        %add3A_2018 = arith.addf %add3A_2007, %mul3A_2017 : vector<16xf32>
        %swap3A_2019 = arith.index_cast %select_n3A_1977 : i32 to index
        %swap3A_2020 = arith.index_cast %sub3A_1980 : i32 to index
        %swap3A_2021 = arith.constant 0 : index
        %swap3A_2022 = tpu.vector_load %arg12[%swap3A_2019, %swap3A_2020, %swap3A_2021] {strides = array<i32>} : memref<8x50x32xf32, #tpu.memory_space<vmem>>, vector<1x1x16xf32>,
        %swap3A_2023 = vector.shape_cast %swap3A_2022 : vector<1x1x16xf32> to vector<16xf32>
        %swap3A_2024 = vector.shape_cast %add3A_2018 : vector<16xf32> to vector<1x1x16xf32>
        tpu.vector_store %arg12[%swap3A_2019, %swap3A_2020, %swap3A_2021], %swap3A_2024 {strides = array<i32>} : memref<8x50x32xf32, #tpu.memory_space<vmem>>, vector<1x1x16xf32>,
        %get3A_2025 = arith.constant 0 : i32
        %get3A_2026 = arith.constant 0 : i32
        %get3A_2027 = arith.index_cast %get3A_2025 : i32 to index
        %get3A_2028 = arith.index_cast %get3A_2026 : i32 to index
        %get3A_2029 = arith.index_cast %add3A_1953 : i32 to index
        %get3A_2030 = arith.constant 16 : index
        %get3A_2031 = tpu.vector_load %arg11[%get3A_2027, %get3A_2028, %get3A_2029, %get3A_2030] {strides = array<i32>} : memref<2x3x400x32xf32, #tpu.memory_space<vmem>>, vector<1x1x1x16xf32>,
        %get3A_2032 = vector.shape_cast %get3A_2031 : vector<1x1x1x16xf32> to vector<16xf32>
        %mul3A_2033 = vector.broadcast %squeeze3A_1982 : f32 to vector<16xf32>
        %mul3A_2034 = arith.mulf %mul3A_2033, %get3A_2032 : vector<16xf32>
        %get3A_2035 = arith.constant 0 : i32
        %get3A_2036 = arith.constant 1 : i32
        %get3A_2037 = arith.index_cast %get3A_2035 : i32 to index
        %get3A_2038 = arith.index_cast %get3A_2036 : i32 to index
        %get3A_2039 = arith.index_cast %add3A_1953 : i32 to index
        %get3A_2040 = arith.constant 16 : index
        %get3A_2041 = tpu.vector_load %arg11[%get3A_2037, %get3A_2038, %get3A_2039, %get3A_2040] {strides = array<i32>} : memref<2x3x400x32xf32, #tpu.memory_space<vmem>>, vector<1x1x1x16xf32>,
        %get3A_2042 = vector.shape_cast %get3A_2041 : vector<1x1x1x16xf32> to vector<16xf32>
        %mul3A_2043 = vector.broadcast %squeeze3A_1984 : f32 to vector<16xf32>
        %mul3A_2044 = arith.mulf %mul3A_2043, %get3A_2042 : vector<16xf32>
        %add3A_2045 = arith.addf %mul3A_2034, %mul3A_2044 : vector<16xf32>
        %get3A_2046 = arith.constant 0 : i32
        %get3A_2047 = arith.constant 2 : i32
        %get3A_2048 = arith.index_cast %get3A_2046 : i32 to index
        %get3A_2049 = arith.index_cast %get3A_2047 : i32 to index
        %get3A_2050 = arith.index_cast %add3A_1953 : i32 to index
        %get3A_2051 = arith.constant 16 : index
        %get3A_2052 = tpu.vector_load %arg11[%get3A_2048, %get3A_2049, %get3A_2050, %get3A_2051] {strides = array<i32>} : memref<2x3x400x32xf32, #tpu.memory_space<vmem>>, vector<1x1x1x16xf32>,
        %get3A_2053 = vector.shape_cast %get3A_2052 : vector<1x1x1x16xf32> to vector<16xf32>
        %mul3A_2054 = vector.broadcast %squeeze3A_1986 : f32 to vector<16xf32>
        %mul3A_2055 = arith.mulf %mul3A_2054, %get3A_2053 : vector<16xf32>
        %add3A_2056 = arith.addf %add3A_2045, %mul3A_2055 : vector<16xf32>
        %swap3A_2057 = arith.index_cast %select_n3A_1977 : i32 to index
        %swap3A_2058 = arith.index_cast %sub3A_1980 : i32 to index
        %swap3A_2059 = arith.constant 16 : index
        %swap3A_2060 = tpu.vector_load %arg12[%swap3A_2057, %swap3A_2058, %swap3A_2059] {strides = array<i32>} : memref<8x50x32xf32, #tpu.memory_space<vmem>>, vector<1x1x16xf32>,
        %swap3A_2061 = vector.shape_cast %swap3A_2060 : vector<1x1x16xf32> to vector<16xf32>
        %swap3A_2062 = vector.shape_cast %add3A_2056 : vector<16xf32> to vector<1x1x16xf32>
        tpu.vector_store %arg12[%swap3A_2057, %swap3A_2058, %swap3A_2059], %swap3A_2062 {strides = array<i32>} : memref<8x50x32xf32, #tpu.memory_space<vmem>>, vector<1x1x16xf32>,
        %mul3A_2063 = arith.constant 16 : i32
        %mul3A_2064 = arith.muli %scan3A_469, %mul3A_2063 : i32
        %add3A_2065 = arith.constant 14 : i32
        %add3A_2066 = arith.addi %mul3A_2064, %add3A_2065 : i32
        %jit3A_2067 = arith.constant 50 : i32
        %div3A_2068 = arith.divsi %add3A_2066, %jit3A_2067 : i32
        %sign3A_2069 = arith.constant 0 : i32
        %sign3A_2070 = arith.cmpi sgt, %add3A_2066, %sign3A_2069 : i32
        %sign3A_2071 = arith.extui %sign3A_2070 : i1 to i32
        %sign3A_2072 = arith.constant 0 : i32
        %sign3A_2073 = arith.cmpi slt, %add3A_2066, %sign3A_2072 : i32
        %sign3A_2074 = arith.extui %sign3A_2073 : i1 to i32
        %sign3A_2075 = arith.subi %sign3A_2071, %sign3A_2074 : i32
        %sign3A_2076 = arith.constant 0 : i32
        %sign3A_2077 = arith.cmpi sgt, %jit3A_2067, %sign3A_2076 : i32
        %sign3A_2078 = arith.extui %sign3A_2077 : i1 to i32
        %sign3A_2079 = arith.constant 0 : i32
        %sign3A_2080 = arith.cmpi slt, %jit3A_2067, %sign3A_2079 : i32
        %sign3A_2081 = arith.extui %sign3A_2080 : i1 to i32
        %sign3A_2082 = arith.subi %sign3A_2078, %sign3A_2081 : i32
        %ne3A_2083 = arith.cmpi ne, %sign3A_2075, %sign3A_2082 : i32
        %rem3A_2084 = arith.remsi %add3A_2066, %jit3A_2067 : i32
        %ne3A_2085 = arith.constant 0 : i32
        %ne3A_2086 = arith.cmpi ne, %rem3A_2084, %ne3A_2085 : i32
        %and3A_2087 = arith.andi %ne3A_2083, %ne3A_2086 : i1
        %sub3A_2088 = arith.constant 1 : i32
        %sub3A_2089 = arith.subi %div3A_2068, %sub3A_2088 : i32
        %select_n3A_2090 = arith.select %and3A_2087, %sub3A_2089, %div3A_2068 : i32
        %mul3A_2091 = arith.constant 50 : i32
        %mul3A_2092 = arith.muli %select_n3A_2090, %mul3A_2091 : i32
        %sub3A_2093 = arith.subi %add3A_2066, %mul3A_2092 : i32
        %slice3A_2094 = vector.extract_strided_slice %get3A_477 {offsets = [14], sizes = [1], strides = [1]} : vector<16xf32> to vector<1xf32>
        %squeeze3A_2095 = vector.extract %slice3A_2094[0] : f32 from vector<1xf32>
        %slice3A_2096 = vector.extract_strided_slice %get3A_484 {offsets = [14], sizes = [1], strides = [1]} : vector<16xf32> to vector<1xf32>
        %squeeze3A_2097 = vector.extract %slice3A_2096[0] : f32 from vector<1xf32>
        %slice3A_2098 = vector.extract_strided_slice %get3A_491 {offsets = [14], sizes = [1], strides = [1]} : vector<16xf32> to vector<1xf32>
        %squeeze3A_2099 = vector.extract %slice3A_2098[0] : f32 from vector<1xf32>
        %get3A_2100 = arith.constant 0 : i32
        %get3A_2101 = arith.constant 0 : i32
        %get3A_2102 = arith.index_cast %get3A_2100 : i32 to index
        %get3A_2103 = arith.index_cast %get3A_2101 : i32 to index
        %get3A_2104 = arith.index_cast %add3A_2066 : i32 to index
        %get3A_2105 = arith.constant 0 : index
        %get3A_2106 = tpu.vector_load %arg11[%get3A_2102, %get3A_2103, %get3A_2104, %get3A_2105] {strides = array<i32>} : memref<2x3x400x32xf32, #tpu.memory_space<vmem>>, vector<1x1x1x16xf32>,
        %get3A_2107 = vector.shape_cast %get3A_2106 : vector<1x1x1x16xf32> to vector<16xf32>
        %mul3A_2108 = vector.broadcast %squeeze3A_2095 : f32 to vector<16xf32>
        %mul3A_2109 = arith.mulf %mul3A_2108, %get3A_2107 : vector<16xf32>
        %get3A_2110 = arith.constant 0 : i32
        %get3A_2111 = arith.constant 1 : i32
        %get3A_2112 = arith.index_cast %get3A_2110 : i32 to index
        %get3A_2113 = arith.index_cast %get3A_2111 : i32 to index
        %get3A_2114 = arith.index_cast %add3A_2066 : i32 to index
        %get3A_2115 = arith.constant 0 : index
        %get3A_2116 = tpu.vector_load %arg11[%get3A_2112, %get3A_2113, %get3A_2114, %get3A_2115] {strides = array<i32>} : memref<2x3x400x32xf32, #tpu.memory_space<vmem>>, vector<1x1x1x16xf32>,
        %get3A_2117 = vector.shape_cast %get3A_2116 : vector<1x1x1x16xf32> to vector<16xf32>
        %mul3A_2118 = vector.broadcast %squeeze3A_2097 : f32 to vector<16xf32>
        %mul3A_2119 = arith.mulf %mul3A_2118, %get3A_2117 : vector<16xf32>
        %add3A_2120 = arith.addf %mul3A_2109, %mul3A_2119 : vector<16xf32>
        %get3A_2121 = arith.constant 0 : i32
        %get3A_2122 = arith.constant 2 : i32
        %get3A_2123 = arith.index_cast %get3A_2121 : i32 to index
        %get3A_2124 = arith.index_cast %get3A_2122 : i32 to index
        %get3A_2125 = arith.index_cast %add3A_2066 : i32 to index
        %get3A_2126 = arith.constant 0 : index
        %get3A_2127 = tpu.vector_load %arg11[%get3A_2123, %get3A_2124, %get3A_2125, %get3A_2126] {strides = array<i32>} : memref<2x3x400x32xf32, #tpu.memory_space<vmem>>, vector<1x1x1x16xf32>,
        %get3A_2128 = vector.shape_cast %get3A_2127 : vector<1x1x1x16xf32> to vector<16xf32>
        %mul3A_2129 = vector.broadcast %squeeze3A_2099 : f32 to vector<16xf32>
        %mul3A_2130 = arith.mulf %mul3A_2129, %get3A_2128 : vector<16xf32>
        %add3A_2131 = arith.addf %add3A_2120, %mul3A_2130 : vector<16xf32>
        %swap3A_2132 = arith.index_cast %select_n3A_2090 : i32 to index
        %swap3A_2133 = arith.index_cast %sub3A_2093 : i32 to index
        %swap3A_2134 = arith.constant 0 : index
        %swap3A_2135 = tpu.vector_load %arg12[%swap3A_2132, %swap3A_2133, %swap3A_2134] {strides = array<i32>} : memref<8x50x32xf32, #tpu.memory_space<vmem>>, vector<1x1x16xf32>,
        %swap3A_2136 = vector.shape_cast %swap3A_2135 : vector<1x1x16xf32> to vector<16xf32>
        %swap3A_2137 = vector.shape_cast %add3A_2131 : vector<16xf32> to vector<1x1x16xf32>
        tpu.vector_store %arg12[%swap3A_2132, %swap3A_2133, %swap3A_2134], %swap3A_2137 {strides = array<i32>} : memref<8x50x32xf32, #tpu.memory_space<vmem>>, vector<1x1x16xf32>,
        %get3A_2138 = arith.constant 0 : i32
        %get3A_2139 = arith.constant 0 : i32
        %get3A_2140 = arith.index_cast %get3A_2138 : i32 to index
        %get3A_2141 = arith.index_cast %get3A_2139 : i32 to index
        %get3A_2142 = arith.index_cast %add3A_2066 : i32 to index
        %get3A_2143 = arith.constant 16 : index
        %get3A_2144 = tpu.vector_load %arg11[%get3A_2140, %get3A_2141, %get3A_2142, %get3A_2143] {strides = array<i32>} : memref<2x3x400x32xf32, #tpu.memory_space<vmem>>, vector<1x1x1x16xf32>,
        %get3A_2145 = vector.shape_cast %get3A_2144 : vector<1x1x1x16xf32> to vector<16xf32>
        %mul3A_2146 = vector.broadcast %squeeze3A_2095 : f32 to vector<16xf32>
        %mul3A_2147 = arith.mulf %mul3A_2146, %get3A_2145 : vector<16xf32>
        %get3A_2148 = arith.constant 0 : i32
        %get3A_2149 = arith.constant 1 : i32
        %get3A_2150 = arith.index_cast %get3A_2148 : i32 to index
        %get3A_2151 = arith.index_cast %get3A_2149 : i32 to index
        %get3A_2152 = arith.index_cast %add3A_2066 : i32 to index
        %get3A_2153 = arith.constant 16 : index
        %get3A_2154 = tpu.vector_load %arg11[%get3A_2150, %get3A_2151, %get3A_2152, %get3A_2153] {strides = array<i32>} : memref<2x3x400x32xf32, #tpu.memory_space<vmem>>, vector<1x1x1x16xf32>,
        %get3A_2155 = vector.shape_cast %get3A_2154 : vector<1x1x1x16xf32> to vector<16xf32>
        %mul3A_2156 = vector.broadcast %squeeze3A_2097 : f32 to vector<16xf32>
        %mul3A_2157 = arith.mulf %mul3A_2156, %get3A_2155 : vector<16xf32>
        %add3A_2158 = arith.addf %mul3A_2147, %mul3A_2157 : vector<16xf32>
        %get3A_2159 = arith.constant 0 : i32
        %get3A_2160 = arith.constant 2 : i32
        %get3A_2161 = arith.index_cast %get3A_2159 : i32 to index
        %get3A_2162 = arith.index_cast %get3A_2160 : i32 to index
        %get3A_2163 = arith.index_cast %add3A_2066 : i32 to index
        %get3A_2164 = arith.constant 16 : index
        %get3A_2165 = tpu.vector_load %arg11[%get3A_2161, %get3A_2162, %get3A_2163, %get3A_2164] {strides = array<i32>} : memref<2x3x400x32xf32, #tpu.memory_space<vmem>>, vector<1x1x1x16xf32>,
        %get3A_2166 = vector.shape_cast %get3A_2165 : vector<1x1x1x16xf32> to vector<16xf32>
        %mul3A_2167 = vector.broadcast %squeeze3A_2099 : f32 to vector<16xf32>
        %mul3A_2168 = arith.mulf %mul3A_2167, %get3A_2166 : vector<16xf32>
        %add3A_2169 = arith.addf %add3A_2158, %mul3A_2168 : vector<16xf32>
        %swap3A_2170 = arith.index_cast %select_n3A_2090 : i32 to index
        %swap3A_2171 = arith.index_cast %sub3A_2093 : i32 to index
        %swap3A_2172 = arith.constant 16 : index
        %swap3A_2173 = tpu.vector_load %arg12[%swap3A_2170, %swap3A_2171, %swap3A_2172] {strides = array<i32>} : memref<8x50x32xf32, #tpu.memory_space<vmem>>, vector<1x1x16xf32>,
        %swap3A_2174 = vector.shape_cast %swap3A_2173 : vector<1x1x16xf32> to vector<16xf32>
        %swap3A_2175 = vector.shape_cast %add3A_2169 : vector<16xf32> to vector<1x1x16xf32>
        tpu.vector_store %arg12[%swap3A_2170, %swap3A_2171, %swap3A_2172], %swap3A_2175 {strides = array<i32>} : memref<8x50x32xf32, #tpu.memory_space<vmem>>, vector<1x1x16xf32>,
        %mul3A_2176 = arith.constant 16 : i32
        %mul3A_2177 = arith.muli %scan3A_469, %mul3A_2176 : i32
        %add3A_2178 = arith.constant 15 : i32
        %add3A_2179 = arith.addi %mul3A_2177, %add3A_2178 : i32
        %jit3A_2180 = arith.constant 50 : i32
        %div3A_2181 = arith.divsi %add3A_2179, %jit3A_2180 : i32
        %sign3A_2182 = arith.constant 0 : i32
        %sign3A_2183 = arith.cmpi sgt, %add3A_2179, %sign3A_2182 : i32
        %sign3A_2184 = arith.extui %sign3A_2183 : i1 to i32
        %sign3A_2185 = arith.constant 0 : i32
        %sign3A_2186 = arith.cmpi slt, %add3A_2179, %sign3A_2185 : i32
        %sign3A_2187 = arith.extui %sign3A_2186 : i1 to i32
        %sign3A_2188 = arith.subi %sign3A_2184, %sign3A_2187 : i32
        %sign3A_2189 = arith.constant 0 : i32
        %sign3A_2190 = arith.cmpi sgt, %jit3A_2180, %sign3A_2189 : i32
        %sign3A_2191 = arith.extui %sign3A_2190 : i1 to i32
        %sign3A_2192 = arith.constant 0 : i32
        %sign3A_2193 = arith.cmpi slt, %jit3A_2180, %sign3A_2192 : i32
        %sign3A_2194 = arith.extui %sign3A_2193 : i1 to i32
        %sign3A_2195 = arith.subi %sign3A_2191, %sign3A_2194 : i32
        %ne3A_2196 = arith.cmpi ne, %sign3A_2188, %sign3A_2195 : i32
        %rem3A_2197 = arith.remsi %add3A_2179, %jit3A_2180 : i32
        %ne3A_2198 = arith.constant 0 : i32
        %ne3A_2199 = arith.cmpi ne, %rem3A_2197, %ne3A_2198 : i32
        %and3A_2200 = arith.andi %ne3A_2196, %ne3A_2199 : i1
        %sub3A_2201 = arith.constant 1 : i32
        %sub3A_2202 = arith.subi %div3A_2181, %sub3A_2201 : i32
        %select_n3A_2203 = arith.select %and3A_2200, %sub3A_2202, %div3A_2181 : i32
        %mul3A_2204 = arith.constant 50 : i32
        %mul3A_2205 = arith.muli %select_n3A_2203, %mul3A_2204 : i32
        %sub3A_2206 = arith.subi %add3A_2179, %mul3A_2205 : i32
        %slice3A_2207 = vector.extract_strided_slice %get3A_477 {offsets = [15], sizes = [1], strides = [1]} : vector<16xf32> to vector<1xf32>
        %squeeze3A_2208 = vector.extract %slice3A_2207[0] : f32 from vector<1xf32>
        %slice3A_2209 = vector.extract_strided_slice %get3A_484 {offsets = [15], sizes = [1], strides = [1]} : vector<16xf32> to vector<1xf32>
        %squeeze3A_2210 = vector.extract %slice3A_2209[0] : f32 from vector<1xf32>
        %slice3A_2211 = vector.extract_strided_slice %get3A_491 {offsets = [15], sizes = [1], strides = [1]} : vector<16xf32> to vector<1xf32>
        %squeeze3A_2212 = vector.extract %slice3A_2211[0] : f32 from vector<1xf32>
        %get3A_2213 = arith.constant 0 : i32
        %get3A_2214 = arith.constant 0 : i32
        %get3A_2215 = arith.index_cast %get3A_2213 : i32 to index
        %get3A_2216 = arith.index_cast %get3A_2214 : i32 to index
        %get3A_2217 = arith.index_cast %add3A_2179 : i32 to index
        %get3A_2218 = arith.constant 0 : index
        %get3A_2219 = tpu.vector_load %arg11[%get3A_2215, %get3A_2216, %get3A_2217, %get3A_2218] {strides = array<i32>} : memref<2x3x400x32xf32, #tpu.memory_space<vmem>>, vector<1x1x1x16xf32>,
        %get3A_2220 = vector.shape_cast %get3A_2219 : vector<1x1x1x16xf32> to vector<16xf32>
        %mul3A_2221 = vector.broadcast %squeeze3A_2208 : f32 to vector<16xf32>
        %mul3A_2222 = arith.mulf %mul3A_2221, %get3A_2220 : vector<16xf32>
        %get3A_2223 = arith.constant 0 : i32
        %get3A_2224 = arith.constant 1 : i32
        %get3A_2225 = arith.index_cast %get3A_2223 : i32 to index
        %get3A_2226 = arith.index_cast %get3A_2224 : i32 to index
        %get3A_2227 = arith.index_cast %add3A_2179 : i32 to index
        %get3A_2228 = arith.constant 0 : index
        %get3A_2229 = tpu.vector_load %arg11[%get3A_2225, %get3A_2226, %get3A_2227, %get3A_2228] {strides = array<i32>} : memref<2x3x400x32xf32, #tpu.memory_space<vmem>>, vector<1x1x1x16xf32>,
        %get3A_2230 = vector.shape_cast %get3A_2229 : vector<1x1x1x16xf32> to vector<16xf32>
        %mul3A_2231 = vector.broadcast %squeeze3A_2210 : f32 to vector<16xf32>
        %mul3A_2232 = arith.mulf %mul3A_2231, %get3A_2230 : vector<16xf32>
        %add3A_2233 = arith.addf %mul3A_2222, %mul3A_2232 : vector<16xf32>
        %get3A_2234 = arith.constant 0 : i32
        %get3A_2235 = arith.constant 2 : i32
        %get3A_2236 = arith.index_cast %get3A_2234 : i32 to index
        %get3A_2237 = arith.index_cast %get3A_2235 : i32 to index
        %get3A_2238 = arith.index_cast %add3A_2179 : i32 to index
        %get3A_2239 = arith.constant 0 : index
        %get3A_2240 = tpu.vector_load %arg11[%get3A_2236, %get3A_2237, %get3A_2238, %get3A_2239] {strides = array<i32>} : memref<2x3x400x32xf32, #tpu.memory_space<vmem>>, vector<1x1x1x16xf32>,
        %get3A_2241 = vector.shape_cast %get3A_2240 : vector<1x1x1x16xf32> to vector<16xf32>
        %mul3A_2242 = vector.broadcast %squeeze3A_2212 : f32 to vector<16xf32>
        %mul3A_2243 = arith.mulf %mul3A_2242, %get3A_2241 : vector<16xf32>
        %add3A_2244 = arith.addf %add3A_2233, %mul3A_2243 : vector<16xf32>
        %swap3A_2245 = arith.index_cast %select_n3A_2203 : i32 to index
        %swap3A_2246 = arith.index_cast %sub3A_2206 : i32 to index
        %swap3A_2247 = arith.constant 0 : index
        %swap3A_2248 = tpu.vector_load %arg12[%swap3A_2245, %swap3A_2246, %swap3A_2247] {strides = array<i32>} : memref<8x50x32xf32, #tpu.memory_space<vmem>>, vector<1x1x16xf32>,
        %swap3A_2249 = vector.shape_cast %swap3A_2248 : vector<1x1x16xf32> to vector<16xf32>
        %swap3A_2250 = vector.shape_cast %add3A_2244 : vector<16xf32> to vector<1x1x16xf32>
        tpu.vector_store %arg12[%swap3A_2245, %swap3A_2246, %swap3A_2247], %swap3A_2250 {strides = array<i32>} : memref<8x50x32xf32, #tpu.memory_space<vmem>>, vector<1x1x16xf32>,
        %get3A_2251 = arith.constant 0 : i32
        %get3A_2252 = arith.constant 0 : i32
        %get3A_2253 = arith.index_cast %get3A_2251 : i32 to index
        %get3A_2254 = arith.index_cast %get3A_2252 : i32 to index
        %get3A_2255 = arith.index_cast %add3A_2179 : i32 to index
        %get3A_2256 = arith.constant 16 : index
        %get3A_2257 = tpu.vector_load %arg11[%get3A_2253, %get3A_2254, %get3A_2255, %get3A_2256] {strides = array<i32>} : memref<2x3x400x32xf32, #tpu.memory_space<vmem>>, vector<1x1x1x16xf32>,
        %get3A_2258 = vector.shape_cast %get3A_2257 : vector<1x1x1x16xf32> to vector<16xf32>
        %mul3A_2259 = vector.broadcast %squeeze3A_2208 : f32 to vector<16xf32>
        %mul3A_2260 = arith.mulf %mul3A_2259, %get3A_2258 : vector<16xf32>
        %get3A_2261 = arith.constant 0 : i32
        %get3A_2262 = arith.constant 1 : i32
        %get3A_2263 = arith.index_cast %get3A_2261 : i32 to index
        %get3A_2264 = arith.index_cast %get3A_2262 : i32 to index
        %get3A_2265 = arith.index_cast %add3A_2179 : i32 to index
        %get3A_2266 = arith.constant 16 : index
        %get3A_2267 = tpu.vector_load %arg11[%get3A_2263, %get3A_2264, %get3A_2265, %get3A_2266] {strides = array<i32>} : memref<2x3x400x32xf32, #tpu.memory_space<vmem>>, vector<1x1x1x16xf32>,
        %get3A_2268 = vector.shape_cast %get3A_2267 : vector<1x1x1x16xf32> to vector<16xf32>
        %mul3A_2269 = vector.broadcast %squeeze3A_2210 : f32 to vector<16xf32>
        %mul3A_2270 = arith.mulf %mul3A_2269, %get3A_2268 : vector<16xf32>
        %add3A_2271 = arith.addf %mul3A_2260, %mul3A_2270 : vector<16xf32>
        %get3A_2272 = arith.constant 0 : i32
        %get3A_2273 = arith.constant 2 : i32
        %get3A_2274 = arith.index_cast %get3A_2272 : i32 to index
        %get3A_2275 = arith.index_cast %get3A_2273 : i32 to index
        %get3A_2276 = arith.index_cast %add3A_2179 : i32 to index
        %get3A_2277 = arith.constant 16 : index
        %get3A_2278 = tpu.vector_load %arg11[%get3A_2274, %get3A_2275, %get3A_2276, %get3A_2277] {strides = array<i32>} : memref<2x3x400x32xf32, #tpu.memory_space<vmem>>, vector<1x1x1x16xf32>,
        %get3A_2279 = vector.shape_cast %get3A_2278 : vector<1x1x1x16xf32> to vector<16xf32>
        %mul3A_2280 = vector.broadcast %squeeze3A_2212 : f32 to vector<16xf32>
        %mul3A_2281 = arith.mulf %mul3A_2280, %get3A_2279 : vector<16xf32>
        %add3A_2282 = arith.addf %add3A_2271, %mul3A_2281 : vector<16xf32>
        %swap3A_2283 = arith.index_cast %select_n3A_2203 : i32 to index
        %swap3A_2284 = arith.index_cast %sub3A_2206 : i32 to index
        %swap3A_2285 = arith.constant 16 : index
        %swap3A_2286 = tpu.vector_load %arg12[%swap3A_2283, %swap3A_2284, %swap3A_2285] {strides = array<i32>} : memref<8x50x32xf32, #tpu.memory_space<vmem>>, vector<1x1x16xf32>,
        %swap3A_2287 = vector.shape_cast %swap3A_2286 : vector<1x1x16xf32> to vector<16xf32>
        %swap3A_2288 = vector.shape_cast %add3A_2282 : vector<16xf32> to vector<1x1x16xf32>
        tpu.vector_store %arg12[%swap3A_2283, %swap3A_2284, %swap3A_2285], %swap3A_2288 {strides = array<i32>} : memref<8x50x32xf32, #tpu.memory_space<vmem>>, vector<1x1x16xf32>,
      }
      %scan3A_343 = arith.constant 25 : i32
      %mul3A_344 = arith.constant 128 : i32
      %mul3A_345 = arith.muli %add3A, %mul3A_344 : i32
      %mul3A_346 = arith.constant 8 : i32
      %mul3A_347 = arith.muli %add3A_249, %mul3A_346 : i32
      %add3A_348 = arith.addi %mul3A_345, %mul3A_347 : i32
      "tpu.region"() ({
        %run_scoped3A = tpu.sem_alloc : memref<!tpu.dma_semaphore, #tpu.memory_space<semaphore_mem>>
        %dma_start3A_469 = arith.constant 0 : i32
        %dma_start3A_470 = arith.constant 0 : i32
        %dma_start3A_471 = tpu.memref_slice %arg6[%add3A_348, %dma_start3A_469, %dma_start3A_470] : memref<4096x50x32xf32, #tpu.memory_space<hbm>> -> memref<8x50x32xf32, #tpu.memory_space<hbm>>
        %dma_start3A_472 = arith.constant 0 : i32
        %dma_start3A_473 = arith.constant 0 : i32
        %dma_start3A_474 = tpu.memref_slice %arg6[%add3A_348, %dma_start3A_472, %dma_start3A_473] : memref<4096x50x32xf32, #tpu.memory_space<hbm>> -> memref<8x50x32xf32, #tpu.memory_space<hbm>>
        tpu.enqueue_dma source(%arg12 : memref<8x50x32xf32, #tpu.memory_space<vmem>>) target(%dma_start3A_474 : memref<8x50x32xf32, #tpu.memory_space<hbm>>) target_semaphore(%run_scoped3A : memref<!tpu.dma_semaphore, #tpu.memory_space<semaphore_mem>>)
        %dma_wait3A_475 = arith.constant 0 : i32
        %dma_wait3A_476 = arith.constant 0 : i32
        %dma_wait3A_477 = tpu.memref_slice %arg6[%add3A_348, %dma_wait3A_475, %dma_wait3A_476] : memref<4096x50x32xf32, #tpu.memory_space<hbm>> -> memref<8x50x32xf32, #tpu.memory_space<hbm>>
        %dma_wait3A_478 = arith.constant 0 : i32
        %dma_wait3A_479 = arith.constant 0 : i32
        %dma_wait3A_480 = tpu.memref_slice %arg6[%add3A_348, %dma_wait3A_478, %dma_wait3A_479] : memref<4096x50x32xf32, #tpu.memory_space<hbm>> -> memref<8x50x32xf32, #tpu.memory_space<hbm>>
        tpu.wait_dma2 semaphore(%run_scoped3A : memref<!tpu.dma_semaphore, #tpu.memory_space<semaphore_mem>>) src(%arg12 : memref<8x50x32xf32, #tpu.memory_space<vmem>>) dst(%dma_wait3A_480 : memref<8x50x32xf32, #tpu.memory_space<hbm>>)
        tpu.yield
      }) : () -> ()
      %add3A_349 = arith.constant 2 : i32
      %add3A_350 = arith.addi %add3A_249, %add3A_349 : i32
      %lt3A_351 = arith.constant 16 : i32
      %lt3A_352 = arith.cmpi slt, %add3A_350, %lt3A_351 : i32
      %convert_element_type3A_353 = arith.extui %lt3A_352 : i1 to i32
      %cond3A_354 = arith.constant 0 : i32
      %cond3A_355 = arith.cmpi ne, %convert_element_type3A_353, %cond3A_354 : i32
      scf.if %cond3A_355 {
        %add3A_469 = arith.constant 2 : i32
        %add3A_470 = arith.addi %add3A_249, %add3A_469 : i32
        %dma_start3A_471 = arith.constant 0 : i32
        %dma_start3A_472 = arith.constant 0 : i32
        %dma_start3A_473 = arith.constant 0 : i32
        %dma_start3A_474 = tpu.memref_slice %arg10[%dma_start3A_471, %dma_start3A_472, %dma_start3A_473] : memref<2x3x400xf32, #tpu.memory_space<vmem>> -> memref<1x1x400xf32, #tpu.memory_space<vmem>>
        %dma_start3A_475 = tpu.memref_squeeze %dma_start3A_474 : memref<1x1x400xf32, #tpu.memory_space<vmem>> -> memref<400xf32, #tpu.memory_space<vmem>>
        %dma_start3A_476 = arith.constant 0 : i32
        %dma_start3A_477 = tpu.memref_slice %arg8[%add3A_470, %dma_start3A_476] : memref<16x400xi32, #tpu.memory_space<vmem>> -> memref<1x400xi32, #tpu.memory_space<vmem>>
        %dma_start3A_478 = tpu.memref_squeeze %dma_start3A_477 : memref<1x400xi32, #tpu.memory_space<vmem>> -> memref<400xi32, #tpu.memory_space<vmem>>
        %dma_start3A_479 = arith.constant 0 : i32
        %dma_start3A_480 = tpu.memref_slice %arg4[%dma_start3A_479] : memref<3000000xf32, #tpu.memory_space<hbm>> -> memref<1000000xf32, #tpu.memory_space<hbm>>
        %dma_start3A_481 = arith.constant 0 : i32
        %dma_start3A_482 = tpu.memref_slice %dma_start3A_480[%dma_start3A_481] : memref<1000000xf32, #tpu.memory_space<hbm>> -> memref<1000000xf32, #tpu.memory_space<hbm>>
        tpu.enqueue_indirect_dma source(%dma_start3A_482 : memref<1000000xf32, #tpu.memory_space<hbm>>) target(%dma_start3A_475 : memref<400xf32, #tpu.memory_space<vmem>>) offsets(%dma_start3A_478 : memref<400xi32, #tpu.memory_space<vmem>>) semaphore(%arg15 : memref<!tpu.dma_semaphore, #tpu.memory_space<semaphore_mem>>)
        %dma_start3A_483 = arith.constant 0 : i32
        %dma_start3A_484 = arith.constant 1 : i32
        %dma_start3A_485 = arith.constant 0 : i32
        %dma_start3A_486 = tpu.memref_slice %arg10[%dma_start3A_483, %dma_start3A_484, %dma_start3A_485] : memref<2x3x400xf32, #tpu.memory_space<vmem>> -> memref<1x1x400xf32, #tpu.memory_space<vmem>>
        %dma_start3A_487 = tpu.memref_squeeze %dma_start3A_486 : memref<1x1x400xf32, #tpu.memory_space<vmem>> -> memref<400xf32, #tpu.memory_space<vmem>>
        %dma_start3A_488 = arith.constant 0 : i32
        %dma_start3A_489 = tpu.memref_slice %arg8[%add3A_470, %dma_start3A_488] : memref<16x400xi32, #tpu.memory_space<vmem>> -> memref<1x400xi32, #tpu.memory_space<vmem>>
        %dma_start3A_490 = tpu.memref_squeeze %dma_start3A_489 : memref<1x400xi32, #tpu.memory_space<vmem>> -> memref<400xi32, #tpu.memory_space<vmem>>
        %dma_start3A_491 = arith.constant 1000000 : i32
        %dma_start3A_492 = tpu.memref_slice %arg4[%dma_start3A_491] : memref<3000000xf32, #tpu.memory_space<hbm>> -> memref<1000000xf32, #tpu.memory_space<hbm>>
        %dma_start3A_493 = arith.constant 0 : i32
        %dma_start3A_494 = tpu.memref_slice %dma_start3A_492[%dma_start3A_493] : memref<1000000xf32, #tpu.memory_space<hbm>> -> memref<1000000xf32, #tpu.memory_space<hbm>>
        tpu.enqueue_indirect_dma source(%dma_start3A_494 : memref<1000000xf32, #tpu.memory_space<hbm>>) target(%dma_start3A_487 : memref<400xf32, #tpu.memory_space<vmem>>) offsets(%dma_start3A_490 : memref<400xi32, #tpu.memory_space<vmem>>) semaphore(%arg15 : memref<!tpu.dma_semaphore, #tpu.memory_space<semaphore_mem>>)
        %dma_start3A_495 = arith.constant 0 : i32
        %dma_start3A_496 = arith.constant 2 : i32
        %dma_start3A_497 = arith.constant 0 : i32
        %dma_start3A_498 = tpu.memref_slice %arg10[%dma_start3A_495, %dma_start3A_496, %dma_start3A_497] : memref<2x3x400xf32, #tpu.memory_space<vmem>> -> memref<1x1x400xf32, #tpu.memory_space<vmem>>
        %dma_start3A_499 = tpu.memref_squeeze %dma_start3A_498 : memref<1x1x400xf32, #tpu.memory_space<vmem>> -> memref<400xf32, #tpu.memory_space<vmem>>
        %dma_start3A_500 = arith.constant 0 : i32
        %dma_start3A_501 = tpu.memref_slice %arg8[%add3A_470, %dma_start3A_500] : memref<16x400xi32, #tpu.memory_space<vmem>> -> memref<1x400xi32, #tpu.memory_space<vmem>>
        %dma_start3A_502 = tpu.memref_squeeze %dma_start3A_501 : memref<1x400xi32, #tpu.memory_space<vmem>> -> memref<400xi32, #tpu.memory_space<vmem>>
        %dma_start3A_503 = arith.constant 2000000 : i32
        %dma_start3A_504 = tpu.memref_slice %arg4[%dma_start3A_503] : memref<3000000xf32, #tpu.memory_space<hbm>> -> memref<1000000xf32, #tpu.memory_space<hbm>>
        %dma_start3A_505 = arith.constant 0 : i32
        %dma_start3A_506 = tpu.memref_slice %dma_start3A_504[%dma_start3A_505] : memref<1000000xf32, #tpu.memory_space<hbm>> -> memref<1000000xf32, #tpu.memory_space<hbm>>
        tpu.enqueue_indirect_dma source(%dma_start3A_506 : memref<1000000xf32, #tpu.memory_space<hbm>>) target(%dma_start3A_499 : memref<400xf32, #tpu.memory_space<vmem>>) offsets(%dma_start3A_502 : memref<400xi32, #tpu.memory_space<vmem>>) semaphore(%arg15 : memref<!tpu.dma_semaphore, #tpu.memory_space<semaphore_mem>>)
      } else {
      }
      %mul3A_356 = arith.constant 2 : i32
      %mul3A_357 = arith.muli %scan3A_245, %mul3A_356 : i32
      %add3A_358 = arith.constant 1 : i32
      %add3A_359 = arith.addi %mul3A_357, %add3A_358 : i32
      %add3A_360 = arith.constant 1 : i32
      %add3A_361 = arith.addi %add3A_359, %add3A_360 : i32
      %lt3A_362 = arith.constant 16 : i32
      %lt3A_363 = arith.cmpi slt, %add3A_361, %lt3A_362 : i32
      %convert_element_type3A_364 = arith.extui %lt3A_363 : i1 to i32
      %cond3A_365 = arith.constant 0 : i32
      %cond3A_366 = arith.cmpi ne, %convert_element_type3A_364, %cond3A_365 : i32
      scf.if %cond3A_366 {
        %add3A_469 = arith.constant 1 : i32
        %add3A_470 = arith.addi %add3A_359, %add3A_469 : i32
        %dma_wait3A_471 = arith.constant 0 : i32
        %dma_wait3A_472 = arith.constant 0 : i32
        %dma_wait3A_473 = arith.constant 0 : i32
        %dma_wait3A_474 = tpu.memref_slice %arg9[%dma_wait3A_471, %dma_wait3A_472, %dma_wait3A_473] : memref<2x3x400xi32, #tpu.memory_space<vmem>> -> memref<1x1x400xi32, #tpu.memory_space<vmem>>
        %dma_wait3A_475 = tpu.memref_squeeze %dma_wait3A_474 : memref<1x1x400xi32, #tpu.memory_space<vmem>> -> memref<400xi32, #tpu.memory_space<vmem>>
        %dma_wait3A_476 = arith.constant 0 : i32
        %dma_wait3A_477 = tpu.memref_slice %arg7[%add3A_470, %dma_wait3A_476] : memref<16x400xi32, #tpu.memory_space<vmem>> -> memref<1x400xi32, #tpu.memory_space<vmem>>
        %dma_wait3A_478 = tpu.memref_squeeze %dma_wait3A_477 : memref<1x400xi32, #tpu.memory_space<vmem>> -> memref<400xi32, #tpu.memory_space<vmem>>
        %dma_wait3A_479 = arith.constant 0 : i32
        %dma_wait3A_480 = tpu.memref_slice %arg3[%dma_wait3A_479] : memref<3000000xi32, #tpu.memory_space<hbm>> -> memref<1000000xi32, #tpu.memory_space<hbm>>
        %dma_wait3A_481 = arith.constant 0 : i32
        %dma_wait3A_482 = tpu.memref_slice %dma_wait3A_480[%dma_wait3A_481] : memref<1000000xi32, #tpu.memory_space<hbm>> -> memref<1000000xi32, #tpu.memory_space<hbm>>
        tpu.wait_indirect_dma semaphore(%arg13 : memref<!tpu.dma_semaphore, #tpu.memory_space<semaphore_mem>>) src(%dma_wait3A_482 : memref<1000000xi32, #tpu.memory_space<hbm>>) dst(%dma_wait3A_475 : memref<400xi32, #tpu.memory_space<vmem>>)
        %dma_wait3A_483 = arith.constant 0 : i32
        %dma_wait3A_484 = arith.constant 1 : i32
        %dma_wait3A_485 = arith.constant 0 : i32
        %dma_wait3A_486 = tpu.memref_slice %arg9[%dma_wait3A_483, %dma_wait3A_484, %dma_wait3A_485] : memref<2x3x400xi32, #tpu.memory_space<vmem>> -> memref<1x1x400xi32, #tpu.memory_space<vmem>>
        %dma_wait3A_487 = tpu.memref_squeeze %dma_wait3A_486 : memref<1x1x400xi32, #tpu.memory_space<vmem>> -> memref<400xi32, #tpu.memory_space<vmem>>
        %dma_wait3A_488 = arith.constant 0 : i32
        %dma_wait3A_489 = tpu.memref_slice %arg7[%add3A_470, %dma_wait3A_488] : memref<16x400xi32, #tpu.memory_space<vmem>> -> memref<1x400xi32, #tpu.memory_space<vmem>>
        %dma_wait3A_490 = tpu.memref_squeeze %dma_wait3A_489 : memref<1x400xi32, #tpu.memory_space<vmem>> -> memref<400xi32, #tpu.memory_space<vmem>>
        %dma_wait3A_491 = arith.constant 1000000 : i32
        %dma_wait3A_492 = tpu.memref_slice %arg3[%dma_wait3A_491] : memref<3000000xi32, #tpu.memory_space<hbm>> -> memref<1000000xi32, #tpu.memory_space<hbm>>
        %dma_wait3A_493 = arith.constant 0 : i32
        %dma_wait3A_494 = tpu.memref_slice %dma_wait3A_492[%dma_wait3A_493] : memref<1000000xi32, #tpu.memory_space<hbm>> -> memref<1000000xi32, #tpu.memory_space<hbm>>
        tpu.wait_indirect_dma semaphore(%arg13 : memref<!tpu.dma_semaphore, #tpu.memory_space<semaphore_mem>>) src(%dma_wait3A_494 : memref<1000000xi32, #tpu.memory_space<hbm>>) dst(%dma_wait3A_487 : memref<400xi32, #tpu.memory_space<vmem>>)
        %dma_wait3A_495 = arith.constant 0 : i32
        %dma_wait3A_496 = arith.constant 2 : i32
        %dma_wait3A_497 = arith.constant 0 : i32
        %dma_wait3A_498 = tpu.memref_slice %arg9[%dma_wait3A_495, %dma_wait3A_496, %dma_wait3A_497] : memref<2x3x400xi32, #tpu.memory_space<vmem>> -> memref<1x1x400xi32, #tpu.memory_space<vmem>>
        %dma_wait3A_499 = tpu.memref_squeeze %dma_wait3A_498 : memref<1x1x400xi32, #tpu.memory_space<vmem>> -> memref<400xi32, #tpu.memory_space<vmem>>
        %dma_wait3A_500 = arith.constant 0 : i32
        %dma_wait3A_501 = tpu.memref_slice %arg7[%add3A_470, %dma_wait3A_500] : memref<16x400xi32, #tpu.memory_space<vmem>> -> memref<1x400xi32, #tpu.memory_space<vmem>>
        %dma_wait3A_502 = tpu.memref_squeeze %dma_wait3A_501 : memref<1x400xi32, #tpu.memory_space<vmem>> -> memref<400xi32, #tpu.memory_space<vmem>>
        %dma_wait3A_503 = arith.constant 2000000 : i32
        %dma_wait3A_504 = tpu.memref_slice %arg3[%dma_wait3A_503] : memref<3000000xi32, #tpu.memory_space<hbm>> -> memref<1000000xi32, #tpu.memory_space<hbm>>
        %dma_wait3A_505 = arith.constant 0 : i32
        %dma_wait3A_506 = tpu.memref_slice %dma_wait3A_504[%dma_wait3A_505] : memref<1000000xi32, #tpu.memory_space<hbm>> -> memref<1000000xi32, #tpu.memory_space<hbm>>
        tpu.wait_indirect_dma semaphore(%arg13 : memref<!tpu.dma_semaphore, #tpu.memory_space<semaphore_mem>>) src(%dma_wait3A_506 : memref<1000000xi32, #tpu.memory_space<hbm>>) dst(%dma_wait3A_499 : memref<400xi32, #tpu.memory_space<vmem>>)
        %dma_start3A_507 = arith.constant 0 : i32
        %dma_start3A_508 = arith.constant 0 : i32
        %dma_start3A_509 = arith.constant 0 : i32
        %dma_start3A_510 = arith.constant 0 : i32
        %dma_start3A_511 = arith.constant 0 : i32
        %dma_start3A_512 = arith.constant 0 : i32
        %dma_start3A_513 = tpu.memref_slice %arg11[%dma_start3A_509, %dma_start3A_510, %dma_start3A_511, %dma_start3A_512] : memref<2x3x400x32xf32, #tpu.memory_space<vmem>> -> memref<1x1x400x32xf32, #tpu.memory_space<vmem>>
        %dma_start3A_514 = tpu.memref_squeeze %dma_start3A_513 : memref<1x1x400x32xf32, #tpu.memory_space<vmem>> -> memref<400x32xf32, #tpu.memory_space<vmem>>
        %dma_start3A_515 = arith.constant 0 : i32
        %dma_start3A_516 = tpu.memref_slice %arg9[%dma_start3A_507, %dma_start3A_508, %dma_start3A_515] : memref<2x3x400xi32, #tpu.memory_space<vmem>> -> memref<1x1x400xi32, #tpu.memory_space<vmem>>
        %dma_start3A_517 = tpu.memref_squeeze %dma_start3A_516 : memref<1x1x400xi32, #tpu.memory_space<vmem>> -> memref<400xi32, #tpu.memory_space<vmem>>
        %dma_start3A_518 = arith.constant 0 : i32
        %dma_start3A_519 = arith.constant 0 : i32
        %dma_start3A_520 = tpu.memref_slice %arg5[%dma_start3A_518, %dma_start3A_519] : memref<100000x32xf32, #tpu.memory_space<hbm>> -> memref<100000x32xf32, #tpu.memory_space<hbm>>
        tpu.enqueue_indirect_dma source(%dma_start3A_520 : memref<100000x32xf32, #tpu.memory_space<hbm>>) target(%dma_start3A_514 : memref<400x32xf32, #tpu.memory_space<vmem>>) offsets(%dma_start3A_517 : memref<400xi32, #tpu.memory_space<vmem>>) semaphore(%arg17 : memref<!tpu.dma_semaphore, #tpu.memory_space<semaphore_mem>>)
        %dma_start3A_521 = arith.constant 0 : i32
        %dma_start3A_522 = arith.constant 1 : i32
        %dma_start3A_523 = arith.constant 0 : i32
        %dma_start3A_524 = arith.constant 1 : i32
        %dma_start3A_525 = arith.constant 0 : i32
        %dma_start3A_526 = arith.constant 0 : i32
        %dma_start3A_527 = tpu.memref_slice %arg11[%dma_start3A_523, %dma_start3A_524, %dma_start3A_525, %dma_start3A_526] : memref<2x3x400x32xf32, #tpu.memory_space<vmem>> -> memref<1x1x400x32xf32, #tpu.memory_space<vmem>>
        %dma_start3A_528 = tpu.memref_squeeze %dma_start3A_527 : memref<1x1x400x32xf32, #tpu.memory_space<vmem>> -> memref<400x32xf32, #tpu.memory_space<vmem>>
        %dma_start3A_529 = arith.constant 0 : i32
        %dma_start3A_530 = tpu.memref_slice %arg9[%dma_start3A_521, %dma_start3A_522, %dma_start3A_529] : memref<2x3x400xi32, #tpu.memory_space<vmem>> -> memref<1x1x400xi32, #tpu.memory_space<vmem>>
        %dma_start3A_531 = tpu.memref_squeeze %dma_start3A_530 : memref<1x1x400xi32, #tpu.memory_space<vmem>> -> memref<400xi32, #tpu.memory_space<vmem>>
        %dma_start3A_532 = arith.constant 0 : i32
        %dma_start3A_533 = arith.constant 0 : i32
        %dma_start3A_534 = tpu.memref_slice %arg5[%dma_start3A_532, %dma_start3A_533] : memref<100000x32xf32, #tpu.memory_space<hbm>> -> memref<100000x32xf32, #tpu.memory_space<hbm>>
        tpu.enqueue_indirect_dma source(%dma_start3A_534 : memref<100000x32xf32, #tpu.memory_space<hbm>>) target(%dma_start3A_528 : memref<400x32xf32, #tpu.memory_space<vmem>>) offsets(%dma_start3A_531 : memref<400xi32, #tpu.memory_space<vmem>>) semaphore(%arg17 : memref<!tpu.dma_semaphore, #tpu.memory_space<semaphore_mem>>)
        %dma_start3A_535 = arith.constant 0 : i32
        %dma_start3A_536 = arith.constant 2 : i32
        %dma_start3A_537 = arith.constant 0 : i32
        %dma_start3A_538 = arith.constant 2 : i32
        %dma_start3A_539 = arith.constant 0 : i32
        %dma_start3A_540 = arith.constant 0 : i32
        %dma_start3A_541 = tpu.memref_slice %arg11[%dma_start3A_537, %dma_start3A_538, %dma_start3A_539, %dma_start3A_540] : memref<2x3x400x32xf32, #tpu.memory_space<vmem>> -> memref<1x1x400x32xf32, #tpu.memory_space<vmem>>
        %dma_start3A_542 = tpu.memref_squeeze %dma_start3A_541 : memref<1x1x400x32xf32, #tpu.memory_space<vmem>> -> memref<400x32xf32, #tpu.memory_space<vmem>>
        %dma_start3A_543 = arith.constant 0 : i32
        %dma_start3A_544 = tpu.memref_slice %arg9[%dma_start3A_535, %dma_start3A_536, %dma_start3A_543] : memref<2x3x400xi32, #tpu.memory_space<vmem>> -> memref<1x1x400xi32, #tpu.memory_space<vmem>>
        %dma_start3A_545 = tpu.memref_squeeze %dma_start3A_544 : memref<1x1x400xi32, #tpu.memory_space<vmem>> -> memref<400xi32, #tpu.memory_space<vmem>>
        %dma_start3A_546 = arith.constant 0 : i32
        %dma_start3A_547 = arith.constant 0 : i32
        %dma_start3A_548 = tpu.memref_slice %arg5[%dma_start3A_546, %dma_start3A_547] : memref<100000x32xf32, #tpu.memory_space<hbm>> -> memref<100000x32xf32, #tpu.memory_space<hbm>>
        tpu.enqueue_indirect_dma source(%dma_start3A_548 : memref<100000x32xf32, #tpu.memory_space<hbm>>) target(%dma_start3A_542 : memref<400x32xf32, #tpu.memory_space<vmem>>) offsets(%dma_start3A_545 : memref<400xi32, #tpu.memory_space<vmem>>) semaphore(%arg17 : memref<!tpu.dma_semaphore, #tpu.memory_space<semaphore_mem>>)
      } else {
      }
      %dma_wait3A_367 = arith.constant 1 : i32
      %dma_wait3A_368 = arith.constant 0 : i32
      %dma_wait3A_369 = arith.constant 1 : i32
      %dma_wait3A_370 = arith.constant 0 : i32
      %dma_wait3A_371 = arith.constant 0 : i32
      %dma_wait3A_372 = arith.constant 0 : i32
      %dma_wait3A_373 = tpu.memref_slice %arg11[%dma_wait3A_369, %dma_wait3A_370, %dma_wait3A_371, %dma_wait3A_372] : memref<2x3x400x32xf32, #tpu.memory_space<vmem>> -> memref<1x1x400x32xf32, #tpu.memory_space<vmem>>
      %dma_wait3A_374 = tpu.memref_squeeze %dma_wait3A_373 : memref<1x1x400x32xf32, #tpu.memory_space<vmem>> -> memref<400x32xf32, #tpu.memory_space<vmem>>
      %dma_wait3A_375 = arith.constant 0 : i32
      %dma_wait3A_376 = tpu.memref_slice %arg9[%dma_wait3A_367, %dma_wait3A_368, %dma_wait3A_375] : memref<2x3x400xi32, #tpu.memory_space<vmem>> -> memref<1x1x400xi32, #tpu.memory_space<vmem>>
      %dma_wait3A_377 = tpu.memref_squeeze %dma_wait3A_376 : memref<1x1x400xi32, #tpu.memory_space<vmem>> -> memref<400xi32, #tpu.memory_space<vmem>>
      %dma_wait3A_378 = arith.constant 0 : i32
      %dma_wait3A_379 = arith.constant 0 : i32
      %dma_wait3A_380 = tpu.memref_slice %arg5[%dma_wait3A_378, %dma_wait3A_379] : memref<100000x32xf32, #tpu.memory_space<hbm>> -> memref<100000x32xf32, #tpu.memory_space<hbm>>
      tpu.wait_indirect_dma semaphore(%arg18 : memref<!tpu.dma_semaphore, #tpu.memory_space<semaphore_mem>>) src(%dma_wait3A_380 : memref<100000x32xf32, #tpu.memory_space<hbm>>) dst(%dma_wait3A_374 : memref<400x32xf32, #tpu.memory_space<vmem>>)
      %dma_wait3A_381 = arith.constant 1 : i32
      %dma_wait3A_382 = arith.constant 1 : i32
      %dma_wait3A_383 = arith.constant 1 : i32
      %dma_wait3A_384 = arith.constant 1 : i32
      %dma_wait3A_385 = arith.constant 0 : i32
      %dma_wait3A_386 = arith.constant 0 : i32
      %dma_wait3A_387 = tpu.memref_slice %arg11[%dma_wait3A_383, %dma_wait3A_384, %dma_wait3A_385, %dma_wait3A_386] : memref<2x3x400x32xf32, #tpu.memory_space<vmem>> -> memref<1x1x400x32xf32, #tpu.memory_space<vmem>>
      %dma_wait3A_388 = tpu.memref_squeeze %dma_wait3A_387 : memref<1x1x400x32xf32, #tpu.memory_space<vmem>> -> memref<400x32xf32, #tpu.memory_space<vmem>>
      %dma_wait3A_389 = arith.constant 0 : i32
      %dma_wait3A_390 = tpu.memref_slice %arg9[%dma_wait3A_381, %dma_wait3A_382, %dma_wait3A_389] : memref<2x3x400xi32, #tpu.memory_space<vmem>> -> memref<1x1x400xi32, #tpu.memory_space<vmem>>
      %dma_wait3A_391 = tpu.memref_squeeze %dma_wait3A_390 : memref<1x1x400xi32, #tpu.memory_space<vmem>> -> memref<400xi32, #tpu.memory_space<vmem>>
      %dma_wait3A_392 = arith.constant 0 : i32
      %dma_wait3A_393 = arith.constant 0 : i32
      %dma_wait3A_394 = tpu.memref_slice %arg5[%dma_wait3A_392, %dma_wait3A_393] : memref<100000x32xf32, #tpu.memory_space<hbm>> -> memref<100000x32xf32, #tpu.memory_space<hbm>>
      tpu.wait_indirect_dma semaphore(%arg18 : memref<!tpu.dma_semaphore, #tpu.memory_space<semaphore_mem>>) src(%dma_wait3A_394 : memref<100000x32xf32, #tpu.memory_space<hbm>>) dst(%dma_wait3A_388 : memref<400x32xf32, #tpu.memory_space<vmem>>)
      %dma_wait3A_395 = arith.constant 1 : i32
      %dma_wait3A_396 = arith.constant 2 : i32
      %dma_wait3A_397 = arith.constant 1 : i32
      %dma_wait3A_398 = arith.constant 2 : i32
      %dma_wait3A_399 = arith.constant 0 : i32
      %dma_wait3A_400 = arith.constant 0 : i32
      %dma_wait3A_401 = tpu.memref_slice %arg11[%dma_wait3A_397, %dma_wait3A_398, %dma_wait3A_399, %dma_wait3A_400] : memref<2x3x400x32xf32, #tpu.memory_space<vmem>> -> memref<1x1x400x32xf32, #tpu.memory_space<vmem>>
      %dma_wait3A_402 = tpu.memref_squeeze %dma_wait3A_401 : memref<1x1x400x32xf32, #tpu.memory_space<vmem>> -> memref<400x32xf32, #tpu.memory_space<vmem>>
      %dma_wait3A_403 = arith.constant 0 : i32
      %dma_wait3A_404 = tpu.memref_slice %arg9[%dma_wait3A_395, %dma_wait3A_396, %dma_wait3A_403] : memref<2x3x400xi32, #tpu.memory_space<vmem>> -> memref<1x1x400xi32, #tpu.memory_space<vmem>>
      %dma_wait3A_405 = tpu.memref_squeeze %dma_wait3A_404 : memref<1x1x400xi32, #tpu.memory_space<vmem>> -> memref<400xi32, #tpu.memory_space<vmem>>
      %dma_wait3A_406 = arith.constant 0 : i32
      %dma_wait3A_407 = arith.constant 0 : i32
      %dma_wait3A_408 = tpu.memref_slice %arg5[%dma_wait3A_406, %dma_wait3A_407] : memref<100000x32xf32, #tpu.memory_space<hbm>> -> memref<100000x32xf32, #tpu.memory_space<hbm>>
      tpu.wait_indirect_dma semaphore(%arg18 : memref<!tpu.dma_semaphore, #tpu.memory_space<semaphore_mem>>) src(%dma_wait3A_408 : memref<100000x32xf32, #tpu.memory_space<hbm>>) dst(%dma_wait3A_402 : memref<400x32xf32, #tpu.memory_space<vmem>>)
      %dma_wait3A_409 = arith.constant 1 : i32
      %dma_wait3A_410 = arith.constant 0 : i32
      %dma_wait3A_411 = arith.constant 0 : i32
      %dma_wait3A_412 = tpu.memref_slice %arg10[%dma_wait3A_409, %dma_wait3A_410, %dma_wait3A_411] : memref<2x3x400xf32, #tpu.memory_space<vmem>> -> memref<1x1x400xf32, #tpu.memory_space<vmem>>
      %dma_wait3A_413 = tpu.memref_squeeze %dma_wait3A_412 : memref<1x1x400xf32, #tpu.memory_space<vmem>> -> memref<400xf32, #tpu.memory_space<vmem>>
      %dma_wait3A_414 = arith.constant 0 : i32
      %dma_wait3A_415 = tpu.memref_slice %arg8[%add3A_359, %dma_wait3A_414] : memref<16x400xi32, #tpu.memory_space<vmem>> -> memref<1x400xi32, #tpu.memory_space<vmem>>
      %dma_wait3A_416 = tpu.memref_squeeze %dma_wait3A_415 : memref<1x400xi32, #tpu.memory_space<vmem>> -> memref<400xi32, #tpu.memory_space<vmem>>
      %dma_wait3A_417 = arith.constant 0 : i32
      %dma_wait3A_418 = tpu.memref_slice %arg4[%dma_wait3A_417] : memref<3000000xf32, #tpu.memory_space<hbm>> -> memref<1000000xf32, #tpu.memory_space<hbm>>
      %dma_wait3A_419 = arith.constant 0 : i32
      %dma_wait3A_420 = tpu.memref_slice %dma_wait3A_418[%dma_wait3A_419] : memref<1000000xf32, #tpu.memory_space<hbm>> -> memref<1000000xf32, #tpu.memory_space<hbm>>
      tpu.wait_indirect_dma semaphore(%arg16 : memref<!tpu.dma_semaphore, #tpu.memory_space<semaphore_mem>>) src(%dma_wait3A_420 : memref<1000000xf32, #tpu.memory_space<hbm>>) dst(%dma_wait3A_413 : memref<400xf32, #tpu.memory_space<vmem>>)
      %dma_wait3A_421 = arith.constant 1 : i32
      %dma_wait3A_422 = arith.constant 1 : i32
      %dma_wait3A_423 = arith.constant 0 : i32
      %dma_wait3A_424 = tpu.memref_slice %arg10[%dma_wait3A_421, %dma_wait3A_422, %dma_wait3A_423] : memref<2x3x400xf32, #tpu.memory_space<vmem>> -> memref<1x1x400xf32, #tpu.memory_space<vmem>>
      %dma_wait3A_425 = tpu.memref_squeeze %dma_wait3A_424 : memref<1x1x400xf32, #tpu.memory_space<vmem>> -> memref<400xf32, #tpu.memory_space<vmem>>
      %dma_wait3A_426 = arith.constant 0 : i32
      %dma_wait3A_427 = tpu.memref_slice %arg8[%add3A_359, %dma_wait3A_426] : memref<16x400xi32, #tpu.memory_space<vmem>> -> memref<1x400xi32, #tpu.memory_space<vmem>>
      %dma_wait3A_428 = tpu.memref_squeeze %dma_wait3A_427 : memref<1x400xi32, #tpu.memory_space<vmem>> -> memref<400xi32, #tpu.memory_space<vmem>>
      %dma_wait3A_429 = arith.constant 1000000 : i32
      %dma_wait3A_430 = tpu.memref_slice %arg4[%dma_wait3A_429] : memref<3000000xf32, #tpu.memory_space<hbm>> -> memref<1000000xf32, #tpu.memory_space<hbm>>
      %dma_wait3A_431 = arith.constant 0 : i32
      %dma_wait3A_432 = tpu.memref_slice %dma_wait3A_430[%dma_wait3A_431] : memref<1000000xf32, #tpu.memory_space<hbm>> -> memref<1000000xf32, #tpu.memory_space<hbm>>
      tpu.wait_indirect_dma semaphore(%arg16 : memref<!tpu.dma_semaphore, #tpu.memory_space<semaphore_mem>>) src(%dma_wait3A_432 : memref<1000000xf32, #tpu.memory_space<hbm>>) dst(%dma_wait3A_425 : memref<400xf32, #tpu.memory_space<vmem>>)
      %dma_wait3A_433 = arith.constant 1 : i32
      %dma_wait3A_434 = arith.constant 2 : i32
      %dma_wait3A_435 = arith.constant 0 : i32
      %dma_wait3A_436 = tpu.memref_slice %arg10[%dma_wait3A_433, %dma_wait3A_434, %dma_wait3A_435] : memref<2x3x400xf32, #tpu.memory_space<vmem>> -> memref<1x1x400xf32, #tpu.memory_space<vmem>>
      %dma_wait3A_437 = tpu.memref_squeeze %dma_wait3A_436 : memref<1x1x400xf32, #tpu.memory_space<vmem>> -> memref<400xf32, #tpu.memory_space<vmem>>
      %dma_wait3A_438 = arith.constant 0 : i32
      %dma_wait3A_439 = tpu.memref_slice %arg8[%add3A_359, %dma_wait3A_438] : memref<16x400xi32, #tpu.memory_space<vmem>> -> memref<1x400xi32, #tpu.memory_space<vmem>>
      %dma_wait3A_440 = tpu.memref_squeeze %dma_wait3A_439 : memref<1x400xi32, #tpu.memory_space<vmem>> -> memref<400xi32, #tpu.memory_space<vmem>>
      %dma_wait3A_441 = arith.constant 2000000 : i32
      %dma_wait3A_442 = tpu.memref_slice %arg4[%dma_wait3A_441] : memref<3000000xf32, #tpu.memory_space<hbm>> -> memref<1000000xf32, #tpu.memory_space<hbm>>
      %dma_wait3A_443 = arith.constant 0 : i32
      %dma_wait3A_444 = tpu.memref_slice %dma_wait3A_442[%dma_wait3A_443] : memref<1000000xf32, #tpu.memory_space<hbm>> -> memref<1000000xf32, #tpu.memory_space<hbm>>
      tpu.wait_indirect_dma semaphore(%arg16 : memref<!tpu.dma_semaphore, #tpu.memory_space<semaphore_mem>>) src(%dma_wait3A_444 : memref<1000000xf32, #tpu.memory_space<hbm>>) dst(%dma_wait3A_437 : memref<400xf32, #tpu.memory_space<vmem>>)
      %add3A_445 = arith.constant 2 : i32
      %add3A_446 = arith.addi %add3A_359, %add3A_445 : i32
      %lt3A_447 = arith.constant 16 : i32
      %lt3A_448 = arith.cmpi slt, %add3A_446, %lt3A_447 : i32
      %convert_element_type3A_449 = arith.extui %lt3A_448 : i1 to i32
      %cond3A_450 = arith.constant 0 : i32
      %cond3A_451 = arith.cmpi ne, %convert_element_type3A_449, %cond3A_450 : i32
      scf.if %cond3A_451 {
        %add3A_469 = arith.constant 2 : i32
        %add3A_470 = arith.addi %add3A_359, %add3A_469 : i32
        %dma_start3A_471 = arith.constant 1 : i32
        %dma_start3A_472 = arith.constant 0 : i32
        %dma_start3A_473 = arith.constant 0 : i32
        %dma_start3A_474 = tpu.memref_slice %arg9[%dma_start3A_471, %dma_start3A_472, %dma_start3A_473] : memref<2x3x400xi32, #tpu.memory_space<vmem>> -> memref<1x1x400xi32, #tpu.memory_space<vmem>>
        %dma_start3A_475 = tpu.memref_squeeze %dma_start3A_474 : memref<1x1x400xi32, #tpu.memory_space<vmem>> -> memref<400xi32, #tpu.memory_space<vmem>>
        %dma_start3A_476 = arith.constant 0 : i32
        %dma_start3A_477 = tpu.memref_slice %arg7[%add3A_470, %dma_start3A_476] : memref<16x400xi32, #tpu.memory_space<vmem>> -> memref<1x400xi32, #tpu.memory_space<vmem>>
        %dma_start3A_478 = tpu.memref_squeeze %dma_start3A_477 : memref<1x400xi32, #tpu.memory_space<vmem>> -> memref<400xi32, #tpu.memory_space<vmem>>
        %dma_start3A_479 = arith.constant 0 : i32
        %dma_start3A_480 = tpu.memref_slice %arg3[%dma_start3A_479] : memref<3000000xi32, #tpu.memory_space<hbm>> -> memref<1000000xi32, #tpu.memory_space<hbm>>
        %dma_start3A_481 = arith.constant 0 : i32
        %dma_start3A_482 = tpu.memref_slice %dma_start3A_480[%dma_start3A_481] : memref<1000000xi32, #tpu.memory_space<hbm>> -> memref<1000000xi32, #tpu.memory_space<hbm>>
        tpu.enqueue_indirect_dma source(%dma_start3A_482 : memref<1000000xi32, #tpu.memory_space<hbm>>) target(%dma_start3A_475 : memref<400xi32, #tpu.memory_space<vmem>>) offsets(%dma_start3A_478 : memref<400xi32, #tpu.memory_space<vmem>>) semaphore(%arg14 : memref<!tpu.dma_semaphore, #tpu.memory_space<semaphore_mem>>)
        %dma_start3A_483 = arith.constant 1 : i32
        %dma_start3A_484 = arith.constant 1 : i32
        %dma_start3A_485 = arith.constant 0 : i32
        %dma_start3A_486 = tpu.memref_slice %arg9[%dma_start3A_483, %dma_start3A_484, %dma_start3A_485] : memref<2x3x400xi32, #tpu.memory_space<vmem>> -> memref<1x1x400xi32, #tpu.memory_space<vmem>>
        %dma_start3A_487 = tpu.memref_squeeze %dma_start3A_486 : memref<1x1x400xi32, #tpu.memory_space<vmem>> -> memref<400xi32, #tpu.memory_space<vmem>>
        %dma_start3A_488 = arith.constant 0 : i32
        %dma_start3A_489 = tpu.memref_slice %arg7[%add3A_470, %dma_start3A_488] : memref<16x400xi32, #tpu.memory_space<vmem>> -> memref<1x400xi32, #tpu.memory_space<vmem>>
        %dma_start3A_490 = tpu.memref_squeeze %dma_start3A_489 : memref<1x400xi32, #tpu.memory_space<vmem>> -> memref<400xi32, #tpu.memory_space<vmem>>
        %dma_start3A_491 = arith.constant 1000000 : i32
        %dma_start3A_492 = tpu.memref_slice %arg3[%dma_start3A_491] : memref<3000000xi32, #tpu.memory_space<hbm>> -> memref<1000000xi32, #tpu.memory_space<hbm>>
        %dma_start3A_493 = arith.constant 0 : i32
        %dma_start3A_494 = tpu.memref_slice %dma_start3A_492[%dma_start3A_493] : memref<1000000xi32, #tpu.memory_space<hbm>> -> memref<1000000xi32, #tpu.memory_space<hbm>>
        tpu.enqueue_indirect_dma source(%dma_start3A_494 : memref<1000000xi32, #tpu.memory_space<hbm>>) target(%dma_start3A_487 : memref<400xi32, #tpu.memory_space<vmem>>) offsets(%dma_start3A_490 : memref<400xi32, #tpu.memory_space<vmem>>) semaphore(%arg14 : memref<!tpu.dma_semaphore, #tpu.memory_space<semaphore_mem>>)
        %dma_start3A_495 = arith.constant 1 : i32
        %dma_start3A_496 = arith.constant 2 : i32
        %dma_start3A_497 = arith.constant 0 : i32
        %dma_start3A_498 = tpu.memref_slice %arg9[%dma_start3A_495, %dma_start3A_496, %dma_start3A_497] : memref<2x3x400xi32, #tpu.memory_space<vmem>> -> memref<1x1x400xi32, #tpu.memory_space<vmem>>
        %dma_start3A_499 = tpu.memref_squeeze %dma_start3A_498 : memref<1x1x400xi32, #tpu.memory_space<vmem>> -> memref<400xi32, #tpu.memory_space<vmem>>
        %dma_start3A_500 = arith.constant 0 : i32
        %dma_start3A_501 = tpu.memref_slice %arg7[%add3A_470, %dma_start3A_500] : memref<16x400xi32, #tpu.memory_space<vmem>> -> memref<1x400xi32, #tpu.memory_space<vmem>>
        %dma_start3A_502 = tpu.memref_squeeze %dma_start3A_501 : memref<1x400xi32, #tpu.memory_space<vmem>> -> memref<400xi32, #tpu.memory_space<vmem>>
        %dma_start3A_503 = arith.constant 2000000 : i32
        %dma_start3A_504 = tpu.memref_slice %arg3[%dma_start3A_503] : memref<3000000xi32, #tpu.memory_space<hbm>> -> memref<1000000xi32, #tpu.memory_space<hbm>>
        %dma_start3A_505 = arith.constant 0 : i32
        %dma_start3A_506 = tpu.memref_slice %dma_start3A_504[%dma_start3A_505] : memref<1000000xi32, #tpu.memory_space<hbm>> -> memref<1000000xi32, #tpu.memory_space<hbm>>
        tpu.enqueue_indirect_dma source(%dma_start3A_506 : memref<1000000xi32, #tpu.memory_space<hbm>>) target(%dma_start3A_499 : memref<400xi32, #tpu.memory_space<vmem>>) offsets(%dma_start3A_502 : memref<400xi32, #tpu.memory_space<vmem>>) semaphore(%arg14 : memref<!tpu.dma_semaphore, #tpu.memory_space<semaphore_mem>>)
      } else {
      }
      %scan3A_452 = arith.constant 0 : i32
      %scan3A_453 = arith.constant 25 : i32
      %scan3A_454 = arith.addi %scan3A_452, %scan3A_453 : i32
      %scan3A_455 = arith.constant 1 : i32
      scf.for %scan3A_469 = %scan3A_452 to %scan3A_454 step %scan3A_455  : i32 {
        %mul3A_470 = arith.constant 16 : i32
        %mul3A_471 = arith.muli %scan3A_469, %mul3A_470 : i32
        %get3A = arith.constant 1 : i32
        %get3A_472 = arith.constant 0 : i32
        %get3A_473 = arith.index_cast %get3A : i32 to index
        %get3A_474 = arith.index_cast %get3A_472 : i32 to index
        %get3A_475 = arith.index_cast %mul3A_471 : i32 to index
        %get3A_476 = tpu.vector_load %arg10[%get3A_473, %get3A_474, %get3A_475] {strides = array<i32>} : memref<2x3x400xf32, #tpu.memory_space<vmem>>, vector<1x1x16xf32>,
        %get3A_477 = vector.shape_cast %get3A_476 : vector<1x1x16xf32> to vector<16xf32>
        %get3A_478 = arith.constant 1 : i32
        %get3A_479 = arith.constant 1 : i32
        %get3A_480 = arith.index_cast %get3A_478 : i32 to index
        %get3A_481 = arith.index_cast %get3A_479 : i32 to index
        %get3A_482 = arith.index_cast %mul3A_471 : i32 to index
        %get3A_483 = tpu.vector_load %arg10[%get3A_480, %get3A_481, %get3A_482] {strides = array<i32>} : memref<2x3x400xf32, #tpu.memory_space<vmem>>, vector<1x1x16xf32>,
        %get3A_484 = vector.shape_cast %get3A_483 : vector<1x1x16xf32> to vector<16xf32>
        %get3A_485 = arith.constant 1 : i32
        %get3A_486 = arith.constant 2 : i32
        %get3A_487 = arith.index_cast %get3A_485 : i32 to index
        %get3A_488 = arith.index_cast %get3A_486 : i32 to index
        %get3A_489 = arith.index_cast %mul3A_471 : i32 to index
        %get3A_490 = tpu.vector_load %arg10[%get3A_487, %get3A_488, %get3A_489] {strides = array<i32>} : memref<2x3x400xf32, #tpu.memory_space<vmem>>, vector<1x1x16xf32>,
        %get3A_491 = vector.shape_cast %get3A_490 : vector<1x1x16xf32> to vector<16xf32>
        %mul3A_492 = arith.constant 16 : i32
        %mul3A_493 = arith.muli %scan3A_469, %mul3A_492 : i32
        %add3A_494 = arith.constant 0 : i32
        %add3A_495 = arith.addi %mul3A_493, %add3A_494 : i32
        %jit3A = arith.constant 50 : i32
        %div3A = arith.divsi %add3A_495, %jit3A : i32
        %sign3A = arith.constant 0 : i32
        %sign3A_496 = arith.cmpi sgt, %add3A_495, %sign3A : i32
        %sign3A_497 = arith.extui %sign3A_496 : i1 to i32
        %sign3A_498 = arith.constant 0 : i32
        %sign3A_499 = arith.cmpi slt, %add3A_495, %sign3A_498 : i32
        %sign3A_500 = arith.extui %sign3A_499 : i1 to i32
        %sign3A_501 = arith.subi %sign3A_497, %sign3A_500 : i32
        %sign3A_502 = arith.constant 0 : i32
        %sign3A_503 = arith.cmpi sgt, %jit3A, %sign3A_502 : i32
        %sign3A_504 = arith.extui %sign3A_503 : i1 to i32
        %sign3A_505 = arith.constant 0 : i32
        %sign3A_506 = arith.cmpi slt, %jit3A, %sign3A_505 : i32
        %sign3A_507 = arith.extui %sign3A_506 : i1 to i32
        %sign3A_508 = arith.subi %sign3A_504, %sign3A_507 : i32
        %ne3A = arith.cmpi ne, %sign3A_501, %sign3A_508 : i32
        %rem3A = arith.remsi %add3A_495, %jit3A : i32
        %ne3A_509 = arith.constant 0 : i32
        %ne3A_510 = arith.cmpi ne, %rem3A, %ne3A_509 : i32
        %and3A = arith.andi %ne3A, %ne3A_510 : i1
        %sub3A = arith.constant 1 : i32
        %sub3A_511 = arith.subi %div3A, %sub3A : i32
        %select_n3A = arith.select %and3A, %sub3A_511, %div3A : i32
        %mul3A_512 = arith.constant 50 : i32
        %mul3A_513 = arith.muli %select_n3A, %mul3A_512 : i32
        %sub3A_514 = arith.subi %add3A_495, %mul3A_513 : i32
        %slice3A = vector.extract_strided_slice %get3A_477 {offsets = [0], sizes = [1], strides = [1]} : vector<16xf32> to vector<1xf32>
        %squeeze3A = vector.extract %slice3A[0] : f32 from vector<1xf32>
        %slice3A_515 = vector.extract_strided_slice %get3A_484 {offsets = [0], sizes = [1], strides = [1]} : vector<16xf32> to vector<1xf32>
        %squeeze3A_516 = vector.extract %slice3A_515[0] : f32 from vector<1xf32>
        %slice3A_517 = vector.extract_strided_slice %get3A_491 {offsets = [0], sizes = [1], strides = [1]} : vector<16xf32> to vector<1xf32>
        %squeeze3A_518 = vector.extract %slice3A_517[0] : f32 from vector<1xf32>
        %get3A_519 = arith.constant 1 : i32
        %get3A_520 = arith.constant 0 : i32
        %get3A_521 = arith.index_cast %get3A_519 : i32 to index
        %get3A_522 = arith.index_cast %get3A_520 : i32 to index
        %get3A_523 = arith.index_cast %add3A_495 : i32 to index
        %get3A_524 = arith.constant 0 : index
        %get3A_525 = tpu.vector_load %arg11[%get3A_521, %get3A_522, %get3A_523, %get3A_524] {strides = array<i32>} : memref<2x3x400x32xf32, #tpu.memory_space<vmem>>, vector<1x1x1x16xf32>,
        %get3A_526 = vector.shape_cast %get3A_525 : vector<1x1x1x16xf32> to vector<16xf32>
        %mul3A_527 = vector.broadcast %squeeze3A : f32 to vector<16xf32>
        %mul3A_528 = arith.mulf %mul3A_527, %get3A_526 : vector<16xf32>
        %get3A_529 = arith.constant 1 : i32
        %get3A_530 = arith.constant 1 : i32
        %get3A_531 = arith.index_cast %get3A_529 : i32 to index
        %get3A_532 = arith.index_cast %get3A_530 : i32 to index
        %get3A_533 = arith.index_cast %add3A_495 : i32 to index
        %get3A_534 = arith.constant 0 : index
        %get3A_535 = tpu.vector_load %arg11[%get3A_531, %get3A_532, %get3A_533, %get3A_534] {strides = array<i32>} : memref<2x3x400x32xf32, #tpu.memory_space<vmem>>, vector<1x1x1x16xf32>,
        %get3A_536 = vector.shape_cast %get3A_535 : vector<1x1x1x16xf32> to vector<16xf32>
        %mul3A_537 = vector.broadcast %squeeze3A_516 : f32 to vector<16xf32>
        %mul3A_538 = arith.mulf %mul3A_537, %get3A_536 : vector<16xf32>
        %add3A_539 = arith.addf %mul3A_528, %mul3A_538 : vector<16xf32>
        %get3A_540 = arith.constant 1 : i32
        %get3A_541 = arith.constant 2 : i32
        %get3A_542 = arith.index_cast %get3A_540 : i32 to index
        %get3A_543 = arith.index_cast %get3A_541 : i32 to index
        %get3A_544 = arith.index_cast %add3A_495 : i32 to index
        %get3A_545 = arith.constant 0 : index
        %get3A_546 = tpu.vector_load %arg11[%get3A_542, %get3A_543, %get3A_544, %get3A_545] {strides = array<i32>} : memref<2x3x400x32xf32, #tpu.memory_space<vmem>>, vector<1x1x1x16xf32>,
        %get3A_547 = vector.shape_cast %get3A_546 : vector<1x1x1x16xf32> to vector<16xf32>
        %mul3A_548 = vector.broadcast %squeeze3A_518 : f32 to vector<16xf32>
        %mul3A_549 = arith.mulf %mul3A_548, %get3A_547 : vector<16xf32>
        %add3A_550 = arith.addf %add3A_539, %mul3A_549 : vector<16xf32>
        %swap3A = arith.index_cast %select_n3A : i32 to index
        %swap3A_551 = arith.index_cast %sub3A_514 : i32 to index
        %swap3A_552 = arith.constant 0 : index
        %swap3A_553 = tpu.vector_load %arg12[%swap3A, %swap3A_551, %swap3A_552] {strides = array<i32>} : memref<8x50x32xf32, #tpu.memory_space<vmem>>, vector<1x1x16xf32>,
        %swap3A_554 = vector.shape_cast %swap3A_553 : vector<1x1x16xf32> to vector<16xf32>
        %swap3A_555 = vector.shape_cast %add3A_550 : vector<16xf32> to vector<1x1x16xf32>
        tpu.vector_store %arg12[%swap3A, %swap3A_551, %swap3A_552], %swap3A_555 {strides = array<i32>} : memref<8x50x32xf32, #tpu.memory_space<vmem>>, vector<1x1x16xf32>,
        %get3A_556 = arith.constant 1 : i32
        %get3A_557 = arith.constant 0 : i32
        %get3A_558 = arith.index_cast %get3A_556 : i32 to index
        %get3A_559 = arith.index_cast %get3A_557 : i32 to index
        %get3A_560 = arith.index_cast %add3A_495 : i32 to index
        %get3A_561 = arith.constant 16 : index
        %get3A_562 = tpu.vector_load %arg11[%get3A_558, %get3A_559, %get3A_560, %get3A_561] {strides = array<i32>} : memref<2x3x400x32xf32, #tpu.memory_space<vmem>>, vector<1x1x1x16xf32>,
        %get3A_563 = vector.shape_cast %get3A_562 : vector<1x1x1x16xf32> to vector<16xf32>
        %mul3A_564 = vector.broadcast %squeeze3A : f32 to vector<16xf32>
        %mul3A_565 = arith.mulf %mul3A_564, %get3A_563 : vector<16xf32>
        %get3A_566 = arith.constant 1 : i32
        %get3A_567 = arith.constant 1 : i32
        %get3A_568 = arith.index_cast %get3A_566 : i32 to index
        %get3A_569 = arith.index_cast %get3A_567 : i32 to index
        %get3A_570 = arith.index_cast %add3A_495 : i32 to index
        %get3A_571 = arith.constant 16 : index
        %get3A_572 = tpu.vector_load %arg11[%get3A_568, %get3A_569, %get3A_570, %get3A_571] {strides = array<i32>} : memref<2x3x400x32xf32, #tpu.memory_space<vmem>>, vector<1x1x1x16xf32>,
        %get3A_573 = vector.shape_cast %get3A_572 : vector<1x1x1x16xf32> to vector<16xf32>
        %mul3A_574 = vector.broadcast %squeeze3A_516 : f32 to vector<16xf32>
        %mul3A_575 = arith.mulf %mul3A_574, %get3A_573 : vector<16xf32>
        %add3A_576 = arith.addf %mul3A_565, %mul3A_575 : vector<16xf32>
        %get3A_577 = arith.constant 1 : i32
        %get3A_578 = arith.constant 2 : i32
        %get3A_579 = arith.index_cast %get3A_577 : i32 to index
        %get3A_580 = arith.index_cast %get3A_578 : i32 to index
        %get3A_581 = arith.index_cast %add3A_495 : i32 to index
        %get3A_582 = arith.constant 16 : index
        %get3A_583 = tpu.vector_load %arg11[%get3A_579, %get3A_580, %get3A_581, %get3A_582] {strides = array<i32>} : memref<2x3x400x32xf32, #tpu.memory_space<vmem>>, vector<1x1x1x16xf32>,
        %get3A_584 = vector.shape_cast %get3A_583 : vector<1x1x1x16xf32> to vector<16xf32>
        %mul3A_585 = vector.broadcast %squeeze3A_518 : f32 to vector<16xf32>
        %mul3A_586 = arith.mulf %mul3A_585, %get3A_584 : vector<16xf32>
        %add3A_587 = arith.addf %add3A_576, %mul3A_586 : vector<16xf32>
        %swap3A_588 = arith.index_cast %select_n3A : i32 to index
        %swap3A_589 = arith.index_cast %sub3A_514 : i32 to index
        %swap3A_590 = arith.constant 16 : index
        %swap3A_591 = tpu.vector_load %arg12[%swap3A_588, %swap3A_589, %swap3A_590] {strides = array<i32>} : memref<8x50x32xf32, #tpu.memory_space<vmem>>, vector<1x1x16xf32>,
        %swap3A_592 = vector.shape_cast %swap3A_591 : vector<1x1x16xf32> to vector<16xf32>
        %swap3A_593 = vector.shape_cast %add3A_587 : vector<16xf32> to vector<1x1x16xf32>
        tpu.vector_store %arg12[%swap3A_588, %swap3A_589, %swap3A_590], %swap3A_593 {strides = array<i32>} : memref<8x50x32xf32, #tpu.memory_space<vmem>>, vector<1x1x16xf32>,
        %mul3A_594 = arith.constant 16 : i32
        %mul3A_595 = arith.muli %scan3A_469, %mul3A_594 : i32
        %add3A_596 = arith.constant 1 : i32
        %add3A_597 = arith.addi %mul3A_595, %add3A_596 : i32
        %jit3A_598 = arith.constant 50 : i32
        %div3A_599 = arith.divsi %add3A_597, %jit3A_598 : i32
        %sign3A_600 = arith.constant 0 : i32
        %sign3A_601 = arith.cmpi sgt, %add3A_597, %sign3A_600 : i32
        %sign3A_602 = arith.extui %sign3A_601 : i1 to i32
        %sign3A_603 = arith.constant 0 : i32
        %sign3A_604 = arith.cmpi slt, %add3A_597, %sign3A_603 : i32
        %sign3A_605 = arith.extui %sign3A_604 : i1 to i32
        %sign3A_606 = arith.subi %sign3A_602, %sign3A_605 : i32
        %sign3A_607 = arith.constant 0 : i32
        %sign3A_608 = arith.cmpi sgt, %jit3A_598, %sign3A_607 : i32
        %sign3A_609 = arith.extui %sign3A_608 : i1 to i32
        %sign3A_610 = arith.constant 0 : i32
        %sign3A_611 = arith.cmpi slt, %jit3A_598, %sign3A_610 : i32
        %sign3A_612 = arith.extui %sign3A_611 : i1 to i32
        %sign3A_613 = arith.subi %sign3A_609, %sign3A_612 : i32
        %ne3A_614 = arith.cmpi ne, %sign3A_606, %sign3A_613 : i32
        %rem3A_615 = arith.remsi %add3A_597, %jit3A_598 : i32
        %ne3A_616 = arith.constant 0 : i32
        %ne3A_617 = arith.cmpi ne, %rem3A_615, %ne3A_616 : i32
        %and3A_618 = arith.andi %ne3A_614, %ne3A_617 : i1
        %sub3A_619 = arith.constant 1 : i32
        %sub3A_620 = arith.subi %div3A_599, %sub3A_619 : i32
        %select_n3A_621 = arith.select %and3A_618, %sub3A_620, %div3A_599 : i32
        %mul3A_622 = arith.constant 50 : i32
        %mul3A_623 = arith.muli %select_n3A_621, %mul3A_622 : i32
        %sub3A_624 = arith.subi %add3A_597, %mul3A_623 : i32
        %slice3A_625 = vector.extract_strided_slice %get3A_477 {offsets = [1], sizes = [1], strides = [1]} : vector<16xf32> to vector<1xf32>
        %squeeze3A_626 = vector.extract %slice3A_625[0] : f32 from vector<1xf32>
        %slice3A_627 = vector.extract_strided_slice %get3A_484 {offsets = [1], sizes = [1], strides = [1]} : vector<16xf32> to vector<1xf32>
        %squeeze3A_628 = vector.extract %slice3A_627[0] : f32 from vector<1xf32>
        %slice3A_629 = vector.extract_strided_slice %get3A_491 {offsets = [1], sizes = [1], strides = [1]} : vector<16xf32> to vector<1xf32>
        %squeeze3A_630 = vector.extract %slice3A_629[0] : f32 from vector<1xf32>
        %get3A_631 = arith.constant 1 : i32
        %get3A_632 = arith.constant 0 : i32
        %get3A_633 = arith.index_cast %get3A_631 : i32 to index
        %get3A_634 = arith.index_cast %get3A_632 : i32 to index
        %get3A_635 = arith.index_cast %add3A_597 : i32 to index
        %get3A_636 = arith.constant 0 : index
        %get3A_637 = tpu.vector_load %arg11[%get3A_633, %get3A_634, %get3A_635, %get3A_636] {strides = array<i32>} : memref<2x3x400x32xf32, #tpu.memory_space<vmem>>, vector<1x1x1x16xf32>,
        %get3A_638 = vector.shape_cast %get3A_637 : vector<1x1x1x16xf32> to vector<16xf32>
        %mul3A_639 = vector.broadcast %squeeze3A_626 : f32 to vector<16xf32>
        %mul3A_640 = arith.mulf %mul3A_639, %get3A_638 : vector<16xf32>
        %get3A_641 = arith.constant 1 : i32
        %get3A_642 = arith.constant 1 : i32
        %get3A_643 = arith.index_cast %get3A_641 : i32 to index
        %get3A_644 = arith.index_cast %get3A_642 : i32 to index
        %get3A_645 = arith.index_cast %add3A_597 : i32 to index
        %get3A_646 = arith.constant 0 : index
        %get3A_647 = tpu.vector_load %arg11[%get3A_643, %get3A_644, %get3A_645, %get3A_646] {strides = array<i32>} : memref<2x3x400x32xf32, #tpu.memory_space<vmem>>, vector<1x1x1x16xf32>,
        %get3A_648 = vector.shape_cast %get3A_647 : vector<1x1x1x16xf32> to vector<16xf32>
        %mul3A_649 = vector.broadcast %squeeze3A_628 : f32 to vector<16xf32>
        %mul3A_650 = arith.mulf %mul3A_649, %get3A_648 : vector<16xf32>
        %add3A_651 = arith.addf %mul3A_640, %mul3A_650 : vector<16xf32>
        %get3A_652 = arith.constant 1 : i32
        %get3A_653 = arith.constant 2 : i32
        %get3A_654 = arith.index_cast %get3A_652 : i32 to index
        %get3A_655 = arith.index_cast %get3A_653 : i32 to index
        %get3A_656 = arith.index_cast %add3A_597 : i32 to index
        %get3A_657 = arith.constant 0 : index
        %get3A_658 = tpu.vector_load %arg11[%get3A_654, %get3A_655, %get3A_656, %get3A_657] {strides = array<i32>} : memref<2x3x400x32xf32, #tpu.memory_space<vmem>>, vector<1x1x1x16xf32>,
        %get3A_659 = vector.shape_cast %get3A_658 : vector<1x1x1x16xf32> to vector<16xf32>
        %mul3A_660 = vector.broadcast %squeeze3A_630 : f32 to vector<16xf32>
        %mul3A_661 = arith.mulf %mul3A_660, %get3A_659 : vector<16xf32>
        %add3A_662 = arith.addf %add3A_651, %mul3A_661 : vector<16xf32>
        %swap3A_663 = arith.index_cast %select_n3A_621 : i32 to index
        %swap3A_664 = arith.index_cast %sub3A_624 : i32 to index
        %swap3A_665 = arith.constant 0 : index
        %swap3A_666 = tpu.vector_load %arg12[%swap3A_663, %swap3A_664, %swap3A_665] {strides = array<i32>} : memref<8x50x32xf32, #tpu.memory_space<vmem>>, vector<1x1x16xf32>,
        %swap3A_667 = vector.shape_cast %swap3A_666 : vector<1x1x16xf32> to vector<16xf32>
        %swap3A_668 = vector.shape_cast %add3A_662 : vector<16xf32> to vector<1x1x16xf32>
        tpu.vector_store %arg12[%swap3A_663, %swap3A_664, %swap3A_665], %swap3A_668 {strides = array<i32>} : memref<8x50x32xf32, #tpu.memory_space<vmem>>, vector<1x1x16xf32>,
        %get3A_669 = arith.constant 1 : i32
        %get3A_670 = arith.constant 0 : i32
        %get3A_671 = arith.index_cast %get3A_669 : i32 to index
        %get3A_672 = arith.index_cast %get3A_670 : i32 to index
        %get3A_673 = arith.index_cast %add3A_597 : i32 to index
        %get3A_674 = arith.constant 16 : index
        %get3A_675 = tpu.vector_load %arg11[%get3A_671, %get3A_672, %get3A_673, %get3A_674] {strides = array<i32>} : memref<2x3x400x32xf32, #tpu.memory_space<vmem>>, vector<1x1x1x16xf32>,
        %get3A_676 = vector.shape_cast %get3A_675 : vector<1x1x1x16xf32> to vector<16xf32>
        %mul3A_677 = vector.broadcast %squeeze3A_626 : f32 to vector<16xf32>
        %mul3A_678 = arith.mulf %mul3A_677, %get3A_676 : vector<16xf32>
        %get3A_679 = arith.constant 1 : i32
        %get3A_680 = arith.constant 1 : i32
        %get3A_681 = arith.index_cast %get3A_679 : i32 to index
        %get3A_682 = arith.index_cast %get3A_680 : i32 to index
        %get3A_683 = arith.index_cast %add3A_597 : i32 to index
        %get3A_684 = arith.constant 16 : index
        %get3A_685 = tpu.vector_load %arg11[%get3A_681, %get3A_682, %get3A_683, %get3A_684] {strides = array<i32>} : memref<2x3x400x32xf32, #tpu.memory_space<vmem>>, vector<1x1x1x16xf32>,
        %get3A_686 = vector.shape_cast %get3A_685 : vector<1x1x1x16xf32> to vector<16xf32>
        %mul3A_687 = vector.broadcast %squeeze3A_628 : f32 to vector<16xf32>
        %mul3A_688 = arith.mulf %mul3A_687, %get3A_686 : vector<16xf32>
        %add3A_689 = arith.addf %mul3A_678, %mul3A_688 : vector<16xf32>
        %get3A_690 = arith.constant 1 : i32
        %get3A_691 = arith.constant 2 : i32
        %get3A_692 = arith.index_cast %get3A_690 : i32 to index
        %get3A_693 = arith.index_cast %get3A_691 : i32 to index
        %get3A_694 = arith.index_cast %add3A_597 : i32 to index
        %get3A_695 = arith.constant 16 : index
        %get3A_696 = tpu.vector_load %arg11[%get3A_692, %get3A_693, %get3A_694, %get3A_695] {strides = array<i32>} : memref<2x3x400x32xf32, #tpu.memory_space<vmem>>, vector<1x1x1x16xf32>,
        %get3A_697 = vector.shape_cast %get3A_696 : vector<1x1x1x16xf32> to vector<16xf32>
        %mul3A_698 = vector.broadcast %squeeze3A_630 : f32 to vector<16xf32>
        %mul3A_699 = arith.mulf %mul3A_698, %get3A_697 : vector<16xf32>
        %add3A_700 = arith.addf %add3A_689, %mul3A_699 : vector<16xf32>
        %swap3A_701 = arith.index_cast %select_n3A_621 : i32 to index
        %swap3A_702 = arith.index_cast %sub3A_624 : i32 to index
        %swap3A_703 = arith.constant 16 : index
        %swap3A_704 = tpu.vector_load %arg12[%swap3A_701, %swap3A_702, %swap3A_703] {strides = array<i32>} : memref<8x50x32xf32, #tpu.memory_space<vmem>>, vector<1x1x16xf32>,
        %swap3A_705 = vector.shape_cast %swap3A_704 : vector<1x1x16xf32> to vector<16xf32>
        %swap3A_706 = vector.shape_cast %add3A_700 : vector<16xf32> to vector<1x1x16xf32>
        tpu.vector_store %arg12[%swap3A_701, %swap3A_702, %swap3A_703], %swap3A_706 {strides = array<i32>} : memref<8x50x32xf32, #tpu.memory_space<vmem>>, vector<1x1x16xf32>,
        %mul3A_707 = arith.constant 16 : i32
        %mul3A_708 = arith.muli %scan3A_469, %mul3A_707 : i32
        %add3A_709 = arith.constant 2 : i32
        %add3A_710 = arith.addi %mul3A_708, %add3A_709 : i32
        %jit3A_711 = arith.constant 50 : i32
        %div3A_712 = arith.divsi %add3A_710, %jit3A_711 : i32
        %sign3A_713 = arith.constant 0 : i32
        %sign3A_714 = arith.cmpi sgt, %add3A_710, %sign3A_713 : i32
        %sign3A_715 = arith.extui %sign3A_714 : i1 to i32
        %sign3A_716 = arith.constant 0 : i32
        %sign3A_717 = arith.cmpi slt, %add3A_710, %sign3A_716 : i32
        %sign3A_718 = arith.extui %sign3A_717 : i1 to i32
        %sign3A_719 = arith.subi %sign3A_715, %sign3A_718 : i32
        %sign3A_720 = arith.constant 0 : i32
        %sign3A_721 = arith.cmpi sgt, %jit3A_711, %sign3A_720 : i32
        %sign3A_722 = arith.extui %sign3A_721 : i1 to i32
        %sign3A_723 = arith.constant 0 : i32
        %sign3A_724 = arith.cmpi slt, %jit3A_711, %sign3A_723 : i32
        %sign3A_725 = arith.extui %sign3A_724 : i1 to i32
        %sign3A_726 = arith.subi %sign3A_722, %sign3A_725 : i32
        %ne3A_727 = arith.cmpi ne, %sign3A_719, %sign3A_726 : i32
        %rem3A_728 = arith.remsi %add3A_710, %jit3A_711 : i32
        %ne3A_729 = arith.constant 0 : i32
        %ne3A_730 = arith.cmpi ne, %rem3A_728, %ne3A_729 : i32
        %and3A_731 = arith.andi %ne3A_727, %ne3A_730 : i1
        %sub3A_732 = arith.constant 1 : i32
        %sub3A_733 = arith.subi %div3A_712, %sub3A_732 : i32
        %select_n3A_734 = arith.select %and3A_731, %sub3A_733, %div3A_712 : i32
        %mul3A_735 = arith.constant 50 : i32
        %mul3A_736 = arith.muli %select_n3A_734, %mul3A_735 : i32
        %sub3A_737 = arith.subi %add3A_710, %mul3A_736 : i32
        %slice3A_738 = vector.extract_strided_slice %get3A_477 {offsets = [2], sizes = [1], strides = [1]} : vector<16xf32> to vector<1xf32>
        %squeeze3A_739 = vector.extract %slice3A_738[0] : f32 from vector<1xf32>
        %slice3A_740 = vector.extract_strided_slice %get3A_484 {offsets = [2], sizes = [1], strides = [1]} : vector<16xf32> to vector<1xf32>
        %squeeze3A_741 = vector.extract %slice3A_740[0] : f32 from vector<1xf32>
        %slice3A_742 = vector.extract_strided_slice %get3A_491 {offsets = [2], sizes = [1], strides = [1]} : vector<16xf32> to vector<1xf32>
        %squeeze3A_743 = vector.extract %slice3A_742[0] : f32 from vector<1xf32>
        %get3A_744 = arith.constant 1 : i32
        %get3A_745 = arith.constant 0 : i32
        %get3A_746 = arith.index_cast %get3A_744 : i32 to index
        %get3A_747 = arith.index_cast %get3A_745 : i32 to index
        %get3A_748 = arith.index_cast %add3A_710 : i32 to index
        %get3A_749 = arith.constant 0 : index
        %get3A_750 = tpu.vector_load %arg11[%get3A_746, %get3A_747, %get3A_748, %get3A_749] {strides = array<i32>} : memref<2x3x400x32xf32, #tpu.memory_space<vmem>>, vector<1x1x1x16xf32>,
        %get3A_751 = vector.shape_cast %get3A_750 : vector<1x1x1x16xf32> to vector<16xf32>
        %mul3A_752 = vector.broadcast %squeeze3A_739 : f32 to vector<16xf32>
        %mul3A_753 = arith.mulf %mul3A_752, %get3A_751 : vector<16xf32>
        %get3A_754 = arith.constant 1 : i32
        %get3A_755 = arith.constant 1 : i32
        %get3A_756 = arith.index_cast %get3A_754 : i32 to index
        %get3A_757 = arith.index_cast %get3A_755 : i32 to index
        %get3A_758 = arith.index_cast %add3A_710 : i32 to index
        %get3A_759 = arith.constant 0 : index
        %get3A_760 = tpu.vector_load %arg11[%get3A_756, %get3A_757, %get3A_758, %get3A_759] {strides = array<i32>} : memref<2x3x400x32xf32, #tpu.memory_space<vmem>>, vector<1x1x1x16xf32>,
        %get3A_761 = vector.shape_cast %get3A_760 : vector<1x1x1x16xf32> to vector<16xf32>
        %mul3A_762 = vector.broadcast %squeeze3A_741 : f32 to vector<16xf32>
        %mul3A_763 = arith.mulf %mul3A_762, %get3A_761 : vector<16xf32>
        %add3A_764 = arith.addf %mul3A_753, %mul3A_763 : vector<16xf32>
        %get3A_765 = arith.constant 1 : i32
        %get3A_766 = arith.constant 2 : i32
        %get3A_767 = arith.index_cast %get3A_765 : i32 to index
        %get3A_768 = arith.index_cast %get3A_766 : i32 to index
        %get3A_769 = arith.index_cast %add3A_710 : i32 to index
        %get3A_770 = arith.constant 0 : index
        %get3A_771 = tpu.vector_load %arg11[%get3A_767, %get3A_768, %get3A_769, %get3A_770] {strides = array<i32>} : memref<2x3x400x32xf32, #tpu.memory_space<vmem>>, vector<1x1x1x16xf32>,
        %get3A_772 = vector.shape_cast %get3A_771 : vector<1x1x1x16xf32> to vector<16xf32>
        %mul3A_773 = vector.broadcast %squeeze3A_743 : f32 to vector<16xf32>
        %mul3A_774 = arith.mulf %mul3A_773, %get3A_772 : vector<16xf32>
        %add3A_775 = arith.addf %add3A_764, %mul3A_774 : vector<16xf32>
        %swap3A_776 = arith.index_cast %select_n3A_734 : i32 to index
        %swap3A_777 = arith.index_cast %sub3A_737 : i32 to index
        %swap3A_778 = arith.constant 0 : index
        %swap3A_779 = tpu.vector_load %arg12[%swap3A_776, %swap3A_777, %swap3A_778] {strides = array<i32>} : memref<8x50x32xf32, #tpu.memory_space<vmem>>, vector<1x1x16xf32>,
        %swap3A_780 = vector.shape_cast %swap3A_779 : vector<1x1x16xf32> to vector<16xf32>
        %swap3A_781 = vector.shape_cast %add3A_775 : vector<16xf32> to vector<1x1x16xf32>
        tpu.vector_store %arg12[%swap3A_776, %swap3A_777, %swap3A_778], %swap3A_781 {strides = array<i32>} : memref<8x50x32xf32, #tpu.memory_space<vmem>>, vector<1x1x16xf32>,
        %get3A_782 = arith.constant 1 : i32
        %get3A_783 = arith.constant 0 : i32
        %get3A_784 = arith.index_cast %get3A_782 : i32 to index
        %get3A_785 = arith.index_cast %get3A_783 : i32 to index
        %get3A_786 = arith.index_cast %add3A_710 : i32 to index
        %get3A_787 = arith.constant 16 : index
        %get3A_788 = tpu.vector_load %arg11[%get3A_784, %get3A_785, %get3A_786, %get3A_787] {strides = array<i32>} : memref<2x3x400x32xf32, #tpu.memory_space<vmem>>, vector<1x1x1x16xf32>,
        %get3A_789 = vector.shape_cast %get3A_788 : vector<1x1x1x16xf32> to vector<16xf32>
        %mul3A_790 = vector.broadcast %squeeze3A_739 : f32 to vector<16xf32>
        %mul3A_791 = arith.mulf %mul3A_790, %get3A_789 : vector<16xf32>
        %get3A_792 = arith.constant 1 : i32
        %get3A_793 = arith.constant 1 : i32
        %get3A_794 = arith.index_cast %get3A_792 : i32 to index
        %get3A_795 = arith.index_cast %get3A_793 : i32 to index
        %get3A_796 = arith.index_cast %add3A_710 : i32 to index
        %get3A_797 = arith.constant 16 : index
        %get3A_798 = tpu.vector_load %arg11[%get3A_794, %get3A_795, %get3A_796, %get3A_797] {strides = array<i32>} : memref<2x3x400x32xf32, #tpu.memory_space<vmem>>, vector<1x1x1x16xf32>,
        %get3A_799 = vector.shape_cast %get3A_798 : vector<1x1x1x16xf32> to vector<16xf32>
        %mul3A_800 = vector.broadcast %squeeze3A_741 : f32 to vector<16xf32>
        %mul3A_801 = arith.mulf %mul3A_800, %get3A_799 : vector<16xf32>
        %add3A_802 = arith.addf %mul3A_791, %mul3A_801 : vector<16xf32>
        %get3A_803 = arith.constant 1 : i32
        %get3A_804 = arith.constant 2 : i32
        %get3A_805 = arith.index_cast %get3A_803 : i32 to index
        %get3A_806 = arith.index_cast %get3A_804 : i32 to index
        %get3A_807 = arith.index_cast %add3A_710 : i32 to index
        %get3A_808 = arith.constant 16 : index
        %get3A_809 = tpu.vector_load %arg11[%get3A_805, %get3A_806, %get3A_807, %get3A_808] {strides = array<i32>} : memref<2x3x400x32xf32, #tpu.memory_space<vmem>>, vector<1x1x1x16xf32>,
        %get3A_810 = vector.shape_cast %get3A_809 : vector<1x1x1x16xf32> to vector<16xf32>
        %mul3A_811 = vector.broadcast %squeeze3A_743 : f32 to vector<16xf32>
        %mul3A_812 = arith.mulf %mul3A_811, %get3A_810 : vector<16xf32>
        %add3A_813 = arith.addf %add3A_802, %mul3A_812 : vector<16xf32>
        %swap3A_814 = arith.index_cast %select_n3A_734 : i32 to index
        %swap3A_815 = arith.index_cast %sub3A_737 : i32 to index
        %swap3A_816 = arith.constant 16 : index
        %swap3A_817 = tpu.vector_load %arg12[%swap3A_814, %swap3A_815, %swap3A_816] {strides = array<i32>} : memref<8x50x32xf32, #tpu.memory_space<vmem>>, vector<1x1x16xf32>,
        %swap3A_818 = vector.shape_cast %swap3A_817 : vector<1x1x16xf32> to vector<16xf32>
        %swap3A_819 = vector.shape_cast %add3A_813 : vector<16xf32> to vector<1x1x16xf32>
        tpu.vector_store %arg12[%swap3A_814, %swap3A_815, %swap3A_816], %swap3A_819 {strides = array<i32>} : memref<8x50x32xf32, #tpu.memory_space<vmem>>, vector<1x1x16xf32>,
        %mul3A_820 = arith.constant 16 : i32
        %mul3A_821 = arith.muli %scan3A_469, %mul3A_820 : i32
        %add3A_822 = arith.constant 3 : i32
        %add3A_823 = arith.addi %mul3A_821, %add3A_822 : i32
        %jit3A_824 = arith.constant 50 : i32
        %div3A_825 = arith.divsi %add3A_823, %jit3A_824 : i32
        %sign3A_826 = arith.constant 0 : i32
        %sign3A_827 = arith.cmpi sgt, %add3A_823, %sign3A_826 : i32
        %sign3A_828 = arith.extui %sign3A_827 : i1 to i32
        %sign3A_829 = arith.constant 0 : i32
        %sign3A_830 = arith.cmpi slt, %add3A_823, %sign3A_829 : i32
        %sign3A_831 = arith.extui %sign3A_830 : i1 to i32
        %sign3A_832 = arith.subi %sign3A_828, %sign3A_831 : i32
        %sign3A_833 = arith.constant 0 : i32
        %sign3A_834 = arith.cmpi sgt, %jit3A_824, %sign3A_833 : i32
        %sign3A_835 = arith.extui %sign3A_834 : i1 to i32
        %sign3A_836 = arith.constant 0 : i32
        %sign3A_837 = arith.cmpi slt, %jit3A_824, %sign3A_836 : i32
        %sign3A_838 = arith.extui %sign3A_837 : i1 to i32
        %sign3A_839 = arith.subi %sign3A_835, %sign3A_838 : i32
        %ne3A_840 = arith.cmpi ne, %sign3A_832, %sign3A_839 : i32
        %rem3A_841 = arith.remsi %add3A_823, %jit3A_824 : i32
        %ne3A_842 = arith.constant 0 : i32
        %ne3A_843 = arith.cmpi ne, %rem3A_841, %ne3A_842 : i32
        %and3A_844 = arith.andi %ne3A_840, %ne3A_843 : i1
        %sub3A_845 = arith.constant 1 : i32
        %sub3A_846 = arith.subi %div3A_825, %sub3A_845 : i32
        %select_n3A_847 = arith.select %and3A_844, %sub3A_846, %div3A_825 : i32
        %mul3A_848 = arith.constant 50 : i32
        %mul3A_849 = arith.muli %select_n3A_847, %mul3A_848 : i32
        %sub3A_850 = arith.subi %add3A_823, %mul3A_849 : i32
        %slice3A_851 = vector.extract_strided_slice %get3A_477 {offsets = [3], sizes = [1], strides = [1]} : vector<16xf32> to vector<1xf32>
        %squeeze3A_852 = vector.extract %slice3A_851[0] : f32 from vector<1xf32>
        %slice3A_853 = vector.extract_strided_slice %get3A_484 {offsets = [3], sizes = [1], strides = [1]} : vector<16xf32> to vector<1xf32>
        %squeeze3A_854 = vector.extract %slice3A_853[0] : f32 from vector<1xf32>
        %slice3A_855 = vector.extract_strided_slice %get3A_491 {offsets = [3], sizes = [1], strides = [1]} : vector<16xf32> to vector<1xf32>
        %squeeze3A_856 = vector.extract %slice3A_855[0] : f32 from vector<1xf32>
        %get3A_857 = arith.constant 1 : i32
        %get3A_858 = arith.constant 0 : i32
        %get3A_859 = arith.index_cast %get3A_857 : i32 to index
        %get3A_860 = arith.index_cast %get3A_858 : i32 to index
        %get3A_861 = arith.index_cast %add3A_823 : i32 to index
        %get3A_862 = arith.constant 0 : index
        %get3A_863 = tpu.vector_load %arg11[%get3A_859, %get3A_860, %get3A_861, %get3A_862] {strides = array<i32>} : memref<2x3x400x32xf32, #tpu.memory_space<vmem>>, vector<1x1x1x16xf32>,
        %get3A_864 = vector.shape_cast %get3A_863 : vector<1x1x1x16xf32> to vector<16xf32>
        %mul3A_865 = vector.broadcast %squeeze3A_852 : f32 to vector<16xf32>
        %mul3A_866 = arith.mulf %mul3A_865, %get3A_864 : vector<16xf32>
        %get3A_867 = arith.constant 1 : i32
        %get3A_868 = arith.constant 1 : i32
        %get3A_869 = arith.index_cast %get3A_867 : i32 to index
        %get3A_870 = arith.index_cast %get3A_868 : i32 to index
        %get3A_871 = arith.index_cast %add3A_823 : i32 to index
        %get3A_872 = arith.constant 0 : index
        %get3A_873 = tpu.vector_load %arg11[%get3A_869, %get3A_870, %get3A_871, %get3A_872] {strides = array<i32>} : memref<2x3x400x32xf32, #tpu.memory_space<vmem>>, vector<1x1x1x16xf32>,
        %get3A_874 = vector.shape_cast %get3A_873 : vector<1x1x1x16xf32> to vector<16xf32>
        %mul3A_875 = vector.broadcast %squeeze3A_854 : f32 to vector<16xf32>
        %mul3A_876 = arith.mulf %mul3A_875, %get3A_874 : vector<16xf32>
        %add3A_877 = arith.addf %mul3A_866, %mul3A_876 : vector<16xf32>
        %get3A_878 = arith.constant 1 : i32
        %get3A_879 = arith.constant 2 : i32
        %get3A_880 = arith.index_cast %get3A_878 : i32 to index
        %get3A_881 = arith.index_cast %get3A_879 : i32 to index
        %get3A_882 = arith.index_cast %add3A_823 : i32 to index
        %get3A_883 = arith.constant 0 : index
        %get3A_884 = tpu.vector_load %arg11[%get3A_880, %get3A_881, %get3A_882, %get3A_883] {strides = array<i32>} : memref<2x3x400x32xf32, #tpu.memory_space<vmem>>, vector<1x1x1x16xf32>,
        %get3A_885 = vector.shape_cast %get3A_884 : vector<1x1x1x16xf32> to vector<16xf32>
        %mul3A_886 = vector.broadcast %squeeze3A_856 : f32 to vector<16xf32>
        %mul3A_887 = arith.mulf %mul3A_886, %get3A_885 : vector<16xf32>
        %add3A_888 = arith.addf %add3A_877, %mul3A_887 : vector<16xf32>
        %swap3A_889 = arith.index_cast %select_n3A_847 : i32 to index
        %swap3A_890 = arith.index_cast %sub3A_850 : i32 to index
        %swap3A_891 = arith.constant 0 : index
        %swap3A_892 = tpu.vector_load %arg12[%swap3A_889, %swap3A_890, %swap3A_891] {strides = array<i32>} : memref<8x50x32xf32, #tpu.memory_space<vmem>>, vector<1x1x16xf32>,
        %swap3A_893 = vector.shape_cast %swap3A_892 : vector<1x1x16xf32> to vector<16xf32>
        %swap3A_894 = vector.shape_cast %add3A_888 : vector<16xf32> to vector<1x1x16xf32>
        tpu.vector_store %arg12[%swap3A_889, %swap3A_890, %swap3A_891], %swap3A_894 {strides = array<i32>} : memref<8x50x32xf32, #tpu.memory_space<vmem>>, vector<1x1x16xf32>,
        %get3A_895 = arith.constant 1 : i32
        %get3A_896 = arith.constant 0 : i32
        %get3A_897 = arith.index_cast %get3A_895 : i32 to index
        %get3A_898 = arith.index_cast %get3A_896 : i32 to index
        %get3A_899 = arith.index_cast %add3A_823 : i32 to index
        %get3A_900 = arith.constant 16 : index
        %get3A_901 = tpu.vector_load %arg11[%get3A_897, %get3A_898, %get3A_899, %get3A_900] {strides = array<i32>} : memref<2x3x400x32xf32, #tpu.memory_space<vmem>>, vector<1x1x1x16xf32>,
        %get3A_902 = vector.shape_cast %get3A_901 : vector<1x1x1x16xf32> to vector<16xf32>
        %mul3A_903 = vector.broadcast %squeeze3A_852 : f32 to vector<16xf32>
        %mul3A_904 = arith.mulf %mul3A_903, %get3A_902 : vector<16xf32>
        %get3A_905 = arith.constant 1 : i32
        %get3A_906 = arith.constant 1 : i32
        %get3A_907 = arith.index_cast %get3A_905 : i32 to index
        %get3A_908 = arith.index_cast %get3A_906 : i32 to index
        %get3A_909 = arith.index_cast %add3A_823 : i32 to index
        %get3A_910 = arith.constant 16 : index
        %get3A_911 = tpu.vector_load %arg11[%get3A_907, %get3A_908, %get3A_909, %get3A_910] {strides = array<i32>} : memref<2x3x400x32xf32, #tpu.memory_space<vmem>>, vector<1x1x1x16xf32>,
        %get3A_912 = vector.shape_cast %get3A_911 : vector<1x1x1x16xf32> to vector<16xf32>
        %mul3A_913 = vector.broadcast %squeeze3A_854 : f32 to vector<16xf32>
        %mul3A_914 = arith.mulf %mul3A_913, %get3A_912 : vector<16xf32>
        %add3A_915 = arith.addf %mul3A_904, %mul3A_914 : vector<16xf32>
        %get3A_916 = arith.constant 1 : i32
        %get3A_917 = arith.constant 2 : i32
        %get3A_918 = arith.index_cast %get3A_916 : i32 to index
        %get3A_919 = arith.index_cast %get3A_917 : i32 to index
        %get3A_920 = arith.index_cast %add3A_823 : i32 to index
        %get3A_921 = arith.constant 16 : index
        %get3A_922 = tpu.vector_load %arg11[%get3A_918, %get3A_919, %get3A_920, %get3A_921] {strides = array<i32>} : memref<2x3x400x32xf32, #tpu.memory_space<vmem>>, vector<1x1x1x16xf32>,
        %get3A_923 = vector.shape_cast %get3A_922 : vector<1x1x1x16xf32> to vector<16xf32>
        %mul3A_924 = vector.broadcast %squeeze3A_856 : f32 to vector<16xf32>
        %mul3A_925 = arith.mulf %mul3A_924, %get3A_923 : vector<16xf32>
        %add3A_926 = arith.addf %add3A_915, %mul3A_925 : vector<16xf32>
        %swap3A_927 = arith.index_cast %select_n3A_847 : i32 to index
        %swap3A_928 = arith.index_cast %sub3A_850 : i32 to index
        %swap3A_929 = arith.constant 16 : index
        %swap3A_930 = tpu.vector_load %arg12[%swap3A_927, %swap3A_928, %swap3A_929] {strides = array<i32>} : memref<8x50x32xf32, #tpu.memory_space<vmem>>, vector<1x1x16xf32>,
        %swap3A_931 = vector.shape_cast %swap3A_930 : vector<1x1x16xf32> to vector<16xf32>
        %swap3A_932 = vector.shape_cast %add3A_926 : vector<16xf32> to vector<1x1x16xf32>
        tpu.vector_store %arg12[%swap3A_927, %swap3A_928, %swap3A_929], %swap3A_932 {strides = array<i32>} : memref<8x50x32xf32, #tpu.memory_space<vmem>>, vector<1x1x16xf32>,
        %mul3A_933 = arith.constant 16 : i32
        %mul3A_934 = arith.muli %scan3A_469, %mul3A_933 : i32
        %add3A_935 = arith.constant 4 : i32
        %add3A_936 = arith.addi %mul3A_934, %add3A_935 : i32
        %jit3A_937 = arith.constant 50 : i32
        %div3A_938 = arith.divsi %add3A_936, %jit3A_937 : i32
        %sign3A_939 = arith.constant 0 : i32
        %sign3A_940 = arith.cmpi sgt, %add3A_936, %sign3A_939 : i32
        %sign3A_941 = arith.extui %sign3A_940 : i1 to i32
        %sign3A_942 = arith.constant 0 : i32
        %sign3A_943 = arith.cmpi slt, %add3A_936, %sign3A_942 : i32
        %sign3A_944 = arith.extui %sign3A_943 : i1 to i32
        %sign3A_945 = arith.subi %sign3A_941, %sign3A_944 : i32
        %sign3A_946 = arith.constant 0 : i32
        %sign3A_947 = arith.cmpi sgt, %jit3A_937, %sign3A_946 : i32
        %sign3A_948 = arith.extui %sign3A_947 : i1 to i32
        %sign3A_949 = arith.constant 0 : i32
        %sign3A_950 = arith.cmpi slt, %jit3A_937, %sign3A_949 : i32
        %sign3A_951 = arith.extui %sign3A_950 : i1 to i32
        %sign3A_952 = arith.subi %sign3A_948, %sign3A_951 : i32
        %ne3A_953 = arith.cmpi ne, %sign3A_945, %sign3A_952 : i32
        %rem3A_954 = arith.remsi %add3A_936, %jit3A_937 : i32
        %ne3A_955 = arith.constant 0 : i32
        %ne3A_956 = arith.cmpi ne, %rem3A_954, %ne3A_955 : i32
        %and3A_957 = arith.andi %ne3A_953, %ne3A_956 : i1
        %sub3A_958 = arith.constant 1 : i32
        %sub3A_959 = arith.subi %div3A_938, %sub3A_958 : i32
        %select_n3A_960 = arith.select %and3A_957, %sub3A_959, %div3A_938 : i32
        %mul3A_961 = arith.constant 50 : i32
        %mul3A_962 = arith.muli %select_n3A_960, %mul3A_961 : i32
        %sub3A_963 = arith.subi %add3A_936, %mul3A_962 : i32
        %slice3A_964 = vector.extract_strided_slice %get3A_477 {offsets = [4], sizes = [1], strides = [1]} : vector<16xf32> to vector<1xf32>
        %squeeze3A_965 = vector.extract %slice3A_964[0] : f32 from vector<1xf32>
        %slice3A_966 = vector.extract_strided_slice %get3A_484 {offsets = [4], sizes = [1], strides = [1]} : vector<16xf32> to vector<1xf32>
        %squeeze3A_967 = vector.extract %slice3A_966[0] : f32 from vector<1xf32>
        %slice3A_968 = vector.extract_strided_slice %get3A_491 {offsets = [4], sizes = [1], strides = [1]} : vector<16xf32> to vector<1xf32>
        %squeeze3A_969 = vector.extract %slice3A_968[0] : f32 from vector<1xf32>
        %get3A_970 = arith.constant 1 : i32
        %get3A_971 = arith.constant 0 : i32
        %get3A_972 = arith.index_cast %get3A_970 : i32 to index
        %get3A_973 = arith.index_cast %get3A_971 : i32 to index
        %get3A_974 = arith.index_cast %add3A_936 : i32 to index
        %get3A_975 = arith.constant 0 : index
        %get3A_976 = tpu.vector_load %arg11[%get3A_972, %get3A_973, %get3A_974, %get3A_975] {strides = array<i32>} : memref<2x3x400x32xf32, #tpu.memory_space<vmem>>, vector<1x1x1x16xf32>,
        %get3A_977 = vector.shape_cast %get3A_976 : vector<1x1x1x16xf32> to vector<16xf32>
        %mul3A_978 = vector.broadcast %squeeze3A_965 : f32 to vector<16xf32>
        %mul3A_979 = arith.mulf %mul3A_978, %get3A_977 : vector<16xf32>
        %get3A_980 = arith.constant 1 : i32
        %get3A_981 = arith.constant 1 : i32
        %get3A_982 = arith.index_cast %get3A_980 : i32 to index
        %get3A_983 = arith.index_cast %get3A_981 : i32 to index
        %get3A_984 = arith.index_cast %add3A_936 : i32 to index
        %get3A_985 = arith.constant 0 : index
        %get3A_986 = tpu.vector_load %arg11[%get3A_982, %get3A_983, %get3A_984, %get3A_985] {strides = array<i32>} : memref<2x3x400x32xf32, #tpu.memory_space<vmem>>, vector<1x1x1x16xf32>,
        %get3A_987 = vector.shape_cast %get3A_986 : vector<1x1x1x16xf32> to vector<16xf32>
        %mul3A_988 = vector.broadcast %squeeze3A_967 : f32 to vector<16xf32>
        %mul3A_989 = arith.mulf %mul3A_988, %get3A_987 : vector<16xf32>
        %add3A_990 = arith.addf %mul3A_979, %mul3A_989 : vector<16xf32>
        %get3A_991 = arith.constant 1 : i32
        %get3A_992 = arith.constant 2 : i32
        %get3A_993 = arith.index_cast %get3A_991 : i32 to index
        %get3A_994 = arith.index_cast %get3A_992 : i32 to index
        %get3A_995 = arith.index_cast %add3A_936 : i32 to index
        %get3A_996 = arith.constant 0 : index
        %get3A_997 = tpu.vector_load %arg11[%get3A_993, %get3A_994, %get3A_995, %get3A_996] {strides = array<i32>} : memref<2x3x400x32xf32, #tpu.memory_space<vmem>>, vector<1x1x1x16xf32>,
        %get3A_998 = vector.shape_cast %get3A_997 : vector<1x1x1x16xf32> to vector<16xf32>
        %mul3A_999 = vector.broadcast %squeeze3A_969 : f32 to vector<16xf32>
        %mul3A_1000 = arith.mulf %mul3A_999, %get3A_998 : vector<16xf32>
        %add3A_1001 = arith.addf %add3A_990, %mul3A_1000 : vector<16xf32>
        %swap3A_1002 = arith.index_cast %select_n3A_960 : i32 to index
        %swap3A_1003 = arith.index_cast %sub3A_963 : i32 to index
        %swap3A_1004 = arith.constant 0 : index
        %swap3A_1005 = tpu.vector_load %arg12[%swap3A_1002, %swap3A_1003, %swap3A_1004] {strides = array<i32>} : memref<8x50x32xf32, #tpu.memory_space<vmem>>, vector<1x1x16xf32>,
        %swap3A_1006 = vector.shape_cast %swap3A_1005 : vector<1x1x16xf32> to vector<16xf32>
        %swap3A_1007 = vector.shape_cast %add3A_1001 : vector<16xf32> to vector<1x1x16xf32>
        tpu.vector_store %arg12[%swap3A_1002, %swap3A_1003, %swap3A_1004], %swap3A_1007 {strides = array<i32>} : memref<8x50x32xf32, #tpu.memory_space<vmem>>, vector<1x1x16xf32>,
        %get3A_1008 = arith.constant 1 : i32
        %get3A_1009 = arith.constant 0 : i32
        %get3A_1010 = arith.index_cast %get3A_1008 : i32 to index
        %get3A_1011 = arith.index_cast %get3A_1009 : i32 to index
        %get3A_1012 = arith.index_cast %add3A_936 : i32 to index
        %get3A_1013 = arith.constant 16 : index
        %get3A_1014 = tpu.vector_load %arg11[%get3A_1010, %get3A_1011, %get3A_1012, %get3A_1013] {strides = array<i32>} : memref<2x3x400x32xf32, #tpu.memory_space<vmem>>, vector<1x1x1x16xf32>,
        %get3A_1015 = vector.shape_cast %get3A_1014 : vector<1x1x1x16xf32> to vector<16xf32>
        %mul3A_1016 = vector.broadcast %squeeze3A_965 : f32 to vector<16xf32>
        %mul3A_1017 = arith.mulf %mul3A_1016, %get3A_1015 : vector<16xf32>
        %get3A_1018 = arith.constant 1 : i32
        %get3A_1019 = arith.constant 1 : i32
        %get3A_1020 = arith.index_cast %get3A_1018 : i32 to index
        %get3A_1021 = arith.index_cast %get3A_1019 : i32 to index
        %get3A_1022 = arith.index_cast %add3A_936 : i32 to index
        %get3A_1023 = arith.constant 16 : index
        %get3A_1024 = tpu.vector_load %arg11[%get3A_1020, %get3A_1021, %get3A_1022, %get3A_1023] {strides = array<i32>} : memref<2x3x400x32xf32, #tpu.memory_space<vmem>>, vector<1x1x1x16xf32>,
        %get3A_1025 = vector.shape_cast %get3A_1024 : vector<1x1x1x16xf32> to vector<16xf32>
        %mul3A_1026 = vector.broadcast %squeeze3A_967 : f32 to vector<16xf32>
        %mul3A_1027 = arith.mulf %mul3A_1026, %get3A_1025 : vector<16xf32>
        %add3A_1028 = arith.addf %mul3A_1017, %mul3A_1027 : vector<16xf32>
        %get3A_1029 = arith.constant 1 : i32
        %get3A_1030 = arith.constant 2 : i32
        %get3A_1031 = arith.index_cast %get3A_1029 : i32 to index
        %get3A_1032 = arith.index_cast %get3A_1030 : i32 to index
        %get3A_1033 = arith.index_cast %add3A_936 : i32 to index
        %get3A_1034 = arith.constant 16 : index
        %get3A_1035 = tpu.vector_load %arg11[%get3A_1031, %get3A_1032, %get3A_1033, %get3A_1034] {strides = array<i32>} : memref<2x3x400x32xf32, #tpu.memory_space<vmem>>, vector<1x1x1x16xf32>,
        %get3A_1036 = vector.shape_cast %get3A_1035 : vector<1x1x1x16xf32> to vector<16xf32>
        %mul3A_1037 = vector.broadcast %squeeze3A_969 : f32 to vector<16xf32>
        %mul3A_1038 = arith.mulf %mul3A_1037, %get3A_1036 : vector<16xf32>
        %add3A_1039 = arith.addf %add3A_1028, %mul3A_1038 : vector<16xf32>
        %swap3A_1040 = arith.index_cast %select_n3A_960 : i32 to index
        %swap3A_1041 = arith.index_cast %sub3A_963 : i32 to index
        %swap3A_1042 = arith.constant 16 : index
        %swap3A_1043 = tpu.vector_load %arg12[%swap3A_1040, %swap3A_1041, %swap3A_1042] {strides = array<i32>} : memref<8x50x32xf32, #tpu.memory_space<vmem>>, vector<1x1x16xf32>,
        %swap3A_1044 = vector.shape_cast %swap3A_1043 : vector<1x1x16xf32> to vector<16xf32>
        %swap3A_1045 = vector.shape_cast %add3A_1039 : vector<16xf32> to vector<1x1x16xf32>
        tpu.vector_store %arg12[%swap3A_1040, %swap3A_1041, %swap3A_1042], %swap3A_1045 {strides = array<i32>} : memref<8x50x32xf32, #tpu.memory_space<vmem>>, vector<1x1x16xf32>,
        %mul3A_1046 = arith.constant 16 : i32
        %mul3A_1047 = arith.muli %scan3A_469, %mul3A_1046 : i32
        %add3A_1048 = arith.constant 5 : i32
        %add3A_1049 = arith.addi %mul3A_1047, %add3A_1048 : i32
        %jit3A_1050 = arith.constant 50 : i32
        %div3A_1051 = arith.divsi %add3A_1049, %jit3A_1050 : i32
        %sign3A_1052 = arith.constant 0 : i32
        %sign3A_1053 = arith.cmpi sgt, %add3A_1049, %sign3A_1052 : i32
        %sign3A_1054 = arith.extui %sign3A_1053 : i1 to i32
        %sign3A_1055 = arith.constant 0 : i32
        %sign3A_1056 = arith.cmpi slt, %add3A_1049, %sign3A_1055 : i32
        %sign3A_1057 = arith.extui %sign3A_1056 : i1 to i32
        %sign3A_1058 = arith.subi %sign3A_1054, %sign3A_1057 : i32
        %sign3A_1059 = arith.constant 0 : i32
        %sign3A_1060 = arith.cmpi sgt, %jit3A_1050, %sign3A_1059 : i32
        %sign3A_1061 = arith.extui %sign3A_1060 : i1 to i32
        %sign3A_1062 = arith.constant 0 : i32
        %sign3A_1063 = arith.cmpi slt, %jit3A_1050, %sign3A_1062 : i32
        %sign3A_1064 = arith.extui %sign3A_1063 : i1 to i32
        %sign3A_1065 = arith.subi %sign3A_1061, %sign3A_1064 : i32
        %ne3A_1066 = arith.cmpi ne, %sign3A_1058, %sign3A_1065 : i32
        %rem3A_1067 = arith.remsi %add3A_1049, %jit3A_1050 : i32
        %ne3A_1068 = arith.constant 0 : i32
        %ne3A_1069 = arith.cmpi ne, %rem3A_1067, %ne3A_1068 : i32
        %and3A_1070 = arith.andi %ne3A_1066, %ne3A_1069 : i1
        %sub3A_1071 = arith.constant 1 : i32
        %sub3A_1072 = arith.subi %div3A_1051, %sub3A_1071 : i32
        %select_n3A_1073 = arith.select %and3A_1070, %sub3A_1072, %div3A_1051 : i32
        %mul3A_1074 = arith.constant 50 : i32
        %mul3A_1075 = arith.muli %select_n3A_1073, %mul3A_1074 : i32
        %sub3A_1076 = arith.subi %add3A_1049, %mul3A_1075 : i32
        %slice3A_1077 = vector.extract_strided_slice %get3A_477 {offsets = [5], sizes = [1], strides = [1]} : vector<16xf32> to vector<1xf32>
        %squeeze3A_1078 = vector.extract %slice3A_1077[0] : f32 from vector<1xf32>
        %slice3A_1079 = vector.extract_strided_slice %get3A_484 {offsets = [5], sizes = [1], strides = [1]} : vector<16xf32> to vector<1xf32>
        %squeeze3A_1080 = vector.extract %slice3A_1079[0] : f32 from vector<1xf32>
        %slice3A_1081 = vector.extract_strided_slice %get3A_491 {offsets = [5], sizes = [1], strides = [1]} : vector<16xf32> to vector<1xf32>
        %squeeze3A_1082 = vector.extract %slice3A_1081[0] : f32 from vector<1xf32>
        %get3A_1083 = arith.constant 1 : i32
        %get3A_1084 = arith.constant 0 : i32
        %get3A_1085 = arith.index_cast %get3A_1083 : i32 to index
        %get3A_1086 = arith.index_cast %get3A_1084 : i32 to index
        %get3A_1087 = arith.index_cast %add3A_1049 : i32 to index
        %get3A_1088 = arith.constant 0 : index
        %get3A_1089 = tpu.vector_load %arg11[%get3A_1085, %get3A_1086, %get3A_1087, %get3A_1088] {strides = array<i32>} : memref<2x3x400x32xf32, #tpu.memory_space<vmem>>, vector<1x1x1x16xf32>,
        %get3A_1090 = vector.shape_cast %get3A_1089 : vector<1x1x1x16xf32> to vector<16xf32>
        %mul3A_1091 = vector.broadcast %squeeze3A_1078 : f32 to vector<16xf32>
        %mul3A_1092 = arith.mulf %mul3A_1091, %get3A_1090 : vector<16xf32>
        %get3A_1093 = arith.constant 1 : i32
        %get3A_1094 = arith.constant 1 : i32
        %get3A_1095 = arith.index_cast %get3A_1093 : i32 to index
        %get3A_1096 = arith.index_cast %get3A_1094 : i32 to index
        %get3A_1097 = arith.index_cast %add3A_1049 : i32 to index
        %get3A_1098 = arith.constant 0 : index
        %get3A_1099 = tpu.vector_load %arg11[%get3A_1095, %get3A_1096, %get3A_1097, %get3A_1098] {strides = array<i32>} : memref<2x3x400x32xf32, #tpu.memory_space<vmem>>, vector<1x1x1x16xf32>,
        %get3A_1100 = vector.shape_cast %get3A_1099 : vector<1x1x1x16xf32> to vector<16xf32>
        %mul3A_1101 = vector.broadcast %squeeze3A_1080 : f32 to vector<16xf32>
        %mul3A_1102 = arith.mulf %mul3A_1101, %get3A_1100 : vector<16xf32>
        %add3A_1103 = arith.addf %mul3A_1092, %mul3A_1102 : vector<16xf32>
        %get3A_1104 = arith.constant 1 : i32
        %get3A_1105 = arith.constant 2 : i32
        %get3A_1106 = arith.index_cast %get3A_1104 : i32 to index
        %get3A_1107 = arith.index_cast %get3A_1105 : i32 to index
        %get3A_1108 = arith.index_cast %add3A_1049 : i32 to index
        %get3A_1109 = arith.constant 0 : index
        %get3A_1110 = tpu.vector_load %arg11[%get3A_1106, %get3A_1107, %get3A_1108, %get3A_1109] {strides = array<i32>} : memref<2x3x400x32xf32, #tpu.memory_space<vmem>>, vector<1x1x1x16xf32>,
        %get3A_1111 = vector.shape_cast %get3A_1110 : vector<1x1x1x16xf32> to vector<16xf32>
        %mul3A_1112 = vector.broadcast %squeeze3A_1082 : f32 to vector<16xf32>
        %mul3A_1113 = arith.mulf %mul3A_1112, %get3A_1111 : vector<16xf32>
        %add3A_1114 = arith.addf %add3A_1103, %mul3A_1113 : vector<16xf32>
        %swap3A_1115 = arith.index_cast %select_n3A_1073 : i32 to index
        %swap3A_1116 = arith.index_cast %sub3A_1076 : i32 to index
        %swap3A_1117 = arith.constant 0 : index
        %swap3A_1118 = tpu.vector_load %arg12[%swap3A_1115, %swap3A_1116, %swap3A_1117] {strides = array<i32>} : memref<8x50x32xf32, #tpu.memory_space<vmem>>, vector<1x1x16xf32>,
        %swap3A_1119 = vector.shape_cast %swap3A_1118 : vector<1x1x16xf32> to vector<16xf32>
        %swap3A_1120 = vector.shape_cast %add3A_1114 : vector<16xf32> to vector<1x1x16xf32>
        tpu.vector_store %arg12[%swap3A_1115, %swap3A_1116, %swap3A_1117], %swap3A_1120 {strides = array<i32>} : memref<8x50x32xf32, #tpu.memory_space<vmem>>, vector<1x1x16xf32>,
        %get3A_1121 = arith.constant 1 : i32
        %get3A_1122 = arith.constant 0 : i32
        %get3A_1123 = arith.index_cast %get3A_1121 : i32 to index
        %get3A_1124 = arith.index_cast %get3A_1122 : i32 to index
        %get3A_1125 = arith.index_cast %add3A_1049 : i32 to index
        %get3A_1126 = arith.constant 16 : index
        %get3A_1127 = tpu.vector_load %arg11[%get3A_1123, %get3A_1124, %get3A_1125, %get3A_1126] {strides = array<i32>} : memref<2x3x400x32xf32, #tpu.memory_space<vmem>>, vector<1x1x1x16xf32>,
        %get3A_1128 = vector.shape_cast %get3A_1127 : vector<1x1x1x16xf32> to vector<16xf32>
        %mul3A_1129 = vector.broadcast %squeeze3A_1078 : f32 to vector<16xf32>
        %mul3A_1130 = arith.mulf %mul3A_1129, %get3A_1128 : vector<16xf32>
        %get3A_1131 = arith.constant 1 : i32
        %get3A_1132 = arith.constant 1 : i32
        %get3A_1133 = arith.index_cast %get3A_1131 : i32 to index
        %get3A_1134 = arith.index_cast %get3A_1132 : i32 to index
        %get3A_1135 = arith.index_cast %add3A_1049 : i32 to index
        %get3A_1136 = arith.constant 16 : index
        %get3A_1137 = tpu.vector_load %arg11[%get3A_1133, %get3A_1134, %get3A_1135, %get3A_1136] {strides = array<i32>} : memref<2x3x400x32xf32, #tpu.memory_space<vmem>>, vector<1x1x1x16xf32>,
        %get3A_1138 = vector.shape_cast %get3A_1137 : vector<1x1x1x16xf32> to vector<16xf32>
        %mul3A_1139 = vector.broadcast %squeeze3A_1080 : f32 to vector<16xf32>
        %mul3A_1140 = arith.mulf %mul3A_1139, %get3A_1138 : vector<16xf32>
        %add3A_1141 = arith.addf %mul3A_1130, %mul3A_1140 : vector<16xf32>
        %get3A_1142 = arith.constant 1 : i32
        %get3A_1143 = arith.constant 2 : i32
        %get3A_1144 = arith.index_cast %get3A_1142 : i32 to index
        %get3A_1145 = arith.index_cast %get3A_1143 : i32 to index
        %get3A_1146 = arith.index_cast %add3A_1049 : i32 to index
        %get3A_1147 = arith.constant 16 : index
        %get3A_1148 = tpu.vector_load %arg11[%get3A_1144, %get3A_1145, %get3A_1146, %get3A_1147] {strides = array<i32>} : memref<2x3x400x32xf32, #tpu.memory_space<vmem>>, vector<1x1x1x16xf32>,
        %get3A_1149 = vector.shape_cast %get3A_1148 : vector<1x1x1x16xf32> to vector<16xf32>
        %mul3A_1150 = vector.broadcast %squeeze3A_1082 : f32 to vector<16xf32>
        %mul3A_1151 = arith.mulf %mul3A_1150, %get3A_1149 : vector<16xf32>
        %add3A_1152 = arith.addf %add3A_1141, %mul3A_1151 : vector<16xf32>
        %swap3A_1153 = arith.index_cast %select_n3A_1073 : i32 to index
        %swap3A_1154 = arith.index_cast %sub3A_1076 : i32 to index
        %swap3A_1155 = arith.constant 16 : index
        %swap3A_1156 = tpu.vector_load %arg12[%swap3A_1153, %swap3A_1154, %swap3A_1155] {strides = array<i32>} : memref<8x50x32xf32, #tpu.memory_space<vmem>>, vector<1x1x16xf32>,
        %swap3A_1157 = vector.shape_cast %swap3A_1156 : vector<1x1x16xf32> to vector<16xf32>
        %swap3A_1158 = vector.shape_cast %add3A_1152 : vector<16xf32> to vector<1x1x16xf32>
        tpu.vector_store %arg12[%swap3A_1153, %swap3A_1154, %swap3A_1155], %swap3A_1158 {strides = array<i32>} : memref<8x50x32xf32, #tpu.memory_space<vmem>>, vector<1x1x16xf32>,
        %mul3A_1159 = arith.constant 16 : i32
        %mul3A_1160 = arith.muli %scan3A_469, %mul3A_1159 : i32
        %add3A_1161 = arith.constant 6 : i32
        %add3A_1162 = arith.addi %mul3A_1160, %add3A_1161 : i32
        %jit3A_1163 = arith.constant 50 : i32
        %div3A_1164 = arith.divsi %add3A_1162, %jit3A_1163 : i32
        %sign3A_1165 = arith.constant 0 : i32
        %sign3A_1166 = arith.cmpi sgt, %add3A_1162, %sign3A_1165 : i32
        %sign3A_1167 = arith.extui %sign3A_1166 : i1 to i32
        %sign3A_1168 = arith.constant 0 : i32
        %sign3A_1169 = arith.cmpi slt, %add3A_1162, %sign3A_1168 : i32
        %sign3A_1170 = arith.extui %sign3A_1169 : i1 to i32
        %sign3A_1171 = arith.subi %sign3A_1167, %sign3A_1170 : i32
        %sign3A_1172 = arith.constant 0 : i32
        %sign3A_1173 = arith.cmpi sgt, %jit3A_1163, %sign3A_1172 : i32
        %sign3A_1174 = arith.extui %sign3A_1173 : i1 to i32
        %sign3A_1175 = arith.constant 0 : i32
        %sign3A_1176 = arith.cmpi slt, %jit3A_1163, %sign3A_1175 : i32
        %sign3A_1177 = arith.extui %sign3A_1176 : i1 to i32
        %sign3A_1178 = arith.subi %sign3A_1174, %sign3A_1177 : i32
        %ne3A_1179 = arith.cmpi ne, %sign3A_1171, %sign3A_1178 : i32
        %rem3A_1180 = arith.remsi %add3A_1162, %jit3A_1163 : i32
        %ne3A_1181 = arith.constant 0 : i32
        %ne3A_1182 = arith.cmpi ne, %rem3A_1180, %ne3A_1181 : i32
        %and3A_1183 = arith.andi %ne3A_1179, %ne3A_1182 : i1
        %sub3A_1184 = arith.constant 1 : i32
        %sub3A_1185 = arith.subi %div3A_1164, %sub3A_1184 : i32
        %select_n3A_1186 = arith.select %and3A_1183, %sub3A_1185, %div3A_1164 : i32
        %mul3A_1187 = arith.constant 50 : i32
        %mul3A_1188 = arith.muli %select_n3A_1186, %mul3A_1187 : i32
        %sub3A_1189 = arith.subi %add3A_1162, %mul3A_1188 : i32
        %slice3A_1190 = vector.extract_strided_slice %get3A_477 {offsets = [6], sizes = [1], strides = [1]} : vector<16xf32> to vector<1xf32>
        %squeeze3A_1191 = vector.extract %slice3A_1190[0] : f32 from vector<1xf32>
        %slice3A_1192 = vector.extract_strided_slice %get3A_484 {offsets = [6], sizes = [1], strides = [1]} : vector<16xf32> to vector<1xf32>
        %squeeze3A_1193 = vector.extract %slice3A_1192[0] : f32 from vector<1xf32>
        %slice3A_1194 = vector.extract_strided_slice %get3A_491 {offsets = [6], sizes = [1], strides = [1]} : vector<16xf32> to vector<1xf32>
        %squeeze3A_1195 = vector.extract %slice3A_1194[0] : f32 from vector<1xf32>
        %get3A_1196 = arith.constant 1 : i32
        %get3A_1197 = arith.constant 0 : i32
        %get3A_1198 = arith.index_cast %get3A_1196 : i32 to index
        %get3A_1199 = arith.index_cast %get3A_1197 : i32 to index
        %get3A_1200 = arith.index_cast %add3A_1162 : i32 to index
        %get3A_1201 = arith.constant 0 : index
        %get3A_1202 = tpu.vector_load %arg11[%get3A_1198, %get3A_1199, %get3A_1200, %get3A_1201] {strides = array<i32>} : memref<2x3x400x32xf32, #tpu.memory_space<vmem>>, vector<1x1x1x16xf32>,
        %get3A_1203 = vector.shape_cast %get3A_1202 : vector<1x1x1x16xf32> to vector<16xf32>
        %mul3A_1204 = vector.broadcast %squeeze3A_1191 : f32 to vector<16xf32>
        %mul3A_1205 = arith.mulf %mul3A_1204, %get3A_1203 : vector<16xf32>
        %get3A_1206 = arith.constant 1 : i32
        %get3A_1207 = arith.constant 1 : i32
        %get3A_1208 = arith.index_cast %get3A_1206 : i32 to index
        %get3A_1209 = arith.index_cast %get3A_1207 : i32 to index
        %get3A_1210 = arith.index_cast %add3A_1162 : i32 to index
        %get3A_1211 = arith.constant 0 : index
        %get3A_1212 = tpu.vector_load %arg11[%get3A_1208, %get3A_1209, %get3A_1210, %get3A_1211] {strides = array<i32>} : memref<2x3x400x32xf32, #tpu.memory_space<vmem>>, vector<1x1x1x16xf32>,
        %get3A_1213 = vector.shape_cast %get3A_1212 : vector<1x1x1x16xf32> to vector<16xf32>
        %mul3A_1214 = vector.broadcast %squeeze3A_1193 : f32 to vector<16xf32>
        %mul3A_1215 = arith.mulf %mul3A_1214, %get3A_1213 : vector<16xf32>
        %add3A_1216 = arith.addf %mul3A_1205, %mul3A_1215 : vector<16xf32>
        %get3A_1217 = arith.constant 1 : i32
        %get3A_1218 = arith.constant 2 : i32
        %get3A_1219 = arith.index_cast %get3A_1217 : i32 to index
        %get3A_1220 = arith.index_cast %get3A_1218 : i32 to index
        %get3A_1221 = arith.index_cast %add3A_1162 : i32 to index
        %get3A_1222 = arith.constant 0 : index
        %get3A_1223 = tpu.vector_load %arg11[%get3A_1219, %get3A_1220, %get3A_1221, %get3A_1222] {strides = array<i32>} : memref<2x3x400x32xf32, #tpu.memory_space<vmem>>, vector<1x1x1x16xf32>,
        %get3A_1224 = vector.shape_cast %get3A_1223 : vector<1x1x1x16xf32> to vector<16xf32>
        %mul3A_1225 = vector.broadcast %squeeze3A_1195 : f32 to vector<16xf32>
        %mul3A_1226 = arith.mulf %mul3A_1225, %get3A_1224 : vector<16xf32>
        %add3A_1227 = arith.addf %add3A_1216, %mul3A_1226 : vector<16xf32>
        %swap3A_1228 = arith.index_cast %select_n3A_1186 : i32 to index
        %swap3A_1229 = arith.index_cast %sub3A_1189 : i32 to index
        %swap3A_1230 = arith.constant 0 : index
        %swap3A_1231 = tpu.vector_load %arg12[%swap3A_1228, %swap3A_1229, %swap3A_1230] {strides = array<i32>} : memref<8x50x32xf32, #tpu.memory_space<vmem>>, vector<1x1x16xf32>,
        %swap3A_1232 = vector.shape_cast %swap3A_1231 : vector<1x1x16xf32> to vector<16xf32>
        %swap3A_1233 = vector.shape_cast %add3A_1227 : vector<16xf32> to vector<1x1x16xf32>
        tpu.vector_store %arg12[%swap3A_1228, %swap3A_1229, %swap3A_1230], %swap3A_1233 {strides = array<i32>} : memref<8x50x32xf32, #tpu.memory_space<vmem>>, vector<1x1x16xf32>,
        %get3A_1234 = arith.constant 1 : i32
        %get3A_1235 = arith.constant 0 : i32
        %get3A_1236 = arith.index_cast %get3A_1234 : i32 to index
        %get3A_1237 = arith.index_cast %get3A_1235 : i32 to index
        %get3A_1238 = arith.index_cast %add3A_1162 : i32 to index
        %get3A_1239 = arith.constant 16 : index
        %get3A_1240 = tpu.vector_load %arg11[%get3A_1236, %get3A_1237, %get3A_1238, %get3A_1239] {strides = array<i32>} : memref<2x3x400x32xf32, #tpu.memory_space<vmem>>, vector<1x1x1x16xf32>,
        %get3A_1241 = vector.shape_cast %get3A_1240 : vector<1x1x1x16xf32> to vector<16xf32>
        %mul3A_1242 = vector.broadcast %squeeze3A_1191 : f32 to vector<16xf32>
        %mul3A_1243 = arith.mulf %mul3A_1242, %get3A_1241 : vector<16xf32>
        %get3A_1244 = arith.constant 1 : i32
        %get3A_1245 = arith.constant 1 : i32
        %get3A_1246 = arith.index_cast %get3A_1244 : i32 to index
        %get3A_1247 = arith.index_cast %get3A_1245 : i32 to index
        %get3A_1248 = arith.index_cast %add3A_1162 : i32 to index
        %get3A_1249 = arith.constant 16 : index
        %get3A_1250 = tpu.vector_load %arg11[%get3A_1246, %get3A_1247, %get3A_1248, %get3A_1249] {strides = array<i32>} : memref<2x3x400x32xf32, #tpu.memory_space<vmem>>, vector<1x1x1x16xf32>,
        %get3A_1251 = vector.shape_cast %get3A_1250 : vector<1x1x1x16xf32> to vector<16xf32>
        %mul3A_1252 = vector.broadcast %squeeze3A_1193 : f32 to vector<16xf32>
        %mul3A_1253 = arith.mulf %mul3A_1252, %get3A_1251 : vector<16xf32>
        %add3A_1254 = arith.addf %mul3A_1243, %mul3A_1253 : vector<16xf32>
        %get3A_1255 = arith.constant 1 : i32
        %get3A_1256 = arith.constant 2 : i32
        %get3A_1257 = arith.index_cast %get3A_1255 : i32 to index
        %get3A_1258 = arith.index_cast %get3A_1256 : i32 to index
        %get3A_1259 = arith.index_cast %add3A_1162 : i32 to index
        %get3A_1260 = arith.constant 16 : index
        %get3A_1261 = tpu.vector_load %arg11[%get3A_1257, %get3A_1258, %get3A_1259, %get3A_1260] {strides = array<i32>} : memref<2x3x400x32xf32, #tpu.memory_space<vmem>>, vector<1x1x1x16xf32>,
        %get3A_1262 = vector.shape_cast %get3A_1261 : vector<1x1x1x16xf32> to vector<16xf32>
        %mul3A_1263 = vector.broadcast %squeeze3A_1195 : f32 to vector<16xf32>
        %mul3A_1264 = arith.mulf %mul3A_1263, %get3A_1262 : vector<16xf32>
        %add3A_1265 = arith.addf %add3A_1254, %mul3A_1264 : vector<16xf32>
        %swap3A_1266 = arith.index_cast %select_n3A_1186 : i32 to index
        %swap3A_1267 = arith.index_cast %sub3A_1189 : i32 to index
        %swap3A_1268 = arith.constant 16 : index
        %swap3A_1269 = tpu.vector_load %arg12[%swap3A_1266, %swap3A_1267, %swap3A_1268] {strides = array<i32>} : memref<8x50x32xf32, #tpu.memory_space<vmem>>, vector<1x1x16xf32>,
        %swap3A_1270 = vector.shape_cast %swap3A_1269 : vector<1x1x16xf32> to vector<16xf32>
        %swap3A_1271 = vector.shape_cast %add3A_1265 : vector<16xf32> to vector<1x1x16xf32>
        tpu.vector_store %arg12[%swap3A_1266, %swap3A_1267, %swap3A_1268], %swap3A_1271 {strides = array<i32>} : memref<8x50x32xf32, #tpu.memory_space<vmem>>, vector<1x1x16xf32>,
        %mul3A_1272 = arith.constant 16 : i32
        %mul3A_1273 = arith.muli %scan3A_469, %mul3A_1272 : i32
        %add3A_1274 = arith.constant 7 : i32
        %add3A_1275 = arith.addi %mul3A_1273, %add3A_1274 : i32
        %jit3A_1276 = arith.constant 50 : i32
        %div3A_1277 = arith.divsi %add3A_1275, %jit3A_1276 : i32
        %sign3A_1278 = arith.constant 0 : i32
        %sign3A_1279 = arith.cmpi sgt, %add3A_1275, %sign3A_1278 : i32
        %sign3A_1280 = arith.extui %sign3A_1279 : i1 to i32
        %sign3A_1281 = arith.constant 0 : i32
        %sign3A_1282 = arith.cmpi slt, %add3A_1275, %sign3A_1281 : i32
        %sign3A_1283 = arith.extui %sign3A_1282 : i1 to i32
        %sign3A_1284 = arith.subi %sign3A_1280, %sign3A_1283 : i32
        %sign3A_1285 = arith.constant 0 : i32
        %sign3A_1286 = arith.cmpi sgt, %jit3A_1276, %sign3A_1285 : i32
        %sign3A_1287 = arith.extui %sign3A_1286 : i1 to i32
        %sign3A_1288 = arith.constant 0 : i32
        %sign3A_1289 = arith.cmpi slt, %jit3A_1276, %sign3A_1288 : i32
        %sign3A_1290 = arith.extui %sign3A_1289 : i1 to i32
        %sign3A_1291 = arith.subi %sign3A_1287, %sign3A_1290 : i32
        %ne3A_1292 = arith.cmpi ne, %sign3A_1284, %sign3A_1291 : i32
        %rem3A_1293 = arith.remsi %add3A_1275, %jit3A_1276 : i32
        %ne3A_1294 = arith.constant 0 : i32
        %ne3A_1295 = arith.cmpi ne, %rem3A_1293, %ne3A_1294 : i32
        %and3A_1296 = arith.andi %ne3A_1292, %ne3A_1295 : i1
        %sub3A_1297 = arith.constant 1 : i32
        %sub3A_1298 = arith.subi %div3A_1277, %sub3A_1297 : i32
        %select_n3A_1299 = arith.select %and3A_1296, %sub3A_1298, %div3A_1277 : i32
        %mul3A_1300 = arith.constant 50 : i32
        %mul3A_1301 = arith.muli %select_n3A_1299, %mul3A_1300 : i32
        %sub3A_1302 = arith.subi %add3A_1275, %mul3A_1301 : i32
        %slice3A_1303 = vector.extract_strided_slice %get3A_477 {offsets = [7], sizes = [1], strides = [1]} : vector<16xf32> to vector<1xf32>
        %squeeze3A_1304 = vector.extract %slice3A_1303[0] : f32 from vector<1xf32>
        %slice3A_1305 = vector.extract_strided_slice %get3A_484 {offsets = [7], sizes = [1], strides = [1]} : vector<16xf32> to vector<1xf32>
        %squeeze3A_1306 = vector.extract %slice3A_1305[0] : f32 from vector<1xf32>
        %slice3A_1307 = vector.extract_strided_slice %get3A_491 {offsets = [7], sizes = [1], strides = [1]} : vector<16xf32> to vector<1xf32>
        %squeeze3A_1308 = vector.extract %slice3A_1307[0] : f32 from vector<1xf32>
        %get3A_1309 = arith.constant 1 : i32
        %get3A_1310 = arith.constant 0 : i32
        %get3A_1311 = arith.index_cast %get3A_1309 : i32 to index
        %get3A_1312 = arith.index_cast %get3A_1310 : i32 to index
        %get3A_1313 = arith.index_cast %add3A_1275 : i32 to index
        %get3A_1314 = arith.constant 0 : index
        %get3A_1315 = tpu.vector_load %arg11[%get3A_1311, %get3A_1312, %get3A_1313, %get3A_1314] {strides = array<i32>} : memref<2x3x400x32xf32, #tpu.memory_space<vmem>>, vector<1x1x1x16xf32>,
        %get3A_1316 = vector.shape_cast %get3A_1315 : vector<1x1x1x16xf32> to vector<16xf32>
        %mul3A_1317 = vector.broadcast %squeeze3A_1304 : f32 to vector<16xf32>
        %mul3A_1318 = arith.mulf %mul3A_1317, %get3A_1316 : vector<16xf32>
        %get3A_1319 = arith.constant 1 : i32
        %get3A_1320 = arith.constant 1 : i32
        %get3A_1321 = arith.index_cast %get3A_1319 : i32 to index
        %get3A_1322 = arith.index_cast %get3A_1320 : i32 to index
        %get3A_1323 = arith.index_cast %add3A_1275 : i32 to index
        %get3A_1324 = arith.constant 0 : index
        %get3A_1325 = tpu.vector_load %arg11[%get3A_1321, %get3A_1322, %get3A_1323, %get3A_1324] {strides = array<i32>} : memref<2x3x400x32xf32, #tpu.memory_space<vmem>>, vector<1x1x1x16xf32>,
        %get3A_1326 = vector.shape_cast %get3A_1325 : vector<1x1x1x16xf32> to vector<16xf32>
        %mul3A_1327 = vector.broadcast %squeeze3A_1306 : f32 to vector<16xf32>
        %mul3A_1328 = arith.mulf %mul3A_1327, %get3A_1326 : vector<16xf32>
        %add3A_1329 = arith.addf %mul3A_1318, %mul3A_1328 : vector<16xf32>
        %get3A_1330 = arith.constant 1 : i32
        %get3A_1331 = arith.constant 2 : i32
        %get3A_1332 = arith.index_cast %get3A_1330 : i32 to index
        %get3A_1333 = arith.index_cast %get3A_1331 : i32 to index
        %get3A_1334 = arith.index_cast %add3A_1275 : i32 to index
        %get3A_1335 = arith.constant 0 : index
        %get3A_1336 = tpu.vector_load %arg11[%get3A_1332, %get3A_1333, %get3A_1334, %get3A_1335] {strides = array<i32>} : memref<2x3x400x32xf32, #tpu.memory_space<vmem>>, vector<1x1x1x16xf32>,
        %get3A_1337 = vector.shape_cast %get3A_1336 : vector<1x1x1x16xf32> to vector<16xf32>
        %mul3A_1338 = vector.broadcast %squeeze3A_1308 : f32 to vector<16xf32>
        %mul3A_1339 = arith.mulf %mul3A_1338, %get3A_1337 : vector<16xf32>
        %add3A_1340 = arith.addf %add3A_1329, %mul3A_1339 : vector<16xf32>
        %swap3A_1341 = arith.index_cast %select_n3A_1299 : i32 to index
        %swap3A_1342 = arith.index_cast %sub3A_1302 : i32 to index
        %swap3A_1343 = arith.constant 0 : index
        %swap3A_1344 = tpu.vector_load %arg12[%swap3A_1341, %swap3A_1342, %swap3A_1343] {strides = array<i32>} : memref<8x50x32xf32, #tpu.memory_space<vmem>>, vector<1x1x16xf32>,
        %swap3A_1345 = vector.shape_cast %swap3A_1344 : vector<1x1x16xf32> to vector<16xf32>
        %swap3A_1346 = vector.shape_cast %add3A_1340 : vector<16xf32> to vector<1x1x16xf32>
        tpu.vector_store %arg12[%swap3A_1341, %swap3A_1342, %swap3A_1343], %swap3A_1346 {strides = array<i32>} : memref<8x50x32xf32, #tpu.memory_space<vmem>>, vector<1x1x16xf32>,
        %get3A_1347 = arith.constant 1 : i32
        %get3A_1348 = arith.constant 0 : i32
        %get3A_1349 = arith.index_cast %get3A_1347 : i32 to index
        %get3A_1350 = arith.index_cast %get3A_1348 : i32 to index
        %get3A_1351 = arith.index_cast %add3A_1275 : i32 to index
        %get3A_1352 = arith.constant 16 : index
        %get3A_1353 = tpu.vector_load %arg11[%get3A_1349, %get3A_1350, %get3A_1351, %get3A_1352] {strides = array<i32>} : memref<2x3x400x32xf32, #tpu.memory_space<vmem>>, vector<1x1x1x16xf32>,
        %get3A_1354 = vector.shape_cast %get3A_1353 : vector<1x1x1x16xf32> to vector<16xf32>
        %mul3A_1355 = vector.broadcast %squeeze3A_1304 : f32 to vector<16xf32>
        %mul3A_1356 = arith.mulf %mul3A_1355, %get3A_1354 : vector<16xf32>
        %get3A_1357 = arith.constant 1 : i32
        %get3A_1358 = arith.constant 1 : i32
        %get3A_1359 = arith.index_cast %get3A_1357 : i32 to index
        %get3A_1360 = arith.index_cast %get3A_1358 : i32 to index
        %get3A_1361 = arith.index_cast %add3A_1275 : i32 to index
        %get3A_1362 = arith.constant 16 : index
        %get3A_1363 = tpu.vector_load %arg11[%get3A_1359, %get3A_1360, %get3A_1361, %get3A_1362] {strides = array<i32>} : memref<2x3x400x32xf32, #tpu.memory_space<vmem>>, vector<1x1x1x16xf32>,
        %get3A_1364 = vector.shape_cast %get3A_1363 : vector<1x1x1x16xf32> to vector<16xf32>
        %mul3A_1365 = vector.broadcast %squeeze3A_1306 : f32 to vector<16xf32>
        %mul3A_1366 = arith.mulf %mul3A_1365, %get3A_1364 : vector<16xf32>
        %add3A_1367 = arith.addf %mul3A_1356, %mul3A_1366 : vector<16xf32>
        %get3A_1368 = arith.constant 1 : i32
        %get3A_1369 = arith.constant 2 : i32
        %get3A_1370 = arith.index_cast %get3A_1368 : i32 to index
        %get3A_1371 = arith.index_cast %get3A_1369 : i32 to index
        %get3A_1372 = arith.index_cast %add3A_1275 : i32 to index
        %get3A_1373 = arith.constant 16 : index
        %get3A_1374 = tpu.vector_load %arg11[%get3A_1370, %get3A_1371, %get3A_1372, %get3A_1373] {strides = array<i32>} : memref<2x3x400x32xf32, #tpu.memory_space<vmem>>, vector<1x1x1x16xf32>,
        %get3A_1375 = vector.shape_cast %get3A_1374 : vector<1x1x1x16xf32> to vector<16xf32>
        %mul3A_1376 = vector.broadcast %squeeze3A_1308 : f32 to vector<16xf32>
        %mul3A_1377 = arith.mulf %mul3A_1376, %get3A_1375 : vector<16xf32>
        %add3A_1378 = arith.addf %add3A_1367, %mul3A_1377 : vector<16xf32>
        %swap3A_1379 = arith.index_cast %select_n3A_1299 : i32 to index
        %swap3A_1380 = arith.index_cast %sub3A_1302 : i32 to index
        %swap3A_1381 = arith.constant 16 : index
        %swap3A_1382 = tpu.vector_load %arg12[%swap3A_1379, %swap3A_1380, %swap3A_1381] {strides = array<i32>} : memref<8x50x32xf32, #tpu.memory_space<vmem>>, vector<1x1x16xf32>,
        %swap3A_1383 = vector.shape_cast %swap3A_1382 : vector<1x1x16xf32> to vector<16xf32>
        %swap3A_1384 = vector.shape_cast %add3A_1378 : vector<16xf32> to vector<1x1x16xf32>
        tpu.vector_store %arg12[%swap3A_1379, %swap3A_1380, %swap3A_1381], %swap3A_1384 {strides = array<i32>} : memref<8x50x32xf32, #tpu.memory_space<vmem>>, vector<1x1x16xf32>,
        %mul3A_1385 = arith.constant 16 : i32
        %mul3A_1386 = arith.muli %scan3A_469, %mul3A_1385 : i32
        %add3A_1387 = arith.constant 8 : i32
        %add3A_1388 = arith.addi %mul3A_1386, %add3A_1387 : i32
        %jit3A_1389 = arith.constant 50 : i32
        %div3A_1390 = arith.divsi %add3A_1388, %jit3A_1389 : i32
        %sign3A_1391 = arith.constant 0 : i32
        %sign3A_1392 = arith.cmpi sgt, %add3A_1388, %sign3A_1391 : i32
        %sign3A_1393 = arith.extui %sign3A_1392 : i1 to i32
        %sign3A_1394 = arith.constant 0 : i32
        %sign3A_1395 = arith.cmpi slt, %add3A_1388, %sign3A_1394 : i32
        %sign3A_1396 = arith.extui %sign3A_1395 : i1 to i32
        %sign3A_1397 = arith.subi %sign3A_1393, %sign3A_1396 : i32
        %sign3A_1398 = arith.constant 0 : i32
        %sign3A_1399 = arith.cmpi sgt, %jit3A_1389, %sign3A_1398 : i32
        %sign3A_1400 = arith.extui %sign3A_1399 : i1 to i32
        %sign3A_1401 = arith.constant 0 : i32
        %sign3A_1402 = arith.cmpi slt, %jit3A_1389, %sign3A_1401 : i32
        %sign3A_1403 = arith.extui %sign3A_1402 : i1 to i32
        %sign3A_1404 = arith.subi %sign3A_1400, %sign3A_1403 : i32
        %ne3A_1405 = arith.cmpi ne, %sign3A_1397, %sign3A_1404 : i32
        %rem3A_1406 = arith.remsi %add3A_1388, %jit3A_1389 : i32
        %ne3A_1407 = arith.constant 0 : i32
        %ne3A_1408 = arith.cmpi ne, %rem3A_1406, %ne3A_1407 : i32
        %and3A_1409 = arith.andi %ne3A_1405, %ne3A_1408 : i1
        %sub3A_1410 = arith.constant 1 : i32
        %sub3A_1411 = arith.subi %div3A_1390, %sub3A_1410 : i32
        %select_n3A_1412 = arith.select %and3A_1409, %sub3A_1411, %div3A_1390 : i32
        %mul3A_1413 = arith.constant 50 : i32
        %mul3A_1414 = arith.muli %select_n3A_1412, %mul3A_1413 : i32
        %sub3A_1415 = arith.subi %add3A_1388, %mul3A_1414 : i32
        %slice3A_1416 = vector.extract_strided_slice %get3A_477 {offsets = [8], sizes = [1], strides = [1]} : vector<16xf32> to vector<1xf32>
        %squeeze3A_1417 = vector.extract %slice3A_1416[0] : f32 from vector<1xf32>
        %slice3A_1418 = vector.extract_strided_slice %get3A_484 {offsets = [8], sizes = [1], strides = [1]} : vector<16xf32> to vector<1xf32>
        %squeeze3A_1419 = vector.extract %slice3A_1418[0] : f32 from vector<1xf32>
        %slice3A_1420 = vector.extract_strided_slice %get3A_491 {offsets = [8], sizes = [1], strides = [1]} : vector<16xf32> to vector<1xf32>
        %squeeze3A_1421 = vector.extract %slice3A_1420[0] : f32 from vector<1xf32>
        %get3A_1422 = arith.constant 1 : i32
        %get3A_1423 = arith.constant 0 : i32
        %get3A_1424 = arith.index_cast %get3A_1422 : i32 to index
        %get3A_1425 = arith.index_cast %get3A_1423 : i32 to index
        %get3A_1426 = arith.index_cast %add3A_1388 : i32 to index
        %get3A_1427 = arith.constant 0 : index
        %get3A_1428 = tpu.vector_load %arg11[%get3A_1424, %get3A_1425, %get3A_1426, %get3A_1427] {strides = array<i32>} : memref<2x3x400x32xf32, #tpu.memory_space<vmem>>, vector<1x1x1x16xf32>,
        %get3A_1429 = vector.shape_cast %get3A_1428 : vector<1x1x1x16xf32> to vector<16xf32>
        %mul3A_1430 = vector.broadcast %squeeze3A_1417 : f32 to vector<16xf32>
        %mul3A_1431 = arith.mulf %mul3A_1430, %get3A_1429 : vector<16xf32>
        %get3A_1432 = arith.constant 1 : i32
        %get3A_1433 = arith.constant 1 : i32
        %get3A_1434 = arith.index_cast %get3A_1432 : i32 to index
        %get3A_1435 = arith.index_cast %get3A_1433 : i32 to index
        %get3A_1436 = arith.index_cast %add3A_1388 : i32 to index
        %get3A_1437 = arith.constant 0 : index
        %get3A_1438 = tpu.vector_load %arg11[%get3A_1434, %get3A_1435, %get3A_1436, %get3A_1437] {strides = array<i32>} : memref<2x3x400x32xf32, #tpu.memory_space<vmem>>, vector<1x1x1x16xf32>,
        %get3A_1439 = vector.shape_cast %get3A_1438 : vector<1x1x1x16xf32> to vector<16xf32>
        %mul3A_1440 = vector.broadcast %squeeze3A_1419 : f32 to vector<16xf32>
        %mul3A_1441 = arith.mulf %mul3A_1440, %get3A_1439 : vector<16xf32>
        %add3A_1442 = arith.addf %mul3A_1431, %mul3A_1441 : vector<16xf32>
        %get3A_1443 = arith.constant 1 : i32
        %get3A_1444 = arith.constant 2 : i32
        %get3A_1445 = arith.index_cast %get3A_1443 : i32 to index
        %get3A_1446 = arith.index_cast %get3A_1444 : i32 to index
        %get3A_1447 = arith.index_cast %add3A_1388 : i32 to index
        %get3A_1448 = arith.constant 0 : index
        %get3A_1449 = tpu.vector_load %arg11[%get3A_1445, %get3A_1446, %get3A_1447, %get3A_1448] {strides = array<i32>} : memref<2x3x400x32xf32, #tpu.memory_space<vmem>>, vector<1x1x1x16xf32>,
        %get3A_1450 = vector.shape_cast %get3A_1449 : vector<1x1x1x16xf32> to vector<16xf32>
        %mul3A_1451 = vector.broadcast %squeeze3A_1421 : f32 to vector<16xf32>
        %mul3A_1452 = arith.mulf %mul3A_1451, %get3A_1450 : vector<16xf32>
        %add3A_1453 = arith.addf %add3A_1442, %mul3A_1452 : vector<16xf32>
        %swap3A_1454 = arith.index_cast %select_n3A_1412 : i32 to index
        %swap3A_1455 = arith.index_cast %sub3A_1415 : i32 to index
        %swap3A_1456 = arith.constant 0 : index
        %swap3A_1457 = tpu.vector_load %arg12[%swap3A_1454, %swap3A_1455, %swap3A_1456] {strides = array<i32>} : memref<8x50x32xf32, #tpu.memory_space<vmem>>, vector<1x1x16xf32>,
        %swap3A_1458 = vector.shape_cast %swap3A_1457 : vector<1x1x16xf32> to vector<16xf32>
        %swap3A_1459 = vector.shape_cast %add3A_1453 : vector<16xf32> to vector<1x1x16xf32>
        tpu.vector_store %arg12[%swap3A_1454, %swap3A_1455, %swap3A_1456], %swap3A_1459 {strides = array<i32>} : memref<8x50x32xf32, #tpu.memory_space<vmem>>, vector<1x1x16xf32>,
        %get3A_1460 = arith.constant 1 : i32
        %get3A_1461 = arith.constant 0 : i32
        %get3A_1462 = arith.index_cast %get3A_1460 : i32 to index
        %get3A_1463 = arith.index_cast %get3A_1461 : i32 to index
        %get3A_1464 = arith.index_cast %add3A_1388 : i32 to index
        %get3A_1465 = arith.constant 16 : index
        %get3A_1466 = tpu.vector_load %arg11[%get3A_1462, %get3A_1463, %get3A_1464, %get3A_1465] {strides = array<i32>} : memref<2x3x400x32xf32, #tpu.memory_space<vmem>>, vector<1x1x1x16xf32>,
        %get3A_1467 = vector.shape_cast %get3A_1466 : vector<1x1x1x16xf32> to vector<16xf32>
        %mul3A_1468 = vector.broadcast %squeeze3A_1417 : f32 to vector<16xf32>
        %mul3A_1469 = arith.mulf %mul3A_1468, %get3A_1467 : vector<16xf32>
        %get3A_1470 = arith.constant 1 : i32
        %get3A_1471 = arith.constant 1 : i32
        %get3A_1472 = arith.index_cast %get3A_1470 : i32 to index
        %get3A_1473 = arith.index_cast %get3A_1471 : i32 to index
        %get3A_1474 = arith.index_cast %add3A_1388 : i32 to index
        %get3A_1475 = arith.constant 16 : index
        %get3A_1476 = tpu.vector_load %arg11[%get3A_1472, %get3A_1473, %get3A_1474, %get3A_1475] {strides = array<i32>} : memref<2x3x400x32xf32, #tpu.memory_space<vmem>>, vector<1x1x1x16xf32>,
        %get3A_1477 = vector.shape_cast %get3A_1476 : vector<1x1x1x16xf32> to vector<16xf32>
        %mul3A_1478 = vector.broadcast %squeeze3A_1419 : f32 to vector<16xf32>
        %mul3A_1479 = arith.mulf %mul3A_1478, %get3A_1477 : vector<16xf32>
        %add3A_1480 = arith.addf %mul3A_1469, %mul3A_1479 : vector<16xf32>
        %get3A_1481 = arith.constant 1 : i32
        %get3A_1482 = arith.constant 2 : i32
        %get3A_1483 = arith.index_cast %get3A_1481 : i32 to index
        %get3A_1484 = arith.index_cast %get3A_1482 : i32 to index
        %get3A_1485 = arith.index_cast %add3A_1388 : i32 to index
        %get3A_1486 = arith.constant 16 : index
        %get3A_1487 = tpu.vector_load %arg11[%get3A_1483, %get3A_1484, %get3A_1485, %get3A_1486] {strides = array<i32>} : memref<2x3x400x32xf32, #tpu.memory_space<vmem>>, vector<1x1x1x16xf32>,
        %get3A_1488 = vector.shape_cast %get3A_1487 : vector<1x1x1x16xf32> to vector<16xf32>
        %mul3A_1489 = vector.broadcast %squeeze3A_1421 : f32 to vector<16xf32>
        %mul3A_1490 = arith.mulf %mul3A_1489, %get3A_1488 : vector<16xf32>
        %add3A_1491 = arith.addf %add3A_1480, %mul3A_1490 : vector<16xf32>
        %swap3A_1492 = arith.index_cast %select_n3A_1412 : i32 to index
        %swap3A_1493 = arith.index_cast %sub3A_1415 : i32 to index
        %swap3A_1494 = arith.constant 16 : index
        %swap3A_1495 = tpu.vector_load %arg12[%swap3A_1492, %swap3A_1493, %swap3A_1494] {strides = array<i32>} : memref<8x50x32xf32, #tpu.memory_space<vmem>>, vector<1x1x16xf32>,
        %swap3A_1496 = vector.shape_cast %swap3A_1495 : vector<1x1x16xf32> to vector<16xf32>
        %swap3A_1497 = vector.shape_cast %add3A_1491 : vector<16xf32> to vector<1x1x16xf32>
        tpu.vector_store %arg12[%swap3A_1492, %swap3A_1493, %swap3A_1494], %swap3A_1497 {strides = array<i32>} : memref<8x50x32xf32, #tpu.memory_space<vmem>>, vector<1x1x16xf32>,
        %mul3A_1498 = arith.constant 16 : i32
        %mul3A_1499 = arith.muli %scan3A_469, %mul3A_1498 : i32
        %add3A_1500 = arith.constant 9 : i32
        %add3A_1501 = arith.addi %mul3A_1499, %add3A_1500 : i32
        %jit3A_1502 = arith.constant 50 : i32
        %div3A_1503 = arith.divsi %add3A_1501, %jit3A_1502 : i32
        %sign3A_1504 = arith.constant 0 : i32
        %sign3A_1505 = arith.cmpi sgt, %add3A_1501, %sign3A_1504 : i32
        %sign3A_1506 = arith.extui %sign3A_1505 : i1 to i32
        %sign3A_1507 = arith.constant 0 : i32
        %sign3A_1508 = arith.cmpi slt, %add3A_1501, %sign3A_1507 : i32
        %sign3A_1509 = arith.extui %sign3A_1508 : i1 to i32
        %sign3A_1510 = arith.subi %sign3A_1506, %sign3A_1509 : i32
        %sign3A_1511 = arith.constant 0 : i32
        %sign3A_1512 = arith.cmpi sgt, %jit3A_1502, %sign3A_1511 : i32
        %sign3A_1513 = arith.extui %sign3A_1512 : i1 to i32
        %sign3A_1514 = arith.constant 0 : i32
        %sign3A_1515 = arith.cmpi slt, %jit3A_1502, %sign3A_1514 : i32
        %sign3A_1516 = arith.extui %sign3A_1515 : i1 to i32
        %sign3A_1517 = arith.subi %sign3A_1513, %sign3A_1516 : i32
        %ne3A_1518 = arith.cmpi ne, %sign3A_1510, %sign3A_1517 : i32
        %rem3A_1519 = arith.remsi %add3A_1501, %jit3A_1502 : i32
        %ne3A_1520 = arith.constant 0 : i32
        %ne3A_1521 = arith.cmpi ne, %rem3A_1519, %ne3A_1520 : i32
        %and3A_1522 = arith.andi %ne3A_1518, %ne3A_1521 : i1
        %sub3A_1523 = arith.constant 1 : i32
        %sub3A_1524 = arith.subi %div3A_1503, %sub3A_1523 : i32
        %select_n3A_1525 = arith.select %and3A_1522, %sub3A_1524, %div3A_1503 : i32
        %mul3A_1526 = arith.constant 50 : i32
        %mul3A_1527 = arith.muli %select_n3A_1525, %mul3A_1526 : i32
        %sub3A_1528 = arith.subi %add3A_1501, %mul3A_1527 : i32
        %slice3A_1529 = vector.extract_strided_slice %get3A_477 {offsets = [9], sizes = [1], strides = [1]} : vector<16xf32> to vector<1xf32>
        %squeeze3A_1530 = vector.extract %slice3A_1529[0] : f32 from vector<1xf32>
        %slice3A_1531 = vector.extract_strided_slice %get3A_484 {offsets = [9], sizes = [1], strides = [1]} : vector<16xf32> to vector<1xf32>
        %squeeze3A_1532 = vector.extract %slice3A_1531[0] : f32 from vector<1xf32>
        %slice3A_1533 = vector.extract_strided_slice %get3A_491 {offsets = [9], sizes = [1], strides = [1]} : vector<16xf32> to vector<1xf32>
        %squeeze3A_1534 = vector.extract %slice3A_1533[0] : f32 from vector<1xf32>
        %get3A_1535 = arith.constant 1 : i32
        %get3A_1536 = arith.constant 0 : i32
        %get3A_1537 = arith.index_cast %get3A_1535 : i32 to index
        %get3A_1538 = arith.index_cast %get3A_1536 : i32 to index
        %get3A_1539 = arith.index_cast %add3A_1501 : i32 to index
        %get3A_1540 = arith.constant 0 : index
        %get3A_1541 = tpu.vector_load %arg11[%get3A_1537, %get3A_1538, %get3A_1539, %get3A_1540] {strides = array<i32>} : memref<2x3x400x32xf32, #tpu.memory_space<vmem>>, vector<1x1x1x16xf32>,
        %get3A_1542 = vector.shape_cast %get3A_1541 : vector<1x1x1x16xf32> to vector<16xf32>
        %mul3A_1543 = vector.broadcast %squeeze3A_1530 : f32 to vector<16xf32>
        %mul3A_1544 = arith.mulf %mul3A_1543, %get3A_1542 : vector<16xf32>
        %get3A_1545 = arith.constant 1 : i32
        %get3A_1546 = arith.constant 1 : i32
        %get3A_1547 = arith.index_cast %get3A_1545 : i32 to index
        %get3A_1548 = arith.index_cast %get3A_1546 : i32 to index
        %get3A_1549 = arith.index_cast %add3A_1501 : i32 to index
        %get3A_1550 = arith.constant 0 : index
        %get3A_1551 = tpu.vector_load %arg11[%get3A_1547, %get3A_1548, %get3A_1549, %get3A_1550] {strides = array<i32>} : memref<2x3x400x32xf32, #tpu.memory_space<vmem>>, vector<1x1x1x16xf32>,
        %get3A_1552 = vector.shape_cast %get3A_1551 : vector<1x1x1x16xf32> to vector<16xf32>
        %mul3A_1553 = vector.broadcast %squeeze3A_1532 : f32 to vector<16xf32>
        %mul3A_1554 = arith.mulf %mul3A_1553, %get3A_1552 : vector<16xf32>
        %add3A_1555 = arith.addf %mul3A_1544, %mul3A_1554 : vector<16xf32>
        %get3A_1556 = arith.constant 1 : i32
        %get3A_1557 = arith.constant 2 : i32
        %get3A_1558 = arith.index_cast %get3A_1556 : i32 to index
        %get3A_1559 = arith.index_cast %get3A_1557 : i32 to index
        %get3A_1560 = arith.index_cast %add3A_1501 : i32 to index
        %get3A_1561 = arith.constant 0 : index
        %get3A_1562 = tpu.vector_load %arg11[%get3A_1558, %get3A_1559, %get3A_1560, %get3A_1561] {strides = array<i32>} : memref<2x3x400x32xf32, #tpu.memory_space<vmem>>, vector<1x1x1x16xf32>,
        %get3A_1563 = vector.shape_cast %get3A_1562 : vector<1x1x1x16xf32> to vector<16xf32>
        %mul3A_1564 = vector.broadcast %squeeze3A_1534 : f32 to vector<16xf32>
        %mul3A_1565 = arith.mulf %mul3A_1564, %get3A_1563 : vector<16xf32>
        %add3A_1566 = arith.addf %add3A_1555, %mul3A_1565 : vector<16xf32>
        %swap3A_1567 = arith.index_cast %select_n3A_1525 : i32 to index
        %swap3A_1568 = arith.index_cast %sub3A_1528 : i32 to index
        %swap3A_1569 = arith.constant 0 : index
        %swap3A_1570 = tpu.vector_load %arg12[%swap3A_1567, %swap3A_1568, %swap3A_1569] {strides = array<i32>} : memref<8x50x32xf32, #tpu.memory_space<vmem>>, vector<1x1x16xf32>,
        %swap3A_1571 = vector.shape_cast %swap3A_1570 : vector<1x1x16xf32> to vector<16xf32>
        %swap3A_1572 = vector.shape_cast %add3A_1566 : vector<16xf32> to vector<1x1x16xf32>
        tpu.vector_store %arg12[%swap3A_1567, %swap3A_1568, %swap3A_1569], %swap3A_1572 {strides = array<i32>} : memref<8x50x32xf32, #tpu.memory_space<vmem>>, vector<1x1x16xf32>,
        %get3A_1573 = arith.constant 1 : i32
        %get3A_1574 = arith.constant 0 : i32
        %get3A_1575 = arith.index_cast %get3A_1573 : i32 to index
        %get3A_1576 = arith.index_cast %get3A_1574 : i32 to index
        %get3A_1577 = arith.index_cast %add3A_1501 : i32 to index
        %get3A_1578 = arith.constant 16 : index
        %get3A_1579 = tpu.vector_load %arg11[%get3A_1575, %get3A_1576, %get3A_1577, %get3A_1578] {strides = array<i32>} : memref<2x3x400x32xf32, #tpu.memory_space<vmem>>, vector<1x1x1x16xf32>,
        %get3A_1580 = vector.shape_cast %get3A_1579 : vector<1x1x1x16xf32> to vector<16xf32>
        %mul3A_1581 = vector.broadcast %squeeze3A_1530 : f32 to vector<16xf32>
        %mul3A_1582 = arith.mulf %mul3A_1581, %get3A_1580 : vector<16xf32>
        %get3A_1583 = arith.constant 1 : i32
        %get3A_1584 = arith.constant 1 : i32
        %get3A_1585 = arith.index_cast %get3A_1583 : i32 to index
        %get3A_1586 = arith.index_cast %get3A_1584 : i32 to index
        %get3A_1587 = arith.index_cast %add3A_1501 : i32 to index
        %get3A_1588 = arith.constant 16 : index
        %get3A_1589 = tpu.vector_load %arg11[%get3A_1585, %get3A_1586, %get3A_1587, %get3A_1588] {strides = array<i32>} : memref<2x3x400x32xf32, #tpu.memory_space<vmem>>, vector<1x1x1x16xf32>,
        %get3A_1590 = vector.shape_cast %get3A_1589 : vector<1x1x1x16xf32> to vector<16xf32>
        %mul3A_1591 = vector.broadcast %squeeze3A_1532 : f32 to vector<16xf32>
        %mul3A_1592 = arith.mulf %mul3A_1591, %get3A_1590 : vector<16xf32>
        %add3A_1593 = arith.addf %mul3A_1582, %mul3A_1592 : vector<16xf32>
        %get3A_1594 = arith.constant 1 : i32
        %get3A_1595 = arith.constant 2 : i32
        %get3A_1596 = arith.index_cast %get3A_1594 : i32 to index
        %get3A_1597 = arith.index_cast %get3A_1595 : i32 to index
        %get3A_1598 = arith.index_cast %add3A_1501 : i32 to index
        %get3A_1599 = arith.constant 16 : index
        %get3A_1600 = tpu.vector_load %arg11[%get3A_1596, %get3A_1597, %get3A_1598, %get3A_1599] {strides = array<i32>} : memref<2x3x400x32xf32, #tpu.memory_space<vmem>>, vector<1x1x1x16xf32>,
        %get3A_1601 = vector.shape_cast %get3A_1600 : vector<1x1x1x16xf32> to vector<16xf32>
        %mul3A_1602 = vector.broadcast %squeeze3A_1534 : f32 to vector<16xf32>
        %mul3A_1603 = arith.mulf %mul3A_1602, %get3A_1601 : vector<16xf32>
        %add3A_1604 = arith.addf %add3A_1593, %mul3A_1603 : vector<16xf32>
        %swap3A_1605 = arith.index_cast %select_n3A_1525 : i32 to index
        %swap3A_1606 = arith.index_cast %sub3A_1528 : i32 to index
        %swap3A_1607 = arith.constant 16 : index
        %swap3A_1608 = tpu.vector_load %arg12[%swap3A_1605, %swap3A_1606, %swap3A_1607] {strides = array<i32>} : memref<8x50x32xf32, #tpu.memory_space<vmem>>, vector<1x1x16xf32>,
        %swap3A_1609 = vector.shape_cast %swap3A_1608 : vector<1x1x16xf32> to vector<16xf32>
        %swap3A_1610 = vector.shape_cast %add3A_1604 : vector<16xf32> to vector<1x1x16xf32>
        tpu.vector_store %arg12[%swap3A_1605, %swap3A_1606, %swap3A_1607], %swap3A_1610 {strides = array<i32>} : memref<8x50x32xf32, #tpu.memory_space<vmem>>, vector<1x1x16xf32>,
        %mul3A_1611 = arith.constant 16 : i32
        %mul3A_1612 = arith.muli %scan3A_469, %mul3A_1611 : i32
        %add3A_1613 = arith.constant 10 : i32
        %add3A_1614 = arith.addi %mul3A_1612, %add3A_1613 : i32
        %jit3A_1615 = arith.constant 50 : i32
        %div3A_1616 = arith.divsi %add3A_1614, %jit3A_1615 : i32
        %sign3A_1617 = arith.constant 0 : i32
        %sign3A_1618 = arith.cmpi sgt, %add3A_1614, %sign3A_1617 : i32
        %sign3A_1619 = arith.extui %sign3A_1618 : i1 to i32
        %sign3A_1620 = arith.constant 0 : i32
        %sign3A_1621 = arith.cmpi slt, %add3A_1614, %sign3A_1620 : i32
        %sign3A_1622 = arith.extui %sign3A_1621 : i1 to i32
        %sign3A_1623 = arith.subi %sign3A_1619, %sign3A_1622 : i32
        %sign3A_1624 = arith.constant 0 : i32
        %sign3A_1625 = arith.cmpi sgt, %jit3A_1615, %sign3A_1624 : i32
        %sign3A_1626 = arith.extui %sign3A_1625 : i1 to i32
        %sign3A_1627 = arith.constant 0 : i32
        %sign3A_1628 = arith.cmpi slt, %jit3A_1615, %sign3A_1627 : i32
        %sign3A_1629 = arith.extui %sign3A_1628 : i1 to i32
        %sign3A_1630 = arith.subi %sign3A_1626, %sign3A_1629 : i32
        %ne3A_1631 = arith.cmpi ne, %sign3A_1623, %sign3A_1630 : i32
        %rem3A_1632 = arith.remsi %add3A_1614, %jit3A_1615 : i32
        %ne3A_1633 = arith.constant 0 : i32
        %ne3A_1634 = arith.cmpi ne, %rem3A_1632, %ne3A_1633 : i32
        %and3A_1635 = arith.andi %ne3A_1631, %ne3A_1634 : i1
        %sub3A_1636 = arith.constant 1 : i32
        %sub3A_1637 = arith.subi %div3A_1616, %sub3A_1636 : i32
        %select_n3A_1638 = arith.select %and3A_1635, %sub3A_1637, %div3A_1616 : i32
        %mul3A_1639 = arith.constant 50 : i32
        %mul3A_1640 = arith.muli %select_n3A_1638, %mul3A_1639 : i32
        %sub3A_1641 = arith.subi %add3A_1614, %mul3A_1640 : i32
        %slice3A_1642 = vector.extract_strided_slice %get3A_477 {offsets = [10], sizes = [1], strides = [1]} : vector<16xf32> to vector<1xf32>
        %squeeze3A_1643 = vector.extract %slice3A_1642[0] : f32 from vector<1xf32>
        %slice3A_1644 = vector.extract_strided_slice %get3A_484 {offsets = [10], sizes = [1], strides = [1]} : vector<16xf32> to vector<1xf32>
        %squeeze3A_1645 = vector.extract %slice3A_1644[0] : f32 from vector<1xf32>
        %slice3A_1646 = vector.extract_strided_slice %get3A_491 {offsets = [10], sizes = [1], strides = [1]} : vector<16xf32> to vector<1xf32>
        %squeeze3A_1647 = vector.extract %slice3A_1646[0] : f32 from vector<1xf32>
        %get3A_1648 = arith.constant 1 : i32
        %get3A_1649 = arith.constant 0 : i32
        %get3A_1650 = arith.index_cast %get3A_1648 : i32 to index
        %get3A_1651 = arith.index_cast %get3A_1649 : i32 to index
        %get3A_1652 = arith.index_cast %add3A_1614 : i32 to index
        %get3A_1653 = arith.constant 0 : index
        %get3A_1654 = tpu.vector_load %arg11[%get3A_1650, %get3A_1651, %get3A_1652, %get3A_1653] {strides = array<i32>} : memref<2x3x400x32xf32, #tpu.memory_space<vmem>>, vector<1x1x1x16xf32>,
        %get3A_1655 = vector.shape_cast %get3A_1654 : vector<1x1x1x16xf32> to vector<16xf32>
        %mul3A_1656 = vector.broadcast %squeeze3A_1643 : f32 to vector<16xf32>
        %mul3A_1657 = arith.mulf %mul3A_1656, %get3A_1655 : vector<16xf32>
        %get3A_1658 = arith.constant 1 : i32
        %get3A_1659 = arith.constant 1 : i32
        %get3A_1660 = arith.index_cast %get3A_1658 : i32 to index
        %get3A_1661 = arith.index_cast %get3A_1659 : i32 to index
        %get3A_1662 = arith.index_cast %add3A_1614 : i32 to index
        %get3A_1663 = arith.constant 0 : index
        %get3A_1664 = tpu.vector_load %arg11[%get3A_1660, %get3A_1661, %get3A_1662, %get3A_1663] {strides = array<i32>} : memref<2x3x400x32xf32, #tpu.memory_space<vmem>>, vector<1x1x1x16xf32>,
        %get3A_1665 = vector.shape_cast %get3A_1664 : vector<1x1x1x16xf32> to vector<16xf32>
        %mul3A_1666 = vector.broadcast %squeeze3A_1645 : f32 to vector<16xf32>
        %mul3A_1667 = arith.mulf %mul3A_1666, %get3A_1665 : vector<16xf32>
        %add3A_1668 = arith.addf %mul3A_1657, %mul3A_1667 : vector<16xf32>
        %get3A_1669 = arith.constant 1 : i32
        %get3A_1670 = arith.constant 2 : i32
        %get3A_1671 = arith.index_cast %get3A_1669 : i32 to index
        %get3A_1672 = arith.index_cast %get3A_1670 : i32 to index
        %get3A_1673 = arith.index_cast %add3A_1614 : i32 to index
        %get3A_1674 = arith.constant 0 : index
        %get3A_1675 = tpu.vector_load %arg11[%get3A_1671, %get3A_1672, %get3A_1673, %get3A_1674] {strides = array<i32>} : memref<2x3x400x32xf32, #tpu.memory_space<vmem>>, vector<1x1x1x16xf32>,
        %get3A_1676 = vector.shape_cast %get3A_1675 : vector<1x1x1x16xf32> to vector<16xf32>
        %mul3A_1677 = vector.broadcast %squeeze3A_1647 : f32 to vector<16xf32>
        %mul3A_1678 = arith.mulf %mul3A_1677, %get3A_1676 : vector<16xf32>
        %add3A_1679 = arith.addf %add3A_1668, %mul3A_1678 : vector<16xf32>
        %swap3A_1680 = arith.index_cast %select_n3A_1638 : i32 to index
        %swap3A_1681 = arith.index_cast %sub3A_1641 : i32 to index
        %swap3A_1682 = arith.constant 0 : index
        %swap3A_1683 = tpu.vector_load %arg12[%swap3A_1680, %swap3A_1681, %swap3A_1682] {strides = array<i32>} : memref<8x50x32xf32, #tpu.memory_space<vmem>>, vector<1x1x16xf32>,
        %swap3A_1684 = vector.shape_cast %swap3A_1683 : vector<1x1x16xf32> to vector<16xf32>
        %swap3A_1685 = vector.shape_cast %add3A_1679 : vector<16xf32> to vector<1x1x16xf32>
        tpu.vector_store %arg12[%swap3A_1680, %swap3A_1681, %swap3A_1682], %swap3A_1685 {strides = array<i32>} : memref<8x50x32xf32, #tpu.memory_space<vmem>>, vector<1x1x16xf32>,
        %get3A_1686 = arith.constant 1 : i32
        %get3A_1687 = arith.constant 0 : i32
        %get3A_1688 = arith.index_cast %get3A_1686 : i32 to index
        %get3A_1689 = arith.index_cast %get3A_1687 : i32 to index
        %get3A_1690 = arith.index_cast %add3A_1614 : i32 to index
        %get3A_1691 = arith.constant 16 : index
        %get3A_1692 = tpu.vector_load %arg11[%get3A_1688, %get3A_1689, %get3A_1690, %get3A_1691] {strides = array<i32>} : memref<2x3x400x32xf32, #tpu.memory_space<vmem>>, vector<1x1x1x16xf32>,
        %get3A_1693 = vector.shape_cast %get3A_1692 : vector<1x1x1x16xf32> to vector<16xf32>
        %mul3A_1694 = vector.broadcast %squeeze3A_1643 : f32 to vector<16xf32>
        %mul3A_1695 = arith.mulf %mul3A_1694, %get3A_1693 : vector<16xf32>
        %get3A_1696 = arith.constant 1 : i32
        %get3A_1697 = arith.constant 1 : i32
        %get3A_1698 = arith.index_cast %get3A_1696 : i32 to index
        %get3A_1699 = arith.index_cast %get3A_1697 : i32 to index
        %get3A_1700 = arith.index_cast %add3A_1614 : i32 to index
        %get3A_1701 = arith.constant 16 : index
        %get3A_1702 = tpu.vector_load %arg11[%get3A_1698, %get3A_1699, %get3A_1700, %get3A_1701] {strides = array<i32>} : memref<2x3x400x32xf32, #tpu.memory_space<vmem>>, vector<1x1x1x16xf32>,
        %get3A_1703 = vector.shape_cast %get3A_1702 : vector<1x1x1x16xf32> to vector<16xf32>
        %mul3A_1704 = vector.broadcast %squeeze3A_1645 : f32 to vector<16xf32>
        %mul3A_1705 = arith.mulf %mul3A_1704, %get3A_1703 : vector<16xf32>
        %add3A_1706 = arith.addf %mul3A_1695, %mul3A_1705 : vector<16xf32>
        %get3A_1707 = arith.constant 1 : i32
        %get3A_1708 = arith.constant 2 : i32
        %get3A_1709 = arith.index_cast %get3A_1707 : i32 to index
        %get3A_1710 = arith.index_cast %get3A_1708 : i32 to index
        %get3A_1711 = arith.index_cast %add3A_1614 : i32 to index
        %get3A_1712 = arith.constant 16 : index
        %get3A_1713 = tpu.vector_load %arg11[%get3A_1709, %get3A_1710, %get3A_1711, %get3A_1712] {strides = array<i32>} : memref<2x3x400x32xf32, #tpu.memory_space<vmem>>, vector<1x1x1x16xf32>,
        %get3A_1714 = vector.shape_cast %get3A_1713 : vector<1x1x1x16xf32> to vector<16xf32>
        %mul3A_1715 = vector.broadcast %squeeze3A_1647 : f32 to vector<16xf32>
        %mul3A_1716 = arith.mulf %mul3A_1715, %get3A_1714 : vector<16xf32>
        %add3A_1717 = arith.addf %add3A_1706, %mul3A_1716 : vector<16xf32>
        %swap3A_1718 = arith.index_cast %select_n3A_1638 : i32 to index
        %swap3A_1719 = arith.index_cast %sub3A_1641 : i32 to index
        %swap3A_1720 = arith.constant 16 : index
        %swap3A_1721 = tpu.vector_load %arg12[%swap3A_1718, %swap3A_1719, %swap3A_1720] {strides = array<i32>} : memref<8x50x32xf32, #tpu.memory_space<vmem>>, vector<1x1x16xf32>,
        %swap3A_1722 = vector.shape_cast %swap3A_1721 : vector<1x1x16xf32> to vector<16xf32>
        %swap3A_1723 = vector.shape_cast %add3A_1717 : vector<16xf32> to vector<1x1x16xf32>
        tpu.vector_store %arg12[%swap3A_1718, %swap3A_1719, %swap3A_1720], %swap3A_1723 {strides = array<i32>} : memref<8x50x32xf32, #tpu.memory_space<vmem>>, vector<1x1x16xf32>,
        %mul3A_1724 = arith.constant 16 : i32
        %mul3A_1725 = arith.muli %scan3A_469, %mul3A_1724 : i32
        %add3A_1726 = arith.constant 11 : i32
        %add3A_1727 = arith.addi %mul3A_1725, %add3A_1726 : i32
        %jit3A_1728 = arith.constant 50 : i32
        %div3A_1729 = arith.divsi %add3A_1727, %jit3A_1728 : i32
        %sign3A_1730 = arith.constant 0 : i32
        %sign3A_1731 = arith.cmpi sgt, %add3A_1727, %sign3A_1730 : i32
        %sign3A_1732 = arith.extui %sign3A_1731 : i1 to i32
        %sign3A_1733 = arith.constant 0 : i32
        %sign3A_1734 = arith.cmpi slt, %add3A_1727, %sign3A_1733 : i32
        %sign3A_1735 = arith.extui %sign3A_1734 : i1 to i32
        %sign3A_1736 = arith.subi %sign3A_1732, %sign3A_1735 : i32
        %sign3A_1737 = arith.constant 0 : i32
        %sign3A_1738 = arith.cmpi sgt, %jit3A_1728, %sign3A_1737 : i32
        %sign3A_1739 = arith.extui %sign3A_1738 : i1 to i32
        %sign3A_1740 = arith.constant 0 : i32
        %sign3A_1741 = arith.cmpi slt, %jit3A_1728, %sign3A_1740 : i32
        %sign3A_1742 = arith.extui %sign3A_1741 : i1 to i32
        %sign3A_1743 = arith.subi %sign3A_1739, %sign3A_1742 : i32
        %ne3A_1744 = arith.cmpi ne, %sign3A_1736, %sign3A_1743 : i32
        %rem3A_1745 = arith.remsi %add3A_1727, %jit3A_1728 : i32
        %ne3A_1746 = arith.constant 0 : i32
        %ne3A_1747 = arith.cmpi ne, %rem3A_1745, %ne3A_1746 : i32
        %and3A_1748 = arith.andi %ne3A_1744, %ne3A_1747 : i1
        %sub3A_1749 = arith.constant 1 : i32
        %sub3A_1750 = arith.subi %div3A_1729, %sub3A_1749 : i32
        %select_n3A_1751 = arith.select %and3A_1748, %sub3A_1750, %div3A_1729 : i32
        %mul3A_1752 = arith.constant 50 : i32
        %mul3A_1753 = arith.muli %select_n3A_1751, %mul3A_1752 : i32
        %sub3A_1754 = arith.subi %add3A_1727, %mul3A_1753 : i32
        %slice3A_1755 = vector.extract_strided_slice %get3A_477 {offsets = [11], sizes = [1], strides = [1]} : vector<16xf32> to vector<1xf32>
        %squeeze3A_1756 = vector.extract %slice3A_1755[0] : f32 from vector<1xf32>
        %slice3A_1757 = vector.extract_strided_slice %get3A_484 {offsets = [11], sizes = [1], strides = [1]} : vector<16xf32> to vector<1xf32>
        %squeeze3A_1758 = vector.extract %slice3A_1757[0] : f32 from vector<1xf32>
        %slice3A_1759 = vector.extract_strided_slice %get3A_491 {offsets = [11], sizes = [1], strides = [1]} : vector<16xf32> to vector<1xf32>
        %squeeze3A_1760 = vector.extract %slice3A_1759[0] : f32 from vector<1xf32>
        %get3A_1761 = arith.constant 1 : i32
        %get3A_1762 = arith.constant 0 : i32
        %get3A_1763 = arith.index_cast %get3A_1761 : i32 to index
        %get3A_1764 = arith.index_cast %get3A_1762 : i32 to index
        %get3A_1765 = arith.index_cast %add3A_1727 : i32 to index
        %get3A_1766 = arith.constant 0 : index
        %get3A_1767 = tpu.vector_load %arg11[%get3A_1763, %get3A_1764, %get3A_1765, %get3A_1766] {strides = array<i32>} : memref<2x3x400x32xf32, #tpu.memory_space<vmem>>, vector<1x1x1x16xf32>,
        %get3A_1768 = vector.shape_cast %get3A_1767 : vector<1x1x1x16xf32> to vector<16xf32>
        %mul3A_1769 = vector.broadcast %squeeze3A_1756 : f32 to vector<16xf32>
        %mul3A_1770 = arith.mulf %mul3A_1769, %get3A_1768 : vector<16xf32>
        %get3A_1771 = arith.constant 1 : i32
        %get3A_1772 = arith.constant 1 : i32
        %get3A_1773 = arith.index_cast %get3A_1771 : i32 to index
        %get3A_1774 = arith.index_cast %get3A_1772 : i32 to index
        %get3A_1775 = arith.index_cast %add3A_1727 : i32 to index
        %get3A_1776 = arith.constant 0 : index
        %get3A_1777 = tpu.vector_load %arg11[%get3A_1773, %get3A_1774, %get3A_1775, %get3A_1776] {strides = array<i32>} : memref<2x3x400x32xf32, #tpu.memory_space<vmem>>, vector<1x1x1x16xf32>,
        %get3A_1778 = vector.shape_cast %get3A_1777 : vector<1x1x1x16xf32> to vector<16xf32>
        %mul3A_1779 = vector.broadcast %squeeze3A_1758 : f32 to vector<16xf32>
        %mul3A_1780 = arith.mulf %mul3A_1779, %get3A_1778 : vector<16xf32>
        %add3A_1781 = arith.addf %mul3A_1770, %mul3A_1780 : vector<16xf32>
        %get3A_1782 = arith.constant 1 : i32
        %get3A_1783 = arith.constant 2 : i32
        %get3A_1784 = arith.index_cast %get3A_1782 : i32 to index
        %get3A_1785 = arith.index_cast %get3A_1783 : i32 to index
        %get3A_1786 = arith.index_cast %add3A_1727 : i32 to index
        %get3A_1787 = arith.constant 0 : index
        %get3A_1788 = tpu.vector_load %arg11[%get3A_1784, %get3A_1785, %get3A_1786, %get3A_1787] {strides = array<i32>} : memref<2x3x400x32xf32, #tpu.memory_space<vmem>>, vector<1x1x1x16xf32>,
        %get3A_1789 = vector.shape_cast %get3A_1788 : vector<1x1x1x16xf32> to vector<16xf32>
        %mul3A_1790 = vector.broadcast %squeeze3A_1760 : f32 to vector<16xf32>
        %mul3A_1791 = arith.mulf %mul3A_1790, %get3A_1789 : vector<16xf32>
        %add3A_1792 = arith.addf %add3A_1781, %mul3A_1791 : vector<16xf32>
        %swap3A_1793 = arith.index_cast %select_n3A_1751 : i32 to index
        %swap3A_1794 = arith.index_cast %sub3A_1754 : i32 to index
        %swap3A_1795 = arith.constant 0 : index
        %swap3A_1796 = tpu.vector_load %arg12[%swap3A_1793, %swap3A_1794, %swap3A_1795] {strides = array<i32>} : memref<8x50x32xf32, #tpu.memory_space<vmem>>, vector<1x1x16xf32>,
        %swap3A_1797 = vector.shape_cast %swap3A_1796 : vector<1x1x16xf32> to vector<16xf32>
        %swap3A_1798 = vector.shape_cast %add3A_1792 : vector<16xf32> to vector<1x1x16xf32>
        tpu.vector_store %arg12[%swap3A_1793, %swap3A_1794, %swap3A_1795], %swap3A_1798 {strides = array<i32>} : memref<8x50x32xf32, #tpu.memory_space<vmem>>, vector<1x1x16xf32>,
        %get3A_1799 = arith.constant 1 : i32
        %get3A_1800 = arith.constant 0 : i32
        %get3A_1801 = arith.index_cast %get3A_1799 : i32 to index
        %get3A_1802 = arith.index_cast %get3A_1800 : i32 to index
        %get3A_1803 = arith.index_cast %add3A_1727 : i32 to index
        %get3A_1804 = arith.constant 16 : index
        %get3A_1805 = tpu.vector_load %arg11[%get3A_1801, %get3A_1802, %get3A_1803, %get3A_1804] {strides = array<i32>} : memref<2x3x400x32xf32, #tpu.memory_space<vmem>>, vector<1x1x1x16xf32>,
        %get3A_1806 = vector.shape_cast %get3A_1805 : vector<1x1x1x16xf32> to vector<16xf32>
        %mul3A_1807 = vector.broadcast %squeeze3A_1756 : f32 to vector<16xf32>
        %mul3A_1808 = arith.mulf %mul3A_1807, %get3A_1806 : vector<16xf32>
        %get3A_1809 = arith.constant 1 : i32
        %get3A_1810 = arith.constant 1 : i32
        %get3A_1811 = arith.index_cast %get3A_1809 : i32 to index
        %get3A_1812 = arith.index_cast %get3A_1810 : i32 to index
        %get3A_1813 = arith.index_cast %add3A_1727 : i32 to index
        %get3A_1814 = arith.constant 16 : index
        %get3A_1815 = tpu.vector_load %arg11[%get3A_1811, %get3A_1812, %get3A_1813, %get3A_1814] {strides = array<i32>} : memref<2x3x400x32xf32, #tpu.memory_space<vmem>>, vector<1x1x1x16xf32>,
        %get3A_1816 = vector.shape_cast %get3A_1815 : vector<1x1x1x16xf32> to vector<16xf32>
        %mul3A_1817 = vector.broadcast %squeeze3A_1758 : f32 to vector<16xf32>
        %mul3A_1818 = arith.mulf %mul3A_1817, %get3A_1816 : vector<16xf32>
        %add3A_1819 = arith.addf %mul3A_1808, %mul3A_1818 : vector<16xf32>
        %get3A_1820 = arith.constant 1 : i32
        %get3A_1821 = arith.constant 2 : i32
        %get3A_1822 = arith.index_cast %get3A_1820 : i32 to index
        %get3A_1823 = arith.index_cast %get3A_1821 : i32 to index
        %get3A_1824 = arith.index_cast %add3A_1727 : i32 to index
        %get3A_1825 = arith.constant 16 : index
        %get3A_1826 = tpu.vector_load %arg11[%get3A_1822, %get3A_1823, %get3A_1824, %get3A_1825] {strides = array<i32>} : memref<2x3x400x32xf32, #tpu.memory_space<vmem>>, vector<1x1x1x16xf32>,
        %get3A_1827 = vector.shape_cast %get3A_1826 : vector<1x1x1x16xf32> to vector<16xf32>
        %mul3A_1828 = vector.broadcast %squeeze3A_1760 : f32 to vector<16xf32>
        %mul3A_1829 = arith.mulf %mul3A_1828, %get3A_1827 : vector<16xf32>
        %add3A_1830 = arith.addf %add3A_1819, %mul3A_1829 : vector<16xf32>
        %swap3A_1831 = arith.index_cast %select_n3A_1751 : i32 to index
        %swap3A_1832 = arith.index_cast %sub3A_1754 : i32 to index
        %swap3A_1833 = arith.constant 16 : index
        %swap3A_1834 = tpu.vector_load %arg12[%swap3A_1831, %swap3A_1832, %swap3A_1833] {strides = array<i32>} : memref<8x50x32xf32, #tpu.memory_space<vmem>>, vector<1x1x16xf32>,
        %swap3A_1835 = vector.shape_cast %swap3A_1834 : vector<1x1x16xf32> to vector<16xf32>
        %swap3A_1836 = vector.shape_cast %add3A_1830 : vector<16xf32> to vector<1x1x16xf32>
        tpu.vector_store %arg12[%swap3A_1831, %swap3A_1832, %swap3A_1833], %swap3A_1836 {strides = array<i32>} : memref<8x50x32xf32, #tpu.memory_space<vmem>>, vector<1x1x16xf32>,
        %mul3A_1837 = arith.constant 16 : i32
        %mul3A_1838 = arith.muli %scan3A_469, %mul3A_1837 : i32
        %add3A_1839 = arith.constant 12 : i32
        %add3A_1840 = arith.addi %mul3A_1838, %add3A_1839 : i32
        %jit3A_1841 = arith.constant 50 : i32
        %div3A_1842 = arith.divsi %add3A_1840, %jit3A_1841 : i32
        %sign3A_1843 = arith.constant 0 : i32
        %sign3A_1844 = arith.cmpi sgt, %add3A_1840, %sign3A_1843 : i32
        %sign3A_1845 = arith.extui %sign3A_1844 : i1 to i32
        %sign3A_1846 = arith.constant 0 : i32
        %sign3A_1847 = arith.cmpi slt, %add3A_1840, %sign3A_1846 : i32
        %sign3A_1848 = arith.extui %sign3A_1847 : i1 to i32
        %sign3A_1849 = arith.subi %sign3A_1845, %sign3A_1848 : i32
        %sign3A_1850 = arith.constant 0 : i32
        %sign3A_1851 = arith.cmpi sgt, %jit3A_1841, %sign3A_1850 : i32
        %sign3A_1852 = arith.extui %sign3A_1851 : i1 to i32
        %sign3A_1853 = arith.constant 0 : i32
        %sign3A_1854 = arith.cmpi slt, %jit3A_1841, %sign3A_1853 : i32
        %sign3A_1855 = arith.extui %sign3A_1854 : i1 to i32
        %sign3A_1856 = arith.subi %sign3A_1852, %sign3A_1855 : i32
        %ne3A_1857 = arith.cmpi ne, %sign3A_1849, %sign3A_1856 : i32
        %rem3A_1858 = arith.remsi %add3A_1840, %jit3A_1841 : i32
        %ne3A_1859 = arith.constant 0 : i32
        %ne3A_1860 = arith.cmpi ne, %rem3A_1858, %ne3A_1859 : i32
        %and3A_1861 = arith.andi %ne3A_1857, %ne3A_1860 : i1
        %sub3A_1862 = arith.constant 1 : i32
        %sub3A_1863 = arith.subi %div3A_1842, %sub3A_1862 : i32
        %select_n3A_1864 = arith.select %and3A_1861, %sub3A_1863, %div3A_1842 : i32
        %mul3A_1865 = arith.constant 50 : i32
        %mul3A_1866 = arith.muli %select_n3A_1864, %mul3A_1865 : i32
        %sub3A_1867 = arith.subi %add3A_1840, %mul3A_1866 : i32
        %slice3A_1868 = vector.extract_strided_slice %get3A_477 {offsets = [12], sizes = [1], strides = [1]} : vector<16xf32> to vector<1xf32>
        %squeeze3A_1869 = vector.extract %slice3A_1868[0] : f32 from vector<1xf32>
        %slice3A_1870 = vector.extract_strided_slice %get3A_484 {offsets = [12], sizes = [1], strides = [1]} : vector<16xf32> to vector<1xf32>
        %squeeze3A_1871 = vector.extract %slice3A_1870[0] : f32 from vector<1xf32>
        %slice3A_1872 = vector.extract_strided_slice %get3A_491 {offsets = [12], sizes = [1], strides = [1]} : vector<16xf32> to vector<1xf32>
        %squeeze3A_1873 = vector.extract %slice3A_1872[0] : f32 from vector<1xf32>
        %get3A_1874 = arith.constant 1 : i32
        %get3A_1875 = arith.constant 0 : i32
        %get3A_1876 = arith.index_cast %get3A_1874 : i32 to index
        %get3A_1877 = arith.index_cast %get3A_1875 : i32 to index
        %get3A_1878 = arith.index_cast %add3A_1840 : i32 to index
        %get3A_1879 = arith.constant 0 : index
        %get3A_1880 = tpu.vector_load %arg11[%get3A_1876, %get3A_1877, %get3A_1878, %get3A_1879] {strides = array<i32>} : memref<2x3x400x32xf32, #tpu.memory_space<vmem>>, vector<1x1x1x16xf32>,
        %get3A_1881 = vector.shape_cast %get3A_1880 : vector<1x1x1x16xf32> to vector<16xf32>
        %mul3A_1882 = vector.broadcast %squeeze3A_1869 : f32 to vector<16xf32>
        %mul3A_1883 = arith.mulf %mul3A_1882, %get3A_1881 : vector<16xf32>
        %get3A_1884 = arith.constant 1 : i32
        %get3A_1885 = arith.constant 1 : i32
        %get3A_1886 = arith.index_cast %get3A_1884 : i32 to index
        %get3A_1887 = arith.index_cast %get3A_1885 : i32 to index
        %get3A_1888 = arith.index_cast %add3A_1840 : i32 to index
        %get3A_1889 = arith.constant 0 : index
        %get3A_1890 = tpu.vector_load %arg11[%get3A_1886, %get3A_1887, %get3A_1888, %get3A_1889] {strides = array<i32>} : memref<2x3x400x32xf32, #tpu.memory_space<vmem>>, vector<1x1x1x16xf32>,
        %get3A_1891 = vector.shape_cast %get3A_1890 : vector<1x1x1x16xf32> to vector<16xf32>
        %mul3A_1892 = vector.broadcast %squeeze3A_1871 : f32 to vector<16xf32>
        %mul3A_1893 = arith.mulf %mul3A_1892, %get3A_1891 : vector<16xf32>
        %add3A_1894 = arith.addf %mul3A_1883, %mul3A_1893 : vector<16xf32>
        %get3A_1895 = arith.constant 1 : i32
        %get3A_1896 = arith.constant 2 : i32
        %get3A_1897 = arith.index_cast %get3A_1895 : i32 to index
        %get3A_1898 = arith.index_cast %get3A_1896 : i32 to index
        %get3A_1899 = arith.index_cast %add3A_1840 : i32 to index
        %get3A_1900 = arith.constant 0 : index
        %get3A_1901 = tpu.vector_load %arg11[%get3A_1897, %get3A_1898, %get3A_1899, %get3A_1900] {strides = array<i32>} : memref<2x3x400x32xf32, #tpu.memory_space<vmem>>, vector<1x1x1x16xf32>,
        %get3A_1902 = vector.shape_cast %get3A_1901 : vector<1x1x1x16xf32> to vector<16xf32>
        %mul3A_1903 = vector.broadcast %squeeze3A_1873 : f32 to vector<16xf32>
        %mul3A_1904 = arith.mulf %mul3A_1903, %get3A_1902 : vector<16xf32>
        %add3A_1905 = arith.addf %add3A_1894, %mul3A_1904 : vector<16xf32>
        %swap3A_1906 = arith.index_cast %select_n3A_1864 : i32 to index
        %swap3A_1907 = arith.index_cast %sub3A_1867 : i32 to index
        %swap3A_1908 = arith.constant 0 : index
        %swap3A_1909 = tpu.vector_load %arg12[%swap3A_1906, %swap3A_1907, %swap3A_1908] {strides = array<i32>} : memref<8x50x32xf32, #tpu.memory_space<vmem>>, vector<1x1x16xf32>,
        %swap3A_1910 = vector.shape_cast %swap3A_1909 : vector<1x1x16xf32> to vector<16xf32>
        %swap3A_1911 = vector.shape_cast %add3A_1905 : vector<16xf32> to vector<1x1x16xf32>
        tpu.vector_store %arg12[%swap3A_1906, %swap3A_1907, %swap3A_1908], %swap3A_1911 {strides = array<i32>} : memref<8x50x32xf32, #tpu.memory_space<vmem>>, vector<1x1x16xf32>,
        %get3A_1912 = arith.constant 1 : i32
        %get3A_1913 = arith.constant 0 : i32
        %get3A_1914 = arith.index_cast %get3A_1912 : i32 to index
        %get3A_1915 = arith.index_cast %get3A_1913 : i32 to index
        %get3A_1916 = arith.index_cast %add3A_1840 : i32 to index
        %get3A_1917 = arith.constant 16 : index
        %get3A_1918 = tpu.vector_load %arg11[%get3A_1914, %get3A_1915, %get3A_1916, %get3A_1917] {strides = array<i32>} : memref<2x3x400x32xf32, #tpu.memory_space<vmem>>, vector<1x1x1x16xf32>,
        %get3A_1919 = vector.shape_cast %get3A_1918 : vector<1x1x1x16xf32> to vector<16xf32>
        %mul3A_1920 = vector.broadcast %squeeze3A_1869 : f32 to vector<16xf32>
        %mul3A_1921 = arith.mulf %mul3A_1920, %get3A_1919 : vector<16xf32>
        %get3A_1922 = arith.constant 1 : i32
        %get3A_1923 = arith.constant 1 : i32
        %get3A_1924 = arith.index_cast %get3A_1922 : i32 to index
        %get3A_1925 = arith.index_cast %get3A_1923 : i32 to index
        %get3A_1926 = arith.index_cast %add3A_1840 : i32 to index
        %get3A_1927 = arith.constant 16 : index
        %get3A_1928 = tpu.vector_load %arg11[%get3A_1924, %get3A_1925, %get3A_1926, %get3A_1927] {strides = array<i32>} : memref<2x3x400x32xf32, #tpu.memory_space<vmem>>, vector<1x1x1x16xf32>,
        %get3A_1929 = vector.shape_cast %get3A_1928 : vector<1x1x1x16xf32> to vector<16xf32>
        %mul3A_1930 = vector.broadcast %squeeze3A_1871 : f32 to vector<16xf32>
        %mul3A_1931 = arith.mulf %mul3A_1930, %get3A_1929 : vector<16xf32>
        %add3A_1932 = arith.addf %mul3A_1921, %mul3A_1931 : vector<16xf32>
        %get3A_1933 = arith.constant 1 : i32
        %get3A_1934 = arith.constant 2 : i32
        %get3A_1935 = arith.index_cast %get3A_1933 : i32 to index
        %get3A_1936 = arith.index_cast %get3A_1934 : i32 to index
        %get3A_1937 = arith.index_cast %add3A_1840 : i32 to index
        %get3A_1938 = arith.constant 16 : index
        %get3A_1939 = tpu.vector_load %arg11[%get3A_1935, %get3A_1936, %get3A_1937, %get3A_1938] {strides = array<i32>} : memref<2x3x400x32xf32, #tpu.memory_space<vmem>>, vector<1x1x1x16xf32>,
        %get3A_1940 = vector.shape_cast %get3A_1939 : vector<1x1x1x16xf32> to vector<16xf32>
        %mul3A_1941 = vector.broadcast %squeeze3A_1873 : f32 to vector<16xf32>
        %mul3A_1942 = arith.mulf %mul3A_1941, %get3A_1940 : vector<16xf32>
        %add3A_1943 = arith.addf %add3A_1932, %mul3A_1942 : vector<16xf32>
        %swap3A_1944 = arith.index_cast %select_n3A_1864 : i32 to index
        %swap3A_1945 = arith.index_cast %sub3A_1867 : i32 to index
        %swap3A_1946 = arith.constant 16 : index
        %swap3A_1947 = tpu.vector_load %arg12[%swap3A_1944, %swap3A_1945, %swap3A_1946] {strides = array<i32>} : memref<8x50x32xf32, #tpu.memory_space<vmem>>, vector<1x1x16xf32>,
        %swap3A_1948 = vector.shape_cast %swap3A_1947 : vector<1x1x16xf32> to vector<16xf32>
        %swap3A_1949 = vector.shape_cast %add3A_1943 : vector<16xf32> to vector<1x1x16xf32>
        tpu.vector_store %arg12[%swap3A_1944, %swap3A_1945, %swap3A_1946], %swap3A_1949 {strides = array<i32>} : memref<8x50x32xf32, #tpu.memory_space<vmem>>, vector<1x1x16xf32>,
        %mul3A_1950 = arith.constant 16 : i32
        %mul3A_1951 = arith.muli %scan3A_469, %mul3A_1950 : i32
        %add3A_1952 = arith.constant 13 : i32
        %add3A_1953 = arith.addi %mul3A_1951, %add3A_1952 : i32
        %jit3A_1954 = arith.constant 50 : i32
        %div3A_1955 = arith.divsi %add3A_1953, %jit3A_1954 : i32
        %sign3A_1956 = arith.constant 0 : i32
        %sign3A_1957 = arith.cmpi sgt, %add3A_1953, %sign3A_1956 : i32
        %sign3A_1958 = arith.extui %sign3A_1957 : i1 to i32
        %sign3A_1959 = arith.constant 0 : i32
        %sign3A_1960 = arith.cmpi slt, %add3A_1953, %sign3A_1959 : i32
        %sign3A_1961 = arith.extui %sign3A_1960 : i1 to i32
        %sign3A_1962 = arith.subi %sign3A_1958, %sign3A_1961 : i32
        %sign3A_1963 = arith.constant 0 : i32
        %sign3A_1964 = arith.cmpi sgt, %jit3A_1954, %sign3A_1963 : i32
        %sign3A_1965 = arith.extui %sign3A_1964 : i1 to i32
        %sign3A_1966 = arith.constant 0 : i32
        %sign3A_1967 = arith.cmpi slt, %jit3A_1954, %sign3A_1966 : i32
        %sign3A_1968 = arith.extui %sign3A_1967 : i1 to i32
        %sign3A_1969 = arith.subi %sign3A_1965, %sign3A_1968 : i32
        %ne3A_1970 = arith.cmpi ne, %sign3A_1962, %sign3A_1969 : i32
        %rem3A_1971 = arith.remsi %add3A_1953, %jit3A_1954 : i32
        %ne3A_1972 = arith.constant 0 : i32
        %ne3A_1973 = arith.cmpi ne, %rem3A_1971, %ne3A_1972 : i32
        %and3A_1974 = arith.andi %ne3A_1970, %ne3A_1973 : i1
        %sub3A_1975 = arith.constant 1 : i32
        %sub3A_1976 = arith.subi %div3A_1955, %sub3A_1975 : i32
        %select_n3A_1977 = arith.select %and3A_1974, %sub3A_1976, %div3A_1955 : i32
        %mul3A_1978 = arith.constant 50 : i32
        %mul3A_1979 = arith.muli %select_n3A_1977, %mul3A_1978 : i32
        %sub3A_1980 = arith.subi %add3A_1953, %mul3A_1979 : i32
        %slice3A_1981 = vector.extract_strided_slice %get3A_477 {offsets = [13], sizes = [1], strides = [1]} : vector<16xf32> to vector<1xf32>
        %squeeze3A_1982 = vector.extract %slice3A_1981[0] : f32 from vector<1xf32>
        %slice3A_1983 = vector.extract_strided_slice %get3A_484 {offsets = [13], sizes = [1], strides = [1]} : vector<16xf32> to vector<1xf32>
        %squeeze3A_1984 = vector.extract %slice3A_1983[0] : f32 from vector<1xf32>
        %slice3A_1985 = vector.extract_strided_slice %get3A_491 {offsets = [13], sizes = [1], strides = [1]} : vector<16xf32> to vector<1xf32>
        %squeeze3A_1986 = vector.extract %slice3A_1985[0] : f32 from vector<1xf32>
        %get3A_1987 = arith.constant 1 : i32
        %get3A_1988 = arith.constant 0 : i32
        %get3A_1989 = arith.index_cast %get3A_1987 : i32 to index
        %get3A_1990 = arith.index_cast %get3A_1988 : i32 to index
        %get3A_1991 = arith.index_cast %add3A_1953 : i32 to index
        %get3A_1992 = arith.constant 0 : index
        %get3A_1993 = tpu.vector_load %arg11[%get3A_1989, %get3A_1990, %get3A_1991, %get3A_1992] {strides = array<i32>} : memref<2x3x400x32xf32, #tpu.memory_space<vmem>>, vector<1x1x1x16xf32>,
        %get3A_1994 = vector.shape_cast %get3A_1993 : vector<1x1x1x16xf32> to vector<16xf32>
        %mul3A_1995 = vector.broadcast %squeeze3A_1982 : f32 to vector<16xf32>
        %mul3A_1996 = arith.mulf %mul3A_1995, %get3A_1994 : vector<16xf32>
        %get3A_1997 = arith.constant 1 : i32
        %get3A_1998 = arith.constant 1 : i32
        %get3A_1999 = arith.index_cast %get3A_1997 : i32 to index
        %get3A_2000 = arith.index_cast %get3A_1998 : i32 to index
        %get3A_2001 = arith.index_cast %add3A_1953 : i32 to index
        %get3A_2002 = arith.constant 0 : index
        %get3A_2003 = tpu.vector_load %arg11[%get3A_1999, %get3A_2000, %get3A_2001, %get3A_2002] {strides = array<i32>} : memref<2x3x400x32xf32, #tpu.memory_space<vmem>>, vector<1x1x1x16xf32>,
        %get3A_2004 = vector.shape_cast %get3A_2003 : vector<1x1x1x16xf32> to vector<16xf32>
        %mul3A_2005 = vector.broadcast %squeeze3A_1984 : f32 to vector<16xf32>
        %mul3A_2006 = arith.mulf %mul3A_2005, %get3A_2004 : vector<16xf32>
        %add3A_2007 = arith.addf %mul3A_1996, %mul3A_2006 : vector<16xf32>
        %get3A_2008 = arith.constant 1 : i32
        %get3A_2009 = arith.constant 2 : i32
        %get3A_2010 = arith.index_cast %get3A_2008 : i32 to index
        %get3A_2011 = arith.index_cast %get3A_2009 : i32 to index
        %get3A_2012 = arith.index_cast %add3A_1953 : i32 to index
        %get3A_2013 = arith.constant 0 : index
        %get3A_2014 = tpu.vector_load %arg11[%get3A_2010, %get3A_2011, %get3A_2012, %get3A_2013] {strides = array<i32>} : memref<2x3x400x32xf32, #tpu.memory_space<vmem>>, vector<1x1x1x16xf32>,
        %get3A_2015 = vector.shape_cast %get3A_2014 : vector<1x1x1x16xf32> to vector<16xf32>
        %mul3A_2016 = vector.broadcast %squeeze3A_1986 : f32 to vector<16xf32>
        %mul3A_2017 = arith.mulf %mul3A_2016, %get3A_2015 : vector<16xf32>
        %add3A_2018 = arith.addf %add3A_2007, %mul3A_2017 : vector<16xf32>
        %swap3A_2019 = arith.index_cast %select_n3A_1977 : i32 to index
        %swap3A_2020 = arith.index_cast %sub3A_1980 : i32 to index
        %swap3A_2021 = arith.constant 0 : index
        %swap3A_2022 = tpu.vector_load %arg12[%swap3A_2019, %swap3A_2020, %swap3A_2021] {strides = array<i32>} : memref<8x50x32xf32, #tpu.memory_space<vmem>>, vector<1x1x16xf32>,
        %swap3A_2023 = vector.shape_cast %swap3A_2022 : vector<1x1x16xf32> to vector<16xf32>
        %swap3A_2024 = vector.shape_cast %add3A_2018 : vector<16xf32> to vector<1x1x16xf32>
        tpu.vector_store %arg12[%swap3A_2019, %swap3A_2020, %swap3A_2021], %swap3A_2024 {strides = array<i32>} : memref<8x50x32xf32, #tpu.memory_space<vmem>>, vector<1x1x16xf32>,
        %get3A_2025 = arith.constant 1 : i32
        %get3A_2026 = arith.constant 0 : i32
        %get3A_2027 = arith.index_cast %get3A_2025 : i32 to index
        %get3A_2028 = arith.index_cast %get3A_2026 : i32 to index
        %get3A_2029 = arith.index_cast %add3A_1953 : i32 to index
        %get3A_2030 = arith.constant 16 : index
        %get3A_2031 = tpu.vector_load %arg11[%get3A_2027, %get3A_2028, %get3A_2029, %get3A_2030] {strides = array<i32>} : memref<2x3x400x32xf32, #tpu.memory_space<vmem>>, vector<1x1x1x16xf32>,
        %get3A_2032 = vector.shape_cast %get3A_2031 : vector<1x1x1x16xf32> to vector<16xf32>
        %mul3A_2033 = vector.broadcast %squeeze3A_1982 : f32 to vector<16xf32>
        %mul3A_2034 = arith.mulf %mul3A_2033, %get3A_2032 : vector<16xf32>
        %get3A_2035 = arith.constant 1 : i32
        %get3A_2036 = arith.constant 1 : i32
        %get3A_2037 = arith.index_cast %get3A_2035 : i32 to index
        %get3A_2038 = arith.index_cast %get3A_2036 : i32 to index
        %get3A_2039 = arith.index_cast %add3A_1953 : i32 to index
        %get3A_2040 = arith.constant 16 : index
        %get3A_2041 = tpu.vector_load %arg11[%get3A_2037, %get3A_2038, %get3A_2039, %get3A_2040] {strides = array<i32>} : memref<2x3x400x32xf32, #tpu.memory_space<vmem>>, vector<1x1x1x16xf32>,
        %get3A_2042 = vector.shape_cast %get3A_2041 : vector<1x1x1x16xf32> to vector<16xf32>
        %mul3A_2043 = vector.broadcast %squeeze3A_1984 : f32 to vector<16xf32>
        %mul3A_2044 = arith.mulf %mul3A_2043, %get3A_2042 : vector<16xf32>
        %add3A_2045 = arith.addf %mul3A_2034, %mul3A_2044 : vector<16xf32>
        %get3A_2046 = arith.constant 1 : i32
        %get3A_2047 = arith.constant 2 : i32
        %get3A_2048 = arith.index_cast %get3A_2046 : i32 to index
        %get3A_2049 = arith.index_cast %get3A_2047 : i32 to index
        %get3A_2050 = arith.index_cast %add3A_1953 : i32 to index
        %get3A_2051 = arith.constant 16 : index
        %get3A_2052 = tpu.vector_load %arg11[%get3A_2048, %get3A_2049, %get3A_2050, %get3A_2051] {strides = array<i32>} : memref<2x3x400x32xf32, #tpu.memory_space<vmem>>, vector<1x1x1x16xf32>,
        %get3A_2053 = vector.shape_cast %get3A_2052 : vector<1x1x1x16xf32> to vector<16xf32>
        %mul3A_2054 = vector.broadcast %squeeze3A_1986 : f32 to vector<16xf32>
        %mul3A_2055 = arith.mulf %mul3A_2054, %get3A_2053 : vector<16xf32>
        %add3A_2056 = arith.addf %add3A_2045, %mul3A_2055 : vector<16xf32>
        %swap3A_2057 = arith.index_cast %select_n3A_1977 : i32 to index
        %swap3A_2058 = arith.index_cast %sub3A_1980 : i32 to index
        %swap3A_2059 = arith.constant 16 : index
        %swap3A_2060 = tpu.vector_load %arg12[%swap3A_2057, %swap3A_2058, %swap3A_2059] {strides = array<i32>} : memref<8x50x32xf32, #tpu.memory_space<vmem>>, vector<1x1x16xf32>,
        %swap3A_2061 = vector.shape_cast %swap3A_2060 : vector<1x1x16xf32> to vector<16xf32>
        %swap3A_2062 = vector.shape_cast %add3A_2056 : vector<16xf32> to vector<1x1x16xf32>
        tpu.vector_store %arg12[%swap3A_2057, %swap3A_2058, %swap3A_2059], %swap3A_2062 {strides = array<i32>} : memref<8x50x32xf32, #tpu.memory_space<vmem>>, vector<1x1x16xf32>,
        %mul3A_2063 = arith.constant 16 : i32
        %mul3A_2064 = arith.muli %scan3A_469, %mul3A_2063 : i32
        %add3A_2065 = arith.constant 14 : i32
        %add3A_2066 = arith.addi %mul3A_2064, %add3A_2065 : i32
        %jit3A_2067 = arith.constant 50 : i32
        %div3A_2068 = arith.divsi %add3A_2066, %jit3A_2067 : i32
        %sign3A_2069 = arith.constant 0 : i32
        %sign3A_2070 = arith.cmpi sgt, %add3A_2066, %sign3A_2069 : i32
        %sign3A_2071 = arith.extui %sign3A_2070 : i1 to i32
        %sign3A_2072 = arith.constant 0 : i32
        %sign3A_2073 = arith.cmpi slt, %add3A_2066, %sign3A_2072 : i32
        %sign3A_2074 = arith.extui %sign3A_2073 : i1 to i32
        %sign3A_2075 = arith.subi %sign3A_2071, %sign3A_2074 : i32
        %sign3A_2076 = arith.constant 0 : i32
        %sign3A_2077 = arith.cmpi sgt, %jit3A_2067, %sign3A_2076 : i32
        %sign3A_2078 = arith.extui %sign3A_2077 : i1 to i32
        %sign3A_2079 = arith.constant 0 : i32
        %sign3A_2080 = arith.cmpi slt, %jit3A_2067, %sign3A_2079 : i32
        %sign3A_2081 = arith.extui %sign3A_2080 : i1 to i32
        %sign3A_2082 = arith.subi %sign3A_2078, %sign3A_2081 : i32
        %ne3A_2083 = arith.cmpi ne, %sign3A_2075, %sign3A_2082 : i32
        %rem3A_2084 = arith.remsi %add3A_2066, %jit3A_2067 : i32
        %ne3A_2085 = arith.constant 0 : i32
        %ne3A_2086 = arith.cmpi ne, %rem3A_2084, %ne3A_2085 : i32
        %and3A_2087 = arith.andi %ne3A_2083, %ne3A_2086 : i1
        %sub3A_2088 = arith.constant 1 : i32
        %sub3A_2089 = arith.subi %div3A_2068, %sub3A_2088 : i32
        %select_n3A_2090 = arith.select %and3A_2087, %sub3A_2089, %div3A_2068 : i32
        %mul3A_2091 = arith.constant 50 : i32
        %mul3A_2092 = arith.muli %select_n3A_2090, %mul3A_2091 : i32
        %sub3A_2093 = arith.subi %add3A_2066, %mul3A_2092 : i32
        %slice3A_2094 = vector.extract_strided_slice %get3A_477 {offsets = [14], sizes = [1], strides = [1]} : vector<16xf32> to vector<1xf32>
        %squeeze3A_2095 = vector.extract %slice3A_2094[0] : f32 from vector<1xf32>
        %slice3A_2096 = vector.extract_strided_slice %get3A_484 {offsets = [14], sizes = [1], strides = [1]} : vector<16xf32> to vector<1xf32>
        %squeeze3A_2097 = vector.extract %slice3A_2096[0] : f32 from vector<1xf32>
        %slice3A_2098 = vector.extract_strided_slice %get3A_491 {offsets = [14], sizes = [1], strides = [1]} : vector<16xf32> to vector<1xf32>
        %squeeze3A_2099 = vector.extract %slice3A_2098[0] : f32 from vector<1xf32>
        %get3A_2100 = arith.constant 1 : i32
        %get3A_2101 = arith.constant 0 : i32
        %get3A_2102 = arith.index_cast %get3A_2100 : i32 to index
        %get3A_2103 = arith.index_cast %get3A_2101 : i32 to index
        %get3A_2104 = arith.index_cast %add3A_2066 : i32 to index
        %get3A_2105 = arith.constant 0 : index
        %get3A_2106 = tpu.vector_load %arg11[%get3A_2102, %get3A_2103, %get3A_2104, %get3A_2105] {strides = array<i32>} : memref<2x3x400x32xf32, #tpu.memory_space<vmem>>, vector<1x1x1x16xf32>,
        %get3A_2107 = vector.shape_cast %get3A_2106 : vector<1x1x1x16xf32> to vector<16xf32>
        %mul3A_2108 = vector.broadcast %squeeze3A_2095 : f32 to vector<16xf32>
        %mul3A_2109 = arith.mulf %mul3A_2108, %get3A_2107 : vector<16xf32>
        %get3A_2110 = arith.constant 1 : i32
        %get3A_2111 = arith.constant 1 : i32
        %get3A_2112 = arith.index_cast %get3A_2110 : i32 to index
        %get3A_2113 = arith.index_cast %get3A_2111 : i32 to index
        %get3A_2114 = arith.index_cast %add3A_2066 : i32 to index
        %get3A_2115 = arith.constant 0 : index
        %get3A_2116 = tpu.vector_load %arg11[%get3A_2112, %get3A_2113, %get3A_2114, %get3A_2115] {strides = array<i32>} : memref<2x3x400x32xf32, #tpu.memory_space<vmem>>, vector<1x1x1x16xf32>,
        %get3A_2117 = vector.shape_cast %get3A_2116 : vector<1x1x1x16xf32> to vector<16xf32>
        %mul3A_2118 = vector.broadcast %squeeze3A_2097 : f32 to vector<16xf32>
        %mul3A_2119 = arith.mulf %mul3A_2118, %get3A_2117 : vector<16xf32>
        %add3A_2120 = arith.addf %mul3A_2109, %mul3A_2119 : vector<16xf32>
        %get3A_2121 = arith.constant 1 : i32
        %get3A_2122 = arith.constant 2 : i32
        %get3A_2123 = arith.index_cast %get3A_2121 : i32 to index
        %get3A_2124 = arith.index_cast %get3A_2122 : i32 to index
        %get3A_2125 = arith.index_cast %add3A_2066 : i32 to index
        %get3A_2126 = arith.constant 0 : index
        %get3A_2127 = tpu.vector_load %arg11[%get3A_2123, %get3A_2124, %get3A_2125, %get3A_2126] {strides = array<i32>} : memref<2x3x400x32xf32, #tpu.memory_space<vmem>>, vector<1x1x1x16xf32>,
        %get3A_2128 = vector.shape_cast %get3A_2127 : vector<1x1x1x16xf32> to vector<16xf32>
        %mul3A_2129 = vector.broadcast %squeeze3A_2099 : f32 to vector<16xf32>
        %mul3A_2130 = arith.mulf %mul3A_2129, %get3A_2128 : vector<16xf32>
        %add3A_2131 = arith.addf %add3A_2120, %mul3A_2130 : vector<16xf32>
        %swap3A_2132 = arith.index_cast %select_n3A_2090 : i32 to index
        %swap3A_2133 = arith.index_cast %sub3A_2093 : i32 to index
        %swap3A_2134 = arith.constant 0 : index
        %swap3A_2135 = tpu.vector_load %arg12[%swap3A_2132, %swap3A_2133, %swap3A_2134] {strides = array<i32>} : memref<8x50x32xf32, #tpu.memory_space<vmem>>, vector<1x1x16xf32>,
        %swap3A_2136 = vector.shape_cast %swap3A_2135 : vector<1x1x16xf32> to vector<16xf32>
        %swap3A_2137 = vector.shape_cast %add3A_2131 : vector<16xf32> to vector<1x1x16xf32>
        tpu.vector_store %arg12[%swap3A_2132, %swap3A_2133, %swap3A_2134], %swap3A_2137 {strides = array<i32>} : memref<8x50x32xf32, #tpu.memory_space<vmem>>, vector<1x1x16xf32>,
        %get3A_2138 = arith.constant 1 : i32
        %get3A_2139 = arith.constant 0 : i32
        %get3A_2140 = arith.index_cast %get3A_2138 : i32 to index
        %get3A_2141 = arith.index_cast %get3A_2139 : i32 to index
        %get3A_2142 = arith.index_cast %add3A_2066 : i32 to index
        %get3A_2143 = arith.constant 16 : index
        %get3A_2144 = tpu.vector_load %arg11[%get3A_2140, %get3A_2141, %get3A_2142, %get3A_2143] {strides = array<i32>} : memref<2x3x400x32xf32, #tpu.memory_space<vmem>>, vector<1x1x1x16xf32>,
        %get3A_2145 = vector.shape_cast %get3A_2144 : vector<1x1x1x16xf32> to vector<16xf32>
        %mul3A_2146 = vector.broadcast %squeeze3A_2095 : f32 to vector<16xf32>
        %mul3A_2147 = arith.mulf %mul3A_2146, %get3A_2145 : vector<16xf32>
        %get3A_2148 = arith.constant 1 : i32
        %get3A_2149 = arith.constant 1 : i32
        %get3A_2150 = arith.index_cast %get3A_2148 : i32 to index
        %get3A_2151 = arith.index_cast %get3A_2149 : i32 to index
        %get3A_2152 = arith.index_cast %add3A_2066 : i32 to index
        %get3A_2153 = arith.constant 16 : index
        %get3A_2154 = tpu.vector_load %arg11[%get3A_2150, %get3A_2151, %get3A_2152, %get3A_2153] {strides = array<i32>} : memref<2x3x400x32xf32, #tpu.memory_space<vmem>>, vector<1x1x1x16xf32>,
        %get3A_2155 = vector.shape_cast %get3A_2154 : vector<1x1x1x16xf32> to vector<16xf32>
        %mul3A_2156 = vector.broadcast %squeeze3A_2097 : f32 to vector<16xf32>
        %mul3A_2157 = arith.mulf %mul3A_2156, %get3A_2155 : vector<16xf32>
        %add3A_2158 = arith.addf %mul3A_2147, %mul3A_2157 : vector<16xf32>
        %get3A_2159 = arith.constant 1 : i32
        %get3A_2160 = arith.constant 2 : i32
        %get3A_2161 = arith.index_cast %get3A_2159 : i32 to index
        %get3A_2162 = arith.index_cast %get3A_2160 : i32 to index
        %get3A_2163 = arith.index_cast %add3A_2066 : i32 to index
        %get3A_2164 = arith.constant 16 : index
        %get3A_2165 = tpu.vector_load %arg11[%get3A_2161, %get3A_2162, %get3A_2163, %get3A_2164] {strides = array<i32>} : memref<2x3x400x32xf32, #tpu.memory_space<vmem>>, vector<1x1x1x16xf32>,
        %get3A_2166 = vector.shape_cast %get3A_2165 : vector<1x1x1x16xf32> to vector<16xf32>
        %mul3A_2167 = vector.broadcast %squeeze3A_2099 : f32 to vector<16xf32>
        %mul3A_2168 = arith.mulf %mul3A_2167, %get3A_2166 : vector<16xf32>
        %add3A_2169 = arith.addf %add3A_2158, %mul3A_2168 : vector<16xf32>
        %swap3A_2170 = arith.index_cast %select_n3A_2090 : i32 to index
        %swap3A_2171 = arith.index_cast %sub3A_2093 : i32 to index
        %swap3A_2172 = arith.constant 16 : index
        %swap3A_2173 = tpu.vector_load %arg12[%swap3A_2170, %swap3A_2171, %swap3A_2172] {strides = array<i32>} : memref<8x50x32xf32, #tpu.memory_space<vmem>>, vector<1x1x16xf32>,
        %swap3A_2174 = vector.shape_cast %swap3A_2173 : vector<1x1x16xf32> to vector<16xf32>
        %swap3A_2175 = vector.shape_cast %add3A_2169 : vector<16xf32> to vector<1x1x16xf32>
        tpu.vector_store %arg12[%swap3A_2170, %swap3A_2171, %swap3A_2172], %swap3A_2175 {strides = array<i32>} : memref<8x50x32xf32, #tpu.memory_space<vmem>>, vector<1x1x16xf32>,
        %mul3A_2176 = arith.constant 16 : i32
        %mul3A_2177 = arith.muli %scan3A_469, %mul3A_2176 : i32
        %add3A_2178 = arith.constant 15 : i32
        %add3A_2179 = arith.addi %mul3A_2177, %add3A_2178 : i32
        %jit3A_2180 = arith.constant 50 : i32
        %div3A_2181 = arith.divsi %add3A_2179, %jit3A_2180 : i32
        %sign3A_2182 = arith.constant 0 : i32
        %sign3A_2183 = arith.cmpi sgt, %add3A_2179, %sign3A_2182 : i32
        %sign3A_2184 = arith.extui %sign3A_2183 : i1 to i32
        %sign3A_2185 = arith.constant 0 : i32
        %sign3A_2186 = arith.cmpi slt, %add3A_2179, %sign3A_2185 : i32
        %sign3A_2187 = arith.extui %sign3A_2186 : i1 to i32
        %sign3A_2188 = arith.subi %sign3A_2184, %sign3A_2187 : i32
        %sign3A_2189 = arith.constant 0 : i32
        %sign3A_2190 = arith.cmpi sgt, %jit3A_2180, %sign3A_2189 : i32
        %sign3A_2191 = arith.extui %sign3A_2190 : i1 to i32
        %sign3A_2192 = arith.constant 0 : i32
        %sign3A_2193 = arith.cmpi slt, %jit3A_2180, %sign3A_2192 : i32
        %sign3A_2194 = arith.extui %sign3A_2193 : i1 to i32
        %sign3A_2195 = arith.subi %sign3A_2191, %sign3A_2194 : i32
        %ne3A_2196 = arith.cmpi ne, %sign3A_2188, %sign3A_2195 : i32
        %rem3A_2197 = arith.remsi %add3A_2179, %jit3A_2180 : i32
        %ne3A_2198 = arith.constant 0 : i32
        %ne3A_2199 = arith.cmpi ne, %rem3A_2197, %ne3A_2198 : i32
        %and3A_2200 = arith.andi %ne3A_2196, %ne3A_2199 : i1
        %sub3A_2201 = arith.constant 1 : i32
        %sub3A_2202 = arith.subi %div3A_2181, %sub3A_2201 : i32
        %select_n3A_2203 = arith.select %and3A_2200, %sub3A_2202, %div3A_2181 : i32
        %mul3A_2204 = arith.constant 50 : i32
        %mul3A_2205 = arith.muli %select_n3A_2203, %mul3A_2204 : i32
        %sub3A_2206 = arith.subi %add3A_2179, %mul3A_2205 : i32
        %slice3A_2207 = vector.extract_strided_slice %get3A_477 {offsets = [15], sizes = [1], strides = [1]} : vector<16xf32> to vector<1xf32>
        %squeeze3A_2208 = vector.extract %slice3A_2207[0] : f32 from vector<1xf32>
        %slice3A_2209 = vector.extract_strided_slice %get3A_484 {offsets = [15], sizes = [1], strides = [1]} : vector<16xf32> to vector<1xf32>
        %squeeze3A_2210 = vector.extract %slice3A_2209[0] : f32 from vector<1xf32>
        %slice3A_2211 = vector.extract_strided_slice %get3A_491 {offsets = [15], sizes = [1], strides = [1]} : vector<16xf32> to vector<1xf32>
        %squeeze3A_2212 = vector.extract %slice3A_2211[0] : f32 from vector<1xf32>
        %get3A_2213 = arith.constant 1 : i32
        %get3A_2214 = arith.constant 0 : i32
        %get3A_2215 = arith.index_cast %get3A_2213 : i32 to index
        %get3A_2216 = arith.index_cast %get3A_2214 : i32 to index
        %get3A_2217 = arith.index_cast %add3A_2179 : i32 to index
        %get3A_2218 = arith.constant 0 : index
        %get3A_2219 = tpu.vector_load %arg11[%get3A_2215, %get3A_2216, %get3A_2217, %get3A_2218] {strides = array<i32>} : memref<2x3x400x32xf32, #tpu.memory_space<vmem>>, vector<1x1x1x16xf32>,
        %get3A_2220 = vector.shape_cast %get3A_2219 : vector<1x1x1x16xf32> to vector<16xf32>
        %mul3A_2221 = vector.broadcast %squeeze3A_2208 : f32 to vector<16xf32>
        %mul3A_2222 = arith.mulf %mul3A_2221, %get3A_2220 : vector<16xf32>
        %get3A_2223 = arith.constant 1 : i32
        %get3A_2224 = arith.constant 1 : i32
        %get3A_2225 = arith.index_cast %get3A_2223 : i32 to index
        %get3A_2226 = arith.index_cast %get3A_2224 : i32 to index
        %get3A_2227 = arith.index_cast %add3A_2179 : i32 to index
        %get3A_2228 = arith.constant 0 : index
        %get3A_2229 = tpu.vector_load %arg11[%get3A_2225, %get3A_2226, %get3A_2227, %get3A_2228] {strides = array<i32>} : memref<2x3x400x32xf32, #tpu.memory_space<vmem>>, vector<1x1x1x16xf32>,
        %get3A_2230 = vector.shape_cast %get3A_2229 : vector<1x1x1x16xf32> to vector<16xf32>
        %mul3A_2231 = vector.broadcast %squeeze3A_2210 : f32 to vector<16xf32>
        %mul3A_2232 = arith.mulf %mul3A_2231, %get3A_2230 : vector<16xf32>
        %add3A_2233 = arith.addf %mul3A_2222, %mul3A_2232 : vector<16xf32>
        %get3A_2234 = arith.constant 1 : i32
        %get3A_2235 = arith.constant 2 : i32
        %get3A_2236 = arith.index_cast %get3A_2234 : i32 to index
        %get3A_2237 = arith.index_cast %get3A_2235 : i32 to index
        %get3A_2238 = arith.index_cast %add3A_2179 : i32 to index
        %get3A_2239 = arith.constant 0 : index
        %get3A_2240 = tpu.vector_load %arg11[%get3A_2236, %get3A_2237, %get3A_2238, %get3A_2239] {strides = array<i32>} : memref<2x3x400x32xf32, #tpu.memory_space<vmem>>, vector<1x1x1x16xf32>,
        %get3A_2241 = vector.shape_cast %get3A_2240 : vector<1x1x1x16xf32> to vector<16xf32>
        %mul3A_2242 = vector.broadcast %squeeze3A_2212 : f32 to vector<16xf32>
        %mul3A_2243 = arith.mulf %mul3A_2242, %get3A_2241 : vector<16xf32>
        %add3A_2244 = arith.addf %add3A_2233, %mul3A_2243 : vector<16xf32>
        %swap3A_2245 = arith.index_cast %select_n3A_2203 : i32 to index
        %swap3A_2246 = arith.index_cast %sub3A_2206 : i32 to index
        %swap3A_2247 = arith.constant 0 : index
        %swap3A_2248 = tpu.vector_load %arg12[%swap3A_2245, %swap3A_2246, %swap3A_2247] {strides = array<i32>} : memref<8x50x32xf32, #tpu.memory_space<vmem>>, vector<1x1x16xf32>,
        %swap3A_2249 = vector.shape_cast %swap3A_2248 : vector<1x1x16xf32> to vector<16xf32>
        %swap3A_2250 = vector.shape_cast %add3A_2244 : vector<16xf32> to vector<1x1x16xf32>
        tpu.vector_store %arg12[%swap3A_2245, %swap3A_2246, %swap3A_2247], %swap3A_2250 {strides = array<i32>} : memref<8x50x32xf32, #tpu.memory_space<vmem>>, vector<1x1x16xf32>,
        %get3A_2251 = arith.constant 1 : i32
        %get3A_2252 = arith.constant 0 : i32
        %get3A_2253 = arith.index_cast %get3A_2251 : i32 to index
        %get3A_2254 = arith.index_cast %get3A_2252 : i32 to index
        %get3A_2255 = arith.index_cast %add3A_2179 : i32 to index
        %get3A_2256 = arith.constant 16 : index
        %get3A_2257 = tpu.vector_load %arg11[%get3A_2253, %get3A_2254, %get3A_2255, %get3A_2256] {strides = array<i32>} : memref<2x3x400x32xf32, #tpu.memory_space<vmem>>, vector<1x1x1x16xf32>,
        %get3A_2258 = vector.shape_cast %get3A_2257 : vector<1x1x1x16xf32> to vector<16xf32>
        %mul3A_2259 = vector.broadcast %squeeze3A_2208 : f32 to vector<16xf32>
        %mul3A_2260 = arith.mulf %mul3A_2259, %get3A_2258 : vector<16xf32>
        %get3A_2261 = arith.constant 1 : i32
        %get3A_2262 = arith.constant 1 : i32
        %get3A_2263 = arith.index_cast %get3A_2261 : i32 to index
        %get3A_2264 = arith.index_cast %get3A_2262 : i32 to index
        %get3A_2265 = arith.index_cast %add3A_2179 : i32 to index
        %get3A_2266 = arith.constant 16 : index
        %get3A_2267 = tpu.vector_load %arg11[%get3A_2263, %get3A_2264, %get3A_2265, %get3A_2266] {strides = array<i32>} : memref<2x3x400x32xf32, #tpu.memory_space<vmem>>, vector<1x1x1x16xf32>,
        %get3A_2268 = vector.shape_cast %get3A_2267 : vector<1x1x1x16xf32> to vector<16xf32>
        %mul3A_2269 = vector.broadcast %squeeze3A_2210 : f32 to vector<16xf32>
        %mul3A_2270 = arith.mulf %mul3A_2269, %get3A_2268 : vector<16xf32>
        %add3A_2271 = arith.addf %mul3A_2260, %mul3A_2270 : vector<16xf32>
        %get3A_2272 = arith.constant 1 : i32
        %get3A_2273 = arith.constant 2 : i32
        %get3A_2274 = arith.index_cast %get3A_2272 : i32 to index
        %get3A_2275 = arith.index_cast %get3A_2273 : i32 to index
        %get3A_2276 = arith.index_cast %add3A_2179 : i32 to index
        %get3A_2277 = arith.constant 16 : index
        %get3A_2278 = tpu.vector_load %arg11[%get3A_2274, %get3A_2275, %get3A_2276, %get3A_2277] {strides = array<i32>} : memref<2x3x400x32xf32, #tpu.memory_space<vmem>>, vector<1x1x1x16xf32>,
        %get3A_2279 = vector.shape_cast %get3A_2278 : vector<1x1x1x16xf32> to vector<16xf32>
        %mul3A_2280 = vector.broadcast %squeeze3A_2212 : f32 to vector<16xf32>
        %mul3A_2281 = arith.mulf %mul3A_2280, %get3A_2279 : vector<16xf32>
        %add3A_2282 = arith.addf %add3A_2271, %mul3A_2281 : vector<16xf32>
        %swap3A_2283 = arith.index_cast %select_n3A_2203 : i32 to index
        %swap3A_2284 = arith.index_cast %sub3A_2206 : i32 to index
        %swap3A_2285 = arith.constant 16 : index
        %swap3A_2286 = tpu.vector_load %arg12[%swap3A_2283, %swap3A_2284, %swap3A_2285] {strides = array<i32>} : memref<8x50x32xf32, #tpu.memory_space<vmem>>, vector<1x1x16xf32>,
        %swap3A_2287 = vector.shape_cast %swap3A_2286 : vector<1x1x16xf32> to vector<16xf32>
        %swap3A_2288 = vector.shape_cast %add3A_2282 : vector<16xf32> to vector<1x1x16xf32>
        tpu.vector_store %arg12[%swap3A_2283, %swap3A_2284, %swap3A_2285], %swap3A_2288 {strides = array<i32>} : memref<8x50x32xf32, #tpu.memory_space<vmem>>, vector<1x1x16xf32>,
      }
      %scan3A_456 = arith.constant 25 : i32
      %mul3A_457 = arith.constant 128 : i32
      %mul3A_458 = arith.muli %add3A, %mul3A_457 : i32
      %mul3A_459 = arith.constant 8 : i32
      %mul3A_460 = arith.muli %add3A_359, %mul3A_459 : i32
      %add3A_461 = arith.addi %mul3A_458, %mul3A_460 : i32
      "tpu.region"() ({
        %run_scoped3A = tpu.sem_alloc : memref<!tpu.dma_semaphore, #tpu.memory_space<semaphore_mem>>
        %dma_start3A_469 = arith.constant 0 : i32
        %dma_start3A_470 = arith.constant 0 : i32
        %dma_start3A_471 = tpu.memref_slice %arg6[%add3A_461, %dma_start3A_469, %dma_start3A_470] : memref<4096x50x32xf32, #tpu.memory_space<hbm>> -> memref<8x50x32xf32, #tpu.memory_space<hbm>>
        %dma_start3A_472 = arith.constant 0 : i32
        %dma_start3A_473 = arith.constant 0 : i32
        %dma_start3A_474 = tpu.memref_slice %arg6[%add3A_461, %dma_start3A_472, %dma_start3A_473] : memref<4096x50x32xf32, #tpu.memory_space<hbm>> -> memref<8x50x32xf32, #tpu.memory_space<hbm>>
        tpu.enqueue_dma source(%arg12 : memref<8x50x32xf32, #tpu.memory_space<vmem>>) target(%dma_start3A_474 : memref<8x50x32xf32, #tpu.memory_space<hbm>>) target_semaphore(%run_scoped3A : memref<!tpu.dma_semaphore, #tpu.memory_space<semaphore_mem>>)
        %dma_wait3A_475 = arith.constant 0 : i32
        %dma_wait3A_476 = arith.constant 0 : i32
        %dma_wait3A_477 = tpu.memref_slice %arg6[%add3A_461, %dma_wait3A_475, %dma_wait3A_476] : memref<4096x50x32xf32, #tpu.memory_space<hbm>> -> memref<8x50x32xf32, #tpu.memory_space<hbm>>
        %dma_wait3A_478 = arith.constant 0 : i32
        %dma_wait3A_479 = arith.constant 0 : i32
        %dma_wait3A_480 = tpu.memref_slice %arg6[%add3A_461, %dma_wait3A_478, %dma_wait3A_479] : memref<4096x50x32xf32, #tpu.memory_space<hbm>> -> memref<8x50x32xf32, #tpu.memory_space<hbm>>
        tpu.wait_dma2 semaphore(%run_scoped3A : memref<!tpu.dma_semaphore, #tpu.memory_space<semaphore_mem>>) src(%arg12 : memref<8x50x32xf32, #tpu.memory_space<vmem>>) dst(%dma_wait3A_480 : memref<8x50x32xf32, #tpu.memory_space<hbm>>)
        tpu.yield
      }) : () -> ()
      %add3A_462 = arith.constant 2 : i32
      %add3A_463 = arith.addi %add3A_359, %add3A_462 : i32
      %lt3A_464 = arith.constant 16 : i32
      %lt3A_465 = arith.cmpi slt, %add3A_463, %lt3A_464 : i32
      %convert_element_type3A_466 = arith.extui %lt3A_465 : i1 to i32
      %cond3A_467 = arith.constant 0 : i32
      %cond3A_468 = arith.cmpi ne, %convert_element_type3A_466, %cond3A_467 : i32
      scf.if %cond3A_468 {
        %add3A_469 = arith.constant 2 : i32
        %add3A_470 = arith.addi %add3A_359, %add3A_469 : i32
        %dma_start3A_471 = arith.constant 1 : i32
        %dma_start3A_472 = arith.constant 0 : i32
        %dma_start3A_473 = arith.constant 0 : i32
        %dma_start3A_474 = tpu.memref_slice %arg10[%dma_start3A_471, %dma_start3A_472, %dma_start3A_473] : memref<2x3x400xf32, #tpu.memory_space<vmem>> -> memref<1x1x400xf32, #tpu.memory_space<vmem>>
        %dma_start3A_475 = tpu.memref_squeeze %dma_start3A_474 : memref<1x1x400xf32, #tpu.memory_space<vmem>> -> memref<400xf32, #tpu.memory_space<vmem>>
        %dma_start3A_476 = arith.constant 0 : i32
        %dma_start3A_477 = tpu.memref_slice %arg8[%add3A_470, %dma_start3A_476] : memref<16x400xi32, #tpu.memory_space<vmem>> -> memref<1x400xi32, #tpu.memory_space<vmem>>
        %dma_start3A_478 = tpu.memref_squeeze %dma_start3A_477 : memref<1x400xi32, #tpu.memory_space<vmem>> -> memref<400xi32, #tpu.memory_space<vmem>>
        %dma_start3A_479 = arith.constant 0 : i32
        %dma_start3A_480 = tpu.memref_slice %arg4[%dma_start3A_479] : memref<3000000xf32, #tpu.memory_space<hbm>> -> memref<1000000xf32, #tpu.memory_space<hbm>>
        %dma_start3A_481 = arith.constant 0 : i32
        %dma_start3A_482 = tpu.memref_slice %dma_start3A_480[%dma_start3A_481] : memref<1000000xf32, #tpu.memory_space<hbm>> -> memref<1000000xf32, #tpu.memory_space<hbm>>
        tpu.enqueue_indirect_dma source(%dma_start3A_482 : memref<1000000xf32, #tpu.memory_space<hbm>>) target(%dma_start3A_475 : memref<400xf32, #tpu.memory_space<vmem>>) offsets(%dma_start3A_478 : memref<400xi32, #tpu.memory_space<vmem>>) semaphore(%arg16 : memref<!tpu.dma_semaphore, #tpu.memory_space<semaphore_mem>>)
        %dma_start3A_483 = arith.constant 1 : i32
        %dma_start3A_484 = arith.constant 1 : i32
        %dma_start3A_485 = arith.constant 0 : i32
        %dma_start3A_486 = tpu.memref_slice %arg10[%dma_start3A_483, %dma_start3A_484, %dma_start3A_485] : memref<2x3x400xf32, #tpu.memory_space<vmem>> -> memref<1x1x400xf32, #tpu.memory_space<vmem>>
        %dma_start3A_487 = tpu.memref_squeeze %dma_start3A_486 : memref<1x1x400xf32, #tpu.memory_space<vmem>> -> memref<400xf32, #tpu.memory_space<vmem>>
        %dma_start3A_488 = arith.constant 0 : i32
        %dma_start3A_489 = tpu.memref_slice %arg8[%add3A_470, %dma_start3A_488] : memref<16x400xi32, #tpu.memory_space<vmem>> -> memref<1x400xi32, #tpu.memory_space<vmem>>
        %dma_start3A_490 = tpu.memref_squeeze %dma_start3A_489 : memref<1x400xi32, #tpu.memory_space<vmem>> -> memref<400xi32, #tpu.memory_space<vmem>>
        %dma_start3A_491 = arith.constant 1000000 : i32
        %dma_start3A_492 = tpu.memref_slice %arg4[%dma_start3A_491] : memref<3000000xf32, #tpu.memory_space<hbm>> -> memref<1000000xf32, #tpu.memory_space<hbm>>
        %dma_start3A_493 = arith.constant 0 : i32
        %dma_start3A_494 = tpu.memref_slice %dma_start3A_492[%dma_start3A_493] : memref<1000000xf32, #tpu.memory_space<hbm>> -> memref<1000000xf32, #tpu.memory_space<hbm>>
        tpu.enqueue_indirect_dma source(%dma_start3A_494 : memref<1000000xf32, #tpu.memory_space<hbm>>) target(%dma_start3A_487 : memref<400xf32, #tpu.memory_space<vmem>>) offsets(%dma_start3A_490 : memref<400xi32, #tpu.memory_space<vmem>>) semaphore(%arg16 : memref<!tpu.dma_semaphore, #tpu.memory_space<semaphore_mem>>)
        %dma_start3A_495 = arith.constant 1 : i32
        %dma_start3A_496 = arith.constant 2 : i32
        %dma_start3A_497 = arith.constant 0 : i32
        %dma_start3A_498 = tpu.memref_slice %arg10[%dma_start3A_495, %dma_start3A_496, %dma_start3A_497] : memref<2x3x400xf32, #tpu.memory_space<vmem>> -> memref<1x1x400xf32, #tpu.memory_space<vmem>>
        %dma_start3A_499 = tpu.memref_squeeze %dma_start3A_498 : memref<1x1x400xf32, #tpu.memory_space<vmem>> -> memref<400xf32, #tpu.memory_space<vmem>>
        %dma_start3A_500 = arith.constant 0 : i32
        %dma_start3A_501 = tpu.memref_slice %arg8[%add3A_470, %dma_start3A_500] : memref<16x400xi32, #tpu.memory_space<vmem>> -> memref<1x400xi32, #tpu.memory_space<vmem>>
        %dma_start3A_502 = tpu.memref_squeeze %dma_start3A_501 : memref<1x400xi32, #tpu.memory_space<vmem>> -> memref<400xi32, #tpu.memory_space<vmem>>
        %dma_start3A_503 = arith.constant 2000000 : i32
        %dma_start3A_504 = tpu.memref_slice %arg4[%dma_start3A_503] : memref<3000000xf32, #tpu.memory_space<hbm>> -> memref<1000000xf32, #tpu.memory_space<hbm>>
        %dma_start3A_505 = arith.constant 0 : i32
        %dma_start3A_506 = tpu.memref_slice %dma_start3A_504[%dma_start3A_505] : memref<1000000xf32, #tpu.memory_space<hbm>> -> memref<1000000xf32, #tpu.memory_space<hbm>>
        tpu.enqueue_indirect_dma source(%dma_start3A_506 : memref<1000000xf32, #tpu.memory_space<hbm>>) target(%dma_start3A_499 : memref<400xf32, #tpu.memory_space<vmem>>) offsets(%dma_start3A_502 : memref<400xi32, #tpu.memory_space<vmem>>) semaphore(%arg16 : memref<!tpu.dma_semaphore, #tpu.memory_space<semaphore_mem>>)
      } else {
      }
    }
    %scan3A_244 = arith.constant 8 : i32
    return
  }
}

</mosaic_0001>

<sc_bundles>
// kernel: kernel.3.cloned.1.call-start
scs
__scs_entry_jumppad:
0x0: {  	(pc) =	sbr.rel $0x88, $3  }
0x1: {  	(tag) =	ssettag $0x0;
	lr =	simm.s32 $0x1  }
0x2: {  	[smem:$0x3F9D] =	sst lr;
	_ =	strace $0xD0000000  }
0x3: {  	_ = 	snop  }
0x4: {  	_ = 	snop  }
0x5: {  	_ = 	snop  }
0x6: {  	_ = 	snop  }
0x7: {  	_ = 	snop  }
__scs_overlays_trampoline_lowered:
0x8: {  	[smem:$0x3FAC] =	sst s0  }
0x9: {  	[smem:$0x3FAD] =	sst s1  }
0xa: {  	[smem:$0x3FAE] =	sst s2  }
0xb: {  	[smem:$0x3FAF] =	sst s3  }
0xc: {  	[smem:$0x3FB0] =	sst s4  }
0xd: {  	[smem:$0x3FB1] =	sst s5  }
0xe: {  	[smem:$0x3FB2] =	sst s6  }
0xf: {  	[smem:$0x3FB3] =	sst s7  }
0x10: {  	[smem:$0x3FB4] =	sst s8  }
0x11: {  	[smem:$0x3FB5] =	sst s9;
	s0 =	simm.s32 @!p0 $0x0  }
0x12: {  	s1 =	sld [smem:$0x3F9B];
	s0 =	simm.s32 @p0 $0x1  }
0x13: {  	[smem:$0x3FB6] =	sst s0;
	s0 =	simm.s32 @!p1 $0x0  }
0x14: {  	s2 =	sld [smem:$0x3F9A];
	s0 =	simm.s32 @p1 $0x1  }
0x15: {  	[smem:$0x3FB7] =	sst s0;
	s0 =	simm.s32 @!p2 $0x0  }
0x16: {  	s3 =	sld [smem:$0x3FDB];
	s0 =	simm.s32 @p2 $0x1  }
0x17: {  	s4 =	simm.s32 $0x1BF5;
	[smem:$0x3FB9] =	sst s0  }
0x18: {  	s0 =	sld [smem:$0x3F9C];
	_ =	swait.ge [sflag:s4], $0x0  }
0x19: {  	s7 =	sld [smem:$0x3F9D]  }
0x1a: {  	s8 =	sadd.s32 $0xFFFFE003, lr  }
0x1b: {  	s9 =	sadd.s32 $0xFFFFFEF7, lr;
	s5 =	simm.s32 $0xFFFFFFFF;
	p2 =	slt.u32 s8, $0xFFFFF086  }
0x1c: {  	p1 =	slt.u32 s9, $0xF7A;
	s5 =	simm.s32 @!p2 $0x0  }
0x1d: {  	s5 =	simm.s32 @p1 $0x1;
	p0 =	seq.s32 s7, s2  }
0x1e: {  	s7 =	smul.u32 @!p0 $0xF7A, s2;
	p2 =	seq.s32 @!p0 s5, $0x0  }
0x1f: {  	s9 =	smul.u32 $0xF7A, s1;
	s8 =	simm.s32 @!p0 $0x1BF5;
	p2 =	por !p2, p0  }
0x20: {  	[sflag:s8] =	ssyncset.s32 @!p0 $0xFFFFF086;
	s6 =	sadd.s32 @!p0 s3, s7;
	s7 =	simm.s32 @!p0 $0x108  }
0x21: {  	s3 =	sadd.s32 s3, s9;
	s6 =	sadd.s32 @!p0 $0x88, s6;
	s7 =	simm.s32 @p2 $0x1082  }
0x22: {  	[simem:s7], [sflag:s8] =	dma.local @!p0 [hbm:s6], $0xF7A  }
0x23: {  	s9 =	sor.u32 $0xD0000000, s2;
	s6 =	simm.s32 $0x108;
	_ =	swait.ge @!p0 [sflag:s8], $0x0  }
0x24: {  	s3 =	sadd.s32 $0x88, s3;
	s6 =	simm.s32 @!p1 $0x1082;
	[sflag:s4] =	ssyncset.s32 $0xFFFFF086  }
0x25: {  	[simem:s6], [sflag:s4] =	dma.local [hbm:s3], $0xF7A  }
0x26: {  	[smem:$0x3F9D] =	sst s1;
	(tag) =	ssettag s2;
	_ =	strace s9  }
0x27: {  	s1 =	sld [smem:$0x3FAD]  }
0x28: {  	s2 =	sld [smem:$0x3FAE]  }
0x29: {  	s4 =	sld [smem:$0x3FB0]  }
0x2a: {  	p0 =	seq.s32 s5, $0x0;
	s5 =	sld [smem:$0x3FB1]  }
0x2b: {  	s6 =	sld [smem:$0x3FB2]  }
0x2c: {  	s7 =	sld [smem:$0x3FB3]  }
0x2d: {  	s3 =	simm.s32 $0x108;
	s8 =	sld [smem:$0x3FB4]  }
0x2e: {  	s3 =	simm.s32 @!p0 $0x1082;
	s9 =	sld [smem:$0x3FB5]  }
0x2f: {  	lr =	sadd.s32 s0, s3;
	s0 =	sld [smem:$0x3FAC]  }
0x30: {  	s3 =	sld [smem:$0x3FAF]  }
0x31: {  	[smem:$0x3FB8] =	sst s10  }
0x32: {  	s10 =	sld [smem:$0x3FB6];
	_ =	sdelay $0x3  }
0x33: {  	p0 =	seq.s32 s10, $0x1;
	s10 =	sld [smem:$0x3FB8];
	_ =	sdelay $0x3  }
0x34: {  	[smem:$0x3FB8] =	sst s10  }
0x35: {  	s10 =	sld [smem:$0x3FB7];
	_ =	sdelay $0x3  }
0x36: {  	p1 =	seq.s32 s10, $0x1;
	s10 =	sld [smem:$0x3FB8];
	_ =	sdelay $0x3  }
0x37: {  	[smem:$0x3FB8] =	sst s10  }
0x38: {  	s10 =	sld [smem:$0x3FB9]  }
0x39: {  	_ = 	snop;
	(pc) =	sbr.ind lr, $3  }
0x3a: {  	_ = 	snop  }
0x3b: {  	_ = 	snop  }
0x3c: {  	p2 =	seq.s32 s10, $0x1;
	s10 =	sld [smem:$0x3FB8]  }
0x3d: {  	_ =	shalt  }
0x3e: {  	_ =	shalt  }
0x3f: {  	_ =	shalt  }
0x40: {  	_ =	shalt  }
0x41: {  	_ =	shalt  }
0x42: {  	_ =	shalt  }
0x43: {  	_ =	shalt  }
0x44: {  	_ =	shalt  }
0x45: {  	_ =	shalt  }
0x46: {  	_ =	shalt  }
0x47: {  	_ =	shalt  }
0x48: {  	_ =	shalt  }
0x49: {  	_ =	shalt  }
0x4a: {  	_ =	shalt  }
0x4b: {  	_ =	shalt  }
0x4c: {  	_ =	shalt  }
0x4d: {  	_ =	shalt  }
0x4e: {  	_ =	shalt  }
0x4f: {  	_ =	shalt  }
0x50: {  	_ =	shalt  }
0x51: {  	_ =	shalt  }
0x52: {  	_ =	shalt  }
0x53: {  	_ =	shalt  }
0x54: {  	_ =	shalt  }
0x55: {  	_ =	shalt  }
0x56: {  	_ =	shalt  }
0x57: {  	_ =	shalt  }
0x58: {  	_ =	shalt  }
0x59: {  	_ =	shalt  }
0x5a: {  	_ =	shalt  }
0x5b: {  	_ =	shalt  }
0x5c: {  	_ =	shalt  }
0x5d: {  	_ =	shalt  }
0x5e: {  	_ =	shalt  }
0x5f: {  	_ =	shalt  }
0x60: {  	_ =	shalt  }
0x61: {  	_ =	shalt  }
0x62: {  	_ =	shalt  }
0x63: {  	_ =	shalt  }
0x64: {  	_ =	shalt  }
0x65: {  	_ =	shalt  }
0x66: {  	_ =	shalt  }
0x67: {  	_ =	shalt  }
0x68: {  	_ =	shalt  }
0x69: {  	_ =	shalt  }
0x6a: {  	_ =	shalt  }
0x6b: {  	_ =	shalt  }
0x6c: {  	_ =	shalt  }
0x6d: {  	_ =	shalt  }
0x6e: {  	_ =	shalt  }
0x6f: {  	_ =	shalt  }
0x70: {  	_ =	shalt  }
0x71: {  	_ =	shalt  }
0x72: {  	_ =	shalt  }
0x73: {  	_ =	shalt  }
0x74: {  	_ =	shalt  }
0x75: {  	_ =	shalt  }
0x76: {  	_ =	shalt  }
0x77: {  	_ =	shalt  }
0x78: {  	_ =	shalt  }
0x79: {  	_ =	shalt  }
0x7a: {  	_ =	shalt  }
0x7b: {  	_ =	shalt  }
0x7c: {  	_ =	shalt  }
0x7d: {  	_ =	shalt  }
0x7e: {  	_ =	shalt  }
0x7f: {  	_ =	shalt  }
0x80: {  	_ =	shalt  }
0x81: {  	_ =	shalt  }
0x82: {  	_ =	shalt  }
0x83: {  	_ =	shalt  }
0x84: {  	_ =	shalt  }
0x85: {  	_ =	shalt  }
0x86: {  	_ =	shalt  }
0x87: {  	_ =	shalt  }
.Lfunc_end0:
.L_simem_size_0:
called_computation_lowered:
.L_overlay_start_0:
0x88: {  	s2 =	sld [smem:$0x3FD9]  }
0x89: {  	s3 =	sld [smem:$0x3FFE];
	_ =	sdelay $0x1  }
0x8a: {  	s1 =	srdreg.scid  }
0x8b: {  	s0 =	sand.u32 $0x1, s1  }
0x8c: {  	s17 =	sshll.u32 s0, $0xA;
	s2 =	sadd.s32 s3, s2  }
0x8d: {  	s2 =	sadd.s32 s2, s17  }
0x8e: {  	[smem:$0x3FC4] =	sst s2  }
0x8f: {  	_ = 	snop  }
0x90: {  	s2 =	sld [smem:$0x3FD0];
	(tm) =	ssettm $0x1  }
0x91: {  	s18 =	sld [smem:$0x3FFB];
	_ =	sdelay $0x3  }
0x92: {  	_ =	strace s18  }
0x93: {  	s3 =	sld [smem:$0x3FFC];
	_ =	sdelay $0x3  }
0x94: {  	_ =	strace s3  }
0x95: {  	s3 =	sld [smem:$0x3FFD];
	_ =	sdelay $0x3  }
0x96: {  	_ =	strace s3  }
0x97: {  	_ =	strace $0x8FFFFFFF  }
0x98: {  	s19 =	sld [smem:$0x3FDB];
	_ =	sdelay $0x1  }
0x99: {  	s4 =	simm.s32 $_scs_section_size  }
0x9a: {  	s5 =	simm.s32 $_size__tile_overlayer_lowered;
	s6 =	simm.s32 $_tile_overlayer_lowered  }
0x9b: {  	s22 =	simm.s32 $0x1BFF;
	s21 =	sshll.u32 s6, $0x1;
	s3 =	sadd.s32 s4, s19  }
0x9c: {  	s7 =	simm.s32 $0x0;
	s20 =	sshll.u32 s5, $0x1;
	s5 =	sadd.s32 s21, s3  }
0x9d: {  	[timem:s7], [sflag:s22] =	dma.local [hbm:s5], s20  }
0x9e: {  	_ =	swait.ge [sflag:s22], s20  }
0x9f: {  	s4 =	ssub.s32 $0x0, s20;
	[sflag:s22] =	ssyncset.done $0x0  }
0xa0: {  	[sflag:s22] =	ssyncadd.s32 s4;
	_ =	sdelay $0x1  }
0xa1: {  	s23 =	simm.s32 $0x1B8B  }
0xa2: {  	_ =	swait.ge [sflag:s23], $0x1  }
0xa3: {  	[sflag:s23] =	ssyncset.done $0x0  }
0xa4: {  	s25 =	simm.s32 $0x1B8E;
	s24 =	sld [smem:$0x3FFE];
	[sflag:s23] =	ssyncadd.s32 $0xFFFFFFFF  }
0xa5: {  	s26 =	simm.s32 $execute0_lowered;
	[smem:$0x3FD2] =	sst s25  }
0xa6: {  	s5 =	sshll.u32 s26, $0x1;
	_ =	strace $0x80000046;
	[dreg:$0x1] =	wrdreg $0xFFFFFFFF  }
0xa7: {  	s28 =	simm.s32 $_size_execute0_lowered;
	s3 =	sadd.s32 s3, s5;
	[dreg:$0x0] =	wrdreg $0x0  }
0xa8: {  	s5 =	sshll.u32 s28, $0x1;
	[dreg:$0x2] =	wrdreg s3  }
0xa9: {  	[dreg:$0x3] =	wrdreg s5  }
0xaa: {  	[dreg:$0x4] =	wrdreg $0xC0  }
0xab: {  	_ =	task [dreg:s7], $0x5FFFF  }
0xac: {  	[dreg:$0x1] =	wrdreg $0xFFFFFFFF  }
0xad: {  	[dreg:$0x0] =	wrdreg $0x60  }
0xae: {  	[dreg:$0x2] =	wrdreg s24  }
0xaf: {  	[dreg:$0x3] =	wrdreg s2  }
0xb0: {  	[dreg:$0x4] =	wrdreg $0x9  }
0xb1: {  	_ =	task.clear_ibuf [dreg:s7], $0x5FFFF;
	_ =	strace $0x90000046  }
0xb2: {  	s29 =	simm.s32 $0x9;
	_ =	strace $0x80000048  }
0xb3: {  	_ =	swait.ge [sflag:s29], $0x1  }
0xb4: {  	[sflag:s29] =	ssyncadd.s32 $0xFFFFFFFF  }
0xb5: {  	_ =	strace $0x90000048  }
0xb6: {  	_ =	sfence  }
0xb7: {  	s30 =	sld [smem:$0x0];
	_ =	sdelay $0x2  }
0xb8: {  	s31 =	sshll.u32 s1, $0xD;
	s1 =	sshrl.u32 s1, $0x2  }
0xb9: {  	s3 =	sand.u32 $0x4000, s31;
	s1 =	sadd.s32 s1, s30  }
0xba: {  	s0 =	sor.u32 s3, s0;
	s1 =	sshll.u32 s1, $0x11  }
0xbb: {  	s0 =	sor.u32 s1, s0  }
0xbc: {  	s0 =	sadd.s32 $0x8F2B, s0  }
0xbd: {  	[sflag:s0] =	ssyncadd.remote.s32 $0x1  }
0xbe: {  	_ =	sfence.sel $0xFFFF  }
0xbf: {  	[dreg:$0x0] =	wrdreg $0xFFFFFFFF;
	(pc) =	sbr.abs _section_cstart, $3  }
0xc0: {  	[dreg:$0x1] =	wrdreg $0xFFFFFFFF  }
0xc1: {  	_ =	task.clear_ibuf [dreg:s7], $0x2FFFF;
	_ =	strace $0x9FFFFFFF  }
0xc2: {  	(tm) =	ssettm $0x7FFFFFFF  }
0xc3: {  	_ =	shalt  }
tec
execute0_lowered:
.L_overlay_start_1:
0x0: {  	(tag) =	ssettag $0x1  }
0x1: {  	s0 =	srdreg.scid;
	s2 =	stileid.u32  }
0x2: {  	s1 =	rddreg [dreg:$0x0];
	s14 =	simm.s32 $0x7;
	s15 =	simm.s32 $0x190  }
0x3: {  	s30 =	simm.s32 $0x39D0;
	s21 =	simm.s32 $0x2;
	s26 =	simm.s32 $0x5  }
0x4: {  	s16 =	simm.s32 $0x3;
	s17 =	simm.s32 $0x170C0;
	s18 =	simm.s32 $0x6  }
0x5: {  	s0 =	sand.u32 $0x1, s0;
	s3 =	sshll.u32 s2, $0x1;
	s2 =	rddreg [dreg:$0x1]  }
0x6: {  	s5 =	sadd.s32 $0x64200, s1;
	s6 =	sadd.s32 $0x246600, s1;
	s10 =	sadd.s32 $0x82A48, s1  }
0x7: {  	s11 =	sadd.s32 $0xA1290, s1;
	s7 =	sor.u32 s0, s3;
	s3 =	simm.s32 $0x0  }
0x8: {  	s0 =	ssub.s32 $0x2, s0;
	s4 =	smul.u32 $0x320, s7;
	[smem:$0x7FF] =	sst s3  }
.Ltmp0:
0x9: {  	s9 =	sshrl.u32 s0, $0x1;
	s12 =	sshll.u32 s7, $0x7;
	(pc) =	sbr.rel .LBB2_1-.Ltmp0, $4  }
0xa: {  	s7 =	simm.s32 $0x4;
	_ =	strace $0x80000047;
	s0 =	ssub.s32 s0, s9  }
0xb: {  	s9 =	sadd.s32 $0x45890, s1;
	s8 =	sadd.s32 s4, s1;
	s0 =	smax.u32 s0, $0x1  }
0xc: {  	s4 =	sadd.s32 $0x8800, s1;
	s8 =	sadd.s32 $0x2400, s8;
	[dreg:$0x4] =	wrdreg s0  }
0xd: {  	[dreg:$0x3] =	wrdreg s8;
	s8 =	sadd.s32 $0x27048, s1;
	s1 =	simm.s32 $0x0  }
.LBB2_10:
0xe: {  	s1 =	rddreg [dreg:$0x5]  }
0xf: {  	s0 =	rddreg [dreg:$0x4];
	s1 =	sadd.s32 $0x1, s1  }
0x10: {  	p0 =	sne.s32 s1, s0  }
.Ltmp1:
0x11: {  	_ = 	snop;
	(pc) =	sbr.rel @!p0 .LBB2_11-.Ltmp1, $1  }
0x12: {  	_ =	sdelay $0x3  }
.LBB2_1:
0x13: {  	s0 =	smul.u32 $0x47AF, s3;
	s20 =	rddreg [dreg:$0x3]  }
0x14: {  	[tilespmem:s3], [sflag:$0x7] =	stream.linear.gather [hbm4b:s20+s3], $0x1900, $0x38;
	[tilespmem:$0x1A2C0] =	vst v63  }
0x15: {  	s0 =	sshrl.u32 s0, $0x10  }
0x16: {  	s22 =	ssub.s32 $0x0, s0  }
0x17: {  	[dreg:$0x5] =	wrdreg s1;
	s1 =	sand.u32 $0xFFFE, s22  }
0x18: {  	s13 =	simm.s32 $0x1;
	s1 =	sshrl.u32 s1, $0x1  }
0x19: {  	s13 =	smul.u32 $0x47AF, s13;
	s0 =	sadd.s32 s0, s1  }
0x1a: {  	s0 =	sand.u32 $0xFFF0, s0  }
0x1b: {  	s23 =	sshrl.u32 s13, $0x10;
	s0 =	sshrl.u32 s0, $0x4  }
0x1c: {  	_ =	swait.ge [sflag:s14], $0x1900;
	s19 =	ssub.s32 $0x1, s23;
	s20 =	smul.u32 $0x19, s0  }
0x1d: {  	[sflag:s14] =	ssyncset.done $0x0;
	s13 =	simm.s32 $0x2;
	s19 =	sand.u32 $0xFFFE, s19  }
0x1e: {  	s19 =	sshrl.u32 s19, $0x1;
	s0 =	smul.u32 $0x190, s0;
	s20 =	ssub.s32 $0x0, s20  }
0x1f: {  	s22 =	smul.u32 $0x47AF, s13;
	s1 =	sadd.s32 s23, s19;
	s24 =	sshll.u32 s20, $0x4  }
0x20: {  	[sflag:s14] =	ssyncadd.s32 $0xFFFFE700;
	s1 =	sand.u32 $0xFFF0, s1;
	s0 =	sadd.s32 s24, s0  }
0x21: {  	s25 =	sshrl.u32 s22, $0x10;
	s28 =	sshrl.u32 s1, $0x4;
	s0 =	sand.u32 $0xFFF0, s0  }
0x22: {  	s22 =	ssub.s32 $0x2, s25;
	s23 =	smul.u32 $0x19, s28;
	v2 =	vld [tilespmem:s0+$0x0]  }
0x23: {  	s22 =	sand.u32 $0xFFFE, s22;
	s1 =	simm.s32 $0x3;
	s20 =	smul.u32 $0x190, s28  }
0x24: {  	s22 =	sshrl.u32 s22, $0x1;
	s23 =	ssub.s32 $0x1, s23;
	s24 =	smul.u32 $0x47AF, s1  }
0x25: {  	s19 =	sadd.s32 s25, s22;
	s29 =	sshll.u32 s23, $0x4  }
0x26: {  	s19 =	sand.u32 $0xFFF0, s19;
	s22 =	sadd.s32 s29, s20;
	s23 =	sshrl.u32 s24, $0x10  }
0x27: {  	s20 =	sshrl.u32 s19, $0x4;
	s19 =	sand.u32 $0xFFF0, s22;
	s24 =	ssub.s32 $0x3, s23;
	v1 =	vadd.s32 $0x3, v2  }
0x28: {  	s31 =	simm.s32 $0x4;
	s22 =	smul.u32 $0x19, s20;
	v0 =	vld [tilespmem:s19+$0x0];
	s24 =	sand.u32 $0xFFFE, s24;
	v2 =	vadd.s32 $0xFFF0BDC3, v2;
	vm0 =	vgt.s32 v1, $0xF423F  }
.LBB2_2:
0x29: {  	s25 =	smul.u32 $0x47AF, s31;
	s24 =	sshrl.u32 s24, $0x1  }
0x2a: {  	s28 =	smov.u32 s1;
	s1 =	smov.u32 s31;
	s29 =	smov.u32 s0  }
0x2b: {  	v1 =	vsel vm0, v2, v1;
	s0 =	smov.u32 s19;
	s20 =	smul.u32 $0x190, s20;
	p0 =	sne.s32 s31, $0x18F  }
.Ltmp2:
0x2c: {  	s19 =	sadd.s32 s23, s24;
	s13 =	ssub.s32 s13, s22;
	[tilespmem:s29+$0x1900] =	vst v1;
	(pc) =	sbr.rel @p0 .LBB2_2-.Ltmp2, $4  }
0x2d: {  	s31 =	sadd.s32 $0x1, s31;
	s13 =	sshll.u32 s13, $0x4  }
0x2e: {  	s23 =	sshrl.u32 s25, $0x10;
	s19 =	sand.u32 $0xFFF0, s19;
	s13 =	sadd.s32 s13, s20  }
0x2f: {  	s22 =	ssub.s32 s1, s23;
	s20 =	sshrl.u32 s19, $0x4;
	s19 =	sand.u32 $0xFFF0, s13;
	v1 =	vadd.s32 $0x3, v0  }
0x30: {  	s24 =	sand.u32 $0xFFFE, s22;
	s22 =	smul.u32 $0x19, s20;
	v2 =	vadd.s32 $0xFFF0BDC3, v0;
	s13 =	smov.u32 s28;
	vm0 =	vgt.s32 v1, $0xF423F;
	v0 =	vld [tilespmem:s19+$0x0]  }
0x31: {  	s24 =	sshrl.u32 s24, $0x1  }
0x32: {  	s23 =	sadd.s32 s23, s24  }
0x33: {  	s23 =	sand.u32 $0xFFF0, s23  }
0x34: {  	s23 =	sshrl.u32 s23, $0x4  }
0x35: {  	s25 =	smul.u32 $0x19, s23  }
0x36: {  	s20 =	smul.u32 $0x190, s20;
	s13 =	ssub.s32 s13, s22  }
0x37: {  	s13 =	sshll.u32 s13, $0x4;
	v61 =	vadd.s32 $0x3, v0;
	s31 =	smul.u32 $0x190, s23;
	s1 =	ssub.s32 s1, s25  }
0x38: {  	v1 =	vsel vm0, v2, v1;
	s13 =	sadd.s32 s13, s20;
	v62 =	vadd.s32 $0xFFF0BDC3, v0;
	vm13 =	vgt.s32 v61, $0xF423F;
	s1 =	sshll.u32 s1, $0x4  }
0x39: {  	[tilespmem:s0+$0x1900] =	vst v1;
	s22 =	sand.u32 $0xFFF0, s13;
	v0 =	vsel vm13, v62, v61;
	s1 =	sadd.s32 s1, s31  }
0x3a: {  	v1 =	vld [tilespmem:s22+$0x0];
	[tilespmem:s19+$0x1900] =	vst v0;
	s1 =	sand.u32 $0xFFF0, s1  }
0x3b: {  	v0 =	vld [tilespmem:s1+$0x0];
	_ =	sdelay $0x3  }
0x3c: {  	v63 =	vadd.s32 $0x3, v1  }
0x3d: {  	v1 =	vadd.s32 $0xFFF0BDC3, v1;
	vm14 =	vgt.s32 v63, $0xF423F;
	v3 =	vadd.s32 $0x3, v0  }
0x3e: {  	v1 =	vsel vm14, v1, v63;
	v0 =	vadd.s32 $0xFFF0BDC3, v0;
	vm15 =	vgt.s32 v3, $0xF423F  }
0x3f: {  	[tilespmem:s22+$0x1900] =	vst v1;
	v0 =	vsel vm15, v0, v3  }
0x40: {  	s0 =	simm.s32 $0x3200;
	s19 =	simm.s32 $0x0;
	[tilespmem:s1+$0x1900] =	vst v0  }
0x41: {  	[tilespmem:s0], [sflag:$0x1] =	stream.indirect.gather [hbm4b:s4+s15], $0x1, s19, s15, $0xb8;
	[tilespmem:$0x1A2C0] =	vst v63  }
0x42: {  	s1 =	simm.s32 $0x3390  }
0x43: {  	[tilespmem:s1], [sflag:$0x1] =	stream.indirect.gather [hbm4b:s8+s15], $0x1, s19, s15, $0xb8;
	[tilespmem:$0x1A2C0] =	vst v63  }
0x44: {  	s13 =	simm.s32 $0x3520  }
0x45: {  	[tilespmem:s13], [sflag:$0x1] =	stream.indirect.gather [hbm4b:s9+s15], $0x1, s19, s15, $0xb8;
	[tilespmem:$0x1A2C0] =	vst v63  }
0x46: {  	s24 =	simm.s32 $0x3B60;
	s23 =	simm.s32 $0x1900  }
0x47: {  	[tilespmem:s24], [sflag:$0x3] =	stream.indirect.gather [hbm4b:s5+s15], $0x1, s23, s15, $0xb8;
	[tilespmem:$0x1A2C0] =	vst v63  }
0x48: {  	s25 =	simm.s32 $0x3CF0  }
0x49: {  	[tilespmem:s25], [sflag:$0x3] =	stream.indirect.gather [hbm4b:s10+s15], $0x1, s23, s15, $0xb8;
	[tilespmem:$0x1A2C0] =	vst v63  }
0x4a: {  	s31 =	simm.s32 $0x3E80;
	s22 =	simm.s32 $0x1  }
0x4b: {  	[tilespmem:s31], [sflag:$0x3] =	stream.indirect.gather [hbm4b:s11+s15], $0x1, s23, s15, $0xb8;
	[tilespmem:$0x1A2C0] =	vst v63  }
0x4c: {  	_ =	swait.ge [sflag:s22], $0x190  }
0x4d: {  	[sflag:s22] =	ssyncset.done $0x0  }
0x4e: {  	[sflag:s22] =	ssyncadd.s32 $0xFFFFFE70  }
0x4f: {  	_ =	swait.ge [sflag:s22], $0x190  }
0x50: {  	[sflag:s22] =	ssyncset.done $0x0  }
0x51: {  	[sflag:s22] =	ssyncadd.s32 $0xFFFFFE70  }
0x52: {  	_ =	swait.ge [sflag:s22], $0x190  }
0x53: {  	[sflag:s22] =	ssyncset.done $0x0  }
0x54: {  	s23 =	simm.s32 $0x44C0;
	[sflag:s22] =	ssyncadd.s32 $0xFFFFFE70  }
0x55: {  	[tilespmem:s23], [sflag:$0x5] =	stream.indirect.gather [hbm4b:s6+s15], $0x20, s0, s15, $0xb8;
	[tilespmem:$0x1A2C0] =	vst v63  }
0x56: {  	s24 =	simm.s32 $0x76C0  }
0x57: {  	[tilespmem:s24], [sflag:$0x5] =	stream.indirect.gather [hbm4b:s6+s15], $0x20, s1, s15, $0xb8;
	[tilespmem:$0x1A2C0] =	vst v63  }
0x58: {  	s25 =	simm.s32 $0xA8C0  }
0x59: {  	[tilespmem:s25], [sflag:$0x5] =	stream.indirect.gather [hbm4b:s6+s15], $0x20, s13, s15, $0xb8;
	[tilespmem:$0x1A2C0] =	vst v63  }
0x5a: {  	s20 =	simm.s32 $0x36B0  }
0x5b: {  	[tilespmem:s20], [sflag:$0x2] =	stream.indirect.gather [hbm4b:s4+s15], $0x1, s15, s15, $0xb8;
	[tilespmem:$0x1A2C0] =	vst v63  }
0x5c: {  	s22 =	simm.s32 $0x3840  }
0x5d: {  	[tilespmem:s22], [sflag:$0x2] =	stream.indirect.gather [hbm4b:s8+s15], $0x1, s15, s15, $0xb8;
	[tilespmem:$0x1A2C0] =	vst v63  }
0x5e: {  	_ = 	snop  }
0x5f: {  	[tilespmem:s30], [sflag:$0x2] =	stream.indirect.gather [hbm4b:s9+s15], $0x1, s15, s15, $0xb8;
	[tilespmem:$0x1A2C0] =	vst v63  }
0x60: {  	s31 =	simm.s32 $0x1A90;
	s24 =	simm.s32 $0x4010  }
0x61: {  	[tilespmem:s24], [sflag:$0x4] =	stream.indirect.gather [hbm4b:s5+s15], $0x1, s31, s15, $0xb8;
	[tilespmem:$0x1A2C0] =	vst v63  }
0x62: {  	s25 =	simm.s32 $0x41A0  }
0x63: {  	[tilespmem:s25], [sflag:$0x4] =	stream.indirect.gather [hbm4b:s10+s15], $0x1, s31, s15, $0xb8;
	[tilespmem:$0x1A2C0] =	vst v63  }
0x64: {  	s28 =	simm.s32 $0x4330;
	s29 =	simm.s32 $0xDAC0  }
0x65: {  	[tilespmem:s28], [sflag:$0x4] =	stream.indirect.gather [hbm4b:s11+s15], $0x1, s31, s15, $0xb8;
	[tilespmem:$0x1A2C0] =	vst v63  }
.LBB2_4:
0x66: {  	_ =	swait.ge [sflag:s21], $0x190  }
0x67: {  	[sflag:s21] =	ssyncset.done $0x0  }
0x68: {  	[sflag:s21] =	ssyncadd.s32 $0xFFFFFE70  }
0x69: {  	_ =	swait.ge [sflag:s21], $0x190  }
0x6a: {  	[sflag:s21] =	ssyncset.done $0x0  }
0x6b: {  	[sflag:s21] =	ssyncadd.s32 $0xFFFFFE70  }
0x6c: {  	_ =	swait.ge [sflag:s21], $0x190  }
0x6d: {  	[sflag:s21] =	ssyncset.done $0x0  }
0x6e: {  	[sflag:s21] =	ssyncadd.s32 $0xFFFFFE70  }
0x6f: {  	[tilespmem:s29], [sflag:$0x6] =	stream.indirect.gather [hbm4b:s6+s15], $0x20, s20, s15, $0xb8;
	[tilespmem:$0x1A2C0] =	vst v63  }
0x70: {  	s0 =	simm.s32 $0x10CC0  }
0x71: {  	[tilespmem:s0], [sflag:$0x6] =	stream.indirect.gather [hbm4b:s6+s15], $0x20, s22, s15, $0xb8;
	[tilespmem:$0x1A2C0] =	vst v63  }
0x72: {  	s23 =	simm.s32 $0x13EC0  }
0x73: {  	[tilespmem:s23], [sflag:$0x6] =	stream.indirect.gather [hbm4b:s6+s15], $0x20, s30, s15, $0xb8;
	[tilespmem:$0x1A2C0] =	vst v63  }
0x74: {  	_ =	swait.ge [sflag:s26], $0x3200  }
0x75: {  	[sflag:s26] =	ssyncset.done $0x0  }
0x76: {  	[sflag:s26] =	ssyncadd.s32 $0xFFFFCE00  }
0x77: {  	_ =	swait.ge [sflag:s26], $0x3200  }
0x78: {  	[sflag:s26] =	ssyncset.done $0x0  }
0x79: {  	[sflag:s26] =	ssyncadd.s32 $0xFFFFCE00  }
0x7a: {  	_ =	swait.ge [sflag:s26], $0x3200  }
0x7b: {  	[sflag:s26] =	ssyncset.done $0x0  }
0x7c: {  	[sflag:s26] =	ssyncadd.s32 $0xFFFFCE00  }
0x7d: {  	_ =	swait.ge [sflag:s16], $0x190  }
0x7e: {  	[sflag:s16] =	ssyncset.done $0x0  }
0x7f: {  	[sflag:s16] =	ssyncadd.s32 $0xFFFFFE70  }
0x80: {  	_ =	swait.ge [sflag:s16], $0x190  }
0x81: {  	s31 =	sshll.u32 s19, $0x1;
	[sflag:s16] =	ssyncset.done $0x0  }
0x82: {  	p0 =	seq.s32 s19, $0x7;
	s0 =	sadd.s32 $0x2, s31;
	[sflag:s16] =	ssyncadd.s32 $0xFFFFFE70  }
0x83: {  	s0 =	smul.u32 @!p0 $0x640, s0;
	_ =	swait.ge [sflag:s16], $0x190  }
0x84: {  	s1 =	simm.s32 @!p0 $0x3200;
	[sflag:s16] =	ssyncset.done $0x0  }
0x85: {  	s13 =	sshra.s32 @!p0 s0, $0x2;
	s0 =	simm.s32 @!p0 $0x190;
	[sflag:s16] =	ssyncadd.s32 $0xFFFFFE70  }
0x86: {  	[tilespmem:s1], [sflag:$0x1] =	stream.indirect.gather @!p0 [hbm4b:s4+s0], $0x1, s13, s0, $0xb8;
	[tilespmem:$0x1A2C0] =	vst v63  }
0x87: {  	s1 =	simm.s32 @!p0 $0x3390  }
0x88: {  	[tilespmem:s1], [sflag:$0x1] =	stream.indirect.gather @!p0 [hbm4b:s8+s0], $0x1, s13, s0, $0xb8;
	[tilespmem:$0x1A2C0] =	vst v63  }
0x89: {  	s1 =	simm.s32 @!p0 $0x3520  }
0x8a: {  	[tilespmem:s1], [sflag:$0x1] =	stream.indirect.gather @!p0 [hbm4b:s9+s0], $0x1, s13, s0, $0xb8;
	[tilespmem:$0x1A2C0] =	vst v63  }
0x8b: {  	s23 =	simm.s32 $0x3CF0;
	s1 =	simm.s32 $0x0  }
.LBB2_5:
0x8c: {  	v2 =	vld [tilespmem:s23+$0xFFFFFE70]  }
0x8d: {  	v1 =	vld [tilespmem:s23+$0x0]  }
0x8e: {  	v0 =	vld [tilespmem:s23+$0x190];
	s0 =	sshra.s32 s1, $0x2  }
0x8f: {  	v3 =	vld [tilespmem:s0+$0x44C0]  }
0x90: {  	v4 =	vld [tilespmem:s0+$0x76C0]  }
0x91: {  	v5 =	vld [tilespmem:s0+$0xA8C0]  }
0x92: {  	v6 =	vld [tilespmem:s0+$0x44D0]  }
0x93: {  	v7 =	vld [tilespmem:s0+$0x76D0]  }
0x94: {  	v8 =	vld [tilespmem:s0+$0xA8D0]  }
0x95: {  	v9 =	vld [tilespmem:s0+$0x44E0]  }
0x96: {  	v10 =	vld [tilespmem:s0+$0x76E0]  }
0x97: {  	v11 =	vld [tilespmem:s0+$0xA8E0]  }
0x98: {  	v12 =	vld [tilespmem:s0+$0x44F0]  }
0x99: {  	v13 =	vld [tilespmem:s0+$0x76F0]  }
0x9a: {  	v14 =	vld [tilespmem:s0+$0xA8F0]  }
0x9b: {  	v15 =	vld [tilespmem:s0+$0x4500]  }
0x9c: {  	v16 =	vld [tilespmem:s0+$0x7700]  }
0x9d: {  	v17 =	vld [tilespmem:s0+$0xA900]  }
0x9e: {  	v18 =	vld [tilespmem:s0+$0x4510]  }
0x9f: {  	v19 =	vld [tilespmem:s0+$0x7710]  }
0xa0: {  	v20 =	vld [tilespmem:s0+$0xA910]  }
0xa1: {  	v21 =	vld [tilespmem:s0+$0x4520]  }
0xa2: {  	v22 =	vld [tilespmem:s0+$0x7720]  }
0xa3: {  	v23 =	vld [tilespmem:s0+$0xA920]  }
0xa4: {  	v24 =	vld [tilespmem:s0+$0x4530]  }
0xa5: {  	v25 =	vld [tilespmem:s0+$0x7730]  }
0xa6: {  	v26 =	vld [tilespmem:s0+$0xA930]  }
0xa7: {  	v27 =	vld [tilespmem:s0+$0x4540]  }
0xa8: {  	v28 =	vld [tilespmem:s0+$0x7740];
	v30 =	vbroadcast v2, $0x0;
	v32 =	vbroadcast v1, $0x0  }
0xa9: {  	v29 =	vld [tilespmem:s0+$0xA940];
	v33 =	vbroadcast v0, $0x0;
	v57 =	vbroadcast v2, $0x1  }
0xaa: {  	v31 =	vld [tilespmem:s0+$0x4550];
	v37 =	vbroadcast v1, $0x1;
	v58 =	vbroadcast v0, $0x1  }
0xab: {  	v34 =	vld [tilespmem:s0+$0x7750];
	v59 =	vbroadcast v2, $0x2;
	v42 =	vbroadcast v1, $0x2  }
0xac: {  	v35 =	vld [tilespmem:s0+$0xA950];
	v43 =	vbroadcast v0, $0x2;
	v60 =	vbroadcast v2, $0x3  }
0xad: {  	v36 =	vld [tilespmem:s0+$0x4560];
	v61 =	vbroadcast v1, $0x3;
	v62 =	vbroadcast v0, $0x3  }
0xae: {  	v38 =	vld [tilespmem:s0+$0xA960];
	v50 =	vbroadcast v2, $0x4;
	v51 =	vbroadcast v1, $0x4  }
0xaf: {  	v39 =	vld [tilespmem:s0+$0x4570];
	v52 =	vbroadcast v0, $0x4;
	v3 =	vmul.f32 v3, v30  }
0xb0: {  	v40 =	vld [tilespmem:s0+$0x7770];
	v4 =	vmul.f32 v4, v32;
	v5 =	vmul.f32 v5, v33  }
0xb1: {  	v41 =	vld [tilespmem:s0+$0x4580];
	v6 =	vmul.f32 v6, v30;
	v7 =	vmul.f32 v7, v32  }
0xb2: {  	v44 =	vld [tilespmem:s0+$0x7780];
	v8 =	vmul.f32 v8, v33;
	v9 =	vmul.f32 v9, v57  }
0xb3: {  	v45 =	vld [tilespmem:s0+$0x4590];
	v10 =	vmul.f32 v10, v37;
	v11 =	vmul.f32 v11, v58  }
0xb4: {  	v46 =	vld [tilespmem:s0+$0xA990];
	v12 =	vmul.f32 v12, v57;
	v13 =	vmul.f32 v13, v37  }
0xb5: {  	v47 =	vld [tilespmem:s0+$0x77B0];
	v14 =	vmul.f32 v14, v58;
	v15 =	vmul.f32 v15, v59  }
0xb6: {  	v30 =	vld [tilespmem:s0+$0x7760];
	v16 =	vmul.f32 v16, v42;
	v17 =	vmul.f32 v17, v43  }
0xb7: {  	v32 =	vld [tilespmem:s0+$0xA970];
	v18 =	vmul.f32 v18, v59;
	v19 =	vmul.f32 v19, v42  }
0xb8: {  	v33 =	vld [tilespmem:s0+$0xA980];
	v63 =	vmul.f32 v21, v60;
	v48 =	vmul.f32 v22, v61  }
0xb9: {  	v37 =	vld [tilespmem:s0+$0x7790];
	v49 =	vmul.f32 v25, v61;
	v53 =	vmul.f32 v26, v62  }
0xba: {  	v22 =	vld [tilespmem:s0+$0x77A0];
	v54 =	vmul.f32 v27, v50;
	v55 =	vmul.f32 v28, v51  }
0xbb: {  	v25 =	vld [tilespmem:s0+$0x45B0];
	v56 =	vmul.f32 v29, v52;
	v57 =	vmul.f32 v31, v50  }
0xbc: {  	v26 =	vld [tilespmem:s0+$0xA9B0];
	v58 =	vbroadcast v2, $0x5;
	v59 =	vbroadcast v1, $0x5  }
0xbd: {  	v28 =	vld [tilespmem:s0+$0x45C0];
	v61 =	vbroadcast v0, $0x5;
	v50 =	vbroadcast v1, $0x6;
	v3 =	vadd.f32 v4, v3  }
0xbe: {  	v31 =	vld [tilespmem:s0+$0xA9C0];
	v6 =	vadd.f32 v7, v6;
	v7 =	vmul.f32 v20, v43;
	v4 =	vmul.f32 v24, v60  }
0xbf: {  	v42 =	vld [tilespmem:s0+$0x77E0];
	v9 =	vadd.f32 v10, v9;
	v12 =	vadd.f32 v13, v12;
	v13 =	vmul.f32 v34, v51  }
0xc0: {  	v29 =	vld [tilespmem:s0+$0x77F0];
	v18 =	vadd.f32 v19, v18;
	v60 =	vmul.f32 v35, v52;
	v19 =	vmul.f32 v39, v58  }
0xc1: {  	v43 =	vld [tilespmem:s0+$0x45A0];
	v51 =	vbroadcast v0, $0x6;
	v3 =	vadd.f32 v5, v3;
	v6 =	vadd.f32 v8, v6  }
0xc2: {  	v24 =	vld [tilespmem:s0+$0x77C0];
	v8 =	vmul.f32 v23, v62;
	v12 =	vadd.f32 v14, v12;
	v62 =	vmul.f32 v36, v58  }
0xc3: {  	v35 =	vld [tilespmem:s0+$0x45D0];
	v5 =	vadd.f32 v48, v63;
	v63 =	vmul.f32 v38, v61;
	v4 =	vadd.f32 v49, v4  }
0xc4: {  	v39 =	vld [tilespmem:s0+$0x45E0];
	v48 =	vmul.f32 v40, v59;
	v49 =	vbroadcast v2, $0x6;
	v14 =	vadd.f32 v55, v54  }
0xc5: {  	v34 =	vld [tilespmem:s0+$0xA9E0];
	v54 =	vmul.f32 v44, v50;
	v13 =	vadd.f32 v13, v57;
	v57 =	vbroadcast v1, $0x7  }
0xc6: {  	v15 =	vadd.f32 v16, v15;
	v23 =	vld [tilespmem:s0+$0xA9A0];
	v58 =	vmul.f32 v46, v51;
	v30 =	vmul.f32 v30, v59  }
0xc7: {  	v7 =	vadd.f32 v7, v18;
	v36 =	vld [tilespmem:s0+$0x77D0];
	v52 =	vmul.f32 v32, v61;
	v33 =	vmul.f32 v33, v51  }
0xc8: {  	v38 =	vld [tilespmem:s0+$0xA9D0];
	v59 =	vbroadcast v0, $0x7;
	v4 =	vadd.f32 v53, v4;
	v53 =	vmul.f32 v41, v49  }
0xc9: {  	v44 =	vld [tilespmem:s0+$0xA9F0];
	v5 =	vadd.f32 v8, v5;
	v55 =	vmul.f32 v45, v49;
	v8 =	vmul.f32 v37, v50  }
0xca: {  	v40 =	vld [tilespmem:s0+$0x4630];
	v14 =	vadd.f32 v56, v14;
	v56 =	vbroadcast v2, $0x7;
	v22 =	vmul.f32 v22, v57  }
0xcb: {  	v32 =	vld [tilespmem:s0+$0xAA10];
	v10 =	vadd.f32 v48, v19;
	v48 =	vbroadcast v2, $0x8;
	v49 =	vbroadcast v1, $0x8  }
0xcc: {  	v41 =	vld [tilespmem:s0+$0x45F0];
	v13 =	vadd.f32 v60, v13;
	v50 =	vbroadcast v0, $0x8;
	v26 =	vmul.f32 v26, v59  }
0xcd: {  	v45 =	vld [tilespmem:s0+$0x4600];
	v18 =	vadd.f32 v30, v62;
	v60 =	vmul.f32 v43, v56;
	v62 =	vmul.f32 v25, v56  }
0xce: {  	v9 =	vadd.f32 v11, v9;
	v37 =	vld [tilespmem:s0+$0x4610];
	v28 =	vmul.f32 v28, v48;
	v51 =	vmul.f32 v24, v49  }
0xcf: {  	v43 =	vld [tilespmem:s0+$0x7800];
	v10 =	vadd.f32 v52, v10;
	v52 =	vmul.f32 v31, v50;
	v27 =	vmul.f32 v35, v48  }
0xd0: {  	v25 =	vld [tilespmem:s0+$0xAA00];
	v20 =	vadd.f32 v54, v53;
	v53 =	vbroadcast v2, $0x9;
	v54 =	vbroadcast v1, $0x9  }
0xd1: {  	v8 =	vadd.f32 v8, v55;
	v31 =	vld [tilespmem:s0+$0x4620];
	v56 =	vbroadcast v0, $0x9;
	v61 =	vmul.f32 v23, v59  }
0xd2: {  	v35 =	vld [tilespmem:s0+$0x4640];
	v18 =	vadd.f32 v63, v18;
	v63 =	vmul.f32 v47, v57;
	v11 =	vmul.f32 v36, v49  }
0xd3: {  	v15 =	vadd.f32 v17, v15;
	v47 =	vld [tilespmem:s0+$0x7810];
	v55 =	vmul.f32 v38, v50;
	v57 =	vmul.f32 v39, v53  }
0xd4: {  	v36 =	vld [tilespmem:s0+$0xAA20];
	v8 =	vadd.f32 v58, v8;
	v58 =	vmul.f32 v42, v54;
	v59 =	vmul.f32 v29, v54  }
0xd5: {  	v38 =	vld [tilespmem:s0+$0xAA40];
	v22 =	vadd.f32 v22, v60;
	v60 =	vbroadcast v2, $0xA;
	v48 =	vmul.f32 v44, v56  }
0xd6: {  	v20 =	vadd.f32 v33, v20;
	v33 =	vld [tilespmem:s0+$0x7820];
	v44 =	vbroadcast v0, $0xC;
	v17 =	vmul.f32 v41, v53  }
0xd7: {  	v42 =	vld [tilespmem:s0+$0x7830];
	v21 =	vadd.f32 v63, v62;
	v62 =	vbroadcast v1, $0xA;
	v63 =	vbroadcast v0, $0xA  }
0xd8: {  	[tilespmem:s0+$0x170C0] =	vst v3;
	v41 =	vld [tilespmem:s0+$0x7840];
	v46 =	vadd.f32 v11, v27;
	v19 =	vadd.f32 v61, v22;
	v22 =	vmul.f32 v34, v56  }
0xd9: {  	[tilespmem:s0+$0x170D0] =	vst v6;
	v53 =	vld [tilespmem:s0+$0x7850];
	v61 =	vadd.f32 v51, v28;
	v49 =	vmul.f32 v45, v60;
	v56 =	vbroadcast v1, $0xB  }
0xda: {  	[tilespmem:s0+$0x170E0] =	vst v9;
	v34 =	vld [tilespmem:s0+$0xAA30];
	v54 =	vadd.f32 v58, v57;
	v50 =	vmul.f32 v43, v62;
	v51 =	vmul.f32 v25, v63  }
0xdb: {  	[tilespmem:s0+$0x170F0] =	vst v12;
	v28 =	vld [tilespmem:s0+$0x4660];
	v6 =	vadd.f32 v55, v46;
	v55 =	vbroadcast v2, $0xB;
	v58 =	vmul.f32 v32, v63  }
0xdc: {  	[tilespmem:s0+$0x17100] =	vst v15;
	v45 =	vld [tilespmem:s0+$0x7870];
	v57 =	vadd.f32 v59, v17;
	v59 =	vbroadcast v0, $0xB;
	v43 =	vbroadcast v1, $0xC  }
0xdd: {  	[tilespmem:s0+$0x17110] =	vst v7;
	v25 =	vld [tilespmem:s0+$0x4650];
	v3 =	vadd.f32 v52, v61;
	v52 =	vmul.f32 v37, v60;
	v16 =	vmul.f32 v47, v62  }
0xde: {  	[tilespmem:s0+$0x17120] =	vst v5;
	v37 =	vld [tilespmem:s0+$0xAA50];
	v60 =	vmul.f32 v31, v55;
	v61 =	vmul.f32 v33, v56  }
0xdf: {  	[tilespmem:s0+$0x17130] =	vst v4;
	v21 =	vadd.f32 v26, v21;
	v31 =	vld [tilespmem:s0+$0x7860];
	v62 =	vmul.f32 v36, v59;
	v63 =	vmul.f32 v40, v55  }
0xe0: {  	[tilespmem:s0+$0x17140] =	vst v14;
	v5 =	vadd.f32 v22, v54;
	v36 =	vld [tilespmem:s0+$0xAA60];
	v39 =	vmul.f32 v42, v56;
	v40 =	vbroadcast v2, $0xC  }
0xe1: {  	[tilespmem:s0+$0x17150] =	vst v13;
	v9 =	vadd.f32 v50, v49;
	v42 =	vld [tilespmem:s0+$0x4670];
	v50 =	vmul.f32 v38, v44;
	v55 =	vbroadcast v2, $0xD  }
0xe2: {  	[tilespmem:s0+$0x17170] =	vst v10;
	v4 =	vadd.f32 v48, v57;
	v48 =	vld [tilespmem:s0+$0xAA70];
	v56 =	vbroadcast v1, $0xD;
	v38 =	vbroadcast v2, $0xE  }
0xe3: {  	[tilespmem:s0+$0x17160] =	vst v18;
	v57 =	vld [tilespmem:s0+$0xAA80];
	v2 =	vbroadcast v2, $0xF;
	v12 =	vadd.f32 v16, v52;
	v49 =	vmul.f32 v41, v43  }
0xe4: {  	[tilespmem:s0+$0x17180] =	vst v20;
	v13 =	vmul.f32 v53, v43;
	v53 =	vld [tilespmem:s0+$0x7880];
	v41 =	vbroadcast v0, $0xE;
	v9 =	vadd.f32 v51, v9  }
0xe5: {  	[tilespmem:s0+$0x17190] =	vst v8;
	v46 =	vmul.f32 v34, v59;
	v47 =	vmul.f32 v35, v40;
	v51 =	vld [tilespmem:s0+$0x4680];
	v15 =	vadd.f32 v61, v60  }
0xe6: {  	[tilespmem:s0+$0x171A0] =	vst v19;
	v54 =	vadd.f32 v39, v63;
	v59 =	vbroadcast v0, $0xD;
	v60 =	vld [tilespmem:s0+$0x4690];
	v61 =	vmul.f32 v28, v55  }
0xe7: {  	[tilespmem:s0+$0x171B0] =	vst v21;
	v63 =	vld [tilespmem:s0+$0x7890];
	v0 =	vbroadcast v0, $0xF;
	v10 =	vadd.f32 v58, v12;
	v52 =	vmul.f32 v25, v40  }
0xe8: {  	[tilespmem:s0+$0x171D0] =	vst v6;
	v35 =	vld [tilespmem:s0+$0xAA90];
	v40 =	vbroadcast v1, $0xE;
	v1 =	vbroadcast v1, $0xF;
	v7 =	vadd.f32 v62, v15  }
0xe9: {  	[tilespmem:s0+$0x171C0] =	vst v3;
	v39 =	vld [tilespmem:s0+$0x46A0];
	v58 =	vmul.f32 v37, v44;
	v8 =	vadd.f32 v46, v54;
	v37 =	vmul.f32 v45, v56  }
0xea: {  	[tilespmem:s0+$0x171E0] =	vst v5;
	v46 =	vld [tilespmem:s0+$0x46B0];
	v62 =	vmul.f32 v31, v56;
	v31 =	vadd.f32 v49, v47;
	v34 =	vmul.f32 v36, v59  }
0xeb: {  	[tilespmem:s0+$0x171F0] =	vst v4;
	v11 =	vmul.f32 v42, v55;
	v36 =	vadd.f32 v13, v52;
	v42 =	vld [tilespmem:s0+$0x78A0];
	v44 =	vmul.f32 v48, v59  }
0xec: {  	[tilespmem:s0+$0x17200] =	vst v9;
	v49 =	vmul.f32 v57, v41;
	v48 =	vmul.f32 v53, v40;
	v3 =	vadd.f32 v50, v31;
	v50 =	vld [tilespmem:s0+$0x78B0]  }
0xed: {  	[tilespmem:s0+$0x17210] =	vst v10;
	v53 =	vld [tilespmem:s0+$0xAAA0];
	v43 =	vadd.f32 v58, v36;
	v45 =	vmul.f32 v51, v38;
	v47 =	vadd.f32 v62, v61  }
0xee: {  	v55 =	vld [tilespmem:s0+$0xAAB0];
	[tilespmem:s0+$0x17220] =	vst v7;
	v51 =	vadd.f32 v37, v11;
	v52 =	vmul.f32 v60, v38;
	v5 =	vmul.f32 v63, v40  }
0xef: {  	[tilespmem:s0+$0x17230] =	vst v8;
	v56 =	vmul.f32 v35, v41;
	v57 =	vmul.f32 v39, v2;
	v54 =	vadd.f32 v34, v47  }
0xf0: {  	v6 =	vadd.f32 v44, v51;
	[tilespmem:s0+$0x17240] =	vst v3;
	v58 =	vadd.f32 v48, v45;
	v59 =	vmul.f32 v42, v1  }
0xf1: {  	[tilespmem:s0+$0x17250] =	vst v43;
	v60 =	vadd.f32 v5, v52;
	v2 =	vmul.f32 v46, v2;
	v1 =	vmul.f32 v50, v1  }
0xf2: {  	p1 =	sne.s32 s1, $0xC000;
	[tilespmem:s0+$0x17260] =	vst v54;
	v3 =	vadd.f32 v49, v58;
	v62 =	vmul.f32 v53, v0;
	v61 =	vadd.f32 v59, v57  }
.Ltmp3:
0xf3: {  	[tilespmem:s0+$0x17270] =	vst v6;
	v4 =	vadd.f32 v56, v60;
	v0 =	vmul.f32 v55, v0;
	v1 =	vadd.f32 v1, v2;
	(pc) =	sbr.rel @p1 .LBB2_5-.Ltmp3, $4  }
0xf4: {  	[tilespmem:s0+$0x17280] =	vst v3;
	v63 =	vadd.f32 v62, v61  }
0xf5: {  	[tilespmem:s0+$0x17290] =	vst v4;
	v0 =	vadd.f32 v0, v1  }
0xf6: {  	[tilespmem:s0+$0x172A0] =	vst v63  }
0xf7: {  	s23 =	sadd.s32 $0x10, s23;
	s1 =	sadd.s32 $0x800, s1;
	[tilespmem:s0+$0x172B0] =	vst v0  }
0xf8: {  	s23 =	sshll.u32 s19, $0x4  }
0xf9: {  	s0 =	sadd.s32 s12, s23  }
0xfa: {  	s0 =	smul.u32 $0xC8, s0;
	_ =	sdelay $0x1  }
0xfb: {  	s0 =	sadd.s32 s2, s0  }
0xfc: {  	[hbm4b:s0+s3] =	stream.linear.scatter [tilespmem:s17], [sflag:$0x7], $0x3200, $0x38;
	[tilespmem:$0x1A2C0] =	vst v63  }
0xfd: {  	_ =	swait.ge [sflag:s14], $0x3200  }
0xfe: {  	s1 =	simm.s32 @!p0 $0x190;
	[sflag:s14] =	ssyncset.done $0x0  }
0xff: {  	s0 =	sadd.s32 @!p0 $0x1900, s13;
	s13 =	simm.s32 @!p0 $0x3B60;
	[sflag:s14] =	ssyncadd.s32 $0xFFFFCE00  }
0x100: {  	[tilespmem:s13], [sflag:$0x3] =	stream.indirect.gather @!p0 [hbm4b:s5+s1], $0x1, s0, s1, $0xb8;
	[tilespmem:$0x1A2C0] =	vst v63  }
0x101: {  	s13 =	simm.s32 @!p0 $0x3CF0  }
0x102: {  	[tilespmem:s13], [sflag:$0x3] =	stream.indirect.gather @!p0 [hbm4b:s10+s1], $0x1, s0, s1, $0xb8;
	[tilespmem:$0x1A2C0] =	vst v63  }
0x103: {  	s13 =	simm.s32 @!p0 $0x3E80  }
0x104: {  	[tilespmem:s13], [sflag:$0x3] =	stream.indirect.gather @!p0 [hbm4b:s11+s1], $0x1, s0, s1, $0xb8;
	[tilespmem:$0x1A2C0] =	vst v63  }
0x105: {  	s0 =	simm.s32 @!p0 $0x1  }
0x106: {  	_ =	swait.ge @!p0 [sflag:s0], $0x190  }
0x107: {  	[sflag:s0] =	ssyncset.done @!p0 $0x0  }
0x108: {  	[sflag:s0] =	ssyncadd.s32 @!p0 $0xFFFFFE70  }
0x109: {  	_ =	swait.ge @!p0 [sflag:s0], $0x190  }
0x10a: {  	[sflag:s0] =	ssyncset.done @!p0 $0x0  }
0x10b: {  	[sflag:s0] =	ssyncadd.s32 @!p0 $0xFFFFFE70  }
0x10c: {  	_ =	swait.ge @!p0 [sflag:s0], $0x190  }
0x10d: {  	[sflag:s0] =	ssyncset.done @!p0 $0x0  }
0x10e: {  	s13 =	simm.s32 @!p0 $0x44C0;
	[sflag:s0] =	ssyncadd.s32 @!p0 $0xFFFFFE70;
	s0 =	simm.s32 @!p0 $0x3200  }
0x10f: {  	[tilespmem:s13], [sflag:$0x5] =	stream.indirect.gather @!p0 [hbm4b:s6+s1], $0x20, s0, s1, $0xb8;
	[tilespmem:$0x1A2C0] =	vst v63  }
0x110: {  	s0 =	simm.s32 @!p0 $0x3390;
	s13 =	simm.s32 @!p0 $0x76C0  }
0x111: {  	[tilespmem:s13], [sflag:$0x5] =	stream.indirect.gather @!p0 [hbm4b:s6+s1], $0x20, s0, s1, $0xb8;
	[tilespmem:$0x1A2C0] =	vst v63  }
0x112: {  	s0 =	simm.s32 @!p0 $0x3520;
	s13 =	simm.s32 @!p0 $0xA8C0  }
0x113: {  	[tilespmem:s13], [sflag:$0x5] =	stream.indirect.gather @!p0 [hbm4b:s6+s1], $0x20, s0, s1, $0xb8;
	[tilespmem:$0x1A2C0] =	vst v63  }
0x114: {  	_ =	swait.ge [sflag:s18], $0x3200  }
0x115: {  	[sflag:s18] =	ssyncset.done $0x0  }
0x116: {  	[sflag:s18] =	ssyncadd.s32 $0xFFFFCE00  }
0x117: {  	_ =	swait.ge [sflag:s18], $0x3200  }
0x118: {  	[sflag:s18] =	ssyncset.done $0x0  }
0x119: {  	[sflag:s18] =	ssyncadd.s32 $0xFFFFCE00  }
0x11a: {  	_ =	swait.ge [sflag:s18], $0x3200  }
0x11b: {  	[sflag:s18] =	ssyncset.done $0x0  }
0x11c: {  	[sflag:s18] =	ssyncadd.s32 $0xFFFFCE00  }
0x11d: {  	_ =	swait.ge [sflag:s7], $0x190  }
0x11e: {  	[sflag:s7] =	ssyncset.done $0x0  }
0x11f: {  	[sflag:s7] =	ssyncadd.s32 $0xFFFFFE70  }
0x120: {  	_ =	swait.ge [sflag:s7], $0x190  }
0x121: {  	[sflag:s7] =	ssyncset.done $0x0  }
0x122: {  	s31 =	sadd.s32 $0x3, s31;
	[sflag:s7] =	ssyncadd.s32 $0xFFFFFE70  }
0x123: {  	s0 =	smul.u32 @!p0 $0x640, s31;
	_ =	swait.ge [sflag:s7], $0x190  }
0x124: {  	[sflag:s7] =	ssyncset.done $0x0  }
0x125: {  	s13 =	simm.s32 @!p0 $0x36B0;
	s0 =	sshra.s32 @!p0 s0, $0x2;
	[sflag:s7] =	ssyncadd.s32 $0xFFFFFE70  }
0x126: {  	[tilespmem:s13], [sflag:$0x2] =	stream.indirect.gather @!p0 [hbm4b:s4+s1], $0x1, s0, s1, $0xb8;
	[tilespmem:$0x1A2C0] =	vst v63  }
0x127: {  	s13 =	simm.s32 @!p0 $0x3840  }
0x128: {  	[tilespmem:s13], [sflag:$0x2] =	stream.indirect.gather @!p0 [hbm4b:s8+s1], $0x1, s0, s1, $0xb8;
	[tilespmem:$0x1A2C0] =	vst v63  }
0x129: {  	s13 =	simm.s32 @!p0 $0x39D0  }
0x12a: {  	[tilespmem:s13], [sflag:$0x2] =	stream.indirect.gather @!p0 [hbm4b:s9+s1], $0x1, s0, s1, $0xb8;
	[tilespmem:$0x1A2C0] =	vst v63  }
0x12b: {  	s13 =	simm.s32 $0x0;
	s1 =	simm.s32 $0x4330  }
.LBB2_7:
0x12c: {  	v2 =	vld [tilespmem:s1+$0xFFFFFCE0]  }
0x12d: {  	v1 =	vld [tilespmem:s1+$0xFFFFFE70]  }
0x12e: {  	v0 =	vld [tilespmem:s1+$0x0];
	s0 =	sshra.s32 s13, $0x2  }
0x12f: {  	v3 =	vld [tilespmem:s0+$0xDAC0]  }
0x130: {  	v4 =	vld [tilespmem:s0+$0x10CC0]  }
0x131: {  	v5 =	vld [tilespmem:s0+$0x13EC0]  }
0x132: {  	v6 =	vld [tilespmem:s0+$0xDAD0]  }
0x133: {  	v7 =	vld [tilespmem:s0+$0x10CD0]  }
0x134: {  	v8 =	vld [tilespmem:s0+$0x13ED0]  }
0x135: {  	v9 =	vld [tilespmem:s0+$0xDAE0]  }
0x136: {  	v10 =	vld [tilespmem:s0+$0x10CE0]  }
0x137: {  	v11 =	vld [tilespmem:s0+$0x13EE0]  }
0x138: {  	v12 =	vld [tilespmem:s0+$0xDAF0]  }
0x139: {  	v13 =	vld [tilespmem:s0+$0x10CF0]  }
0x13a: {  	v14 =	vld [tilespmem:s0+$0x13EF0]  }
0x13b: {  	v15 =	vld [tilespmem:s0+$0xDB00]  }
0x13c: {  	v16 =	vld [tilespmem:s0+$0x10D00]  }
0x13d: {  	v17 =	vld [tilespmem:s0+$0x13F00]  }
0x13e: {  	v18 =	vld [tilespmem:s0+$0xDB10]  }
0x13f: {  	v19 =	vld [tilespmem:s0+$0x10D10]  }
0x140: {  	v20 =	vld [tilespmem:s0+$0x13F10]  }
0x141: {  	v21 =	vld [tilespmem:s0+$0xDB20]  }
0x142: {  	v22 =	vld [tilespmem:s0+$0x10D20]  }
0x143: {  	v23 =	vld [tilespmem:s0+$0x13F20]  }
0x144: {  	v24 =	vld [tilespmem:s0+$0xDB30]  }
0x145: {  	v25 =	vld [tilespmem:s0+$0x10D30]  }
0x146: {  	v26 =	vld [tilespmem:s0+$0x13F30]  }
0x147: {  	v27 =	vld [tilespmem:s0+$0xDB40]  }
0x148: {  	v28 =	vld [tilespmem:s0+$0x10D40];
	v30 =	vbroadcast v2, $0x0;
	v32 =	vbroadcast v1, $0x0  }
0x149: {  	v29 =	vld [tilespmem:s0+$0x13F40];
	v33 =	vbroadcast v0, $0x0;
	v57 =	vbroadcast v2, $0x1  }
0x14a: {  	v31 =	vld [tilespmem:s0+$0xDB50];
	v37 =	vbroadcast v1, $0x1;
	v58 =	vbroadcast v0, $0x1  }
0x14b: {  	v34 =	vld [tilespmem:s0+$0x10D50];
	v59 =	vbroadcast v2, $0x2;
	v42 =	vbroadcast v1, $0x2  }
0x14c: {  	v35 =	vld [tilespmem:s0+$0x13F50];
	v43 =	vbroadcast v0, $0x2;
	v60 =	vbroadcast v2, $0x3  }
0x14d: {  	v36 =	vld [tilespmem:s0+$0xDB60];
	v61 =	vbroadcast v1, $0x3;
	v62 =	vbroadcast v0, $0x3  }
0x14e: {  	v38 =	vld [tilespmem:s0+$0x13F60];
	v50 =	vbroadcast v2, $0x4;
	v51 =	vbroadcast v1, $0x4  }
0x14f: {  	v39 =	vld [tilespmem:s0+$0xDB70];
	v52 =	vbroadcast v0, $0x4;
	v3 =	vmul.f32 v3, v30  }
0x150: {  	v40 =	vld [tilespmem:s0+$0x10D70];
	v4 =	vmul.f32 v4, v32;
	v5 =	vmul.f32 v5, v33  }
0x151: {  	v41 =	vld [tilespmem:s0+$0xDB80];
	v6 =	vmul.f32 v6, v30;
	v7 =	vmul.f32 v7, v32  }
0x152: {  	v44 =	vld [tilespmem:s0+$0x10D80];
	v8 =	vmul.f32 v8, v33;
	v9 =	vmul.f32 v9, v57  }
0x153: {  	v45 =	vld [tilespmem:s0+$0xDB90];
	v10 =	vmul.f32 v10, v37;
	v11 =	vmul.f32 v11, v58  }
0x154: {  	v46 =	vld [tilespmem:s0+$0x13F90];
	v12 =	vmul.f32 v12, v57;
	v13 =	vmul.f32 v13, v37  }
0x155: {  	v47 =	vld [tilespmem:s0+$0x10DB0];
	v14 =	vmul.f32 v14, v58;
	v15 =	vmul.f32 v15, v59  }
0x156: {  	v30 =	vld [tilespmem:s0+$0x10D60];
	v16 =	vmul.f32 v16, v42;
	v17 =	vmul.f32 v17, v43  }
0x157: {  	v32 =	vld [tilespmem:s0+$0x13F70];
	v18 =	vmul.f32 v18, v59;
	v19 =	vmul.f32 v19, v42  }
0x158: {  	v33 =	vld [tilespmem:s0+$0x13F80];
	v63 =	vmul.f32 v21, v60;
	v48 =	vmul.f32 v22, v61  }
0x159: {  	v37 =	vld [tilespmem:s0+$0x10D90];
	v49 =	vmul.f32 v25, v61;
	v53 =	vmul.f32 v26, v62  }
0x15a: {  	v22 =	vld [tilespmem:s0+$0x10DA0];
	v54 =	vmul.f32 v27, v50;
	v55 =	vmul.f32 v28, v51  }
0x15b: {  	v25 =	vld [tilespmem:s0+$0xDBB0];
	v56 =	vmul.f32 v29, v52;
	v57 =	vmul.f32 v31, v50  }
0x15c: {  	v26 =	vld [tilespmem:s0+$0x13FB0];
	v58 =	vbroadcast v2, $0x5;
	v59 =	vbroadcast v1, $0x5  }
0x15d: {  	v28 =	vld [tilespmem:s0+$0xDBC0];
	v61 =	vbroadcast v0, $0x5;
	v50 =	vbroadcast v1, $0x6;
	v3 =	vadd.f32 v4, v3  }
0x15e: {  	v31 =	vld [tilespmem:s0+$0x13FC0];
	v6 =	vadd.f32 v7, v6;
	v7 =	vmul.f32 v20, v43;
	v4 =	vmul.f32 v24, v60  }
0x15f: {  	v42 =	vld [tilespmem:s0+$0x10DE0];
	v9 =	vadd.f32 v10, v9;
	v12 =	vadd.f32 v13, v12;
	v13 =	vmul.f32 v34, v51  }
0x160: {  	v29 =	vld [tilespmem:s0+$0x10DF0];
	v18 =	vadd.f32 v19, v18;
	v60 =	vmul.f32 v35, v52;
	v19 =	vmul.f32 v39, v58  }
0x161: {  	v43 =	vld [tilespmem:s0+$0xDBA0];
	v51 =	vbroadcast v0, $0x6;
	v3 =	vadd.f32 v5, v3;
	v6 =	vadd.f32 v8, v6  }
0x162: {  	v24 =	vld [tilespmem:s0+$0x10DC0];
	v8 =	vmul.f32 v23, v62;
	v12 =	vadd.f32 v14, v12;
	v62 =	vmul.f32 v36, v58  }
0x163: {  	v35 =	vld [tilespmem:s0+$0xDBD0];
	v5 =	vadd.f32 v48, v63;
	v63 =	vmul.f32 v38, v61;
	v4 =	vadd.f32 v49, v4  }
0x164: {  	v39 =	vld [tilespmem:s0+$0xDBE0];
	v48 =	vmul.f32 v40, v59;
	v49 =	vbroadcast v2, $0x6;
	v14 =	vadd.f32 v55, v54  }
0x165: {  	v34 =	vld [tilespmem:s0+$0x13FE0];
	v54 =	vmul.f32 v44, v50;
	v13 =	vadd.f32 v13, v57;
	v57 =	vbroadcast v1, $0x7  }
0x166: {  	v15 =	vadd.f32 v16, v15;
	v23 =	vld [tilespmem:s0+$0x13FA0];
	v58 =	vmul.f32 v46, v51;
	v30 =	vmul.f32 v30, v59  }
0x167: {  	v7 =	vadd.f32 v7, v18;
	v36 =	vld [tilespmem:s0+$0x10DD0];
	v52 =	vmul.f32 v32, v61;
	v33 =	vmul.f32 v33, v51  }
0x168: {  	v38 =	vld [tilespmem:s0+$0x13FD0];
	v59 =	vbroadcast v0, $0x7;
	v4 =	vadd.f32 v53, v4;
	v53 =	vmul.f32 v41, v49  }
0x169: {  	v44 =	vld [tilespmem:s0+$0x13FF0];
	v5 =	vadd.f32 v8, v5;
	v55 =	vmul.f32 v45, v49;
	v8 =	vmul.f32 v37, v50  }
0x16a: {  	v40 =	vld [tilespmem:s0+$0xDC30];
	v14 =	vadd.f32 v56, v14;
	v56 =	vbroadcast v2, $0x7;
	v22 =	vmul.f32 v22, v57  }
0x16b: {  	v32 =	vld [tilespmem:s0+$0x14010];
	v10 =	vadd.f32 v48, v19;
	v48 =	vbroadcast v2, $0x8;
	v49 =	vbroadcast v1, $0x8  }
0x16c: {  	v41 =	vld [tilespmem:s0+$0xDBF0];
	v13 =	vadd.f32 v60, v13;
	v50 =	vbroadcast v0, $0x8;
	v26 =	vmul.f32 v26, v59  }
0x16d: {  	v45 =	vld [tilespmem:s0+$0xDC00];
	v18 =	vadd.f32 v30, v62;
	v60 =	vmul.f32 v43, v56;
	v62 =	vmul.f32 v25, v56  }
0x16e: {  	v9 =	vadd.f32 v11, v9;
	v37 =	vld [tilespmem:s0+$0xDC10];
	v28 =	vmul.f32 v28, v48;
	v51 =	vmul.f32 v24, v49  }
0x16f: {  	v43 =	vld [tilespmem:s0+$0x10E00];
	v10 =	vadd.f32 v52, v10;
	v52 =	vmul.f32 v31, v50;
	v27 =	vmul.f32 v35, v48  }
0x170: {  	v25 =	vld [tilespmem:s0+$0x14000];
	v20 =	vadd.f32 v54, v53;
	v53 =	vbroadcast v2, $0x9;
	v54 =	vbroadcast v1, $0x9  }
0x171: {  	v8 =	vadd.f32 v8, v55;
	v31 =	vld [tilespmem:s0+$0xDC20];
	v56 =	vbroadcast v0, $0x9;
	v61 =	vmul.f32 v23, v59  }
0x172: {  	v35 =	vld [tilespmem:s0+$0xDC40];
	v18 =	vadd.f32 v63, v18;
	v63 =	vmul.f32 v47, v57;
	v11 =	vmul.f32 v36, v49  }
0x173: {  	v15 =	vadd.f32 v17, v15;
	v47 =	vld [tilespmem:s0+$0x10E10];
	v55 =	vmul.f32 v38, v50;
	v57 =	vmul.f32 v39, v53  }
0x174: {  	v36 =	vld [tilespmem:s0+$0x14020];
	v8 =	vadd.f32 v58, v8;
	v58 =	vmul.f32 v42, v54;
	v59 =	vmul.f32 v29, v54  }
0x175: {  	v38 =	vld [tilespmem:s0+$0x14040];
	v22 =	vadd.f32 v22, v60;
	v60 =	vbroadcast v2, $0xA;
	v48 =	vmul.f32 v44, v56  }
0x176: {  	v20 =	vadd.f32 v33, v20;
	v33 =	vld [tilespmem:s0+$0x10E20];
	v44 =	vbroadcast v0, $0xC;
	v17 =	vmul.f32 v41, v53  }
0x177: {  	v42 =	vld [tilespmem:s0+$0x10E30];
	v21 =	vadd.f32 v63, v62;
	v62 =	vbroadcast v1, $0xA;
	v63 =	vbroadcast v0, $0xA  }
0x178: {  	[tilespmem:s0+$0x170C0] =	vst v3;
	v41 =	vld [tilespmem:s0+$0x10E40];
	v46 =	vadd.f32 v11, v27;
	v19 =	vadd.f32 v61, v22;
	v22 =	vmul.f32 v34, v56  }
0x179: {  	[tilespmem:s0+$0x170D0] =	vst v6;
	v53 =	vld [tilespmem:s0+$0x10E50];
	v61 =	vadd.f32 v51, v28;
	v49 =	vmul.f32 v45, v60;
	v56 =	vbroadcast v1, $0xB  }
0x17a: {  	[tilespmem:s0+$0x170E0] =	vst v9;
	v34 =	vld [tilespmem:s0+$0x14030];
	v54 =	vadd.f32 v58, v57;
	v50 =	vmul.f32 v43, v62;
	v51 =	vmul.f32 v25, v63  }
0x17b: {  	[tilespmem:s0+$0x170F0] =	vst v12;
	v28 =	vld [tilespmem:s0+$0xDC60];
	v6 =	vadd.f32 v55, v46;
	v55 =	vbroadcast v2, $0xB;
	v58 =	vmul.f32 v32, v63  }
0x17c: {  	[tilespmem:s0+$0x17100] =	vst v15;
	v45 =	vld [tilespmem:s0+$0x10E70];
	v57 =	vadd.f32 v59, v17;
	v59 =	vbroadcast v0, $0xB;
	v43 =	vbroadcast v1, $0xC  }
0x17d: {  	[tilespmem:s0+$0x17110] =	vst v7;
	v25 =	vld [tilespmem:s0+$0xDC50];
	v3 =	vadd.f32 v52, v61;
	v52 =	vmul.f32 v37, v60;
	v16 =	vmul.f32 v47, v62  }
0x17e: {  	[tilespmem:s0+$0x17120] =	vst v5;
	v37 =	vld [tilespmem:s0+$0x14050];
	v60 =	vmul.f32 v31, v55;
	v61 =	vmul.f32 v33, v56  }
0x17f: {  	[tilespmem:s0+$0x17130] =	vst v4;
	v21 =	vadd.f32 v26, v21;
	v31 =	vld [tilespmem:s0+$0x10E60];
	v62 =	vmul.f32 v36, v59;
	v63 =	vmul.f32 v40, v55  }
0x180: {  	[tilespmem:s0+$0x17140] =	vst v14;
	v5 =	vadd.f32 v22, v54;
	v36 =	vld [tilespmem:s0+$0x14060];
	v39 =	vmul.f32 v42, v56;
	v40 =	vbroadcast v2, $0xC  }
0x181: {  	[tilespmem:s0+$0x17150] =	vst v13;
	v9 =	vadd.f32 v50, v49;
	v42 =	vld [tilespmem:s0+$0xDC70];
	v50 =	vmul.f32 v38, v44;
	v55 =	vbroadcast v2, $0xD  }
0x182: {  	[tilespmem:s0+$0x17170] =	vst v10;
	v4 =	vadd.f32 v48, v57;
	v48 =	vld [tilespmem:s0+$0x14070];
	v56 =	vbroadcast v1, $0xD;
	v38 =	vbroadcast v2, $0xE  }
0x183: {  	[tilespmem:s0+$0x17160] =	vst v18;
	v57 =	vld [tilespmem:s0+$0x14080];
	v2 =	vbroadcast v2, $0xF;
	v12 =	vadd.f32 v16, v52;
	v49 =	vmul.f32 v41, v43  }
0x184: {  	[tilespmem:s0+$0x17180] =	vst v20;
	v13 =	vmul.f32 v53, v43;
	v53 =	vld [tilespmem:s0+$0x10E80];
	v41 =	vbroadcast v0, $0xE;
	v9 =	vadd.f32 v51, v9  }
0x185: {  	[tilespmem:s0+$0x17190] =	vst v8;
	v46 =	vmul.f32 v34, v59;
	v47 =	vmul.f32 v35, v40;
	v51 =	vld [tilespmem:s0+$0xDC80];
	v15 =	vadd.f32 v61, v60  }
0x186: {  	[tilespmem:s0+$0x171A0] =	vst v19;
	v54 =	vadd.f32 v39, v63;
	v59 =	vbroadcast v0, $0xD;
	v60 =	vld [tilespmem:s0+$0xDC90];
	v61 =	vmul.f32 v28, v55  }
0x187: {  	[tilespmem:s0+$0x171B0] =	vst v21;
	v63 =	vld [tilespmem:s0+$0x10E90];
	v0 =	vbroadcast v0, $0xF;
	v10 =	vadd.f32 v58, v12;
	v52 =	vmul.f32 v25, v40  }
0x188: {  	[tilespmem:s0+$0x171D0] =	vst v6;
	v35 =	vld [tilespmem:s0+$0x14090];
	v40 =	vbroadcast v1, $0xE;
	v1 =	vbroadcast v1, $0xF;
	v7 =	vadd.f32 v62, v15  }
0x189: {  	[tilespmem:s0+$0x171C0] =	vst v3;
	v39 =	vld [tilespmem:s0+$0xDCA0];
	v58 =	vmul.f32 v37, v44;
	v8 =	vadd.f32 v46, v54;
	v37 =	vmul.f32 v45, v56  }
0x18a: {  	[tilespmem:s0+$0x171E0] =	vst v5;
	v46 =	vld [tilespmem:s0+$0xDCB0];
	v62 =	vmul.f32 v31, v56;
	v31 =	vadd.f32 v49, v47;
	v34 =	vmul.f32 v36, v59  }
0x18b: {  	[tilespmem:s0+$0x171F0] =	vst v4;
	v11 =	vmul.f32 v42, v55;
	v36 =	vadd.f32 v13, v52;
	v42 =	vld [tilespmem:s0+$0x10EA0];
	v44 =	vmul.f32 v48, v59  }
0x18c: {  	[tilespmem:s0+$0x17200] =	vst v9;
	v49 =	vmul.f32 v57, v41;
	v48 =	vmul.f32 v53, v40;
	v3 =	vadd.f32 v50, v31;
	v50 =	vld [tilespmem:s0+$0x10EB0]  }
0x18d: {  	[tilespmem:s0+$0x17210] =	vst v10;
	v53 =	vld [tilespmem:s0+$0x140A0];
	v43 =	vadd.f32 v58, v36;
	v45 =	vmul.f32 v51, v38;
	v47 =	vadd.f32 v62, v61  }
0x18e: {  	v55 =	vld [tilespmem:s0+$0x140B0];
	[tilespmem:s0+$0x17220] =	vst v7;
	v51 =	vadd.f32 v37, v11;
	v52 =	vmul.f32 v60, v38;
	v5 =	vmul.f32 v63, v40  }
0x18f: {  	[tilespmem:s0+$0x17230] =	vst v8;
	v56 =	vmul.f32 v35, v41;
	v57 =	vmul.f32 v39, v2;
	v54 =	vadd.f32 v34, v47  }
0x190: {  	v6 =	vadd.f32 v44, v51;
	[tilespmem:s0+$0x17240] =	vst v3;
	v58 =	vadd.f32 v48, v45;
	v59 =	vmul.f32 v42, v1  }
0x191: {  	[tilespmem:s0+$0x17250] =	vst v43;
	v60 =	vadd.f32 v5, v52;
	v2 =	vmul.f32 v46, v2;
	v1 =	vmul.f32 v50, v1  }
0x192: {  	p1 =	sne.s32 s13, $0xC000;
	[tilespmem:s0+$0x17260] =	vst v54;
	v3 =	vadd.f32 v49, v58;
	v62 =	vmul.f32 v53, v0;
	v61 =	vadd.f32 v59, v57  }
.Ltmp4:
0x193: {  	[tilespmem:s0+$0x17270] =	vst v6;
	v4 =	vadd.f32 v56, v60;
	v0 =	vmul.f32 v55, v0;
	v1 =	vadd.f32 v1, v2;
	(pc) =	sbr.rel @p1 .LBB2_7-.Ltmp4, $4  }
0x194: {  	[tilespmem:s0+$0x17280] =	vst v3;
	v63 =	vadd.f32 v62, v61  }
0x195: {  	[tilespmem:s0+$0x17290] =	vst v4;
	v0 =	vadd.f32 v0, v1  }
0x196: {  	[tilespmem:s0+$0x172A0] =	vst v63  }
0x197: {  	s1 =	sadd.s32 $0x10, s1;
	s13 =	sadd.s32 $0x800, s13;
	[tilespmem:s0+$0x172B0] =	vst v0  }
0x198: {  	s0 =	sadd.s32 s23, s12  }
0x199: {  	s0 =	smul.u32 $0xC8, s0;
	_ =	sdelay $0x1  }
0x19a: {  	s0 =	sadd.s32 s2, s0  }
.Ltmp5:
0x19b: {  	s0 =	sadd.s32 $0x640, s0;
	(pc) =	sbr.rel @p0 .LBB2_10-.Ltmp5, $4  }
0x19c: {  	[hbm4b:s0+s3] =	stream.linear.scatter [tilespmem:s17], [sflag:$0x7], $0x3200, $0x38;
	[tilespmem:$0x1A2C0] =	vst v63  }
0x19d: {  	_ =	swait.ge [sflag:s14], $0x3200  }
0x19e: {  	[sflag:s14] =	ssyncset.done $0x0  }
0x19f: {  	[sflag:s14] =	ssyncadd.s32 $0xFFFFCE00  }
0x1a0: {  	s0 =	smul.u32 $0x640, s31;
	_ =	sdelay $0x1  }
0x1a1: {  	s0 =	sshra.s32 s0, $0x2  }
0x1a2: {  	s0 =	sadd.s32 $0x1900, s0  }
0x1a3: {  	[tilespmem:s24], [sflag:$0x4] =	stream.indirect.gather [hbm4b:s5+s15], $0x1, s0, s15, $0xb8;
	[tilespmem:$0x1A2C0] =	vst v63  }
.Ltmp6:
0x1a4: {  	_ = 	snop;
	(pc) =	sbr.rel .LBB2_4-.Ltmp6, $4  }
0x1a5: {  	_ = 	snop  }
0x1a6: {  	[tilespmem:s25], [sflag:$0x4] =	stream.indirect.gather [hbm4b:s10+s15], $0x1, s0, s15, $0xb8;
	[tilespmem:$0x1A2C0] =	vst v63  }
0x1a7: {  	s19 =	sadd.s32 $0x1, s19  }
0x1a8: {  	[tilespmem:s28], [sflag:$0x4] =	stream.indirect.gather [hbm4b:s11+s15], $0x1, s0, s15, $0xb8;
	[tilespmem:$0x1A2C0] =	vst v63  }
.LBB2_11:
0x1a9: {  	_ =	sfence.sel $0x180000  }
0x1aa: {  	[bflag:$0x0] =	sbarrier.arrive $0xFFFF  }
0x1ab: {  	_ =	strace $0x90000047  }
0x1ac: {  	s0 =	stileid.u32;
	[bflag:$0x2] =	sbarrier.arrive $0xFFFF  }
0x1ad: {  	p0 =	sne.s32 s0, $0x0;
	s0 =	rddreg [dreg:$0x2]  }
0x1ae: {  	s0 =	sadd.s32 @!p0 $0x100000, s0  }
0x1af: {  	[sflag:s0] =	ssyncadd.tile.s32 @!p0 $0x1;
	_ =	shalt  }
.Lfunc_end2:
_tile_overlayer_lowered:
.L_overlay_start_2:
0x1b0: {  	(tag) =	ssettag $0x2  }
0x1b1: {  	s0 =	rddreg [dreg:$0x0];
	s2 =	stileid.u32  }
0x1b2: {  	s1 =	rddreg [dreg:$0x1];
	p0 =	sne.s32 s2, $0x0  }
0x1b3: {  	s3 =	rddreg [dreg:$0x2];
	[bflag:$0x3] =	sbarrier.arrive $0xFFFF;
	s2 =	simm.s32 @!p0 $0x1C07  }
0x1b4: {  	[timem:s3], [sflag:s2] =	dma.local @!p0 [hbm:s0], s1  }
0x1b5: {  	s0 =	simm.s32 @!p0 $0x7  }
0x1b6: {  	_ =	swait.ge @!p0 [sflag:s0], s1  }
0x1b7: {  	s1 =	ssub.s32 @!p0 $0x0, s1;
	[sflag:s0] =	ssyncset.done @!p0 $0x0  }
0x1b8: {  	[sflag:s0] =	ssyncadd.s32 @!p0 s1  }
0x1b9: {  	[bflag:$0x3] =	sbarrier.arrive $0xFFFF  }
0x1ba: {  	_ =	shalt  }

</sc_bundles>
